<compile_context>
chip_gen: v7x
topology: tpu7x:2x2x1
jax: 0.10.2.dev20260603
libtpu: 0.0.44.dev20260713+nightly
codegen_flags: <defaults>
</compile_context>

<pallas_src>
import functools

import jax
import jax.numpy as jnp
from jax import lax
from jax.experimental import pallas as pl
from jax.experimental.pallas import tpu as pltpu
from jax.experimental.pallas import tpu_sc as plsc

N = 10000
E = 160000
DIN = 128
DE = 16
HID = 64
OD = 16
OD2 = OD * OD

NC, NS, LN = 2, 16, 16
NW = NC * NS
CH = 128
PW = E // NW
NCH = 40
PWC = NCH * CH
NP = 10112
ZR = NP // NS

BQ = 6400
BP = BQ // 8

_HI = jax.lax.Precision.DEFAULT


def _mesh():
    return plsc.VectorSubcoreMesh(core_axis_name="c", subcore_axis_name="s")


_SC_PARAMS = pltpu.CompilerParams(use_tc_tiling_on_sc=False)



def _sc_gather(table, idx2d):

    @functools.partial(
        pl.kernel,
        out_type=jax.ShapeDtypeStruct((E, LN), jnp.float32),
        mesh=_mesh(),
        compiler_params=_SC_PARAMS,
        scratch_types=[
            pltpu.VMEM((NCH, CH), jnp.int32),
            pltpu.VMEM((PWC, LN), jnp.float32),
            pltpu.SemaphoreType.DMA,
            pltpu.SemaphoreType.DMA,
        ],
    )
    def k(table_hbm, idx_hbm, out_hbm, idx_v, rows_v, isem, gsem):
        wid = lax.axis_index("s") * NC + lax.axis_index("c")
        pltpu.make_async_copy(
            idx_hbm.at[pl.ds(wid * NCH, NCH)], idx_v, isem).start()
        pltpu.make_async_copy(
            idx_hbm.at[pl.ds(wid * NCH, NCH)], idx_v, isem).wait()

        @pl.loop(0, NCH)
        def _fire(j):
            pltpu.make_async_copy(
                table_hbm.at[idx_v.at[j]],
                rows_v.at[pl.ds(j * CH, CH)], gsem).start()

        @pl.loop(0, NCH)
        def _drain(j):
            pltpu.make_async_copy(
                table_hbm.at[idx_v.at[j]],
                rows_v.at[pl.ds(j * CH, CH)], gsem).wait()

        pltpu.make_async_copy(
            rows_v.at[pl.ds(0, PW)], out_hbm.at[pl.ds(wid * PW, PW)],
            isem).start()
        pltpu.make_async_copy(
            rows_v.at[pl.ds(0, PW)], out_hbm.at[pl.ds(wid * PW, PW)],
            isem).wait()

    return k(table, idx2d)


def _sc_scatter_add(rows, idx2d):

    @functools.partial(
        pl.kernel,
        out_type=jax.ShapeDtypeStruct((NC, NP, LN), jnp.float32),
        mesh=_mesh(),
        compiler_params=_SC_PARAMS,
        scratch_types=[
            pltpu.VMEM((NCH, CH), jnp.int32),
            pltpu.VMEM((PWC, LN), jnp.float32),
            pltpu.VMEM((ZR, LN), jnp.float32),
            pltpu.VMEM_SHARED((NP, LN), jnp.float32),
            pltpu.SemaphoreType.DMA,
        ],
    )
    def k(rows_hbm, idx_hbm, out_hbm, idx_v, rows_v, zb_v, acc_sh, sem):
        c = lax.axis_index("c")
        s = lax.axis_index("s")
        wid = s * NC + c

        @pl.loop(0, ZR)
        def _zero(r):
            zb_v[r, :] = jnp.zeros((LN,), jnp.float32)

        @pl.loop(PW, PWC)
        def _zt(r):
            rows_v[r, :] = jnp.zeros((LN,), jnp.float32)

        pltpu.sync_copy(zb_v, acc_sh.at[pl.ds(s * ZR, ZR)])
        plsc.subcore_barrier()

        pltpu.sync_copy(idx_hbm.at[pl.ds(wid * NCH, NCH)], idx_v)
        pltpu.sync_copy(rows_hbm.at[pl.ds(wid * PW, PW)],
                        rows_v.at[pl.ds(0, PW)])

        @pl.loop(0, NCH)
        def _scat(j):
            pltpu.sync_copy(
                rows_v.at[pl.ds(j * CH, CH)],
                acc_sh.at[idx_v.at[j]], add=True)

        plsc.subcore_barrier()
        pltpu.sync_copy(
            acc_sh.at[pl.ds(s * ZR, ZR)],
            out_hbm.at[c, pl.ds(s * ZR, ZR)])

    return k(rows, idx2d)


def _sc_degree(idx2d):

    @functools.partial(
        pl.kernel,
        out_type=jax.ShapeDtypeStruct((NC, NP, LN), jnp.float32),
        mesh=_mesh(),
        compiler_params=_SC_PARAMS,
        scratch_types=[
            pltpu.VMEM((NCH, CH), jnp.int32),
            pltpu.VMEM((CH, LN), jnp.float32),
            pltpu.VMEM((ZR, LN), jnp.float32),
            pltpu.VMEM_SHARED((NP, LN), jnp.float32),
            pltpu.SemaphoreType.DMA,
        ],
    )
    def k(idx_hbm, out_hbm, idx_v, ones_v, zb_v, acc_sh, sem):
        c = lax.axis_index("c")
        s = lax.axis_index("s")
        wid = s * NC + c

        @pl.loop(0, ZR)
        def _zero(r):
            zb_v[r, :] = jnp.zeros((LN,), jnp.float32)

        @pl.loop(0, CH)
        def _ones(r):
            ones_v[r, :] = jnp.ones((LN,), jnp.float32)

        pltpu.sync_copy(zb_v, acc_sh.at[pl.ds(s * ZR, ZR)])
        plsc.subcore_barrier()

        pltpu.sync_copy(idx_hbm.at[pl.ds(wid * NCH, NCH)], idx_v)

        @pl.loop(0, NCH)
        def _scat(j):
            pltpu.sync_copy(ones_v, acc_sh.at[idx_v.at[j]], add=True)

        plsc.subcore_barrier()
        pltpu.sync_copy(
            acc_sh.at[pl.ds(s * ZR, ZR)],
            out_hbm.at[c, pl.ds(s * ZR, ZR)])

    return k(idx2d)



def _tc_proj0(x_pk, Wp, bp, degp_pk):

    def body(x_ref, wp_ref, bp_ref, degp_ref, xp_ref, dinv_ref):
        xs = [
            jnp.dot(x_ref[:, g * DIN:(g + 1) * DIN], wp_ref[...],
                    preferred_element_type=jnp.float32, precision=_HI)
            + bp_ref[...]
            for g in range(8)
        ]
        xp_ref[...] = jnp.concatenate(xs, axis=1)
        d = degp_ref[0, :N // 8, :] + degp_ref[1, :N // 8, :]
        dinv_ref[...] = 1.0 / jnp.maximum(d, 1.0)

    return pl.pallas_call(
        body,
        out_shape=(jax.ShapeDtypeStruct((N // 8, 128), jnp.float32),
                   jax.ShapeDtypeStruct((N // 8, 128), jnp.float32)),
    )(x_pk, Wp, bp.reshape(1, OD), degp_pk)


def _tc_msg(ea_pk, xg_pk, We1bd, be1t, We2, be2, Kbd, Sbd):

    def body(ea_ref, xg_ref, w1_ref, b1_ref, w2_ref, b2_ref,
             k_ref, s_ref, out_ref):
        wh = jnp.maximum(
            jnp.dot(ea_ref[...], w1_ref[...],
                    preferred_element_type=jnp.float32, precision=_HI)
            + b1_ref[...], 0.0)
        wes = [
            jnp.dot(wh[:, g * HID:(g + 1) * HID], w2_ref[...],
                    preferred_element_type=jnp.float32, precision=_HI)
            + b2_ref[...]
            for g in range(8)
        ]
        we = jnp.concatenate(wes, axis=1)
        xr = jnp.dot(xg_ref[...], k_ref[...],
                     preferred_element_type=jnp.float32, precision=_HI)
        out_ref[...] = jnp.dot(xr * we, s_ref[...],
                               preferred_element_type=jnp.float32,
                               precision=_HI)

    return pl.pallas_call(
        body,
        grid=(E // BQ,),
        in_specs=[
            pl.BlockSpec((BP, 128), lambda i: (i, 0)),
            pl.BlockSpec((BP, 128), lambda i: (i, 0)),
            pl.BlockSpec((128, 8 * HID), lambda i: (0, 0)),
            pl.BlockSpec((1, 8 * HID), lambda i: (0, 0)),
            pl.BlockSpec((HID, OD2), lambda i: (0, 0)),
            pl.BlockSpec((1, OD2), lambda i: (0, 0)),
            pl.BlockSpec((128, 8 * OD2), lambda i: (0, 0)),
            pl.BlockSpec((8 * OD2, 128), lambda i: (0, 0)),
        ],
        out_specs=pl.BlockSpec((BP, 128), lambda i: (i, 0)),
        out_shape=jax.ShapeDtypeStruct((E // 8, 128), jnp.float32),
    )(ea_pk, xg_pk, We1bd, be1t, We2, be2.reshape(1, OD2), Kbd, Sbd)


def _tc_combine(pp_pk, dinv_pk, xp_pk, rootbd, biast, Wpnbd=None, bpnt=None):

    def body(pp_ref, dinv_ref, xp_ref, root_ref, bias_ref, *rest):
        xp = xp_ref[...]
        agg = (pp_ref[0, :N // 8, :] + pp_ref[1, :N // 8, :]) * dinv_ref[...]
        conv = agg + jnp.dot(
            xp, root_ref[...],
            preferred_element_type=jnp.float32, precision=_HI) + bias_ref[...]
        h = jnp.maximum(conv, 0.0) + xp
        if Wpnbd is None:
            (out_ref,) = rest
            out_ref[...] = h
        else:
            wn_ref, bn_ref, out_ref = rest
            out_ref[...] = jnp.dot(
                h, wn_ref[...],
                preferred_element_type=jnp.float32,
                precision=_HI) + bn_ref[...]

    args = [pp_pk, dinv_pk, xp_pk, rootbd, biast]
    if Wpnbd is not None:
        args += [Wpnbd, bpnt]
    return pl.pallas_call(
        body,
        out_shape=jax.ShapeDtypeStruct((N // 8, 128), jnp.float32),
    )(*args)


def _tc_edge_mlp(hr_pk, hc_pk, W1bd, b1t, W2bd, b2t):

    def body(hr_ref, hc_ref, w1_ref, b1_ref, w2_ref, b2_ref, out_ref):
        er = hr_ref[...] + hc_ref[...]
        hid = jnp.maximum(
            jnp.dot(er, w1_ref[...],
                    preferred_element_type=jnp.float32, precision=_HI)
            + b1_ref[...], 0.0)
        out_ref[...] = jnp.dot(
            hid, w2_ref[...],
            preferred_element_type=jnp.float32, precision=_HI) + b2_ref[...]

    return pl.pallas_call(
        body,
        grid=(E // BQ,),
        in_specs=[
            pl.BlockSpec((BP, 128), lambda i: (i, 0)),
            pl.BlockSpec((BP, 128), lambda i: (i, 0)),
            pl.BlockSpec((128, 128), lambda i: (0, 0)),
            pl.BlockSpec((1, 128), lambda i: (0, 0)),
            pl.BlockSpec((128, 8), lambda i: (0, 0)),
            pl.BlockSpec((1, 8), lambda i: (0, 0)),
        ],
        out_specs=pl.BlockSpec((BP, 8), lambda i: (i, 0)),
        out_shape=jax.ShapeDtypeStruct((E // 8, 8), jnp.float32),
    )(hr_pk, hc_pk, W1bd, b1t, W2bd, b2t)



def _stage_idx(idx, fill):
    per_w = idx.reshape(NW, PW)
    per_w = jnp.pad(per_w, ((0, 0), (0, PWC - PW)), constant_values=fill)
    return per_w.reshape(NW * NCH, CH)


def kernel(x, edge_attr, edge_index, params):
    src = edge_index[0]
    dst = edge_index[1]
    src_g = _stage_idx(src, 0)
    dst_s = _stage_idx(dst, N)
    col_g = _stage_idx(dst, 0)
    ea_pk = edge_attr.reshape(E // 8, 128)
    x_pk = x.reshape(N // 8, 8 * DIN)

    eye8 = jnp.eye(8, dtype=jnp.float32)
    Kmat = (jnp.arange(OD2)[None, :] // OD
            == jnp.arange(OD)[:, None]).astype(jnp.float32)
    Smat = (jnp.arange(OD2)[:, None] % OD
            == jnp.arange(OD)[None, :]).astype(jnp.float32)
    Kbd = jnp.kron(eye8, Kmat)
    Sbd = jnp.kron(eye8, Smat)

    degp = _sc_degree(dst_s)
    degp_pk = degp.reshape(NC, NP // 8, 128)
    layers = params["layers"]
    xp_pk, dinv_pk = _tc_proj0(x_pk, layers[0]["Wp"], layers[0]["bp"],
                               degp_pk)

    h_pk = None
    for li, lp in enumerate(layers):
        xg = _sc_gather(xp_pk.reshape(N, LN), src_g)
        msg_pk = _tc_msg(ea_pk, xg.reshape(E // 8, 128),
                         jnp.kron(eye8, lp["We1"]),
                         jnp.tile(lp["be1"], 8).reshape(1, 8 * HID),
                         lp["We2"], lp["be2"], Kbd, Sbd)
        pp = _sc_scatter_add(msg_pk.reshape(E, LN), dst_s)
        pp_pk = pp.reshape(NC, NP // 8, 128)
        rootbd = jnp.kron(eye8, lp["root"])
        biast = jnp.tile(lp["bias"], 8).reshape(1, 128)
        if li + 1 < len(layers):
            nxt = layers[li + 1]
            xp_pk = _tc_combine(pp_pk, dinv_pk, xp_pk, rootbd, biast,
                                jnp.kron(eye8, nxt["Wp"]),
                                jnp.tile(nxt["bp"], 8).reshape(1, 128))
        else:
            h_pk = _tc_combine(pp_pk, dinv_pk, xp_pk, rootbd, biast)

    h_rows = h_pk.reshape(N, LN)
    hr = _sc_gather(h_rows, src_g)
    hc = _sc_gather(h_rows, col_g)
    mp = params["edge_mlp"]
    out_pk = _tc_edge_mlp(hr.reshape(E // 8, 128), hc.reshape(E // 8, 128),
                          jnp.kron(eye8, mp["W1"]),
                          jnp.tile(mp["b1"], 8).reshape(1, 128),
                          jnp.kron(eye8, mp["W2"]),
                          jnp.tile(mp["b2"], 8).reshape(1, 8))
    return out_pk.reshape(E, 1)

# --- scband reference (transcript-rebuilt; emitter-appended) ---
"""Pipeline reference for scband-dynamic-gcn5-36197984370748 (READ-ONLY COPY).

The authoritative reference and input builder live on the scoring server;
editing this copy changes nothing except your own understanding.
"""

import jax, jax.numpy as jnp
import numpy as np

N, E, DIN, DE, HID = 10000, 160000, 128, 16, 64
HD = [16, 16, 16, 16]


def _init(key):
    params = {"layers": [], "edge_mlp": None}
    in_dim = DIN
    k = key

    def nxt():
        nonlocal k
        k, sub = jax.random.split(k)
        return sub

    for od in HD:
        lp = {
            "Wp": jax.random.normal(nxt(), (in_dim, od), dtype=jnp.float32) * (1.0 / np.sqrt(in_dim)),
            "bp": jnp.zeros((od,), dtype=jnp.float32),
            "We1": jax.random.normal(nxt(), (DE, HID), dtype=jnp.float32) * (1.0 / np.sqrt(DE)),
            "be1": jnp.zeros((HID,), dtype=jnp.float32),
            "We2": jax.random.normal(nxt(), (HID, od * od), dtype=jnp.float32) * (1.0 / np.sqrt(HID)),
            "be2": jnp.zeros((od * od,), dtype=jnp.float32),
            "root": jax.random.normal(nxt(), (od, od), dtype=jnp.float32) * (1.0 / np.sqrt(od)),
            "bias": jnp.zeros((od,), dtype=jnp.float32),
        }
        params["layers"].append(lp)
        in_dim = od
    params["edge_mlp"] = {
        "W1": jax.random.normal(nxt(), (HD[-1], 16), dtype=jnp.float32) * 0.25,
        "b1": jnp.zeros((16,), dtype=jnp.float32),
        "W2": jax.random.normal(nxt(), (16, 1), dtype=jnp.float32) * 0.25,
        "b2": jnp.zeros((1,), dtype=jnp.float32),
    }
    return params


def setup_inputs(seed: int = 0):
    key = jax.random.key(seed)
    k1, k2, k3, k4 = jax.random.split(key, 4)
    x = jax.random.normal(k1, (N, DIN), dtype=jnp.float32)
    edge_index = jax.random.randint(k2, (2, E), 0, N, dtype=jnp.int32)
    edge_attr = jax.random.normal(k3, (E, DE), dtype=jnp.float32)
    params = _init(k4)
    return {"x": x, "edge_attr": edge_attr, "edge_index": edge_index, "params": params}


def reference(x, edge_attr, edge_index, params):
    src = edge_index[0]
    dst = edge_index[1]
    n = x.shape[0]
    # PyG scatter-mean denominator: per-dst in-degree, clamped at 1
    deg = jax.ops.segment_sum(jnp.ones((edge_index.shape[1],), dtype=x.dtype), dst, num_segments=n)
    deg = jnp.clip(deg, 1.0, None)
    h = x
    for lp in params["layers"]:
        od = lp["root"].shape[0]
        # input projection
        x_proj = h @ lp["Wp"] + lp["bp"]
        # NNConv: edge_nn(edge_attr) -> per-edge [od, od] weight matrix
        w_hid = jax.nn.relu(edge_attr @ lp["We1"] + lp["be1"])
        w_e = (w_hid @ lp["We2"] + lp["be2"]).reshape(-1, od, od)
        # message: x_j (source node) transformed by per-edge weight
        msg = jnp.einsum("ei,eio->eo", x_proj[src], w_e)
        # mean aggregation at destination nodes
        agg = jax.ops.segment_sum(msg, dst, num_segments=n) / deg[:, None]
        # NNConv root weight + bias (PyG defaults root_weight=True, bias=True)
        conv = agg + x_proj @ lp["root"] + lp["bias"]
        x_conv = jax.nn.relu(conv)
        # use_skip=True
        h = x_conv + x_proj
    row, col = edge_index[0], edge_index[1]
    edge_repr = h[row] + h[col]
    mp = params["edge_mlp"]
    hidm = jax.nn.relu(edge_repr @ mp["W1"] + mp["b1"])
    edge_out = hidm @ mp["W2"] + mp["b2"]
    return edge_out

if __name__ == "__main__":
    import jax
    _d = setup_inputs()
    print(jax.jit(kernel)(*tuple(_d.values())))

</pallas_src>

<mosaic_0001>
#map = affine_map<(d0, d1) -> (0, 0)>
#map1 = affine_map<(d0, d1) -> (0, 0, 0)>
module attributes {stable_mosaic.version = 14 : i64} {
  func.func @k(%arg0: i32, %arg1: i32, %arg2: memref<1280x128xi32, #tpu.memory_space<hbm>>, %arg3: memref<2x10112x16xf32, #tpu.memory_space<hbm>>, %arg4: memref<40x128xi32, #tpu.memory_space<vmem>>, %arg5: memref<128x16xf32, #tpu.memory_space<vmem>>, %arg6: memref<632x16xf32, #tpu.memory_space<vmem>>, %arg7: memref<10112x16xf32, #tpu.memory_space<vmem_shared>>, %arg8: memref<!tpu.dma_semaphore, #tpu.memory_space<semaphore_mem>>) attributes {dimension_semantics = [#tpu.dimension_semantics<core_parallel>, #tpu.dimension_semantics<subcore_parallel>], iteration_bounds = array<i64: 2, 16>, scalar_prefetch = 0 : i64, scratch_operands = 5 : i64, tpu.core_type = #tpu.core_type<sc_vector_subcore>, window_params = [{transform_indices = #map}, {transform_indices = #map1}]} {
    %mul3A = arith.constant 2 : i32
    %mul3A_0 = arith.muli %arg1, %mul3A : i32
    %add3A = arith.addi %mul3A_0, %arg0 : i32
    %scan3A = arith.constant 0 : i32
    %scan3A_1 = arith.constant 632 : i32
    %scan3A_2 = arith.addi %scan3A, %scan3A_1 : i32
    %scan3A_3 = arith.constant 1 : i32
    scf.for %scan3A_24 = %scan3A to %scan3A_2 step %scan3A_3  : i32 {
      %mul3A_25 = arith.constant 1 : i32
      %mul3A_26 = arith.muli %scan3A_24, %mul3A_25 : i32
      %add3A_27 = arith.constant 0 : i32
      %add3A_28 = arith.addi %add3A_27, %mul3A_26 : i32
      %broadcast_in_dim3A = arith.constant 0.000000e+00 : f32
      %broadcast_in_dim3A_29 = vector.broadcast %broadcast_in_dim3A : f32 to vector<16xf32>
      %swap3A = arith.index_cast %add3A_28 : i32 to index
      %swap3A_30 = arith.constant 0 : index
      %swap3A_31 = tpu.vector_load %arg6[%swap3A, %swap3A_30] {strides = array<i32>} : memref<632x16xf32, #tpu.memory_space<vmem>>, vector<1x16xf32>,
      %swap3A_32 = vector.shape_cast %swap3A_31 : vector<1x16xf32> to vector<16xf32>
      %swap3A_33 = vector.shape_cast %broadcast_in_dim3A_29 : vector<16xf32> to vector<1x16xf32>
      tpu.vector_store %arg6[%swap3A, %swap3A_30], %swap3A_33 {strides = array<i32>} : memref<632x16xf32, #tpu.memory_space<vmem>>, vector<1x16xf32>,
    }
    %scan3A_4 = arith.constant 632 : i32
    %scan3A_5 = arith.constant 0 : i32
    %scan3A_6 = arith.constant 128 : i32
    %scan3A_7 = arith.addi %scan3A_5, %scan3A_6 : i32
    %scan3A_8 = arith.constant 1 : i32
    scf.for %scan3A_24 = %scan3A_5 to %scan3A_7 step %scan3A_8  : i32 {
      %mul3A_25 = arith.constant 1 : i32
      %mul3A_26 = arith.muli %scan3A_24, %mul3A_25 : i32
      %add3A_27 = arith.constant 0 : i32
      %add3A_28 = arith.addi %add3A_27, %mul3A_26 : i32
      %broadcast_in_dim3A = arith.constant 1.000000e+00 : f32
      %broadcast_in_dim3A_29 = vector.broadcast %broadcast_in_dim3A : f32 to vector<16xf32>
      %swap3A = arith.index_cast %add3A_28 : i32 to index
      %swap3A_30 = arith.constant 0 : index
      %swap3A_31 = tpu.vector_load %arg5[%swap3A, %swap3A_30] {strides = array<i32>} : memref<128x16xf32, #tpu.memory_space<vmem>>, vector<1x16xf32>,
      %swap3A_32 = vector.shape_cast %swap3A_31 : vector<1x16xf32> to vector<16xf32>
      %swap3A_33 = vector.shape_cast %broadcast_in_dim3A_29 : vector<16xf32> to vector<1x16xf32>
      tpu.vector_store %arg5[%swap3A, %swap3A_30], %swap3A_33 {strides = array<i32>} : memref<128x16xf32, #tpu.memory_space<vmem>>, vector<1x16xf32>,
    }
    %scan3A_9 = arith.constant 128 : i32
    %mul3A_10 = arith.constant 632 : i32
    %mul3A_11 = arith.muli %arg1, %mul3A_10 : i32
    "tpu.region"() ({
      %run_scoped3A = tpu.sem_alloc : memref<!tpu.dma_semaphore, #tpu.memory_space<semaphore_mem>>
      %dma_start3A = arith.constant 0 : i32
      %dma_start3A_24 = tpu.memref_slice %arg7[%mul3A_11, %dma_start3A] : memref<10112x16xf32, #tpu.memory_space<vmem_shared>> -> memref<632x16xf32, #tpu.memory_space<vmem_shared>>
      %dma_start3A_25 = arith.constant 0 : i32
      %dma_start3A_26 = tpu.memref_slice %arg7[%mul3A_11, %dma_start3A_25] : memref<10112x16xf32, #tpu.memory_space<vmem_shared>> -> memref<632x16xf32, #tpu.memory_space<vmem_shared>>
      tpu.enqueue_dma source(%arg6 : memref<632x16xf32, #tpu.memory_space<vmem>>) target(%dma_start3A_26 : memref<632x16xf32, #tpu.memory_space<vmem_shared>>) target_semaphore(%run_scoped3A : memref<!tpu.dma_semaphore, #tpu.memory_space<semaphore_mem>>)
      %dma_wait3A = arith.constant 0 : i32
      %dma_wait3A_27 = tpu.memref_slice %arg7[%mul3A_11, %dma_wait3A] : memref<10112x16xf32, #tpu.memory_space<vmem_shared>> -> memref<632x16xf32, #tpu.memory_space<vmem_shared>>
      %dma_wait3A_28 = arith.constant 0 : i32
      %dma_wait3A_29 = tpu.memref_slice %arg7[%mul3A_11, %dma_wait3A_28] : memref<10112x16xf32, #tpu.memory_space<vmem_shared>> -> memref<632x16xf32, #tpu.memory_space<vmem_shared>>
      tpu.wait_dma2 semaphore(%run_scoped3A : memref<!tpu.dma_semaphore, #tpu.memory_space<semaphore_mem>>) src(%arg6 : memref<632x16xf32, #tpu.memory_space<vmem>>) dst(%dma_wait3A_29 : memref<632x16xf32, #tpu.memory_space<vmem_shared>>)
      tpu.yield
    }) : () -> ()
    %barrier3A = arith.constant 0 : index
    tpu.barrier barrier_id(%barrier3A)
    %mul3A_12 = arith.constant 40 : i32
    %mul3A_13 = arith.muli %add3A, %mul3A_12 : i32
    "tpu.region"() ({
      %run_scoped3A = tpu.sem_alloc : memref<!tpu.dma_semaphore, #tpu.memory_space<semaphore_mem>>
      %dma_start3A = arith.constant 0 : i32
      %dma_start3A_24 = tpu.memref_slice %arg2[%mul3A_13, %dma_start3A] : memref<1280x128xi32, #tpu.memory_space<hbm>> -> memref<40x128xi32, #tpu.memory_space<hbm>>
      %dma_start3A_25 = arith.constant 0 : i32
      %dma_start3A_26 = tpu.memref_slice %arg2[%mul3A_13, %dma_start3A_25] : memref<1280x128xi32, #tpu.memory_space<hbm>> -> memref<40x128xi32, #tpu.memory_space<hbm>>
      tpu.enqueue_dma source(%dma_start3A_26 : memref<40x128xi32, #tpu.memory_space<hbm>>) target(%arg4 : memref<40x128xi32, #tpu.memory_space<vmem>>) target_semaphore(%run_scoped3A : memref<!tpu.dma_semaphore, #tpu.memory_space<semaphore_mem>>)
      %dma_wait3A = arith.constant 0 : i32
      %dma_wait3A_27 = tpu.memref_slice %arg2[%mul3A_13, %dma_wait3A] : memref<1280x128xi32, #tpu.memory_space<hbm>> -> memref<40x128xi32, #tpu.memory_space<hbm>>
      %dma_wait3A_28 = arith.constant 0 : i32
      %dma_wait3A_29 = tpu.memref_slice %arg2[%mul3A_13, %dma_wait3A_28] : memref<1280x128xi32, #tpu.memory_space<hbm>> -> memref<40x128xi32, #tpu.memory_space<hbm>>
      tpu.wait_dma2 semaphore(%run_scoped3A : memref<!tpu.dma_semaphore, #tpu.memory_space<semaphore_mem>>) src(%dma_wait3A_29 : memref<40x128xi32, #tpu.memory_space<hbm>>) dst(%arg4 : memref<40x128xi32, #tpu.memory_space<vmem>>)
      tpu.yield
    }) : () -> ()
    %scan3A_14 = arith.constant 0 : i32
    %scan3A_15 = arith.constant 40 : i32
    %scan3A_16 = arith.addi %scan3A_14, %scan3A_15 : i32
    %scan3A_17 = arith.constant 1 : i32
    scf.for %scan3A_24 = %scan3A_14 to %scan3A_16 step %scan3A_17  : i32 {
      %mul3A_25 = arith.constant 1 : i32
      %mul3A_26 = arith.muli %scan3A_24, %mul3A_25 : i32
      %add3A_27 = arith.constant 0 : i32
      %add3A_28 = arith.addi %add3A_27, %mul3A_26 : i32
      "tpu.region"() ({
        %run_scoped3A = tpu.sem_alloc : memref<!tpu.dma_semaphore, #tpu.memory_space<semaphore_mem>>
        %dma_start3A = arith.constant 0 : i32
        %dma_start3A_29 = tpu.memref_slice %arg4[%add3A_28, %dma_start3A] : memref<40x128xi32, #tpu.memory_space<vmem>> -> memref<1x128xi32, #tpu.memory_space<vmem>>
        %dma_start3A_30 = tpu.memref_squeeze %dma_start3A_29 : memref<1x128xi32, #tpu.memory_space<vmem>> -> memref<128xi32, #tpu.memory_space<vmem>>
        %dma_start3A_31 = arith.constant 0 : i32
        %dma_start3A_32 = arith.constant 0 : i32
        %dma_start3A_33 = tpu.memref_slice %arg7[%dma_start3A_31, %dma_start3A_32] : memref<10112x16xf32, #tpu.memory_space<vmem_shared>> -> memref<10112x16xf32, #tpu.memory_space<vmem_shared>>
        tpu.enqueue_indirect_dma source(%arg5 : memref<128x16xf32, #tpu.memory_space<vmem>>) target(%dma_start3A_33 : memref<10112x16xf32, #tpu.memory_space<vmem_shared>>) offsets(%dma_start3A_30 : memref<128xi32, #tpu.memory_space<vmem>>) semaphore(%run_scoped3A : memref<!tpu.dma_semaphore, #tpu.memory_space<semaphore_mem>>) {add = true}
        %dma_wait3A = arith.constant 0 : i32
        %dma_wait3A_34 = tpu.memref_slice %arg4[%add3A_28, %dma_wait3A] : memref<40x128xi32, #tpu.memory_space<vmem>> -> memref<1x128xi32, #tpu.memory_space<vmem>>
        %dma_wait3A_35 = tpu.memref_squeeze %dma_wait3A_34 : memref<1x128xi32, #tpu.memory_space<vmem>> -> memref<128xi32, #tpu.memory_space<vmem>>
        %dma_wait3A_36 = arith.constant 0 : i32
        %dma_wait3A_37 = arith.constant 0 : i32
        %dma_wait3A_38 = tpu.memref_slice %arg7[%dma_wait3A_36, %dma_wait3A_37] : memref<10112x16xf32, #tpu.memory_space<vmem_shared>> -> memref<10112x16xf32, #tpu.memory_space<vmem_shared>>
        tpu.wait_indirect_dma semaphore(%run_scoped3A : memref<!tpu.dma_semaphore, #tpu.memory_space<semaphore_mem>>) src(%arg5 : memref<128x16xf32, #tpu.memory_space<vmem>>) dst(%dma_wait3A_38 : memref<10112x16xf32, #tpu.memory_space<vmem_shared>>)
        tpu.yield
      }) : () -> ()
    }
    %scan3A_18 = arith.constant 40 : i32
    %barrier3A_19 = arith.constant 0 : index
    tpu.barrier barrier_id(%barrier3A_19)
    %mul3A_20 = arith.constant 632 : i32
    %mul3A_21 = arith.muli %arg1, %mul3A_20 : i32
    %mul3A_22 = arith.constant 632 : i32
    %mul3A_23 = arith.muli %arg1, %mul3A_22 : i32
    "tpu.region"() ({
      %run_scoped3A = tpu.sem_alloc : memref<!tpu.dma_semaphore, #tpu.memory_space<semaphore_mem>>
      %dma_start3A = arith.constant 0 : i32
      %dma_start3A_24 = tpu.memref_slice %arg3[%arg0, %mul3A_23, %dma_start3A] : memref<2x10112x16xf32, #tpu.memory_space<hbm>> -> memref<1x632x16xf32, #tpu.memory_space<hbm>>
      %dma_start3A_25 = tpu.memref_squeeze %dma_start3A_24 : memref<1x632x16xf32, #tpu.memory_space<hbm>> -> memref<632x16xf32, #tpu.memory_space<hbm>>
      %dma_start3A_26 = arith.constant 0 : i32
      %dma_start3A_27 = tpu.memref_slice %arg7[%mul3A_21, %dma_start3A_26] : memref<10112x16xf32, #tpu.memory_space<vmem_shared>> -> memref<632x16xf32, #tpu.memory_space<vmem_shared>>
      tpu.enqueue_dma source(%dma_start3A_27 : memref<632x16xf32, #tpu.memory_space<vmem_shared>>) target(%dma_start3A_25 : memref<632x16xf32, #tpu.memory_space<hbm>>) target_semaphore(%run_scoped3A : memref<!tpu.dma_semaphore, #tpu.memory_space<semaphore_mem>>)
      %dma_wait3A = arith.constant 0 : i32
      %dma_wait3A_28 = tpu.memref_slice %arg3[%arg0, %mul3A_23, %dma_wait3A] : memref<2x10112x16xf32, #tpu.memory_space<hbm>> -> memref<1x632x16xf32, #tpu.memory_space<hbm>>
      %dma_wait3A_29 = tpu.memref_squeeze %dma_wait3A_28 : memref<1x632x16xf32, #tpu.memory_space<hbm>> -> memref<632x16xf32, #tpu.memory_space<hbm>>
      %dma_wait3A_30 = arith.constant 0 : i32
      %dma_wait3A_31 = tpu.memref_slice %arg7[%mul3A_21, %dma_wait3A_30] : memref<10112x16xf32, #tpu.memory_space<vmem_shared>> -> memref<632x16xf32, #tpu.memory_space<vmem_shared>>
      tpu.wait_dma2 semaphore(%run_scoped3A : memref<!tpu.dma_semaphore, #tpu.memory_space<semaphore_mem>>) src(%dma_wait3A_31 : memref<632x16xf32, #tpu.memory_space<vmem_shared>>) dst(%dma_wait3A_29 : memref<632x16xf32, #tpu.memory_space<hbm>>)
      tpu.yield
    }) : () -> ()
    return
  }
}

#map = affine_map<(d0, d1) -> (0, 0)>
#map1 = affine_map<(d0, d1) -> (0, 0, 0)>
module attributes {stable_mosaic.version = 14 : i64} {
  func.func @k(%arg0: i32, %arg1: i32, %arg2: memref<160000x16xf32, #tpu.memory_space<hbm>>, %arg3: memref<1280x128xi32, #tpu.memory_space<hbm>>, %arg4: memref<2x10112x16xf32, #tpu.memory_space<hbm>>, %arg5: memref<40x128xi32, #tpu.memory_space<vmem>>, %arg6: memref<5120x16xf32, #tpu.memory_space<vmem>>, %arg7: memref<632x16xf32, #tpu.memory_space<vmem>>, %arg8: memref<10112x16xf32, #tpu.memory_space<vmem_shared>>, %arg9: memref<!tpu.dma_semaphore, #tpu.memory_space<semaphore_mem>>) attributes {dimension_semantics = [#tpu.dimension_semantics<core_parallel>, #tpu.dimension_semantics<subcore_parallel>], iteration_bounds = array<i64: 2, 16>, scalar_prefetch = 0 : i64, scratch_operands = 5 : i64, tpu.core_type = #tpu.core_type<sc_vector_subcore>, window_params = [{transform_indices = #map}, {transform_indices = #map}, {transform_indices = #map1}]} {
    %mul3A = arith.constant 2 : i32
    %mul3A_0 = arith.muli %arg1, %mul3A : i32
    %add3A = arith.addi %mul3A_0, %arg0 : i32
    %scan3A = arith.constant 0 : i32
    %scan3A_1 = arith.constant 632 : i32
    %scan3A_2 = arith.addi %scan3A, %scan3A_1 : i32
    %scan3A_3 = arith.constant 1 : i32
    scf.for %scan3A_26 = %scan3A to %scan3A_2 step %scan3A_3  : i32 {
      %mul3A_27 = arith.constant 1 : i32
      %mul3A_28 = arith.muli %scan3A_26, %mul3A_27 : i32
      %add3A_29 = arith.constant 0 : i32
      %add3A_30 = arith.addi %add3A_29, %mul3A_28 : i32
      %broadcast_in_dim3A = arith.constant 0.000000e+00 : f32
      %broadcast_in_dim3A_31 = vector.broadcast %broadcast_in_dim3A : f32 to vector<16xf32>
      %swap3A = arith.index_cast %add3A_30 : i32 to index
      %swap3A_32 = arith.constant 0 : index
      %swap3A_33 = tpu.vector_load %arg7[%swap3A, %swap3A_32] {strides = array<i32>} : memref<632x16xf32, #tpu.memory_space<vmem>>, vector<1x16xf32>,
      %swap3A_34 = vector.shape_cast %swap3A_33 : vector<1x16xf32> to vector<16xf32>
      %swap3A_35 = vector.shape_cast %broadcast_in_dim3A_31 : vector<16xf32> to vector<1x16xf32>
      tpu.vector_store %arg7[%swap3A, %swap3A_32], %swap3A_35 {strides = array<i32>} : memref<632x16xf32, #tpu.memory_space<vmem>>, vector<1x16xf32>,
    }
    %scan3A_4 = arith.constant 632 : i32
    %scan3A_5 = arith.constant 0 : i32
    %scan3A_6 = arith.constant 120 : i32
    %scan3A_7 = arith.addi %scan3A_5, %scan3A_6 : i32
    %scan3A_8 = arith.constant 1 : i32
    scf.for %scan3A_26 = %scan3A_5 to %scan3A_7 step %scan3A_8  : i32 {
      %mul3A_27 = arith.constant 1 : i32
      %mul3A_28 = arith.muli %scan3A_26, %mul3A_27 : i32
      %add3A_29 = arith.constant 5000 : i32
      %add3A_30 = arith.addi %add3A_29, %mul3A_28 : i32
      %broadcast_in_dim3A = arith.constant 0.000000e+00 : f32
      %broadcast_in_dim3A_31 = vector.broadcast %broadcast_in_dim3A : f32 to vector<16xf32>
      %swap3A = arith.index_cast %add3A_30 : i32 to index
      %swap3A_32 = arith.constant 0 : index
      %swap3A_33 = tpu.vector_load %arg6[%swap3A, %swap3A_32] {strides = array<i32>} : memref<5120x16xf32, #tpu.memory_space<vmem>>, vector<1x16xf32>,
      %swap3A_34 = vector.shape_cast %swap3A_33 : vector<1x16xf32> to vector<16xf32>
      %swap3A_35 = vector.shape_cast %broadcast_in_dim3A_31 : vector<16xf32> to vector<1x16xf32>
      tpu.vector_store %arg6[%swap3A, %swap3A_32], %swap3A_35 {strides = array<i32>} : memref<5120x16xf32, #tpu.memory_space<vmem>>, vector<1x16xf32>,
    }
    %scan3A_9 = arith.constant 120 : i32
    %mul3A_10 = arith.constant 632 : i32
    %mul3A_11 = arith.muli %arg1, %mul3A_10 : i32
    "tpu.region"() ({
      %run_scoped3A = tpu.sem_alloc : memref<!tpu.dma_semaphore, #tpu.memory_space<semaphore_mem>>
      %dma_start3A = arith.constant 0 : i32
      %dma_start3A_26 = tpu.memref_slice %arg8[%mul3A_11, %dma_start3A] : memref<10112x16xf32, #tpu.memory_space<vmem_shared>> -> memref<632x16xf32, #tpu.memory_space<vmem_shared>>
      %dma_start3A_27 = arith.constant 0 : i32
      %dma_start3A_28 = tpu.memref_slice %arg8[%mul3A_11, %dma_start3A_27] : memref<10112x16xf32, #tpu.memory_space<vmem_shared>> -> memref<632x16xf32, #tpu.memory_space<vmem_shared>>
      tpu.enqueue_dma source(%arg7 : memref<632x16xf32, #tpu.memory_space<vmem>>) target(%dma_start3A_28 : memref<632x16xf32, #tpu.memory_space<vmem_shared>>) target_semaphore(%run_scoped3A : memref<!tpu.dma_semaphore, #tpu.memory_space<semaphore_mem>>)
      %dma_wait3A = arith.constant 0 : i32
      %dma_wait3A_29 = tpu.memref_slice %arg8[%mul3A_11, %dma_wait3A] : memref<10112x16xf32, #tpu.memory_space<vmem_shared>> -> memref<632x16xf32, #tpu.memory_space<vmem_shared>>
      %dma_wait3A_30 = arith.constant 0 : i32
      %dma_wait3A_31 = tpu.memref_slice %arg8[%mul3A_11, %dma_wait3A_30] : memref<10112x16xf32, #tpu.memory_space<vmem_shared>> -> memref<632x16xf32, #tpu.memory_space<vmem_shared>>
      tpu.wait_dma2 semaphore(%run_scoped3A : memref<!tpu.dma_semaphore, #tpu.memory_space<semaphore_mem>>) src(%arg7 : memref<632x16xf32, #tpu.memory_space<vmem>>) dst(%dma_wait3A_31 : memref<632x16xf32, #tpu.memory_space<vmem_shared>>)
      tpu.yield
    }) : () -> ()
    %barrier3A = arith.constant 0 : index
    tpu.barrier barrier_id(%barrier3A)
    %mul3A_12 = arith.constant 40 : i32
    %mul3A_13 = arith.muli %add3A, %mul3A_12 : i32
    "tpu.region"() ({
      %run_scoped3A = tpu.sem_alloc : memref<!tpu.dma_semaphore, #tpu.memory_space<semaphore_mem>>
      %dma_start3A = arith.constant 0 : i32
      %dma_start3A_26 = tpu.memref_slice %arg3[%mul3A_13, %dma_start3A] : memref<1280x128xi32, #tpu.memory_space<hbm>> -> memref<40x128xi32, #tpu.memory_space<hbm>>
      %dma_start3A_27 = arith.constant 0 : i32
      %dma_start3A_28 = tpu.memref_slice %arg3[%mul3A_13, %dma_start3A_27] : memref<1280x128xi32, #tpu.memory_space<hbm>> -> memref<40x128xi32, #tpu.memory_space<hbm>>
      tpu.enqueue_dma source(%dma_start3A_28 : memref<40x128xi32, #tpu.memory_space<hbm>>) target(%arg5 : memref<40x128xi32, #tpu.memory_space<vmem>>) target_semaphore(%run_scoped3A : memref<!tpu.dma_semaphore, #tpu.memory_space<semaphore_mem>>)
      %dma_wait3A = arith.constant 0 : i32
      %dma_wait3A_29 = tpu.memref_slice %arg3[%mul3A_13, %dma_wait3A] : memref<1280x128xi32, #tpu.memory_space<hbm>> -> memref<40x128xi32, #tpu.memory_space<hbm>>
      %dma_wait3A_30 = arith.constant 0 : i32
      %dma_wait3A_31 = tpu.memref_slice %arg3[%mul3A_13, %dma_wait3A_30] : memref<1280x128xi32, #tpu.memory_space<hbm>> -> memref<40x128xi32, #tpu.memory_space<hbm>>
      tpu.wait_dma2 semaphore(%run_scoped3A : memref<!tpu.dma_semaphore, #tpu.memory_space<semaphore_mem>>) src(%dma_wait3A_31 : memref<40x128xi32, #tpu.memory_space<hbm>>) dst(%arg5 : memref<40x128xi32, #tpu.memory_space<vmem>>)
      tpu.yield
    }) : () -> ()
    %mul3A_14 = arith.constant 5000 : i32
    %mul3A_15 = arith.muli %add3A, %mul3A_14 : i32
    "tpu.region"() ({
      %run_scoped3A = tpu.sem_alloc : memref<!tpu.dma_semaphore, #tpu.memory_space<semaphore_mem>>
      %dma_start3A = arith.constant 0 : i32
      %dma_start3A_26 = arith.constant 0 : i32
      %dma_start3A_27 = tpu.memref_slice %arg6[%dma_start3A, %dma_start3A_26] : memref<5120x16xf32, #tpu.memory_space<vmem>> -> memref<5000x16xf32, #tpu.memory_space<vmem>>
      %dma_start3A_28 = arith.constant 0 : i32
      %dma_start3A_29 = tpu.memref_slice %arg2[%mul3A_15, %dma_start3A_28] : memref<160000x16xf32, #tpu.memory_space<hbm>> -> memref<5000x16xf32, #tpu.memory_space<hbm>>
      %dma_start3A_30 = arith.constant 0 : i32
      %dma_start3A_31 = arith.constant 0 : i32
      %dma_start3A_32 = tpu.memref_slice %arg6[%dma_start3A_30, %dma_start3A_31] : memref<5120x16xf32, #tpu.memory_space<vmem>> -> memref<5000x16xf32, #tpu.memory_space<vmem>>
      %dma_start3A_33 = arith.constant 0 : i32
      %dma_start3A_34 = tpu.memref_slice %arg2[%mul3A_15, %dma_start3A_33] : memref<160000x16xf32, #tpu.memory_space<hbm>> -> memref<5000x16xf32, #tpu.memory_space<hbm>>
      tpu.enqueue_dma source(%dma_start3A_34 : memref<5000x16xf32, #tpu.memory_space<hbm>>) target(%dma_start3A_32 : memref<5000x16xf32, #tpu.memory_space<vmem>>) target_semaphore(%run_scoped3A : memref<!tpu.dma_semaphore, #tpu.memory_space<semaphore_mem>>)
      %dma_wait3A = arith.constant 0 : i32
      %dma_wait3A_35 = arith.constant 0 : i32
      %dma_wait3A_36 = tpu.memref_slice %arg6[%dma_wait3A, %dma_wait3A_35] : memref<5120x16xf32, #tpu.memory_space<vmem>> -> memref<5000x16xf32, #tpu.memory_space<vmem>>
      %dma_wait3A_37 = arith.constant 0 : i32
      %dma_wait3A_38 = tpu.memref_slice %arg2[%mul3A_15, %dma_wait3A_37] : memref<160000x16xf32, #tpu.memory_space<hbm>> -> memref<5000x16xf32, #tpu.memory_space<hbm>>
      %dma_wait3A_39 = arith.constant 0 : i32
      %dma_wait3A_40 = arith.constant 0 : i32
      %dma_wait3A_41 = tpu.memref_slice %arg6[%dma_wait3A_39, %dma_wait3A_40] : memref<5120x16xf32, #tpu.memory_space<vmem>> -> memref<5000x16xf32, #tpu.memory_space<vmem>>
      %dma_wait3A_42 = arith.constant 0 : i32
      %dma_wait3A_43 = tpu.memref_slice %arg2[%mul3A_15, %dma_wait3A_42] : memref<160000x16xf32, #tpu.memory_space<hbm>> -> memref<5000x16xf32, #tpu.memory_space<hbm>>
      tpu.wait_dma2 semaphore(%run_scoped3A : memref<!tpu.dma_semaphore, #tpu.memory_space<semaphore_mem>>) src(%dma_wait3A_43 : memref<5000x16xf32, #tpu.memory_space<hbm>>) dst(%dma_wait3A_41 : memref<5000x16xf32, #tpu.memory_space<vmem>>)
      tpu.yield
    }) : () -> ()
    %scan3A_16 = arith.constant 0 : i32
    %scan3A_17 = arith.constant 40 : i32
    %scan3A_18 = arith.addi %scan3A_16, %scan3A_17 : i32
    %scan3A_19 = arith.constant 1 : i32
    scf.for %scan3A_26 = %scan3A_16 to %scan3A_18 step %scan3A_19  : i32 {
      %mul3A_27 = arith.constant 1 : i32
      %mul3A_28 = arith.muli %scan3A_26, %mul3A_27 : i32
      %add3A_29 = arith.constant 0 : i32
      %add3A_30 = arith.addi %add3A_29, %mul3A_28 : i32
      %mul3A_31 = arith.constant 128 : i32
      %mul3A_32 = arith.muli %add3A_30, %mul3A_31 : i32
      "tpu.region"() ({
        %run_scoped3A = tpu.sem_alloc : memref<!tpu.dma_semaphore, #tpu.memory_space<semaphore_mem>>
        %dma_start3A = arith.constant 0 : i32
        %dma_start3A_33 = tpu.memref_slice %arg6[%mul3A_32, %dma_start3A] : memref<5120x16xf32, #tpu.memory_space<vmem>> -> memref<128x16xf32, #tpu.memory_space<vmem>>
        %dma_start3A_34 = arith.constant 0 : i32
        %dma_start3A_35 = tpu.memref_slice %arg5[%add3A_30, %dma_start3A_34] : memref<40x128xi32, #tpu.memory_space<vmem>> -> memref<1x128xi32, #tpu.memory_space<vmem>>
        %dma_start3A_36 = tpu.memref_squeeze %dma_start3A_35 : memref<1x128xi32, #tpu.memory_space<vmem>> -> memref<128xi32, #tpu.memory_space<vmem>>
        %dma_start3A_37 = arith.constant 0 : i32
        %dma_start3A_38 = arith.constant 0 : i32
        %dma_start3A_39 = tpu.memref_slice %arg8[%dma_start3A_37, %dma_start3A_38] : memref<10112x16xf32, #tpu.memory_space<vmem_shared>> -> memref<10112x16xf32, #tpu.memory_space<vmem_shared>>
        tpu.enqueue_indirect_dma source(%dma_start3A_33 : memref<128x16xf32, #tpu.memory_space<vmem>>) target(%dma_start3A_39 : memref<10112x16xf32, #tpu.memory_space<vmem_shared>>) offsets(%dma_start3A_36 : memref<128xi32, #tpu.memory_space<vmem>>) semaphore(%run_scoped3A : memref<!tpu.dma_semaphore, #tpu.memory_space<semaphore_mem>>) {add = true}
        %dma_wait3A = arith.constant 0 : i32
        %dma_wait3A_40 = tpu.memref_slice %arg6[%mul3A_32, %dma_wait3A] : memref<5120x16xf32, #tpu.memory_space<vmem>> -> memref<128x16xf32, #tpu.memory_space<vmem>>
        %dma_wait3A_41 = arith.constant 0 : i32
        %dma_wait3A_42 = tpu.memref_slice %arg5[%add3A_30, %dma_wait3A_41] : memref<40x128xi32, #tpu.memory_space<vmem>> -> memref<1x128xi32, #tpu.memory_space<vmem>>
        %dma_wait3A_43 = tpu.memref_squeeze %dma_wait3A_42 : memref<1x128xi32, #tpu.memory_space<vmem>> -> memref<128xi32, #tpu.memory_space<vmem>>
        %dma_wait3A_44 = arith.constant 0 : i32
        %dma_wait3A_45 = arith.constant 0 : i32
        %dma_wait3A_46 = tpu.memref_slice %arg8[%dma_wait3A_44, %dma_wait3A_45] : memref<10112x16xf32, #tpu.memory_space<vmem_shared>> -> memref<10112x16xf32, #tpu.memory_space<vmem_shared>>
        tpu.wait_indirect_dma semaphore(%run_scoped3A : memref<!tpu.dma_semaphore, #tpu.memory_space<semaphore_mem>>) src(%dma_wait3A_40 : memref<128x16xf32, #tpu.memory_space<vmem>>) dst(%dma_wait3A_46 : memref<10112x16xf32, #tpu.memory_space<vmem_shared>>)
        tpu.yield
      }) : () -> ()
    }
    %scan3A_20 = arith.constant 40 : i32
    %barrier3A_21 = arith.constant 0 : index
    tpu.barrier barrier_id(%barrier3A_21)
    %mul3A_22 = arith.constant 632 : i32
    %mul3A_23 = arith.muli %arg1, %mul3A_22 : i32
    %mul3A_24 = arith.constant 632 : i32
    %mul3A_25 = arith.muli %arg1, %mul3A_24 : i32
    "tpu.region"() ({
      %run_scoped3A = tpu.sem_alloc : memref<!tpu.dma_semaphore, #tpu.memory_space<semaphore_mem>>
      %dma_start3A = arith.constant 0 : i32
      %dma_start3A_26 = tpu.memref_slice %arg4[%arg0, %mul3A_25, %dma_start3A] : memref<2x10112x16xf32, #tpu.memory_space<hbm>> -> memref<1x632x16xf32, #tpu.memory_space<hbm>>
      %dma_start3A_27 = tpu.memref_squeeze %dma_start3A_26 : memref<1x632x16xf32, #tpu.memory_space<hbm>> -> memref<632x16xf32, #tpu.memory_space<hbm>>
      %dma_start3A_28 = arith.constant 0 : i32
      %dma_start3A_29 = tpu.memref_slice %arg8[%mul3A_23, %dma_start3A_28] : memref<10112x16xf32, #tpu.memory_space<vmem_shared>> -> memref<632x16xf32, #tpu.memory_space<vmem_shared>>
      tpu.enqueue_dma source(%dma_start3A_29 : memref<632x16xf32, #tpu.memory_space<vmem_shared>>) target(%dma_start3A_27 : memref<632x16xf32, #tpu.memory_space<hbm>>) target_semaphore(%run_scoped3A : memref<!tpu.dma_semaphore, #tpu.memory_space<semaphore_mem>>)
      %dma_wait3A = arith.constant 0 : i32
      %dma_wait3A_30 = tpu.memref_slice %arg4[%arg0, %mul3A_25, %dma_wait3A] : memref<2x10112x16xf32, #tpu.memory_space<hbm>> -> memref<1x632x16xf32, #tpu.memory_space<hbm>>
      %dma_wait3A_31 = tpu.memref_squeeze %dma_wait3A_30 : memref<1x632x16xf32, #tpu.memory_space<hbm>> -> memref<632x16xf32, #tpu.memory_space<hbm>>
      %dma_wait3A_32 = arith.constant 0 : i32
      %dma_wait3A_33 = tpu.memref_slice %arg8[%mul3A_23, %dma_wait3A_32] : memref<10112x16xf32, #tpu.memory_space<vmem_shared>> -> memref<632x16xf32, #tpu.memory_space<vmem_shared>>
      tpu.wait_dma2 semaphore(%run_scoped3A : memref<!tpu.dma_semaphore, #tpu.memory_space<semaphore_mem>>) src(%dma_wait3A_33 : memref<632x16xf32, #tpu.memory_space<vmem_shared>>) dst(%dma_wait3A_31 : memref<632x16xf32, #tpu.memory_space<hbm>>)
      tpu.yield
    }) : () -> ()
    return
  }
}

#map = affine_map<(d0, d1) -> (0, 0)>
module attributes {stable_mosaic.version = 14 : i64} {
  func.func @k(%arg0: i32, %arg1: i32, %arg2: memref<10000x16xf32, #tpu.memory_space<hbm>>, %arg3: memref<1280x128xi32, #tpu.memory_space<hbm>>, %arg4: memref<160000x16xf32, #tpu.memory_space<hbm>>, %arg5: memref<40x128xi32, #tpu.memory_space<vmem>>, %arg6: memref<5120x16xf32, #tpu.memory_space<vmem>>, %arg7: memref<!tpu.dma_semaphore, #tpu.memory_space<semaphore_mem>>, %arg8: memref<!tpu.dma_semaphore, #tpu.memory_space<semaphore_mem>>) attributes {dimension_semantics = [#tpu.dimension_semantics<core_parallel>, #tpu.dimension_semantics<subcore_parallel>], iteration_bounds = array<i64: 2, 16>, scalar_prefetch = 0 : i64, scratch_operands = 4 : i64, tpu.core_type = #tpu.core_type<sc_vector_subcore>, window_params = [{transform_indices = #map}, {transform_indices = #map}, {transform_indices = #map}]} {
    %mul3A = arith.constant 2 : i32
    %mul3A_0 = arith.muli %arg1, %mul3A : i32
    %add3A = arith.addi %mul3A_0, %arg0 : i32
    %mul3A_1 = arith.constant 40 : i32
    %mul3A_2 = arith.muli %add3A, %mul3A_1 : i32
    %dma_start3A = arith.constant 0 : i32
    %dma_start3A_3 = tpu.memref_slice %arg3[%mul3A_2, %dma_start3A] : memref<1280x128xi32, #tpu.memory_space<hbm>> -> memref<40x128xi32, #tpu.memory_space<hbm>>
    %dma_start3A_4 = arith.constant 0 : i32
    %dma_start3A_5 = tpu.memref_slice %arg3[%mul3A_2, %dma_start3A_4] : memref<1280x128xi32, #tpu.memory_space<hbm>> -> memref<40x128xi32, #tpu.memory_space<hbm>>
    tpu.enqueue_dma source(%dma_start3A_5 : memref<40x128xi32, #tpu.memory_space<hbm>>) target(%arg5 : memref<40x128xi32, #tpu.memory_space<vmem>>) target_semaphore(%arg7 : memref<!tpu.dma_semaphore, #tpu.memory_space<semaphore_mem>>)
    %mul3A_6 = arith.constant 40 : i32
    %mul3A_7 = arith.muli %add3A, %mul3A_6 : i32
    %dma_wait3A = arith.constant 0 : i32
    %dma_wait3A_8 = tpu.memref_slice %arg3[%mul3A_7, %dma_wait3A] : memref<1280x128xi32, #tpu.memory_space<hbm>> -> memref<40x128xi32, #tpu.memory_space<hbm>>
    %dma_wait3A_9 = arith.constant 0 : i32
    %dma_wait3A_10 = tpu.memref_slice %arg3[%mul3A_7, %dma_wait3A_9] : memref<1280x128xi32, #tpu.memory_space<hbm>> -> memref<40x128xi32, #tpu.memory_space<hbm>>
    tpu.wait_dma2 semaphore(%arg7 : memref<!tpu.dma_semaphore, #tpu.memory_space<semaphore_mem>>) src(%dma_wait3A_10 : memref<40x128xi32, #tpu.memory_space<hbm>>) dst(%arg5 : memref<40x128xi32, #tpu.memory_space<vmem>>)
    %scan3A = arith.constant 0 : i32
    %scan3A_11 = arith.constant 40 : i32
    %scan3A_12 = arith.addi %scan3A, %scan3A_11 : i32
    %scan3A_13 = arith.constant 1 : i32
    scf.for %scan3A_44 = %scan3A to %scan3A_12 step %scan3A_13  : i32 {
      %mul3A_45 = arith.constant 1 : i32
      %mul3A_46 = arith.muli %scan3A_44, %mul3A_45 : i32
      %add3A_47 = arith.constant 0 : i32
      %add3A_48 = arith.addi %add3A_47, %mul3A_46 : i32
      %mul3A_49 = arith.constant 128 : i32
      %mul3A_50 = arith.muli %add3A_48, %mul3A_49 : i32
      %dma_start3A_51 = arith.constant 0 : i32
      %dma_start3A_52 = tpu.memref_slice %arg6[%mul3A_50, %dma_start3A_51] : memref<5120x16xf32, #tpu.memory_space<vmem>> -> memref<128x16xf32, #tpu.memory_space<vmem>>
      %dma_start3A_53 = arith.constant 0 : i32
      %dma_start3A_54 = tpu.memref_slice %arg5[%add3A_48, %dma_start3A_53] : memref<40x128xi32, #tpu.memory_space<vmem>> -> memref<1x128xi32, #tpu.memory_space<vmem>>
      %dma_start3A_55 = tpu.memref_squeeze %dma_start3A_54 : memref<1x128xi32, #tpu.memory_space<vmem>> -> memref<128xi32, #tpu.memory_space<vmem>>
      %dma_start3A_56 = arith.constant 0 : i32
      %dma_start3A_57 = arith.constant 0 : i32
      %dma_start3A_58 = tpu.memref_slice %arg2[%dma_start3A_56, %dma_start3A_57] : memref<10000x16xf32, #tpu.memory_space<hbm>> -> memref<10000x16xf32, #tpu.memory_space<hbm>>
      tpu.enqueue_indirect_dma source(%dma_start3A_58 : memref<10000x16xf32, #tpu.memory_space<hbm>>) target(%dma_start3A_52 : memref<128x16xf32, #tpu.memory_space<vmem>>) offsets(%dma_start3A_55 : memref<128xi32, #tpu.memory_space<vmem>>) semaphore(%arg8 : memref<!tpu.dma_semaphore, #tpu.memory_space<semaphore_mem>>)
    }
    %scan3A_14 = arith.constant 40 : i32
    %scan3A_15 = arith.constant 0 : i32
    %scan3A_16 = arith.constant 40 : i32
    %scan3A_17 = arith.addi %scan3A_15, %scan3A_16 : i32
    %scan3A_18 = arith.constant 1 : i32
    scf.for %scan3A_44 = %scan3A_15 to %scan3A_17 step %scan3A_18  : i32 {
      %mul3A_45 = arith.constant 1 : i32
      %mul3A_46 = arith.muli %scan3A_44, %mul3A_45 : i32
      %add3A_47 = arith.constant 0 : i32
      %add3A_48 = arith.addi %add3A_47, %mul3A_46 : i32
      %mul3A_49 = arith.constant 128 : i32
      %mul3A_50 = arith.muli %add3A_48, %mul3A_49 : i32
      %dma_wait3A_51 = arith.constant 0 : i32
      %dma_wait3A_52 = tpu.memref_slice %arg6[%mul3A_50, %dma_wait3A_51] : memref<5120x16xf32, #tpu.memory_space<vmem>> -> memref<128x16xf32, #tpu.memory_space<vmem>>
      %dma_wait3A_53 = arith.constant 0 : i32
      %dma_wait3A_54 = tpu.memref_slice %arg5[%add3A_48, %dma_wait3A_53] : memref<40x128xi32, #tpu.memory_space<vmem>> -> memref<1x128xi32, #tpu.memory_space<vmem>>
      %dma_wait3A_55 = tpu.memref_squeeze %dma_wait3A_54 : memref<1x128xi32, #tpu.memory_space<vmem>> -> memref<128xi32, #tpu.memory_space<vmem>>
      %dma_wait3A_56 = arith.constant 0 : i32
      %dma_wait3A_57 = arith.constant 0 : i32
      %dma_wait3A_58 = tpu.memref_slice %arg2[%dma_wait3A_56, %dma_wait3A_57] : memref<10000x16xf32, #tpu.memory_space<hbm>> -> memref<10000x16xf32, #tpu.memory_space<hbm>>
      tpu.wait_indirect_dma semaphore(%arg8 : memref<!tpu.dma_semaphore, #tpu.memory_space<semaphore_mem>>) src(%dma_wait3A_58 : memref<10000x16xf32, #tpu.memory_space<hbm>>) dst(%dma_wait3A_52 : memref<128x16xf32, #tpu.memory_space<vmem>>)
    }
    %scan3A_19 = arith.constant 40 : i32
    %mul3A_20 = arith.constant 5000 : i32
    %mul3A_21 = arith.muli %add3A, %mul3A_20 : i32
    %dma_start3A_22 = arith.constant 0 : i32
    %dma_start3A_23 = arith.constant 0 : i32
    %dma_start3A_24 = tpu.memref_slice %arg6[%dma_start3A_22, %dma_start3A_23] : memref<5120x16xf32, #tpu.memory_space<vmem>> -> memref<5000x16xf32, #tpu.memory_space<vmem>>
    %dma_start3A_25 = arith.constant 0 : i32
    %dma_start3A_26 = tpu.memref_slice %arg4[%mul3A_21, %dma_start3A_25] : memref<160000x16xf32, #tpu.memory_space<hbm>> -> memref<5000x16xf32, #tpu.memory_space<hbm>>
    %dma_start3A_27 = arith.constant 0 : i32
    %dma_start3A_28 = tpu.memref_slice %arg4[%mul3A_21, %dma_start3A_27] : memref<160000x16xf32, #tpu.memory_space<hbm>> -> memref<5000x16xf32, #tpu.memory_space<hbm>>
    %dma_start3A_29 = arith.constant 0 : i32
    %dma_start3A_30 = arith.constant 0 : i32
    %dma_start3A_31 = tpu.memref_slice %arg6[%dma_start3A_29, %dma_start3A_30] : memref<5120x16xf32, #tpu.memory_space<vmem>> -> memref<5000x16xf32, #tpu.memory_space<vmem>>
    tpu.enqueue_dma source(%dma_start3A_31 : memref<5000x16xf32, #tpu.memory_space<vmem>>) target(%dma_start3A_28 : memref<5000x16xf32, #tpu.memory_space<hbm>>) target_semaphore(%arg7 : memref<!tpu.dma_semaphore, #tpu.memory_space<semaphore_mem>>)
    %mul3A_32 = arith.constant 5000 : i32
    %mul3A_33 = arith.muli %add3A, %mul3A_32 : i32
    %dma_wait3A_34 = arith.constant 0 : i32
    %dma_wait3A_35 = arith.constant 0 : i32
    %dma_wait3A_36 = tpu.memref_slice %arg6[%dma_wait3A_34, %dma_wait3A_35] : memref<5120x16xf32, #tpu.memory_space<vmem>> -> memref<5000x16xf32, #tpu.memory_space<vmem>>
    %dma_wait3A_37 = arith.constant 0 : i32
    %dma_wait3A_38 = tpu.memref_slice %arg4[%mul3A_33, %dma_wait3A_37] : memref<160000x16xf32, #tpu.memory_space<hbm>> -> memref<5000x16xf32, #tpu.memory_space<hbm>>
    %dma_wait3A_39 = arith.constant 0 : i32
    %dma_wait3A_40 = tpu.memref_slice %arg4[%mul3A_33, %dma_wait3A_39] : memref<160000x16xf32, #tpu.memory_space<hbm>> -> memref<5000x16xf32, #tpu.memory_space<hbm>>
    %dma_wait3A_41 = arith.constant 0 : i32
    %dma_wait3A_42 = arith.constant 0 : i32
    %dma_wait3A_43 = tpu.memref_slice %arg6[%dma_wait3A_41, %dma_wait3A_42] : memref<5120x16xf32, #tpu.memory_space<vmem>> -> memref<5000x16xf32, #tpu.memory_space<vmem>>
    tpu.wait_dma2 semaphore(%arg7 : memref<!tpu.dma_semaphore, #tpu.memory_space<semaphore_mem>>) src(%dma_wait3A_43 : memref<5000x16xf32, #tpu.memory_space<vmem>>) dst(%dma_wait3A_40 : memref<5000x16xf32, #tpu.memory_space<hbm>>)
    return
  }
}

#map = affine_map<(d0, d1) -> (0, 0)>
module attributes {stable_mosaic.version = 14 : i64} {
  func.func @k(%arg0: i32, %arg1: i32, %arg2: memref<10000x16xf32, #tpu.memory_space<hbm>>, %arg3: memref<1280x128xi32, #tpu.memory_space<hbm>>, %arg4: memref<160000x16xf32, #tpu.memory_space<hbm>>, %arg5: memref<40x128xi32, #tpu.memory_space<vmem>>, %arg6: memref<5120x16xf32, #tpu.memory_space<vmem>>, %arg7: memref<!tpu.dma_semaphore, #tpu.memory_space<semaphore_mem>>, %arg8: memref<!tpu.dma_semaphore, #tpu.memory_space<semaphore_mem>>) attributes {dimension_semantics = [#tpu.dimension_semantics<core_parallel>, #tpu.dimension_semantics<subcore_parallel>], iteration_bounds = array<i64: 2, 16>, scalar_prefetch = 0 : i64, scratch_operands = 4 : i64, tpu.core_type = #tpu.core_type<sc_vector_subcore>, window_params = [{transform_indices = #map}, {transform_indices = #map}, {transform_indices = #map}]} {
    %mul3A = arith.constant 2 : i32
    %mul3A_0 = arith.muli %arg1, %mul3A : i32
    %add3A = arith.addi %mul3A_0, %arg0 : i32
    %mul3A_1 = arith.constant 40 : i32
    %mul3A_2 = arith.muli %add3A, %mul3A_1 : i32
    %dma_start3A = arith.constant 0 : i32
    %dma_start3A_3 = tpu.memref_slice %arg3[%mul3A_2, %dma_start3A] : memref<1280x128xi32, #tpu.memory_space<hbm>> -> memref<40x128xi32, #tpu.memory_space<hbm>>
    %dma_start3A_4 = arith.constant 0 : i32
    %dma_start3A_5 = tpu.memref_slice %arg3[%mul3A_2, %dma_start3A_4] : memref<1280x128xi32, #tpu.memory_space<hbm>> -> memref<40x128xi32, #tpu.memory_space<hbm>>
    tpu.enqueue_dma source(%dma_start3A_5 : memref<40x128xi32, #tpu.memory_space<hbm>>) target(%arg5 : memref<40x128xi32, #tpu.memory_space<vmem>>) target_semaphore(%arg7 : memref<!tpu.dma_semaphore, #tpu.memory_space<semaphore_mem>>)
    %mul3A_6 = arith.constant 40 : i32
    %mul3A_7 = arith.muli %add3A, %mul3A_6 : i32
    %dma_wait3A = arith.constant 0 : i32
    %dma_wait3A_8 = tpu.memref_slice %arg3[%mul3A_7, %dma_wait3A] : memref<1280x128xi32, #tpu.memory_space<hbm>> -> memref<40x128xi32, #tpu.memory_space<hbm>>
    %dma_wait3A_9 = arith.constant 0 : i32
    %dma_wait3A_10 = tpu.memref_slice %arg3[%mul3A_7, %dma_wait3A_9] : memref<1280x128xi32, #tpu.memory_space<hbm>> -> memref<40x128xi32, #tpu.memory_space<hbm>>
    tpu.wait_dma2 semaphore(%arg7 : memref<!tpu.dma_semaphore, #tpu.memory_space<semaphore_mem>>) src(%dma_wait3A_10 : memref<40x128xi32, #tpu.memory_space<hbm>>) dst(%arg5 : memref<40x128xi32, #tpu.memory_space<vmem>>)
    %scan3A = arith.constant 0 : i32
    %scan3A_11 = arith.constant 40 : i32
    %scan3A_12 = arith.addi %scan3A, %scan3A_11 : i32
    %scan3A_13 = arith.constant 1 : i32
    scf.for %scan3A_44 = %scan3A to %scan3A_12 step %scan3A_13  : i32 {
      %mul3A_45 = arith.constant 1 : i32
      %mul3A_46 = arith.muli %scan3A_44, %mul3A_45 : i32
      %add3A_47 = arith.constant 0 : i32
      %add3A_48 = arith.addi %add3A_47, %mul3A_46 : i32
      %mul3A_49 = arith.constant 128 : i32
      %mul3A_50 = arith.muli %add3A_48, %mul3A_49 : i32
      %dma_start3A_51 = arith.constant 0 : i32
      %dma_start3A_52 = tpu.memref_slice %arg6[%mul3A_50, %dma_start3A_51] : memref<5120x16xf32, #tpu.memory_space<vmem>> -> memref<128x16xf32, #tpu.memory_space<vmem>>
      %dma_start3A_53 = arith.constant 0 : i32
      %dma_start3A_54 = tpu.memref_slice %arg5[%add3A_48, %dma_start3A_53] : memref<40x128xi32, #tpu.memory_space<vmem>> -> memref<1x128xi32, #tpu.memory_space<vmem>>
      %dma_start3A_55 = tpu.memref_squeeze %dma_start3A_54 : memref<1x128xi32, #tpu.memory_space<vmem>> -> memref<128xi32, #tpu.memory_space<vmem>>
      %dma_start3A_56 = arith.constant 0 : i32
      %dma_start3A_57 = arith.constant 0 : i32
      %dma_start3A_58 = tpu.memref_slice %arg2[%dma_start3A_56, %dma_start3A_57] : memref<10000x16xf32, #tpu.memory_space<hbm>> -> memref<10000x16xf32, #tpu.memory_space<hbm>>
      tpu.enqueue_indirect_dma source(%dma_start3A_58 : memref<10000x16xf32, #tpu.memory_space<hbm>>) target(%dma_start3A_52 : memref<128x16xf32, #tpu.memory_space<vmem>>) offsets(%dma_start3A_55 : memref<128xi32, #tpu.memory_space<vmem>>) semaphore(%arg8 : memref<!tpu.dma_semaphore, #tpu.memory_space<semaphore_mem>>)
    }
    %scan3A_14 = arith.constant 40 : i32
    %scan3A_15 = arith.constant 0 : i32
    %scan3A_16 = arith.constant 40 : i32
    %scan3A_17 = arith.addi %scan3A_15, %scan3A_16 : i32
    %scan3A_18 = arith.constant 1 : i32
    scf.for %scan3A_44 = %scan3A_15 to %scan3A_17 step %scan3A_18  : i32 {
      %mul3A_45 = arith.constant 1 : i32
      %mul3A_46 = arith.muli %scan3A_44, %mul3A_45 : i32
      %add3A_47 = arith.constant 0 : i32
      %add3A_48 = arith.addi %add3A_47, %mul3A_46 : i32
      %mul3A_49 = arith.constant 128 : i32
      %mul3A_50 = arith.muli %add3A_48, %mul3A_49 : i32
      %dma_wait3A_51 = arith.constant 0 : i32
      %dma_wait3A_52 = tpu.memref_slice %arg6[%mul3A_50, %dma_wait3A_51] : memref<5120x16xf32, #tpu.memory_space<vmem>> -> memref<128x16xf32, #tpu.memory_space<vmem>>
      %dma_wait3A_53 = arith.constant 0 : i32
      %dma_wait3A_54 = tpu.memref_slice %arg5[%add3A_48, %dma_wait3A_53] : memref<40x128xi32, #tpu.memory_space<vmem>> -> memref<1x128xi32, #tpu.memory_space<vmem>>
      %dma_wait3A_55 = tpu.memref_squeeze %dma_wait3A_54 : memref<1x128xi32, #tpu.memory_space<vmem>> -> memref<128xi32, #tpu.memory_space<vmem>>
      %dma_wait3A_56 = arith.constant 0 : i32
      %dma_wait3A_57 = arith.constant 0 : i32
      %dma_wait3A_58 = tpu.memref_slice %arg2[%dma_wait3A_56, %dma_wait3A_57] : memref<10000x16xf32, #tpu.memory_space<hbm>> -> memref<10000x16xf32, #tpu.memory_space<hbm>>
      tpu.wait_indirect_dma semaphore(%arg8 : memref<!tpu.dma_semaphore, #tpu.memory_space<semaphore_mem>>) src(%dma_wait3A_58 : memref<10000x16xf32, #tpu.memory_space<hbm>>) dst(%dma_wait3A_52 : memref<128x16xf32, #tpu.memory_space<vmem>>)
    }
    %scan3A_19 = arith.constant 40 : i32
    %mul3A_20 = arith.constant 5000 : i32
    %mul3A_21 = arith.muli %add3A, %mul3A_20 : i32
    %dma_start3A_22 = arith.constant 0 : i32
    %dma_start3A_23 = arith.constant 0 : i32
    %dma_start3A_24 = tpu.memref_slice %arg6[%dma_start3A_22, %dma_start3A_23] : memref<5120x16xf32, #tpu.memory_space<vmem>> -> memref<5000x16xf32, #tpu.memory_space<vmem>>
    %dma_start3A_25 = arith.constant 0 : i32
    %dma_start3A_26 = tpu.memref_slice %arg4[%mul3A_21, %dma_start3A_25] : memref<160000x16xf32, #tpu.memory_space<hbm>> -> memref<5000x16xf32, #tpu.memory_space<hbm>>
    %dma_start3A_27 = arith.constant 0 : i32
    %dma_start3A_28 = tpu.memref_slice %arg4[%mul3A_21, %dma_start3A_27] : memref<160000x16xf32, #tpu.memory_space<hbm>> -> memref<5000x16xf32, #tpu.memory_space<hbm>>
    %dma_start3A_29 = arith.constant 0 : i32
    %dma_start3A_30 = arith.constant 0 : i32
    %dma_start3A_31 = tpu.memref_slice %arg6[%dma_start3A_29, %dma_start3A_30] : memref<5120x16xf32, #tpu.memory_space<vmem>> -> memref<5000x16xf32, #tpu.memory_space<vmem>>
    tpu.enqueue_dma source(%dma_start3A_31 : memref<5000x16xf32, #tpu.memory_space<vmem>>) target(%dma_start3A_28 : memref<5000x16xf32, #tpu.memory_space<hbm>>) target_semaphore(%arg7 : memref<!tpu.dma_semaphore, #tpu.memory_space<semaphore_mem>>)
    %mul3A_32 = arith.constant 5000 : i32
    %mul3A_33 = arith.muli %add3A, %mul3A_32 : i32
    %dma_wait3A_34 = arith.constant 0 : i32
    %dma_wait3A_35 = arith.constant 0 : i32
    %dma_wait3A_36 = tpu.memref_slice %arg6[%dma_wait3A_34, %dma_wait3A_35] : memref<5120x16xf32, #tpu.memory_space<vmem>> -> memref<5000x16xf32, #tpu.memory_space<vmem>>
    %dma_wait3A_37 = arith.constant 0 : i32
    %dma_wait3A_38 = tpu.memref_slice %arg4[%mul3A_33, %dma_wait3A_37] : memref<160000x16xf32, #tpu.memory_space<hbm>> -> memref<5000x16xf32, #tpu.memory_space<hbm>>
    %dma_wait3A_39 = arith.constant 0 : i32
    %dma_wait3A_40 = tpu.memref_slice %arg4[%mul3A_33, %dma_wait3A_39] : memref<160000x16xf32, #tpu.memory_space<hbm>> -> memref<5000x16xf32, #tpu.memory_space<hbm>>
    %dma_wait3A_41 = arith.constant 0 : i32
    %dma_wait3A_42 = arith.constant 0 : i32
    %dma_wait3A_43 = tpu.memref_slice %arg6[%dma_wait3A_41, %dma_wait3A_42] : memref<5120x16xf32, #tpu.memory_space<vmem>> -> memref<5000x16xf32, #tpu.memory_space<vmem>>
    tpu.wait_dma2 semaphore(%arg7 : memref<!tpu.dma_semaphore, #tpu.memory_space<semaphore_mem>>) src(%dma_wait3A_43 : memref<5000x16xf32, #tpu.memory_space<vmem>>) dst(%dma_wait3A_40 : memref<5000x16xf32, #tpu.memory_space<hbm>>)
    return
  }
}

#map = affine_map<(d0, d1) -> (0, 0)>
#map1 = affine_map<(d0, d1) -> (0, 0, 0)>
module attributes {stable_mosaic.version = 14 : i64} {
  func.func @k(%arg0: i32, %arg1: i32, %arg2: memref<160000x16xf32, #tpu.memory_space<hbm>>, %arg3: memref<1280x128xi32, #tpu.memory_space<hbm>>, %arg4: memref<2x10112x16xf32, #tpu.memory_space<hbm>>, %arg5: memref<40x128xi32, #tpu.memory_space<vmem>>, %arg6: memref<5120x16xf32, #tpu.memory_space<vmem>>, %arg7: memref<632x16xf32, #tpu.memory_space<vmem>>, %arg8: memref<10112x16xf32, #tpu.memory_space<vmem_shared>>, %arg9: memref<!tpu.dma_semaphore, #tpu.memory_space<semaphore_mem>>) attributes {dimension_semantics = [#tpu.dimension_semantics<core_parallel>, #tpu.dimension_semantics<subcore_parallel>], iteration_bounds = array<i64: 2, 16>, scalar_prefetch = 0 : i64, scratch_operands = 5 : i64, tpu.core_type = #tpu.core_type<sc_vector_subcore>, window_params = [{transform_indices = #map}, {transform_indices = #map}, {transform_indices = #map1}]} {
    %mul3A = arith.constant 2 : i32
    %mul3A_0 = arith.muli %arg1, %mul3A : i32
    %add3A = arith.addi %mul3A_0, %arg0 : i32
    %scan3A = arith.constant 0 : i32
    %scan3A_1 = arith.constant 632 : i32
    %scan3A_2 = arith.addi %scan3A, %scan3A_1 : i32
    %scan3A_3 = arith.constant 1 : i32
    scf.for %scan3A_26 = %scan3A to %scan3A_2 step %scan3A_3  : i32 {
      %mul3A_27 = arith.constant 1 : i32
      %mul3A_28 = arith.muli %scan3A_26, %mul3A_27 : i32
      %add3A_29 = arith.constant 0 : i32
      %add3A_30 = arith.addi %add3A_29, %mul3A_28 : i32
      %broadcast_in_dim3A = arith.constant 0.000000e+00 : f32
      %broadcast_in_dim3A_31 = vector.broadcast %broadcast_in_dim3A : f32 to vector<16xf32>
      %swap3A = arith.index_cast %add3A_30 : i32 to index
      %swap3A_32 = arith.constant 0 : index
      %swap3A_33 = tpu.vector_load %arg7[%swap3A, %swap3A_32] {strides = array<i32>} : memref<632x16xf32, #tpu.memory_space<vmem>>, vector<1x16xf32>,
      %swap3A_34 = vector.shape_cast %swap3A_33 : vector<1x16xf32> to vector<16xf32>
      %swap3A_35 = vector.shape_cast %broadcast_in_dim3A_31 : vector<16xf32> to vector<1x16xf32>
      tpu.vector_store %arg7[%swap3A, %swap3A_32], %swap3A_35 {strides = array<i32>} : memref<632x16xf32, #tpu.memory_space<vmem>>, vector<1x16xf32>,
    }
    %scan3A_4 = arith.constant 632 : i32
    %scan3A_5 = arith.constant 0 : i32
    %scan3A_6 = arith.constant 120 : i32
    %scan3A_7 = arith.addi %scan3A_5, %scan3A_6 : i32
    %scan3A_8 = arith.constant 1 : i32
    scf.for %scan3A_26 = %scan3A_5 to %scan3A_7 step %scan3A_8  : i32 {
      %mul3A_27 = arith.constant 1 : i32
      %mul3A_28 = arith.muli %scan3A_26, %mul3A_27 : i32
      %add3A_29 = arith.constant 5000 : i32
      %add3A_30 = arith.addi %add3A_29, %mul3A_28 : i32
      %broadcast_in_dim3A = arith.constant 0.000000e+00 : f32
      %broadcast_in_dim3A_31 = vector.broadcast %broadcast_in_dim3A : f32 to vector<16xf32>
      %swap3A = arith.index_cast %add3A_30 : i32 to index
      %swap3A_32 = arith.constant 0 : index
      %swap3A_33 = tpu.vector_load %arg6[%swap3A, %swap3A_32] {strides = array<i32>} : memref<5120x16xf32, #tpu.memory_space<vmem>>, vector<1x16xf32>,
      %swap3A_34 = vector.shape_cast %swap3A_33 : vector<1x16xf32> to vector<16xf32>
      %swap3A_35 = vector.shape_cast %broadcast_in_dim3A_31 : vector<16xf32> to vector<1x16xf32>
      tpu.vector_store %arg6[%swap3A, %swap3A_32], %swap3A_35 {strides = array<i32>} : memref<5120x16xf32, #tpu.memory_space<vmem>>, vector<1x16xf32>,
    }
    %scan3A_9 = arith.constant 120 : i32
    %mul3A_10 = arith.constant 632 : i32
    %mul3A_11 = arith.muli %arg1, %mul3A_10 : i32
    "tpu.region"() ({
      %run_scoped3A = tpu.sem_alloc : memref<!tpu.dma_semaphore, #tpu.memory_space<semaphore_mem>>
      %dma_start3A = arith.constant 0 : i32
      %dma_start3A_26 = tpu.memref_slice %arg8[%mul3A_11, %dma_start3A] : memref<10112x16xf32, #tpu.memory_space<vmem_shared>> -> memref<632x16xf32, #tpu.memory_space<vmem_shared>>
      %dma_start3A_27 = arith.constant 0 : i32
      %dma_start3A_28 = tpu.memref_slice %arg8[%mul3A_11, %dma_start3A_27] : memref<10112x16xf32, #tpu.memory_space<vmem_shared>> -> memref<632x16xf32, #tpu.memory_space<vmem_shared>>
      tpu.enqueue_dma source(%arg7 : memref<632x16xf32, #tpu.memory_space<vmem>>) target(%dma_start3A_28 : memref<632x16xf32, #tpu.memory_space<vmem_shared>>) target_semaphore(%run_scoped3A : memref<!tpu.dma_semaphore, #tpu.memory_space<semaphore_mem>>)
      %dma_wait3A = arith.constant 0 : i32
      %dma_wait3A_29 = tpu.memref_slice %arg8[%mul3A_11, %dma_wait3A] : memref<10112x16xf32, #tpu.memory_space<vmem_shared>> -> memref<632x16xf32, #tpu.memory_space<vmem_shared>>
      %dma_wait3A_30 = arith.constant 0 : i32
      %dma_wait3A_31 = tpu.memref_slice %arg8[%mul3A_11, %dma_wait3A_30] : memref<10112x16xf32, #tpu.memory_space<vmem_shared>> -> memref<632x16xf32, #tpu.memory_space<vmem_shared>>
      tpu.wait_dma2 semaphore(%run_scoped3A : memref<!tpu.dma_semaphore, #tpu.memory_space<semaphore_mem>>) src(%arg7 : memref<632x16xf32, #tpu.memory_space<vmem>>) dst(%dma_wait3A_31 : memref<632x16xf32, #tpu.memory_space<vmem_shared>>)
      tpu.yield
    }) : () -> ()
    %barrier3A = arith.constant 0 : index
    tpu.barrier barrier_id(%barrier3A)
    %mul3A_12 = arith.constant 40 : i32
    %mul3A_13 = arith.muli %add3A, %mul3A_12 : i32
    "tpu.region"() ({
      %run_scoped3A = tpu.sem_alloc : memref<!tpu.dma_semaphore, #tpu.memory_space<semaphore_mem>>
      %dma_start3A = arith.constant 0 : i32
      %dma_start3A_26 = tpu.memref_slice %arg3[%mul3A_13, %dma_start3A] : memref<1280x128xi32, #tpu.memory_space<hbm>> -> memref<40x128xi32, #tpu.memory_space<hbm>>
      %dma_start3A_27 = arith.constant 0 : i32
      %dma_start3A_28 = tpu.memref_slice %arg3[%mul3A_13, %dma_start3A_27] : memref<1280x128xi32, #tpu.memory_space<hbm>> -> memref<40x128xi32, #tpu.memory_space<hbm>>
      tpu.enqueue_dma source(%dma_start3A_28 : memref<40x128xi32, #tpu.memory_space<hbm>>) target(%arg5 : memref<40x128xi32, #tpu.memory_space<vmem>>) target_semaphore(%run_scoped3A : memref<!tpu.dma_semaphore, #tpu.memory_space<semaphore_mem>>)
      %dma_wait3A = arith.constant 0 : i32
      %dma_wait3A_29 = tpu.memref_slice %arg3[%mul3A_13, %dma_wait3A] : memref<1280x128xi32, #tpu.memory_space<hbm>> -> memref<40x128xi32, #tpu.memory_space<hbm>>
      %dma_wait3A_30 = arith.constant 0 : i32
      %dma_wait3A_31 = tpu.memref_slice %arg3[%mul3A_13, %dma_wait3A_30] : memref<1280x128xi32, #tpu.memory_space<hbm>> -> memref<40x128xi32, #tpu.memory_space<hbm>>
      tpu.wait_dma2 semaphore(%run_scoped3A : memref<!tpu.dma_semaphore, #tpu.memory_space<semaphore_mem>>) src(%dma_wait3A_31 : memref<40x128xi32, #tpu.memory_space<hbm>>) dst(%arg5 : memref<40x128xi32, #tpu.memory_space<vmem>>)
      tpu.yield
    }) : () -> ()
    %mul3A_14 = arith.constant 5000 : i32
    %mul3A_15 = arith.muli %add3A, %mul3A_14 : i32
    "tpu.region"() ({
      %run_scoped3A = tpu.sem_alloc : memref<!tpu.dma_semaphore, #tpu.memory_space<semaphore_mem>>
      %dma_start3A = arith.constant 0 : i32
      %dma_start3A_26 = arith.constant 0 : i32
      %dma_start3A_27 = tpu.memref_slice %arg6[%dma_start3A, %dma_start3A_26] : memref<5120x16xf32, #tpu.memory_space<vmem>> -> memref<5000x16xf32, #tpu.memory_space<vmem>>
      %dma_start3A_28 = arith.constant 0 : i32
      %dma_start3A_29 = tpu.memref_slice %arg2[%mul3A_15, %dma_start3A_28] : memref<160000x16xf32, #tpu.memory_space<hbm>> -> memref<5000x16xf32, #tpu.memory_space<hbm>>
      %dma_start3A_30 = arith.constant 0 : i32
      %dma_start3A_31 = arith.constant 0 : i32
      %dma_start3A_32 = tpu.memref_slice %arg6[%dma_start3A_30, %dma_start3A_31] : memref<5120x16xf32, #tpu.memory_space<vmem>> -> memref<5000x16xf32, #tpu.memory_space<vmem>>
      %dma_start3A_33 = arith.constant 0 : i32
      %dma_start3A_34 = tpu.memref_slice %arg2[%mul3A_15, %dma_start3A_33] : memref<160000x16xf32, #tpu.memory_space<hbm>> -> memref<5000x16xf32, #tpu.memory_space<hbm>>
      tpu.enqueue_dma source(%dma_start3A_34 : memref<5000x16xf32, #tpu.memory_space<hbm>>) target(%dma_start3A_32 : memref<5000x16xf32, #tpu.memory_space<vmem>>) target_semaphore(%run_scoped3A : memref<!tpu.dma_semaphore, #tpu.memory_space<semaphore_mem>>)
      %dma_wait3A = arith.constant 0 : i32
      %dma_wait3A_35 = arith.constant 0 : i32
      %dma_wait3A_36 = tpu.memref_slice %arg6[%dma_wait3A, %dma_wait3A_35] : memref<5120x16xf32, #tpu.memory_space<vmem>> -> memref<5000x16xf32, #tpu.memory_space<vmem>>
      %dma_wait3A_37 = arith.constant 0 : i32
      %dma_wait3A_38 = tpu.memref_slice %arg2[%mul3A_15, %dma_wait3A_37] : memref<160000x16xf32, #tpu.memory_space<hbm>> -> memref<5000x16xf32, #tpu.memory_space<hbm>>
      %dma_wait3A_39 = arith.constant 0 : i32
      %dma_wait3A_40 = arith.constant 0 : i32
      %dma_wait3A_41 = tpu.memref_slice %arg6[%dma_wait3A_39, %dma_wait3A_40] : memref<5120x16xf32, #tpu.memory_space<vmem>> -> memref<5000x16xf32, #tpu.memory_space<vmem>>
      %dma_wait3A_42 = arith.constant 0 : i32
      %dma_wait3A_43 = tpu.memref_slice %arg2[%mul3A_15, %dma_wait3A_42] : memref<160000x16xf32, #tpu.memory_space<hbm>> -> memref<5000x16xf32, #tpu.memory_space<hbm>>
      tpu.wait_dma2 semaphore(%run_scoped3A : memref<!tpu.dma_semaphore, #tpu.memory_space<semaphore_mem>>) src(%dma_wait3A_43 : memref<5000x16xf32, #tpu.memory_space<hbm>>) dst(%dma_wait3A_41 : memref<5000x16xf32, #tpu.memory_space<vmem>>)
      tpu.yield
    }) : () -> ()
    %scan3A_16 = arith.constant 0 : i32
    %scan3A_17 = arith.constant 40 : i32
    %scan3A_18 = arith.addi %scan3A_16, %scan3A_17 : i32
    %scan3A_19 = arith.constant 1 : i32
    scf.for %scan3A_26 = %scan3A_16 to %scan3A_18 step %scan3A_19  : i32 {
      %mul3A_27 = arith.constant 1 : i32
      %mul3A_28 = arith.muli %scan3A_26, %mul3A_27 : i32
      %add3A_29 = arith.constant 0 : i32
      %add3A_30 = arith.addi %add3A_29, %mul3A_28 : i32
      %mul3A_31 = arith.constant 128 : i32
      %mul3A_32 = arith.muli %add3A_30, %mul3A_31 : i32
      "tpu.region"() ({
        %run_scoped3A = tpu.sem_alloc : memref<!tpu.dma_semaphore, #tpu.memory_space<semaphore_mem>>
        %dma_start3A = arith.constant 0 : i32
        %dma_start3A_33 = tpu.memref_slice %arg6[%mul3A_32, %dma_start3A] : memref<5120x16xf32, #tpu.memory_space<vmem>> -> memref<128x16xf32, #tpu.memory_space<vmem>>
        %dma_start3A_34 = arith.constant 0 : i32
        %dma_start3A_35 = tpu.memref_slice %arg5[%add3A_30, %dma_start3A_34] : memref<40x128xi32, #tpu.memory_space<vmem>> -> memref<1x128xi32, #tpu.memory_space<vmem>>
        %dma_start3A_36 = tpu.memref_squeeze %dma_start3A_35 : memref<1x128xi32, #tpu.memory_space<vmem>> -> memref<128xi32, #tpu.memory_space<vmem>>
        %dma_start3A_37 = arith.constant 0 : i32
        %dma_start3A_38 = arith.constant 0 : i32
        %dma_start3A_39 = tpu.memref_slice %arg8[%dma_start3A_37, %dma_start3A_38] : memref<10112x16xf32, #tpu.memory_space<vmem_shared>> -> memref<10112x16xf32, #tpu.memory_space<vmem_shared>>
        tpu.enqueue_indirect_dma source(%dma_start3A_33 : memref<128x16xf32, #tpu.memory_space<vmem>>) target(%dma_start3A_39 : memref<10112x16xf32, #tpu.memory_space<vmem_shared>>) offsets(%dma_start3A_36 : memref<128xi32, #tpu.memory_space<vmem>>) semaphore(%run_scoped3A : memref<!tpu.dma_semaphore, #tpu.memory_space<semaphore_mem>>) {add = true}
        %dma_wait3A = arith.constant 0 : i32
        %dma_wait3A_40 = tpu.memref_slice %arg6[%mul3A_32, %dma_wait3A] : memref<5120x16xf32, #tpu.memory_space<vmem>> -> memref<128x16xf32, #tpu.memory_space<vmem>>
        %dma_wait3A_41 = arith.constant 0 : i32
        %dma_wait3A_42 = tpu.memref_slice %arg5[%add3A_30, %dma_wait3A_41] : memref<40x128xi32, #tpu.memory_space<vmem>> -> memref<1x128xi32, #tpu.memory_space<vmem>>
        %dma_wait3A_43 = tpu.memref_squeeze %dma_wait3A_42 : memref<1x128xi32, #tpu.memory_space<vmem>> -> memref<128xi32, #tpu.memory_space<vmem>>
        %dma_wait3A_44 = arith.constant 0 : i32
        %dma_wait3A_45 = arith.constant 0 : i32
        %dma_wait3A_46 = tpu.memref_slice %arg8[%dma_wait3A_44, %dma_wait3A_45] : memref<10112x16xf32, #tpu.memory_space<vmem_shared>> -> memref<10112x16xf32, #tpu.memory_space<vmem_shared>>
        tpu.wait_indirect_dma semaphore(%run_scoped3A : memref<!tpu.dma_semaphore, #tpu.memory_space<semaphore_mem>>) src(%dma_wait3A_40 : memref<128x16xf32, #tpu.memory_space<vmem>>) dst(%dma_wait3A_46 : memref<10112x16xf32, #tpu.memory_space<vmem_shared>>)
        tpu.yield
      }) : () -> ()
    }
    %scan3A_20 = arith.constant 40 : i32
    %barrier3A_21 = arith.constant 0 : index
    tpu.barrier barrier_id(%barrier3A_21)
    %mul3A_22 = arith.constant 632 : i32
    %mul3A_23 = arith.muli %arg1, %mul3A_22 : i32
    %mul3A_24 = arith.constant 632 : i32
    %mul3A_25 = arith.muli %arg1, %mul3A_24 : i32
    "tpu.region"() ({
      %run_scoped3A = tpu.sem_alloc : memref<!tpu.dma_semaphore, #tpu.memory_space<semaphore_mem>>
      %dma_start3A = arith.constant 0 : i32
      %dma_start3A_26 = tpu.memref_slice %arg4[%arg0, %mul3A_25, %dma_start3A] : memref<2x10112x16xf32, #tpu.memory_space<hbm>> -> memref<1x632x16xf32, #tpu.memory_space<hbm>>
      %dma_start3A_27 = tpu.memref_squeeze %dma_start3A_26 : memref<1x632x16xf32, #tpu.memory_space<hbm>> -> memref<632x16xf32, #tpu.memory_space<hbm>>
      %dma_start3A_28 = arith.constant 0 : i32
      %dma_start3A_29 = tpu.memref_slice %arg8[%mul3A_23, %dma_start3A_28] : memref<10112x16xf32, #tpu.memory_space<vmem_shared>> -> memref<632x16xf32, #tpu.memory_space<vmem_shared>>
      tpu.enqueue_dma source(%dma_start3A_29 : memref<632x16xf32, #tpu.memory_space<vmem_shared>>) target(%dma_start3A_27 : memref<632x16xf32, #tpu.memory_space<hbm>>) target_semaphore(%run_scoped3A : memref<!tpu.dma_semaphore, #tpu.memory_space<semaphore_mem>>)
      %dma_wait3A = arith.constant 0 : i32
      %dma_wait3A_30 = tpu.memref_slice %arg4[%arg0, %mul3A_25, %dma_wait3A] : memref<2x10112x16xf32, #tpu.memory_space<hbm>> -> memref<1x632x16xf32, #tpu.memory_space<hbm>>
      %dma_wait3A_31 = tpu.memref_squeeze %dma_wait3A_30 : memref<1x632x16xf32, #tpu.memory_space<hbm>> -> memref<632x16xf32, #tpu.memory_space<hbm>>
      %dma_wait3A_32 = arith.constant 0 : i32
      %dma_wait3A_33 = tpu.memref_slice %arg8[%mul3A_23, %dma_wait3A_32] : memref<10112x16xf32, #tpu.memory_space<vmem_shared>> -> memref<632x16xf32, #tpu.memory_space<vmem_shared>>
      tpu.wait_dma2 semaphore(%run_scoped3A : memref<!tpu.dma_semaphore, #tpu.memory_space<semaphore_mem>>) src(%dma_wait3A_33 : memref<632x16xf32, #tpu.memory_space<vmem_shared>>) dst(%dma_wait3A_31 : memref<632x16xf32, #tpu.memory_space<hbm>>)
      tpu.yield
    }) : () -> ()
    return
  }
}

#map = affine_map<(d0, d1) -> (0, 0)>
module attributes {stable_mosaic.version = 14 : i64} {
  func.func @k(%arg0: i32, %arg1: i32, %arg2: memref<10000x16xf32, #tpu.memory_space<hbm>>, %arg3: memref<1280x128xi32, #tpu.memory_space<hbm>>, %arg4: memref<160000x16xf32, #tpu.memory_space<hbm>>, %arg5: memref<40x128xi32, #tpu.memory_space<vmem>>, %arg6: memref<5120x16xf32, #tpu.memory_space<vmem>>, %arg7: memref<!tpu.dma_semaphore, #tpu.memory_space<semaphore_mem>>, %arg8: memref<!tpu.dma_semaphore, #tpu.memory_space<semaphore_mem>>) attributes {dimension_semantics = [#tpu.dimension_semantics<core_parallel>, #tpu.dimension_semantics<subcore_parallel>], iteration_bounds = array<i64: 2, 16>, scalar_prefetch = 0 : i64, scratch_operands = 4 : i64, tpu.core_type = #tpu.core_type<sc_vector_subcore>, window_params = [{transform_indices = #map}, {transform_indices = #map}, {transform_indices = #map}]} {
    %mul3A = arith.constant 2 : i32
    %mul3A_0 = arith.muli %arg1, %mul3A : i32
    %add3A = arith.addi %mul3A_0, %arg0 : i32
    %mul3A_1 = arith.constant 40 : i32
    %mul3A_2 = arith.muli %add3A, %mul3A_1 : i32
    %dma_start3A = arith.constant 0 : i32
    %dma_start3A_3 = tpu.memref_slice %arg3[%mul3A_2, %dma_start3A] : memref<1280x128xi32, #tpu.memory_space<hbm>> -> memref<40x128xi32, #tpu.memory_space<hbm>>
    %dma_start3A_4 = arith.constant 0 : i32
    %dma_start3A_5 = tpu.memref_slice %arg3[%mul3A_2, %dma_start3A_4] : memref<1280x128xi32, #tpu.memory_space<hbm>> -> memref<40x128xi32, #tpu.memory_space<hbm>>
    tpu.enqueue_dma source(%dma_start3A_5 : memref<40x128xi32, #tpu.memory_space<hbm>>) target(%arg5 : memref<40x128xi32, #tpu.memory_space<vmem>>) target_semaphore(%arg7 : memref<!tpu.dma_semaphore, #tpu.memory_space<semaphore_mem>>)
    %mul3A_6 = arith.constant 40 : i32
    %mul3A_7 = arith.muli %add3A, %mul3A_6 : i32
    %dma_wait3A = arith.constant 0 : i32
    %dma_wait3A_8 = tpu.memref_slice %arg3[%mul3A_7, %dma_wait3A] : memref<1280x128xi32, #tpu.memory_space<hbm>> -> memref<40x128xi32, #tpu.memory_space<hbm>>
    %dma_wait3A_9 = arith.constant 0 : i32
    %dma_wait3A_10 = tpu.memref_slice %arg3[%mul3A_7, %dma_wait3A_9] : memref<1280x128xi32, #tpu.memory_space<hbm>> -> memref<40x128xi32, #tpu.memory_space<hbm>>
    tpu.wait_dma2 semaphore(%arg7 : memref<!tpu.dma_semaphore, #tpu.memory_space<semaphore_mem>>) src(%dma_wait3A_10 : memref<40x128xi32, #tpu.memory_space<hbm>>) dst(%arg5 : memref<40x128xi32, #tpu.memory_space<vmem>>)
    %scan3A = arith.constant 0 : i32
    %scan3A_11 = arith.constant 40 : i32
    %scan3A_12 = arith.addi %scan3A, %scan3A_11 : i32
    %scan3A_13 = arith.constant 1 : i32
    scf.for %scan3A_44 = %scan3A to %scan3A_12 step %scan3A_13  : i32 {
      %mul3A_45 = arith.constant 1 : i32
      %mul3A_46 = arith.muli %scan3A_44, %mul3A_45 : i32
      %add3A_47 = arith.constant 0 : i32
      %add3A_48 = arith.addi %add3A_47, %mul3A_46 : i32
      %mul3A_49 = arith.constant 128 : i32
      %mul3A_50 = arith.muli %add3A_48, %mul3A_49 : i32
      %dma_start3A_51 = arith.constant 0 : i32
      %dma_start3A_52 = tpu.memref_slice %arg6[%mul3A_50, %dma_start3A_51] : memref<5120x16xf32, #tpu.memory_space<vmem>> -> memref<128x16xf32, #tpu.memory_space<vmem>>
      %dma_start3A_53 = arith.constant 0 : i32
      %dma_start3A_54 = tpu.memref_slice %arg5[%add3A_48, %dma_start3A_53] : memref<40x128xi32, #tpu.memory_space<vmem>> -> memref<1x128xi32, #tpu.memory_space<vmem>>
      %dma_start3A_55 = tpu.memref_squeeze %dma_start3A_54 : memref<1x128xi32, #tpu.memory_space<vmem>> -> memref<128xi32, #tpu.memory_space<vmem>>
      %dma_start3A_56 = arith.constant 0 : i32
      %dma_start3A_57 = arith.constant 0 : i32
      %dma_start3A_58 = tpu.memref_slice %arg2[%dma_start3A_56, %dma_start3A_57] : memref<10000x16xf32, #tpu.memory_space<hbm>> -> memref<10000x16xf32, #tpu.memory_space<hbm>>
      tpu.enqueue_indirect_dma source(%dma_start3A_58 : memref<10000x16xf32, #tpu.memory_space<hbm>>) target(%dma_start3A_52 : memref<128x16xf32, #tpu.memory_space<vmem>>) offsets(%dma_start3A_55 : memref<128xi32, #tpu.memory_space<vmem>>) semaphore(%arg8 : memref<!tpu.dma_semaphore, #tpu.memory_space<semaphore_mem>>)
    }
    %scan3A_14 = arith.constant 40 : i32
    %scan3A_15 = arith.constant 0 : i32
    %scan3A_16 = arith.constant 40 : i32
    %scan3A_17 = arith.addi %scan3A_15, %scan3A_16 : i32
    %scan3A_18 = arith.constant 1 : i32
    scf.for %scan3A_44 = %scan3A_15 to %scan3A_17 step %scan3A_18  : i32 {
      %mul3A_45 = arith.constant 1 : i32
      %mul3A_46 = arith.muli %scan3A_44, %mul3A_45 : i32
      %add3A_47 = arith.constant 0 : i32
      %add3A_48 = arith.addi %add3A_47, %mul3A_46 : i32
      %mul3A_49 = arith.constant 128 : i32
      %mul3A_50 = arith.muli %add3A_48, %mul3A_49 : i32
      %dma_wait3A_51 = arith.constant 0 : i32
      %dma_wait3A_52 = tpu.memref_slice %arg6[%mul3A_50, %dma_wait3A_51] : memref<5120x16xf32, #tpu.memory_space<vmem>> -> memref<128x16xf32, #tpu.memory_space<vmem>>
      %dma_wait3A_53 = arith.constant 0 : i32
      %dma_wait3A_54 = tpu.memref_slice %arg5[%add3A_48, %dma_wait3A_53] : memref<40x128xi32, #tpu.memory_space<vmem>> -> memref<1x128xi32, #tpu.memory_space<vmem>>
      %dma_wait3A_55 = tpu.memref_squeeze %dma_wait3A_54 : memref<1x128xi32, #tpu.memory_space<vmem>> -> memref<128xi32, #tpu.memory_space<vmem>>
      %dma_wait3A_56 = arith.constant 0 : i32
      %dma_wait3A_57 = arith.constant 0 : i32
      %dma_wait3A_58 = tpu.memref_slice %arg2[%dma_wait3A_56, %dma_wait3A_57] : memref<10000x16xf32, #tpu.memory_space<hbm>> -> memref<10000x16xf32, #tpu.memory_space<hbm>>
      tpu.wait_indirect_dma semaphore(%arg8 : memref<!tpu.dma_semaphore, #tpu.memory_space<semaphore_mem>>) src(%dma_wait3A_58 : memref<10000x16xf32, #tpu.memory_space<hbm>>) dst(%dma_wait3A_52 : memref<128x16xf32, #tpu.memory_space<vmem>>)
    }
    %scan3A_19 = arith.constant 40 : i32
    %mul3A_20 = arith.constant 5000 : i32
    %mul3A_21 = arith.muli %add3A, %mul3A_20 : i32
    %dma_start3A_22 = arith.constant 0 : i32
    %dma_start3A_23 = arith.constant 0 : i32
    %dma_start3A_24 = tpu.memref_slice %arg6[%dma_start3A_22, %dma_start3A_23] : memref<5120x16xf32, #tpu.memory_space<vmem>> -> memref<5000x16xf32, #tpu.memory_space<vmem>>
    %dma_start3A_25 = arith.constant 0 : i32
    %dma_start3A_26 = tpu.memref_slice %arg4[%mul3A_21, %dma_start3A_25] : memref<160000x16xf32, #tpu.memory_space<hbm>> -> memref<5000x16xf32, #tpu.memory_space<hbm>>
    %dma_start3A_27 = arith.constant 0 : i32
    %dma_start3A_28 = tpu.memref_slice %arg4[%mul3A_21, %dma_start3A_27] : memref<160000x16xf32, #tpu.memory_space<hbm>> -> memref<5000x16xf32, #tpu.memory_space<hbm>>
    %dma_start3A_29 = arith.constant 0 : i32
    %dma_start3A_30 = arith.constant 0 : i32
    %dma_start3A_31 = tpu.memref_slice %arg6[%dma_start3A_29, %dma_start3A_30] : memref<5120x16xf32, #tpu.memory_space<vmem>> -> memref<5000x16xf32, #tpu.memory_space<vmem>>
    tpu.enqueue_dma source(%dma_start3A_31 : memref<5000x16xf32, #tpu.memory_space<vmem>>) target(%dma_start3A_28 : memref<5000x16xf32, #tpu.memory_space<hbm>>) target_semaphore(%arg7 : memref<!tpu.dma_semaphore, #tpu.memory_space<semaphore_mem>>)
    %mul3A_32 = arith.constant 5000 : i32
    %mul3A_33 = arith.muli %add3A, %mul3A_32 : i32
    %dma_wait3A_34 = arith.constant 0 : i32
    %dma_wait3A_35 = arith.constant 0 : i32
    %dma_wait3A_36 = tpu.memref_slice %arg6[%dma_wait3A_34, %dma_wait3A_35] : memref<5120x16xf32, #tpu.memory_space<vmem>> -> memref<5000x16xf32, #tpu.memory_space<vmem>>
    %dma_wait3A_37 = arith.constant 0 : i32
    %dma_wait3A_38 = tpu.memref_slice %arg4[%mul3A_33, %dma_wait3A_37] : memref<160000x16xf32, #tpu.memory_space<hbm>> -> memref<5000x16xf32, #tpu.memory_space<hbm>>
    %dma_wait3A_39 = arith.constant 0 : i32
    %dma_wait3A_40 = tpu.memref_slice %arg4[%mul3A_33, %dma_wait3A_39] : memref<160000x16xf32, #tpu.memory_space<hbm>> -> memref<5000x16xf32, #tpu.memory_space<hbm>>
    %dma_wait3A_41 = arith.constant 0 : i32
    %dma_wait3A_42 = arith.constant 0 : i32
    %dma_wait3A_43 = tpu.memref_slice %arg6[%dma_wait3A_41, %dma_wait3A_42] : memref<5120x16xf32, #tpu.memory_space<vmem>> -> memref<5000x16xf32, #tpu.memory_space<vmem>>
    tpu.wait_dma2 semaphore(%arg7 : memref<!tpu.dma_semaphore, #tpu.memory_space<semaphore_mem>>) src(%dma_wait3A_43 : memref<5000x16xf32, #tpu.memory_space<vmem>>) dst(%dma_wait3A_40 : memref<5000x16xf32, #tpu.memory_space<hbm>>)
    return
  }
}

#map = affine_map<(d0, d1) -> (0, 0)>
#map1 = affine_map<(d0, d1) -> (0, 0, 0)>
module attributes {stable_mosaic.version = 14 : i64} {
  func.func @k(%arg0: i32, %arg1: i32, %arg2: memref<160000x16xf32, #tpu.memory_space<hbm>>, %arg3: memref<1280x128xi32, #tpu.memory_space<hbm>>, %arg4: memref<2x10112x16xf32, #tpu.memory_space<hbm>>, %arg5: memref<40x128xi32, #tpu.memory_space<vmem>>, %arg6: memref<5120x16xf32, #tpu.memory_space<vmem>>, %arg7: memref<632x16xf32, #tpu.memory_space<vmem>>, %arg8: memref<10112x16xf32, #tpu.memory_space<vmem_shared>>, %arg9: memref<!tpu.dma_semaphore, #tpu.memory_space<semaphore_mem>>) attributes {dimension_semantics = [#tpu.dimension_semantics<core_parallel>, #tpu.dimension_semantics<subcore_parallel>], iteration_bounds = array<i64: 2, 16>, scalar_prefetch = 0 : i64, scratch_operands = 5 : i64, tpu.core_type = #tpu.core_type<sc_vector_subcore>, window_params = [{transform_indices = #map}, {transform_indices = #map}, {transform_indices = #map1}]} {
    %mul3A = arith.constant 2 : i32
    %mul3A_0 = arith.muli %arg1, %mul3A : i32
    %add3A = arith.addi %mul3A_0, %arg0 : i32
    %scan3A = arith.constant 0 : i32
    %scan3A_1 = arith.constant 632 : i32
    %scan3A_2 = arith.addi %scan3A, %scan3A_1 : i32
    %scan3A_3 = arith.constant 1 : i32
    scf.for %scan3A_26 = %scan3A to %scan3A_2 step %scan3A_3  : i32 {
      %mul3A_27 = arith.constant 1 : i32
      %mul3A_28 = arith.muli %scan3A_26, %mul3A_27 : i32
      %add3A_29 = arith.constant 0 : i32
      %add3A_30 = arith.addi %add3A_29, %mul3A_28 : i32
      %broadcast_in_dim3A = arith.constant 0.000000e+00 : f32
      %broadcast_in_dim3A_31 = vector.broadcast %broadcast_in_dim3A : f32 to vector<16xf32>
      %swap3A = arith.index_cast %add3A_30 : i32 to index
      %swap3A_32 = arith.constant 0 : index
      %swap3A_33 = tpu.vector_load %arg7[%swap3A, %swap3A_32] {strides = array<i32>} : memref<632x16xf32, #tpu.memory_space<vmem>>, vector<1x16xf32>,
      %swap3A_34 = vector.shape_cast %swap3A_33 : vector<1x16xf32> to vector<16xf32>
      %swap3A_35 = vector.shape_cast %broadcast_in_dim3A_31 : vector<16xf32> to vector<1x16xf32>
      tpu.vector_store %arg7[%swap3A, %swap3A_32], %swap3A_35 {strides = array<i32>} : memref<632x16xf32, #tpu.memory_space<vmem>>, vector<1x16xf32>,
    }
    %scan3A_4 = arith.constant 632 : i32
    %scan3A_5 = arith.constant 0 : i32
    %scan3A_6 = arith.constant 120 : i32
    %scan3A_7 = arith.addi %scan3A_5, %scan3A_6 : i32
    %scan3A_8 = arith.constant 1 : i32
    scf.for %scan3A_26 = %scan3A_5 to %scan3A_7 step %scan3A_8  : i32 {
      %mul3A_27 = arith.constant 1 : i32
      %mul3A_28 = arith.muli %scan3A_26, %mul3A_27 : i32
      %add3A_29 = arith.constant 5000 : i32
      %add3A_30 = arith.addi %add3A_29, %mul3A_28 : i32
      %broadcast_in_dim3A = arith.constant 0.000000e+00 : f32
      %broadcast_in_dim3A_31 = vector.broadcast %broadcast_in_dim3A : f32 to vector<16xf32>
      %swap3A = arith.index_cast %add3A_30 : i32 to index
      %swap3A_32 = arith.constant 0 : index
      %swap3A_33 = tpu.vector_load %arg6[%swap3A, %swap3A_32] {strides = array<i32>} : memref<5120x16xf32, #tpu.memory_space<vmem>>, vector<1x16xf32>,
      %swap3A_34 = vector.shape_cast %swap3A_33 : vector<1x16xf32> to vector<16xf32>
      %swap3A_35 = vector.shape_cast %broadcast_in_dim3A_31 : vector<16xf32> to vector<1x16xf32>
      tpu.vector_store %arg6[%swap3A, %swap3A_32], %swap3A_35 {strides = array<i32>} : memref<5120x16xf32, #tpu.memory_space<vmem>>, vector<1x16xf32>,
    }
    %scan3A_9 = arith.constant 120 : i32
    %mul3A_10 = arith.constant 632 : i32
    %mul3A_11 = arith.muli %arg1, %mul3A_10 : i32
    "tpu.region"() ({
      %run_scoped3A = tpu.sem_alloc : memref<!tpu.dma_semaphore, #tpu.memory_space<semaphore_mem>>
      %dma_start3A = arith.constant 0 : i32
      %dma_start3A_26 = tpu.memref_slice %arg8[%mul3A_11, %dma_start3A] : memref<10112x16xf32, #tpu.memory_space<vmem_shared>> -> memref<632x16xf32, #tpu.memory_space<vmem_shared>>
      %dma_start3A_27 = arith.constant 0 : i32
      %dma_start3A_28 = tpu.memref_slice %arg8[%mul3A_11, %dma_start3A_27] : memref<10112x16xf32, #tpu.memory_space<vmem_shared>> -> memref<632x16xf32, #tpu.memory_space<vmem_shared>>
      tpu.enqueue_dma source(%arg7 : memref<632x16xf32, #tpu.memory_space<vmem>>) target(%dma_start3A_28 : memref<632x16xf32, #tpu.memory_space<vmem_shared>>) target_semaphore(%run_scoped3A : memref<!tpu.dma_semaphore, #tpu.memory_space<semaphore_mem>>)
      %dma_wait3A = arith.constant 0 : i32
      %dma_wait3A_29 = tpu.memref_slice %arg8[%mul3A_11, %dma_wait3A] : memref<10112x16xf32, #tpu.memory_space<vmem_shared>> -> memref<632x16xf32, #tpu.memory_space<vmem_shared>>
      %dma_wait3A_30 = arith.constant 0 : i32
      %dma_wait3A_31 = tpu.memref_slice %arg8[%mul3A_11, %dma_wait3A_30] : memref<10112x16xf32, #tpu.memory_space<vmem_shared>> -> memref<632x16xf32, #tpu.memory_space<vmem_shared>>
      tpu.wait_dma2 semaphore(%run_scoped3A : memref<!tpu.dma_semaphore, #tpu.memory_space<semaphore_mem>>) src(%arg7 : memref<632x16xf32, #tpu.memory_space<vmem>>) dst(%dma_wait3A_31 : memref<632x16xf32, #tpu.memory_space<vmem_shared>>)
      tpu.yield
    }) : () -> ()
    %barrier3A = arith.constant 0 : index
    tpu.barrier barrier_id(%barrier3A)
    %mul3A_12 = arith.constant 40 : i32
    %mul3A_13 = arith.muli %add3A, %mul3A_12 : i32
    "tpu.region"() ({
      %run_scoped3A = tpu.sem_alloc : memref<!tpu.dma_semaphore, #tpu.memory_space<semaphore_mem>>
      %dma_start3A = arith.constant 0 : i32
      %dma_start3A_26 = tpu.memref_slice %arg3[%mul3A_13, %dma_start3A] : memref<1280x128xi32, #tpu.memory_space<hbm>> -> memref<40x128xi32, #tpu.memory_space<hbm>>
      %dma_start3A_27 = arith.constant 0 : i32
      %dma_start3A_28 = tpu.memref_slice %arg3[%mul3A_13, %dma_start3A_27] : memref<1280x128xi32, #tpu.memory_space<hbm>> -> memref<40x128xi32, #tpu.memory_space<hbm>>
      tpu.enqueue_dma source(%dma_start3A_28 : memref<40x128xi32, #tpu.memory_space<hbm>>) target(%arg5 : memref<40x128xi32, #tpu.memory_space<vmem>>) target_semaphore(%run_scoped3A : memref<!tpu.dma_semaphore, #tpu.memory_space<semaphore_mem>>)
      %dma_wait3A = arith.constant 0 : i32
      %dma_wait3A_29 = tpu.memref_slice %arg3[%mul3A_13, %dma_wait3A] : memref<1280x128xi32, #tpu.memory_space<hbm>> -> memref<40x128xi32, #tpu.memory_space<hbm>>
      %dma_wait3A_30 = arith.constant 0 : i32
      %dma_wait3A_31 = tpu.memref_slice %arg3[%mul3A_13, %dma_wait3A_30] : memref<1280x128xi32, #tpu.memory_space<hbm>> -> memref<40x128xi32, #tpu.memory_space<hbm>>
      tpu.wait_dma2 semaphore(%run_scoped3A : memref<!tpu.dma_semaphore, #tpu.memory_space<semaphore_mem>>) src(%dma_wait3A_31 : memref<40x128xi32, #tpu.memory_space<hbm>>) dst(%arg5 : memref<40x128xi32, #tpu.memory_space<vmem>>)
      tpu.yield
    }) : () -> ()
    %mul3A_14 = arith.constant 5000 : i32
    %mul3A_15 = arith.muli %add3A, %mul3A_14 : i32
    "tpu.region"() ({
      %run_scoped3A = tpu.sem_alloc : memref<!tpu.dma_semaphore, #tpu.memory_space<semaphore_mem>>
      %dma_start3A = arith.constant 0 : i32
      %dma_start3A_26 = arith.constant 0 : i32
      %dma_start3A_27 = tpu.memref_slice %arg6[%dma_start3A, %dma_start3A_26] : memref<5120x16xf32, #tpu.memory_space<vmem>> -> memref<5000x16xf32, #tpu.memory_space<vmem>>
      %dma_start3A_28 = arith.constant 0 : i32
      %dma_start3A_29 = tpu.memref_slice %arg2[%mul3A_15, %dma_start3A_28] : memref<160000x16xf32, #tpu.memory_space<hbm>> -> memref<5000x16xf32, #tpu.memory_space<hbm>>
      %dma_start3A_30 = arith.constant 0 : i32
      %dma_start3A_31 = arith.constant 0 : i32
      %dma_start3A_32 = tpu.memref_slice %arg6[%dma_start3A_30, %dma_start3A_31] : memref<5120x16xf32, #tpu.memory_space<vmem>> -> memref<5000x16xf32, #tpu.memory_space<vmem>>
      %dma_start3A_33 = arith.constant 0 : i32
      %dma_start3A_34 = tpu.memref_slice %arg2[%mul3A_15, %dma_start3A_33] : memref<160000x16xf32, #tpu.memory_space<hbm>> -> memref<5000x16xf32, #tpu.memory_space<hbm>>
      tpu.enqueue_dma source(%dma_start3A_34 : memref<5000x16xf32, #tpu.memory_space<hbm>>) target(%dma_start3A_32 : memref<5000x16xf32, #tpu.memory_space<vmem>>) target_semaphore(%run_scoped3A : memref<!tpu.dma_semaphore, #tpu.memory_space<semaphore_mem>>)
      %dma_wait3A = arith.constant 0 : i32
      %dma_wait3A_35 = arith.constant 0 : i32
      %dma_wait3A_36 = tpu.memref_slice %arg6[%dma_wait3A, %dma_wait3A_35] : memref<5120x16xf32, #tpu.memory_space<vmem>> -> memref<5000x16xf32, #tpu.memory_space<vmem>>
      %dma_wait3A_37 = arith.constant 0 : i32
      %dma_wait3A_38 = tpu.memref_slice %arg2[%mul3A_15, %dma_wait3A_37] : memref<160000x16xf32, #tpu.memory_space<hbm>> -> memref<5000x16xf32, #tpu.memory_space<hbm>>
      %dma_wait3A_39 = arith.constant 0 : i32
      %dma_wait3A_40 = arith.constant 0 : i32
      %dma_wait3A_41 = tpu.memref_slice %arg6[%dma_wait3A_39, %dma_wait3A_40] : memref<5120x16xf32, #tpu.memory_space<vmem>> -> memref<5000x16xf32, #tpu.memory_space<vmem>>
      %dma_wait3A_42 = arith.constant 0 : i32
      %dma_wait3A_43 = tpu.memref_slice %arg2[%mul3A_15, %dma_wait3A_42] : memref<160000x16xf32, #tpu.memory_space<hbm>> -> memref<5000x16xf32, #tpu.memory_space<hbm>>
      tpu.wait_dma2 semaphore(%run_scoped3A : memref<!tpu.dma_semaphore, #tpu.memory_space<semaphore_mem>>) src(%dma_wait3A_43 : memref<5000x16xf32, #tpu.memory_space<hbm>>) dst(%dma_wait3A_41 : memref<5000x16xf32, #tpu.memory_space<vmem>>)
      tpu.yield
    }) : () -> ()
    %scan3A_16 = arith.constant 0 : i32
    %scan3A_17 = arith.constant 40 : i32
    %scan3A_18 = arith.addi %scan3A_16, %scan3A_17 : i32
    %scan3A_19 = arith.constant 1 : i32
    scf.for %scan3A_26 = %scan3A_16 to %scan3A_18 step %scan3A_19  : i32 {
      %mul3A_27 = arith.constant 1 : i32
      %mul3A_28 = arith.muli %scan3A_26, %mul3A_27 : i32
      %add3A_29 = arith.constant 0 : i32
      %add3A_30 = arith.addi %add3A_29, %mul3A_28 : i32
      %mul3A_31 = arith.constant 128 : i32
      %mul3A_32 = arith.muli %add3A_30, %mul3A_31 : i32
      "tpu.region"() ({
        %run_scoped3A = tpu.sem_alloc : memref<!tpu.dma_semaphore, #tpu.memory_space<semaphore_mem>>
        %dma_start3A = arith.constant 0 : i32
        %dma_start3A_33 = tpu.memref_slice %arg6[%mul3A_32, %dma_start3A] : memref<5120x16xf32, #tpu.memory_space<vmem>> -> memref<128x16xf32, #tpu.memory_space<vmem>>
        %dma_start3A_34 = arith.constant 0 : i32
        %dma_start3A_35 = tpu.memref_slice %arg5[%add3A_30, %dma_start3A_34] : memref<40x128xi32, #tpu.memory_space<vmem>> -> memref<1x128xi32, #tpu.memory_space<vmem>>
        %dma_start3A_36 = tpu.memref_squeeze %dma_start3A_35 : memref<1x128xi32, #tpu.memory_space<vmem>> -> memref<128xi32, #tpu.memory_space<vmem>>
        %dma_start3A_37 = arith.constant 0 : i32
        %dma_start3A_38 = arith.constant 0 : i32
        %dma_start3A_39 = tpu.memref_slice %arg8[%dma_start3A_37, %dma_start3A_38] : memref<10112x16xf32, #tpu.memory_space<vmem_shared>> -> memref<10112x16xf32, #tpu.memory_space<vmem_shared>>
        tpu.enqueue_indirect_dma source(%dma_start3A_33 : memref<128x16xf32, #tpu.memory_space<vmem>>) target(%dma_start3A_39 : memref<10112x16xf32, #tpu.memory_space<vmem_shared>>) offsets(%dma_start3A_36 : memref<128xi32, #tpu.memory_space<vmem>>) semaphore(%run_scoped3A : memref<!tpu.dma_semaphore, #tpu.memory_space<semaphore_mem>>) {add = true}
        %dma_wait3A = arith.constant 0 : i32
        %dma_wait3A_40 = tpu.memref_slice %arg6[%mul3A_32, %dma_wait3A] : memref<5120x16xf32, #tpu.memory_space<vmem>> -> memref<128x16xf32, #tpu.memory_space<vmem>>
        %dma_wait3A_41 = arith.constant 0 : i32
        %dma_wait3A_42 = tpu.memref_slice %arg5[%add3A_30, %dma_wait3A_41] : memref<40x128xi32, #tpu.memory_space<vmem>> -> memref<1x128xi32, #tpu.memory_space<vmem>>
        %dma_wait3A_43 = tpu.memref_squeeze %dma_wait3A_42 : memref<1x128xi32, #tpu.memory_space<vmem>> -> memref<128xi32, #tpu.memory_space<vmem>>
        %dma_wait3A_44 = arith.constant 0 : i32
        %dma_wait3A_45 = arith.constant 0 : i32
        %dma_wait3A_46 = tpu.memref_slice %arg8[%dma_wait3A_44, %dma_wait3A_45] : memref<10112x16xf32, #tpu.memory_space<vmem_shared>> -> memref<10112x16xf32, #tpu.memory_space<vmem_shared>>
        tpu.wait_indirect_dma semaphore(%run_scoped3A : memref<!tpu.dma_semaphore, #tpu.memory_space<semaphore_mem>>) src(%dma_wait3A_40 : memref<128x16xf32, #tpu.memory_space<vmem>>) dst(%dma_wait3A_46 : memref<10112x16xf32, #tpu.memory_space<vmem_shared>>)
        tpu.yield
      }) : () -> ()
    }
    %scan3A_20 = arith.constant 40 : i32
    %barrier3A_21 = arith.constant 0 : index
    tpu.barrier barrier_id(%barrier3A_21)
    %mul3A_22 = arith.constant 632 : i32
    %mul3A_23 = arith.muli %arg1, %mul3A_22 : i32
    %mul3A_24 = arith.constant 632 : i32
    %mul3A_25 = arith.muli %arg1, %mul3A_24 : i32
    "tpu.region"() ({
      %run_scoped3A = tpu.sem_alloc : memref<!tpu.dma_semaphore, #tpu.memory_space<semaphore_mem>>
      %dma_start3A = arith.constant 0 : i32
      %dma_start3A_26 = tpu.memref_slice %arg4[%arg0, %mul3A_25, %dma_start3A] : memref<2x10112x16xf32, #tpu.memory_space<hbm>> -> memref<1x632x16xf32, #tpu.memory_space<hbm>>
      %dma_start3A_27 = tpu.memref_squeeze %dma_start3A_26 : memref<1x632x16xf32, #tpu.memory_space<hbm>> -> memref<632x16xf32, #tpu.memory_space<hbm>>
      %dma_start3A_28 = arith.constant 0 : i32
      %dma_start3A_29 = tpu.memref_slice %arg8[%mul3A_23, %dma_start3A_28] : memref<10112x16xf32, #tpu.memory_space<vmem_shared>> -> memref<632x16xf32, #tpu.memory_space<vmem_shared>>
      tpu.enqueue_dma source(%dma_start3A_29 : memref<632x16xf32, #tpu.memory_space<vmem_shared>>) target(%dma_start3A_27 : memref<632x16xf32, #tpu.memory_space<hbm>>) target_semaphore(%run_scoped3A : memref<!tpu.dma_semaphore, #tpu.memory_space<semaphore_mem>>)
      %dma_wait3A = arith.constant 0 : i32
      %dma_wait3A_30 = tpu.memref_slice %arg4[%arg0, %mul3A_25, %dma_wait3A] : memref<2x10112x16xf32, #tpu.memory_space<hbm>> -> memref<1x632x16xf32, #tpu.memory_space<hbm>>
      %dma_wait3A_31 = tpu.memref_squeeze %dma_wait3A_30 : memref<1x632x16xf32, #tpu.memory_space<hbm>> -> memref<632x16xf32, #tpu.memory_space<hbm>>
      %dma_wait3A_32 = arith.constant 0 : i32
      %dma_wait3A_33 = tpu.memref_slice %arg8[%mul3A_23, %dma_wait3A_32] : memref<10112x16xf32, #tpu.memory_space<vmem_shared>> -> memref<632x16xf32, #tpu.memory_space<vmem_shared>>
      tpu.wait_dma2 semaphore(%run_scoped3A : memref<!tpu.dma_semaphore, #tpu.memory_space<semaphore_mem>>) src(%dma_wait3A_33 : memref<632x16xf32, #tpu.memory_space<vmem_shared>>) dst(%dma_wait3A_31 : memref<632x16xf32, #tpu.memory_space<hbm>>)
      tpu.yield
    }) : () -> ()
    return
  }
}

#map = affine_map<(d0, d1) -> (0, 0)>
module attributes {stable_mosaic.version = 14 : i64} {
  func.func @k(%arg0: i32, %arg1: i32, %arg2: memref<10000x16xf32, #tpu.memory_space<hbm>>, %arg3: memref<1280x128xi32, #tpu.memory_space<hbm>>, %arg4: memref<160000x16xf32, #tpu.memory_space<hbm>>, %arg5: memref<40x128xi32, #tpu.memory_space<vmem>>, %arg6: memref<5120x16xf32, #tpu.memory_space<vmem>>, %arg7: memref<!tpu.dma_semaphore, #tpu.memory_space<semaphore_mem>>, %arg8: memref<!tpu.dma_semaphore, #tpu.memory_space<semaphore_mem>>) attributes {dimension_semantics = [#tpu.dimension_semantics<core_parallel>, #tpu.dimension_semantics<subcore_parallel>], iteration_bounds = array<i64: 2, 16>, scalar_prefetch = 0 : i64, scratch_operands = 4 : i64, tpu.core_type = #tpu.core_type<sc_vector_subcore>, window_params = [{transform_indices = #map}, {transform_indices = #map}, {transform_indices = #map}]} {
    %mul3A = arith.constant 2 : i32
    %mul3A_0 = arith.muli %arg1, %mul3A : i32
    %add3A = arith.addi %mul3A_0, %arg0 : i32
    %mul3A_1 = arith.constant 40 : i32
    %mul3A_2 = arith.muli %add3A, %mul3A_1 : i32
    %dma_start3A = arith.constant 0 : i32
    %dma_start3A_3 = tpu.memref_slice %arg3[%mul3A_2, %dma_start3A] : memref<1280x128xi32, #tpu.memory_space<hbm>> -> memref<40x128xi32, #tpu.memory_space<hbm>>
    %dma_start3A_4 = arith.constant 0 : i32
    %dma_start3A_5 = tpu.memref_slice %arg3[%mul3A_2, %dma_start3A_4] : memref<1280x128xi32, #tpu.memory_space<hbm>> -> memref<40x128xi32, #tpu.memory_space<hbm>>
    tpu.enqueue_dma source(%dma_start3A_5 : memref<40x128xi32, #tpu.memory_space<hbm>>) target(%arg5 : memref<40x128xi32, #tpu.memory_space<vmem>>) target_semaphore(%arg7 : memref<!tpu.dma_semaphore, #tpu.memory_space<semaphore_mem>>)
    %mul3A_6 = arith.constant 40 : i32
    %mul3A_7 = arith.muli %add3A, %mul3A_6 : i32
    %dma_wait3A = arith.constant 0 : i32
    %dma_wait3A_8 = tpu.memref_slice %arg3[%mul3A_7, %dma_wait3A] : memref<1280x128xi32, #tpu.memory_space<hbm>> -> memref<40x128xi32, #tpu.memory_space<hbm>>
    %dma_wait3A_9 = arith.constant 0 : i32
    %dma_wait3A_10 = tpu.memref_slice %arg3[%mul3A_7, %dma_wait3A_9] : memref<1280x128xi32, #tpu.memory_space<hbm>> -> memref<40x128xi32, #tpu.memory_space<hbm>>
    tpu.wait_dma2 semaphore(%arg7 : memref<!tpu.dma_semaphore, #tpu.memory_space<semaphore_mem>>) src(%dma_wait3A_10 : memref<40x128xi32, #tpu.memory_space<hbm>>) dst(%arg5 : memref<40x128xi32, #tpu.memory_space<vmem>>)
    %scan3A = arith.constant 0 : i32
    %scan3A_11 = arith.constant 40 : i32
    %scan3A_12 = arith.addi %scan3A, %scan3A_11 : i32
    %scan3A_13 = arith.constant 1 : i32
    scf.for %scan3A_44 = %scan3A to %scan3A_12 step %scan3A_13  : i32 {
      %mul3A_45 = arith.constant 1 : i32
      %mul3A_46 = arith.muli %scan3A_44, %mul3A_45 : i32
      %add3A_47 = arith.constant 0 : i32
      %add3A_48 = arith.addi %add3A_47, %mul3A_46 : i32
      %mul3A_49 = arith.constant 128 : i32
      %mul3A_50 = arith.muli %add3A_48, %mul3A_49 : i32
      %dma_start3A_51 = arith.constant 0 : i32
      %dma_start3A_52 = tpu.memref_slice %arg6[%mul3A_50, %dma_start3A_51] : memref<5120x16xf32, #tpu.memory_space<vmem>> -> memref<128x16xf32, #tpu.memory_space<vmem>>
      %dma_start3A_53 = arith.constant 0 : i32
      %dma_start3A_54 = tpu.memref_slice %arg5[%add3A_48, %dma_start3A_53] : memref<40x128xi32, #tpu.memory_space<vmem>> -> memref<1x128xi32, #tpu.memory_space<vmem>>
      %dma_start3A_55 = tpu.memref_squeeze %dma_start3A_54 : memref<1x128xi32, #tpu.memory_space<vmem>> -> memref<128xi32, #tpu.memory_space<vmem>>
      %dma_start3A_56 = arith.constant 0 : i32
      %dma_start3A_57 = arith.constant 0 : i32
      %dma_start3A_58 = tpu.memref_slice %arg2[%dma_start3A_56, %dma_start3A_57] : memref<10000x16xf32, #tpu.memory_space<hbm>> -> memref<10000x16xf32, #tpu.memory_space<hbm>>
      tpu.enqueue_indirect_dma source(%dma_start3A_58 : memref<10000x16xf32, #tpu.memory_space<hbm>>) target(%dma_start3A_52 : memref<128x16xf32, #tpu.memory_space<vmem>>) offsets(%dma_start3A_55 : memref<128xi32, #tpu.memory_space<vmem>>) semaphore(%arg8 : memref<!tpu.dma_semaphore, #tpu.memory_space<semaphore_mem>>)
    }
    %scan3A_14 = arith.constant 40 : i32
    %scan3A_15 = arith.constant 0 : i32
    %scan3A_16 = arith.constant 40 : i32
    %scan3A_17 = arith.addi %scan3A_15, %scan3A_16 : i32
    %scan3A_18 = arith.constant 1 : i32
    scf.for %scan3A_44 = %scan3A_15 to %scan3A_17 step %scan3A_18  : i32 {
      %mul3A_45 = arith.constant 1 : i32
      %mul3A_46 = arith.muli %scan3A_44, %mul3A_45 : i32
      %add3A_47 = arith.constant 0 : i32
      %add3A_48 = arith.addi %add3A_47, %mul3A_46 : i32
      %mul3A_49 = arith.constant 128 : i32
      %mul3A_50 = arith.muli %add3A_48, %mul3A_49 : i32
      %dma_wait3A_51 = arith.constant 0 : i32
      %dma_wait3A_52 = tpu.memref_slice %arg6[%mul3A_50, %dma_wait3A_51] : memref<5120x16xf32, #tpu.memory_space<vmem>> -> memref<128x16xf32, #tpu.memory_space<vmem>>
      %dma_wait3A_53 = arith.constant 0 : i32
      %dma_wait3A_54 = tpu.memref_slice %arg5[%add3A_48, %dma_wait3A_53] : memref<40x128xi32, #tpu.memory_space<vmem>> -> memref<1x128xi32, #tpu.memory_space<vmem>>
      %dma_wait3A_55 = tpu.memref_squeeze %dma_wait3A_54 : memref<1x128xi32, #tpu.memory_space<vmem>> -> memref<128xi32, #tpu.memory_space<vmem>>
      %dma_wait3A_56 = arith.constant 0 : i32
      %dma_wait3A_57 = arith.constant 0 : i32
      %dma_wait3A_58 = tpu.memref_slice %arg2[%dma_wait3A_56, %dma_wait3A_57] : memref<10000x16xf32, #tpu.memory_space<hbm>> -> memref<10000x16xf32, #tpu.memory_space<hbm>>
      tpu.wait_indirect_dma semaphore(%arg8 : memref<!tpu.dma_semaphore, #tpu.memory_space<semaphore_mem>>) src(%dma_wait3A_58 : memref<10000x16xf32, #tpu.memory_space<hbm>>) dst(%dma_wait3A_52 : memref<128x16xf32, #tpu.memory_space<vmem>>)
    }
    %scan3A_19 = arith.constant 40 : i32
    %mul3A_20 = arith.constant 5000 : i32
    %mul3A_21 = arith.muli %add3A, %mul3A_20 : i32
    %dma_start3A_22 = arith.constant 0 : i32
    %dma_start3A_23 = arith.constant 0 : i32
    %dma_start3A_24 = tpu.memref_slice %arg6[%dma_start3A_22, %dma_start3A_23] : memref<5120x16xf32, #tpu.memory_space<vmem>> -> memref<5000x16xf32, #tpu.memory_space<vmem>>
    %dma_start3A_25 = arith.constant 0 : i32
    %dma_start3A_26 = tpu.memref_slice %arg4[%mul3A_21, %dma_start3A_25] : memref<160000x16xf32, #tpu.memory_space<hbm>> -> memref<5000x16xf32, #tpu.memory_space<hbm>>
    %dma_start3A_27 = arith.constant 0 : i32
    %dma_start3A_28 = tpu.memref_slice %arg4[%mul3A_21, %dma_start3A_27] : memref<160000x16xf32, #tpu.memory_space<hbm>> -> memref<5000x16xf32, #tpu.memory_space<hbm>>
    %dma_start3A_29 = arith.constant 0 : i32
    %dma_start3A_30 = arith.constant 0 : i32
    %dma_start3A_31 = tpu.memref_slice %arg6[%dma_start3A_29, %dma_start3A_30] : memref<5120x16xf32, #tpu.memory_space<vmem>> -> memref<5000x16xf32, #tpu.memory_space<vmem>>
    tpu.enqueue_dma source(%dma_start3A_31 : memref<5000x16xf32, #tpu.memory_space<vmem>>) target(%dma_start3A_28 : memref<5000x16xf32, #tpu.memory_space<hbm>>) target_semaphore(%arg7 : memref<!tpu.dma_semaphore, #tpu.memory_space<semaphore_mem>>)
    %mul3A_32 = arith.constant 5000 : i32
    %mul3A_33 = arith.muli %add3A, %mul3A_32 : i32
    %dma_wait3A_34 = arith.constant 0 : i32
    %dma_wait3A_35 = arith.constant 0 : i32
    %dma_wait3A_36 = tpu.memref_slice %arg6[%dma_wait3A_34, %dma_wait3A_35] : memref<5120x16xf32, #tpu.memory_space<vmem>> -> memref<5000x16xf32, #tpu.memory_space<vmem>>
    %dma_wait3A_37 = arith.constant 0 : i32
    %dma_wait3A_38 = tpu.memref_slice %arg4[%mul3A_33, %dma_wait3A_37] : memref<160000x16xf32, #tpu.memory_space<hbm>> -> memref<5000x16xf32, #tpu.memory_space<hbm>>
    %dma_wait3A_39 = arith.constant 0 : i32
    %dma_wait3A_40 = tpu.memref_slice %arg4[%mul3A_33, %dma_wait3A_39] : memref<160000x16xf32, #tpu.memory_space<hbm>> -> memref<5000x16xf32, #tpu.memory_space<hbm>>
    %dma_wait3A_41 = arith.constant 0 : i32
    %dma_wait3A_42 = arith.constant 0 : i32
    %dma_wait3A_43 = tpu.memref_slice %arg6[%dma_wait3A_41, %dma_wait3A_42] : memref<5120x16xf32, #tpu.memory_space<vmem>> -> memref<5000x16xf32, #tpu.memory_space<vmem>>
    tpu.wait_dma2 semaphore(%arg7 : memref<!tpu.dma_semaphore, #tpu.memory_space<semaphore_mem>>) src(%dma_wait3A_43 : memref<5000x16xf32, #tpu.memory_space<vmem>>) dst(%dma_wait3A_40 : memref<5000x16xf32, #tpu.memory_space<hbm>>)
    return
  }
}

#map = affine_map<(d0, d1) -> (0, 0)>
#map1 = affine_map<(d0, d1) -> (0, 0, 0)>
module attributes {stable_mosaic.version = 14 : i64} {
  func.func @k(%arg0: i32, %arg1: i32, %arg2: memref<160000x16xf32, #tpu.memory_space<hbm>>, %arg3: memref<1280x128xi32, #tpu.memory_space<hbm>>, %arg4: memref<2x10112x16xf32, #tpu.memory_space<hbm>>, %arg5: memref<40x128xi32, #tpu.memory_space<vmem>>, %arg6: memref<5120x16xf32, #tpu.memory_space<vmem>>, %arg7: memref<632x16xf32, #tpu.memory_space<vmem>>, %arg8: memref<10112x16xf32, #tpu.memory_space<vmem_shared>>, %arg9: memref<!tpu.dma_semaphore, #tpu.memory_space<semaphore_mem>>) attributes {dimension_semantics = [#tpu.dimension_semantics<core_parallel>, #tpu.dimension_semantics<subcore_parallel>], iteration_bounds = array<i64: 2, 16>, scalar_prefetch = 0 : i64, scratch_operands = 5 : i64, tpu.core_type = #tpu.core_type<sc_vector_subcore>, window_params = [{transform_indices = #map}, {transform_indices = #map}, {transform_indices = #map1}]} {
    %mul3A = arith.constant 2 : i32
    %mul3A_0 = arith.muli %arg1, %mul3A : i32
    %add3A = arith.addi %mul3A_0, %arg0 : i32
    %scan3A = arith.constant 0 : i32
    %scan3A_1 = arith.constant 632 : i32
    %scan3A_2 = arith.addi %scan3A, %scan3A_1 : i32
    %scan3A_3 = arith.constant 1 : i32
    scf.for %scan3A_26 = %scan3A to %scan3A_2 step %scan3A_3  : i32 {
      %mul3A_27 = arith.constant 1 : i32
      %mul3A_28 = arith.muli %scan3A_26, %mul3A_27 : i32
      %add3A_29 = arith.constant 0 : i32
      %add3A_30 = arith.addi %add3A_29, %mul3A_28 : i32
      %broadcast_in_dim3A = arith.constant 0.000000e+00 : f32
      %broadcast_in_dim3A_31 = vector.broadcast %broadcast_in_dim3A : f32 to vector<16xf32>
      %swap3A = arith.index_cast %add3A_30 : i32 to index
      %swap3A_32 = arith.constant 0 : index
      %swap3A_33 = tpu.vector_load %arg7[%swap3A, %swap3A_32] {strides = array<i32>} : memref<632x16xf32, #tpu.memory_space<vmem>>, vector<1x16xf32>,
      %swap3A_34 = vector.shape_cast %swap3A_33 : vector<1x16xf32> to vector<16xf32>
      %swap3A_35 = vector.shape_cast %broadcast_in_dim3A_31 : vector<16xf32> to vector<1x16xf32>
      tpu.vector_store %arg7[%swap3A, %swap3A_32], %swap3A_35 {strides = array<i32>} : memref<632x16xf32, #tpu.memory_space<vmem>>, vector<1x16xf32>,
    }
    %scan3A_4 = arith.constant 632 : i32
    %scan3A_5 = arith.constant 0 : i32
    %scan3A_6 = arith.constant 120 : i32
    %scan3A_7 = arith.addi %scan3A_5, %scan3A_6 : i32
    %scan3A_8 = arith.constant 1 : i32
    scf.for %scan3A_26 = %scan3A_5 to %scan3A_7 step %scan3A_8  : i32 {
      %mul3A_27 = arith.constant 1 : i32
      %mul3A_28 = arith.muli %scan3A_26, %mul3A_27 : i32
      %add3A_29 = arith.constant 5000 : i32
      %add3A_30 = arith.addi %add3A_29, %mul3A_28 : i32
      %broadcast_in_dim3A = arith.constant 0.000000e+00 : f32
      %broadcast_in_dim3A_31 = vector.broadcast %broadcast_in_dim3A : f32 to vector<16xf32>
      %swap3A = arith.index_cast %add3A_30 : i32 to index
      %swap3A_32 = arith.constant 0 : index
      %swap3A_33 = tpu.vector_load %arg6[%swap3A, %swap3A_32] {strides = array<i32>} : memref<5120x16xf32, #tpu.memory_space<vmem>>, vector<1x16xf32>,
      %swap3A_34 = vector.shape_cast %swap3A_33 : vector<1x16xf32> to vector<16xf32>
      %swap3A_35 = vector.shape_cast %broadcast_in_dim3A_31 : vector<16xf32> to vector<1x16xf32>
      tpu.vector_store %arg6[%swap3A, %swap3A_32], %swap3A_35 {strides = array<i32>} : memref<5120x16xf32, #tpu.memory_space<vmem>>, vector<1x16xf32>,
    }
    %scan3A_9 = arith.constant 120 : i32
    %mul3A_10 = arith.constant 632 : i32
    %mul3A_11 = arith.muli %arg1, %mul3A_10 : i32
    "tpu.region"() ({
      %run_scoped3A = tpu.sem_alloc : memref<!tpu.dma_semaphore, #tpu.memory_space<semaphore_mem>>
      %dma_start3A = arith.constant 0 : i32
      %dma_start3A_26 = tpu.memref_slice %arg8[%mul3A_11, %dma_start3A] : memref<10112x16xf32, #tpu.memory_space<vmem_shared>> -> memref<632x16xf32, #tpu.memory_space<vmem_shared>>
      %dma_start3A_27 = arith.constant 0 : i32
      %dma_start3A_28 = tpu.memref_slice %arg8[%mul3A_11, %dma_start3A_27] : memref<10112x16xf32, #tpu.memory_space<vmem_shared>> -> memref<632x16xf32, #tpu.memory_space<vmem_shared>>
      tpu.enqueue_dma source(%arg7 : memref<632x16xf32, #tpu.memory_space<vmem>>) target(%dma_start3A_28 : memref<632x16xf32, #tpu.memory_space<vmem_shared>>) target_semaphore(%run_scoped3A : memref<!tpu.dma_semaphore, #tpu.memory_space<semaphore_mem>>)
      %dma_wait3A = arith.constant 0 : i32
      %dma_wait3A_29 = tpu.memref_slice %arg8[%mul3A_11, %dma_wait3A] : memref<10112x16xf32, #tpu.memory_space<vmem_shared>> -> memref<632x16xf32, #tpu.memory_space<vmem_shared>>
      %dma_wait3A_30 = arith.constant 0 : i32
      %dma_wait3A_31 = tpu.memref_slice %arg8[%mul3A_11, %dma_wait3A_30] : memref<10112x16xf32, #tpu.memory_space<vmem_shared>> -> memref<632x16xf32, #tpu.memory_space<vmem_shared>>
      tpu.wait_dma2 semaphore(%run_scoped3A : memref<!tpu.dma_semaphore, #tpu.memory_space<semaphore_mem>>) src(%arg7 : memref<632x16xf32, #tpu.memory_space<vmem>>) dst(%dma_wait3A_31 : memref<632x16xf32, #tpu.memory_space<vmem_shared>>)
      tpu.yield
    }) : () -> ()
    %barrier3A = arith.constant 0 : index
    tpu.barrier barrier_id(%barrier3A)
    %mul3A_12 = arith.constant 40 : i32
    %mul3A_13 = arith.muli %add3A, %mul3A_12 : i32
    "tpu.region"() ({
      %run_scoped3A = tpu.sem_alloc : memref<!tpu.dma_semaphore, #tpu.memory_space<semaphore_mem>>
      %dma_start3A = arith.constant 0 : i32
      %dma_start3A_26 = tpu.memref_slice %arg3[%mul3A_13, %dma_start3A] : memref<1280x128xi32, #tpu.memory_space<hbm>> -> memref<40x128xi32, #tpu.memory_space<hbm>>
      %dma_start3A_27 = arith.constant 0 : i32
      %dma_start3A_28 = tpu.memref_slice %arg3[%mul3A_13, %dma_start3A_27] : memref<1280x128xi32, #tpu.memory_space<hbm>> -> memref<40x128xi32, #tpu.memory_space<hbm>>
      tpu.enqueue_dma source(%dma_start3A_28 : memref<40x128xi32, #tpu.memory_space<hbm>>) target(%arg5 : memref<40x128xi32, #tpu.memory_space<vmem>>) target_semaphore(%run_scoped3A : memref<!tpu.dma_semaphore, #tpu.memory_space<semaphore_mem>>)
      %dma_wait3A = arith.constant 0 : i32
      %dma_wait3A_29 = tpu.memref_slice %arg3[%mul3A_13, %dma_wait3A] : memref<1280x128xi32, #tpu.memory_space<hbm>> -> memref<40x128xi32, #tpu.memory_space<hbm>>
      %dma_wait3A_30 = arith.constant 0 : i32
      %dma_wait3A_31 = tpu.memref_slice %arg3[%mul3A_13, %dma_wait3A_30] : memref<1280x128xi32, #tpu.memory_space<hbm>> -> memref<40x128xi32, #tpu.memory_space<hbm>>
      tpu.wait_dma2 semaphore(%run_scoped3A : memref<!tpu.dma_semaphore, #tpu.memory_space<semaphore_mem>>) src(%dma_wait3A_31 : memref<40x128xi32, #tpu.memory_space<hbm>>) dst(%arg5 : memref<40x128xi32, #tpu.memory_space<vmem>>)
      tpu.yield
    }) : () -> ()
    %mul3A_14 = arith.constant 5000 : i32
    %mul3A_15 = arith.muli %add3A, %mul3A_14 : i32
    "tpu.region"() ({
      %run_scoped3A = tpu.sem_alloc : memref<!tpu.dma_semaphore, #tpu.memory_space<semaphore_mem>>
      %dma_start3A = arith.constant 0 : i32
      %dma_start3A_26 = arith.constant 0 : i32
      %dma_start3A_27 = tpu.memref_slice %arg6[%dma_start3A, %dma_start3A_26] : memref<5120x16xf32, #tpu.memory_space<vmem>> -> memref<5000x16xf32, #tpu.memory_space<vmem>>
      %dma_start3A_28 = arith.constant 0 : i32
      %dma_start3A_29 = tpu.memref_slice %arg2[%mul3A_15, %dma_start3A_28] : memref<160000x16xf32, #tpu.memory_space<hbm>> -> memref<5000x16xf32, #tpu.memory_space<hbm>>
      %dma_start3A_30 = arith.constant 0 : i32
      %dma_start3A_31 = arith.constant 0 : i32
      %dma_start3A_32 = tpu.memref_slice %arg6[%dma_start3A_30, %dma_start3A_31] : memref<5120x16xf32, #tpu.memory_space<vmem>> -> memref<5000x16xf32, #tpu.memory_space<vmem>>
      %dma_start3A_33 = arith.constant 0 : i32
      %dma_start3A_34 = tpu.memref_slice %arg2[%mul3A_15, %dma_start3A_33] : memref<160000x16xf32, #tpu.memory_space<hbm>> -> memref<5000x16xf32, #tpu.memory_space<hbm>>
      tpu.enqueue_dma source(%dma_start3A_34 : memref<5000x16xf32, #tpu.memory_space<hbm>>) target(%dma_start3A_32 : memref<5000x16xf32, #tpu.memory_space<vmem>>) target_semaphore(%run_scoped3A : memref<!tpu.dma_semaphore, #tpu.memory_space<semaphore_mem>>)
      %dma_wait3A = arith.constant 0 : i32
      %dma_wait3A_35 = arith.constant 0 : i32
      %dma_wait3A_36 = tpu.memref_slice %arg6[%dma_wait3A, %dma_wait3A_35] : memref<5120x16xf32, #tpu.memory_space<vmem>> -> memref<5000x16xf32, #tpu.memory_space<vmem>>
      %dma_wait3A_37 = arith.constant 0 : i32
      %dma_wait3A_38 = tpu.memref_slice %arg2[%mul3A_15, %dma_wait3A_37] : memref<160000x16xf32, #tpu.memory_space<hbm>> -> memref<5000x16xf32, #tpu.memory_space<hbm>>
      %dma_wait3A_39 = arith.constant 0 : i32
      %dma_wait3A_40 = arith.constant 0 : i32
      %dma_wait3A_41 = tpu.memref_slice %arg6[%dma_wait3A_39, %dma_wait3A_40] : memref<5120x16xf32, #tpu.memory_space<vmem>> -> memref<5000x16xf32, #tpu.memory_space<vmem>>
      %dma_wait3A_42 = arith.constant 0 : i32
      %dma_wait3A_43 = tpu.memref_slice %arg2[%mul3A_15, %dma_wait3A_42] : memref<160000x16xf32, #tpu.memory_space<hbm>> -> memref<5000x16xf32, #tpu.memory_space<hbm>>
      tpu.wait_dma2 semaphore(%run_scoped3A : memref<!tpu.dma_semaphore, #tpu.memory_space<semaphore_mem>>) src(%dma_wait3A_43 : memref<5000x16xf32, #tpu.memory_space<hbm>>) dst(%dma_wait3A_41 : memref<5000x16xf32, #tpu.memory_space<vmem>>)
      tpu.yield
    }) : () -> ()
    %scan3A_16 = arith.constant 0 : i32
    %scan3A_17 = arith.constant 40 : i32
    %scan3A_18 = arith.addi %scan3A_16, %scan3A_17 : i32
    %scan3A_19 = arith.constant 1 : i32
    scf.for %scan3A_26 = %scan3A_16 to %scan3A_18 step %scan3A_19  : i32 {
      %mul3A_27 = arith.constant 1 : i32
      %mul3A_28 = arith.muli %scan3A_26, %mul3A_27 : i32
      %add3A_29 = arith.constant 0 : i32
      %add3A_30 = arith.addi %add3A_29, %mul3A_28 : i32
      %mul3A_31 = arith.constant 128 : i32
      %mul3A_32 = arith.muli %add3A_30, %mul3A_31 : i32
      "tpu.region"() ({
        %run_scoped3A = tpu.sem_alloc : memref<!tpu.dma_semaphore, #tpu.memory_space<semaphore_mem>>
        %dma_start3A = arith.constant 0 : i32
        %dma_start3A_33 = tpu.memref_slice %arg6[%mul3A_32, %dma_start3A] : memref<5120x16xf32, #tpu.memory_space<vmem>> -> memref<128x16xf32, #tpu.memory_space<vmem>>
        %dma_start3A_34 = arith.constant 0 : i32
        %dma_start3A_35 = tpu.memref_slice %arg5[%add3A_30, %dma_start3A_34] : memref<40x128xi32, #tpu.memory_space<vmem>> -> memref<1x128xi32, #tpu.memory_space<vmem>>
        %dma_start3A_36 = tpu.memref_squeeze %dma_start3A_35 : memref<1x128xi32, #tpu.memory_space<vmem>> -> memref<128xi32, #tpu.memory_space<vmem>>
        %dma_start3A_37 = arith.constant 0 : i32
        %dma_start3A_38 = arith.constant 0 : i32
        %dma_start3A_39 = tpu.memref_slice %arg8[%dma_start3A_37, %dma_start3A_38] : memref<10112x16xf32, #tpu.memory_space<vmem_shared>> -> memref<10112x16xf32, #tpu.memory_space<vmem_shared>>
        tpu.enqueue_indirect_dma source(%dma_start3A_33 : memref<128x16xf32, #tpu.memory_space<vmem>>) target(%dma_start3A_39 : memref<10112x16xf32, #tpu.memory_space<vmem_shared>>) offsets(%dma_start3A_36 : memref<128xi32, #tpu.memory_space<vmem>>) semaphore(%run_scoped3A : memref<!tpu.dma_semaphore, #tpu.memory_space<semaphore_mem>>) {add = true}
        %dma_wait3A = arith.constant 0 : i32
        %dma_wait3A_40 = tpu.memref_slice %arg6[%mul3A_32, %dma_wait3A] : memref<5120x16xf32, #tpu.memory_space<vmem>> -> memref<128x16xf32, #tpu.memory_space<vmem>>
        %dma_wait3A_41 = arith.constant 0 : i32
        %dma_wait3A_42 = tpu.memref_slice %arg5[%add3A_30, %dma_wait3A_41] : memref<40x128xi32, #tpu.memory_space<vmem>> -> memref<1x128xi32, #tpu.memory_space<vmem>>
        %dma_wait3A_43 = tpu.memref_squeeze %dma_wait3A_42 : memref<1x128xi32, #tpu.memory_space<vmem>> -> memref<128xi32, #tpu.memory_space<vmem>>
        %dma_wait3A_44 = arith.constant 0 : i32
        %dma_wait3A_45 = arith.constant 0 : i32
        %dma_wait3A_46 = tpu.memref_slice %arg8[%dma_wait3A_44, %dma_wait3A_45] : memref<10112x16xf32, #tpu.memory_space<vmem_shared>> -> memref<10112x16xf32, #tpu.memory_space<vmem_shared>>
        tpu.wait_indirect_dma semaphore(%run_scoped3A : memref<!tpu.dma_semaphore, #tpu.memory_space<semaphore_mem>>) src(%dma_wait3A_40 : memref<128x16xf32, #tpu.memory_space<vmem>>) dst(%dma_wait3A_46 : memref<10112x16xf32, #tpu.memory_space<vmem_shared>>)
        tpu.yield
      }) : () -> ()
    }
    %scan3A_20 = arith.constant 40 : i32
    %barrier3A_21 = arith.constant 0 : index
    tpu.barrier barrier_id(%barrier3A_21)
    %mul3A_22 = arith.constant 632 : i32
    %mul3A_23 = arith.muli %arg1, %mul3A_22 : i32
    %mul3A_24 = arith.constant 632 : i32
    %mul3A_25 = arith.muli %arg1, %mul3A_24 : i32
    "tpu.region"() ({
      %run_scoped3A = tpu.sem_alloc : memref<!tpu.dma_semaphore, #tpu.memory_space<semaphore_mem>>
      %dma_start3A = arith.constant 0 : i32
      %dma_start3A_26 = tpu.memref_slice %arg4[%arg0, %mul3A_25, %dma_start3A] : memref<2x10112x16xf32, #tpu.memory_space<hbm>> -> memref<1x632x16xf32, #tpu.memory_space<hbm>>
      %dma_start3A_27 = tpu.memref_squeeze %dma_start3A_26 : memref<1x632x16xf32, #tpu.memory_space<hbm>> -> memref<632x16xf32, #tpu.memory_space<hbm>>
      %dma_start3A_28 = arith.constant 0 : i32
      %dma_start3A_29 = tpu.memref_slice %arg8[%mul3A_23, %dma_start3A_28] : memref<10112x16xf32, #tpu.memory_space<vmem_shared>> -> memref<632x16xf32, #tpu.memory_space<vmem_shared>>
      tpu.enqueue_dma source(%dma_start3A_29 : memref<632x16xf32, #tpu.memory_space<vmem_shared>>) target(%dma_start3A_27 : memref<632x16xf32, #tpu.memory_space<hbm>>) target_semaphore(%run_scoped3A : memref<!tpu.dma_semaphore, #tpu.memory_space<semaphore_mem>>)
      %dma_wait3A = arith.constant 0 : i32
      %dma_wait3A_30 = tpu.memref_slice %arg4[%arg0, %mul3A_25, %dma_wait3A] : memref<2x10112x16xf32, #tpu.memory_space<hbm>> -> memref<1x632x16xf32, #tpu.memory_space<hbm>>
      %dma_wait3A_31 = tpu.memref_squeeze %dma_wait3A_30 : memref<1x632x16xf32, #tpu.memory_space<hbm>> -> memref<632x16xf32, #tpu.memory_space<hbm>>
      %dma_wait3A_32 = arith.constant 0 : i32
      %dma_wait3A_33 = tpu.memref_slice %arg8[%mul3A_23, %dma_wait3A_32] : memref<10112x16xf32, #tpu.memory_space<vmem_shared>> -> memref<632x16xf32, #tpu.memory_space<vmem_shared>>
      tpu.wait_dma2 semaphore(%run_scoped3A : memref<!tpu.dma_semaphore, #tpu.memory_space<semaphore_mem>>) src(%dma_wait3A_33 : memref<632x16xf32, #tpu.memory_space<vmem_shared>>) dst(%dma_wait3A_31 : memref<632x16xf32, #tpu.memory_space<hbm>>)
      tpu.yield
    }) : () -> ()
    return
  }
}

#map = affine_map<(d0, d1) -> (0, 0)>
module attributes {stable_mosaic.version = 14 : i64} {
  func.func @k(%arg0: i32, %arg1: i32, %arg2: memref<10000x16xf32, #tpu.memory_space<hbm>>, %arg3: memref<1280x128xi32, #tpu.memory_space<hbm>>, %arg4: memref<160000x16xf32, #tpu.memory_space<hbm>>, %arg5: memref<40x128xi32, #tpu.memory_space<vmem>>, %arg6: memref<5120x16xf32, #tpu.memory_space<vmem>>, %arg7: memref<!tpu.dma_semaphore, #tpu.memory_space<semaphore_mem>>, %arg8: memref<!tpu.dma_semaphore, #tpu.memory_space<semaphore_mem>>) attributes {dimension_semantics = [#tpu.dimension_semantics<core_parallel>, #tpu.dimension_semantics<subcore_parallel>], iteration_bounds = array<i64: 2, 16>, scalar_prefetch = 0 : i64, scratch_operands = 4 : i64, tpu.core_type = #tpu.core_type<sc_vector_subcore>, window_params = [{transform_indices = #map}, {transform_indices = #map}, {transform_indices = #map}]} {
    %mul3A = arith.constant 2 : i32
    %mul3A_0 = arith.muli %arg1, %mul3A : i32
    %add3A = arith.addi %mul3A_0, %arg0 : i32
    %mul3A_1 = arith.constant 40 : i32
    %mul3A_2 = arith.muli %add3A, %mul3A_1 : i32
    %dma_start3A = arith.constant 0 : i32
    %dma_start3A_3 = tpu.memref_slice %arg3[%mul3A_2, %dma_start3A] : memref<1280x128xi32, #tpu.memory_space<hbm>> -> memref<40x128xi32, #tpu.memory_space<hbm>>
    %dma_start3A_4 = arith.constant 0 : i32
    %dma_start3A_5 = tpu.memref_slice %arg3[%mul3A_2, %dma_start3A_4] : memref<1280x128xi32, #tpu.memory_space<hbm>> -> memref<40x128xi32, #tpu.memory_space<hbm>>
    tpu.enqueue_dma source(%dma_start3A_5 : memref<40x128xi32, #tpu.memory_space<hbm>>) target(%arg5 : memref<40x128xi32, #tpu.memory_space<vmem>>) target_semaphore(%arg7 : memref<!tpu.dma_semaphore, #tpu.memory_space<semaphore_mem>>)
    %mul3A_6 = arith.constant 40 : i32
    %mul3A_7 = arith.muli %add3A, %mul3A_6 : i32
    %dma_wait3A = arith.constant 0 : i32
    %dma_wait3A_8 = tpu.memref_slice %arg3[%mul3A_7, %dma_wait3A] : memref<1280x128xi32, #tpu.memory_space<hbm>> -> memref<40x128xi32, #tpu.memory_space<hbm>>
    %dma_wait3A_9 = arith.constant 0 : i32
    %dma_wait3A_10 = tpu.memref_slice %arg3[%mul3A_7, %dma_wait3A_9] : memref<1280x128xi32, #tpu.memory_space<hbm>> -> memref<40x128xi32, #tpu.memory_space<hbm>>
    tpu.wait_dma2 semaphore(%arg7 : memref<!tpu.dma_semaphore, #tpu.memory_space<semaphore_mem>>) src(%dma_wait3A_10 : memref<40x128xi32, #tpu.memory_space<hbm>>) dst(%arg5 : memref<40x128xi32, #tpu.memory_space<vmem>>)
    %scan3A = arith.constant 0 : i32
    %scan3A_11 = arith.constant 40 : i32
    %scan3A_12 = arith.addi %scan3A, %scan3A_11 : i32
    %scan3A_13 = arith.constant 1 : i32
    scf.for %scan3A_44 = %scan3A to %scan3A_12 step %scan3A_13  : i32 {
      %mul3A_45 = arith.constant 1 : i32
      %mul3A_46 = arith.muli %scan3A_44, %mul3A_45 : i32
      %add3A_47 = arith.constant 0 : i32
      %add3A_48 = arith.addi %add3A_47, %mul3A_46 : i32
      %mul3A_49 = arith.constant 128 : i32
      %mul3A_50 = arith.muli %add3A_48, %mul3A_49 : i32
      %dma_start3A_51 = arith.constant 0 : i32
      %dma_start3A_52 = tpu.memref_slice %arg6[%mul3A_50, %dma_start3A_51] : memref<5120x16xf32, #tpu.memory_space<vmem>> -> memref<128x16xf32, #tpu.memory_space<vmem>>
      %dma_start3A_53 = arith.constant 0 : i32
      %dma_start3A_54 = tpu.memref_slice %arg5[%add3A_48, %dma_start3A_53] : memref<40x128xi32, #tpu.memory_space<vmem>> -> memref<1x128xi32, #tpu.memory_space<vmem>>
      %dma_start3A_55 = tpu.memref_squeeze %dma_start3A_54 : memref<1x128xi32, #tpu.memory_space<vmem>> -> memref<128xi32, #tpu.memory_space<vmem>>
      %dma_start3A_56 = arith.constant 0 : i32
      %dma_start3A_57 = arith.constant 0 : i32
      %dma_start3A_58 = tpu.memref_slice %arg2[%dma_start3A_56, %dma_start3A_57] : memref<10000x16xf32, #tpu.memory_space<hbm>> -> memref<10000x16xf32, #tpu.memory_space<hbm>>
      tpu.enqueue_indirect_dma source(%dma_start3A_58 : memref<10000x16xf32, #tpu.memory_space<hbm>>) target(%dma_start3A_52 : memref<128x16xf32, #tpu.memory_space<vmem>>) offsets(%dma_start3A_55 : memref<128xi32, #tpu.memory_space<vmem>>) semaphore(%arg8 : memref<!tpu.dma_semaphore, #tpu.memory_space<semaphore_mem>>)
    }
    %scan3A_14 = arith.constant 40 : i32
    %scan3A_15 = arith.constant 0 : i32
    %scan3A_16 = arith.constant 40 : i32
    %scan3A_17 = arith.addi %scan3A_15, %scan3A_16 : i32
    %scan3A_18 = arith.constant 1 : i32
    scf.for %scan3A_44 = %scan3A_15 to %scan3A_17 step %scan3A_18  : i32 {
      %mul3A_45 = arith.constant 1 : i32
      %mul3A_46 = arith.muli %scan3A_44, %mul3A_45 : i32
      %add3A_47 = arith.constant 0 : i32
      %add3A_48 = arith.addi %add3A_47, %mul3A_46 : i32
      %mul3A_49 = arith.constant 128 : i32
      %mul3A_50 = arith.muli %add3A_48, %mul3A_49 : i32
      %dma_wait3A_51 = arith.constant 0 : i32
      %dma_wait3A_52 = tpu.memref_slice %arg6[%mul3A_50, %dma_wait3A_51] : memref<5120x16xf32, #tpu.memory_space<vmem>> -> memref<128x16xf32, #tpu.memory_space<vmem>>
      %dma_wait3A_53 = arith.constant 0 : i32
      %dma_wait3A_54 = tpu.memref_slice %arg5[%add3A_48, %dma_wait3A_53] : memref<40x128xi32, #tpu.memory_space<vmem>> -> memref<1x128xi32, #tpu.memory_space<vmem>>
      %dma_wait3A_55 = tpu.memref_squeeze %dma_wait3A_54 : memref<1x128xi32, #tpu.memory_space<vmem>> -> memref<128xi32, #tpu.memory_space<vmem>>
      %dma_wait3A_56 = arith.constant 0 : i32
      %dma_wait3A_57 = arith.constant 0 : i32
      %dma_wait3A_58 = tpu.memref_slice %arg2[%dma_wait3A_56, %dma_wait3A_57] : memref<10000x16xf32, #tpu.memory_space<hbm>> -> memref<10000x16xf32, #tpu.memory_space<hbm>>
      tpu.wait_indirect_dma semaphore(%arg8 : memref<!tpu.dma_semaphore, #tpu.memory_space<semaphore_mem>>) src(%dma_wait3A_58 : memref<10000x16xf32, #tpu.memory_space<hbm>>) dst(%dma_wait3A_52 : memref<128x16xf32, #tpu.memory_space<vmem>>)
    }
    %scan3A_19 = arith.constant 40 : i32
    %mul3A_20 = arith.constant 5000 : i32
    %mul3A_21 = arith.muli %add3A, %mul3A_20 : i32
    %dma_start3A_22 = arith.constant 0 : i32
    %dma_start3A_23 = arith.constant 0 : i32
    %dma_start3A_24 = tpu.memref_slice %arg6[%dma_start3A_22, %dma_start3A_23] : memref<5120x16xf32, #tpu.memory_space<vmem>> -> memref<5000x16xf32, #tpu.memory_space<vmem>>
    %dma_start3A_25 = arith.constant 0 : i32
    %dma_start3A_26 = tpu.memref_slice %arg4[%mul3A_21, %dma_start3A_25] : memref<160000x16xf32, #tpu.memory_space<hbm>> -> memref<5000x16xf32, #tpu.memory_space<hbm>>
    %dma_start3A_27 = arith.constant 0 : i32
    %dma_start3A_28 = tpu.memref_slice %arg4[%mul3A_21, %dma_start3A_27] : memref<160000x16xf32, #tpu.memory_space<hbm>> -> memref<5000x16xf32, #tpu.memory_space<hbm>>
    %dma_start3A_29 = arith.constant 0 : i32
    %dma_start3A_30 = arith.constant 0 : i32
    %dma_start3A_31 = tpu.memref_slice %arg6[%dma_start3A_29, %dma_start3A_30] : memref<5120x16xf32, #tpu.memory_space<vmem>> -> memref<5000x16xf32, #tpu.memory_space<vmem>>
    tpu.enqueue_dma source(%dma_start3A_31 : memref<5000x16xf32, #tpu.memory_space<vmem>>) target(%dma_start3A_28 : memref<5000x16xf32, #tpu.memory_space<hbm>>) target_semaphore(%arg7 : memref<!tpu.dma_semaphore, #tpu.memory_space<semaphore_mem>>)
    %mul3A_32 = arith.constant 5000 : i32
    %mul3A_33 = arith.muli %add3A, %mul3A_32 : i32
    %dma_wait3A_34 = arith.constant 0 : i32
    %dma_wait3A_35 = arith.constant 0 : i32
    %dma_wait3A_36 = tpu.memref_slice %arg6[%dma_wait3A_34, %dma_wait3A_35] : memref<5120x16xf32, #tpu.memory_space<vmem>> -> memref<5000x16xf32, #tpu.memory_space<vmem>>
    %dma_wait3A_37 = arith.constant 0 : i32
    %dma_wait3A_38 = tpu.memref_slice %arg4[%mul3A_33, %dma_wait3A_37] : memref<160000x16xf32, #tpu.memory_space<hbm>> -> memref<5000x16xf32, #tpu.memory_space<hbm>>
    %dma_wait3A_39 = arith.constant 0 : i32
    %dma_wait3A_40 = tpu.memref_slice %arg4[%mul3A_33, %dma_wait3A_39] : memref<160000x16xf32, #tpu.memory_space<hbm>> -> memref<5000x16xf32, #tpu.memory_space<hbm>>
    %dma_wait3A_41 = arith.constant 0 : i32
    %dma_wait3A_42 = arith.constant 0 : i32
    %dma_wait3A_43 = tpu.memref_slice %arg6[%dma_wait3A_41, %dma_wait3A_42] : memref<5120x16xf32, #tpu.memory_space<vmem>> -> memref<5000x16xf32, #tpu.memory_space<vmem>>
    tpu.wait_dma2 semaphore(%arg7 : memref<!tpu.dma_semaphore, #tpu.memory_space<semaphore_mem>>) src(%dma_wait3A_43 : memref<5000x16xf32, #tpu.memory_space<vmem>>) dst(%dma_wait3A_40 : memref<5000x16xf32, #tpu.memory_space<hbm>>)
    return
  }
}

#map = affine_map<(d0, d1) -> (0, 0)>
module attributes {stable_mosaic.version = 14 : i64} {
  func.func @k(%arg0: i32, %arg1: i32, %arg2: memref<10000x16xf32, #tpu.memory_space<hbm>>, %arg3: memref<1280x128xi32, #tpu.memory_space<hbm>>, %arg4: memref<160000x16xf32, #tpu.memory_space<hbm>>, %arg5: memref<40x128xi32, #tpu.memory_space<vmem>>, %arg6: memref<5120x16xf32, #tpu.memory_space<vmem>>, %arg7: memref<!tpu.dma_semaphore, #tpu.memory_space<semaphore_mem>>, %arg8: memref<!tpu.dma_semaphore, #tpu.memory_space<semaphore_mem>>) attributes {dimension_semantics = [#tpu.dimension_semantics<core_parallel>, #tpu.dimension_semantics<subcore_parallel>], iteration_bounds = array<i64: 2, 16>, scalar_prefetch = 0 : i64, scratch_operands = 4 : i64, tpu.core_type = #tpu.core_type<sc_vector_subcore>, window_params = [{transform_indices = #map}, {transform_indices = #map}, {transform_indices = #map}]} {
    %mul3A = arith.constant 2 : i32
    %mul3A_0 = arith.muli %arg1, %mul3A : i32
    %add3A = arith.addi %mul3A_0, %arg0 : i32
    %mul3A_1 = arith.constant 40 : i32
    %mul3A_2 = arith.muli %add3A, %mul3A_1 : i32
    %dma_start3A = arith.constant 0 : i32
    %dma_start3A_3 = tpu.memref_slice %arg3[%mul3A_2, %dma_start3A] : memref<1280x128xi32, #tpu.memory_space<hbm>> -> memref<40x128xi32, #tpu.memory_space<hbm>>
    %dma_start3A_4 = arith.constant 0 : i32
    %dma_start3A_5 = tpu.memref_slice %arg3[%mul3A_2, %dma_start3A_4] : memref<1280x128xi32, #tpu.memory_space<hbm>> -> memref<40x128xi32, #tpu.memory_space<hbm>>
    tpu.enqueue_dma source(%dma_start3A_5 : memref<40x128xi32, #tpu.memory_space<hbm>>) target(%arg5 : memref<40x128xi32, #tpu.memory_space<vmem>>) target_semaphore(%arg7 : memref<!tpu.dma_semaphore, #tpu.memory_space<semaphore_mem>>)
    %mul3A_6 = arith.constant 40 : i32
    %mul3A_7 = arith.muli %add3A, %mul3A_6 : i32
    %dma_wait3A = arith.constant 0 : i32
    %dma_wait3A_8 = tpu.memref_slice %arg3[%mul3A_7, %dma_wait3A] : memref<1280x128xi32, #tpu.memory_space<hbm>> -> memref<40x128xi32, #tpu.memory_space<hbm>>
    %dma_wait3A_9 = arith.constant 0 : i32
    %dma_wait3A_10 = tpu.memref_slice %arg3[%mul3A_7, %dma_wait3A_9] : memref<1280x128xi32, #tpu.memory_space<hbm>> -> memref<40x128xi32, #tpu.memory_space<hbm>>
    tpu.wait_dma2 semaphore(%arg7 : memref<!tpu.dma_semaphore, #tpu.memory_space<semaphore_mem>>) src(%dma_wait3A_10 : memref<40x128xi32, #tpu.memory_space<hbm>>) dst(%arg5 : memref<40x128xi32, #tpu.memory_space<vmem>>)
    %scan3A = arith.constant 0 : i32
    %scan3A_11 = arith.constant 40 : i32
    %scan3A_12 = arith.addi %scan3A, %scan3A_11 : i32
    %scan3A_13 = arith.constant 1 : i32
    scf.for %scan3A_44 = %scan3A to %scan3A_12 step %scan3A_13  : i32 {
      %mul3A_45 = arith.constant 1 : i32
      %mul3A_46 = arith.muli %scan3A_44, %mul3A_45 : i32
      %add3A_47 = arith.constant 0 : i32
      %add3A_48 = arith.addi %add3A_47, %mul3A_46 : i32
      %mul3A_49 = arith.constant 128 : i32
      %mul3A_50 = arith.muli %add3A_48, %mul3A_49 : i32
      %dma_start3A_51 = arith.constant 0 : i32
      %dma_start3A_52 = tpu.memref_slice %arg6[%mul3A_50, %dma_start3A_51] : memref<5120x16xf32, #tpu.memory_space<vmem>> -> memref<128x16xf32, #tpu.memory_space<vmem>>
      %dma_start3A_53 = arith.constant 0 : i32
      %dma_start3A_54 = tpu.memref_slice %arg5[%add3A_48, %dma_start3A_53] : memref<40x128xi32, #tpu.memory_space<vmem>> -> memref<1x128xi32, #tpu.memory_space<vmem>>
      %dma_start3A_55 = tpu.memref_squeeze %dma_start3A_54 : memref<1x128xi32, #tpu.memory_space<vmem>> -> memref<128xi32, #tpu.memory_space<vmem>>
      %dma_start3A_56 = arith.constant 0 : i32
      %dma_start3A_57 = arith.constant 0 : i32
      %dma_start3A_58 = tpu.memref_slice %arg2[%dma_start3A_56, %dma_start3A_57] : memref<10000x16xf32, #tpu.memory_space<hbm>> -> memref<10000x16xf32, #tpu.memory_space<hbm>>
      tpu.enqueue_indirect_dma source(%dma_start3A_58 : memref<10000x16xf32, #tpu.memory_space<hbm>>) target(%dma_start3A_52 : memref<128x16xf32, #tpu.memory_space<vmem>>) offsets(%dma_start3A_55 : memref<128xi32, #tpu.memory_space<vmem>>) semaphore(%arg8 : memref<!tpu.dma_semaphore, #tpu.memory_space<semaphore_mem>>)
    }
    %scan3A_14 = arith.constant 40 : i32
    %scan3A_15 = arith.constant 0 : i32
    %scan3A_16 = arith.constant 40 : i32
    %scan3A_17 = arith.addi %scan3A_15, %scan3A_16 : i32
    %scan3A_18 = arith.constant 1 : i32
    scf.for %scan3A_44 = %scan3A_15 to %scan3A_17 step %scan3A_18  : i32 {
      %mul3A_45 = arith.constant 1 : i32
      %mul3A_46 = arith.muli %scan3A_44, %mul3A_45 : i32
      %add3A_47 = arith.constant 0 : i32
      %add3A_48 = arith.addi %add3A_47, %mul3A_46 : i32
      %mul3A_49 = arith.constant 128 : i32
      %mul3A_50 = arith.muli %add3A_48, %mul3A_49 : i32
      %dma_wait3A_51 = arith.constant 0 : i32
      %dma_wait3A_52 = tpu.memref_slice %arg6[%mul3A_50, %dma_wait3A_51] : memref<5120x16xf32, #tpu.memory_space<vmem>> -> memref<128x16xf32, #tpu.memory_space<vmem>>
      %dma_wait3A_53 = arith.constant 0 : i32
      %dma_wait3A_54 = tpu.memref_slice %arg5[%add3A_48, %dma_wait3A_53] : memref<40x128xi32, #tpu.memory_space<vmem>> -> memref<1x128xi32, #tpu.memory_space<vmem>>
      %dma_wait3A_55 = tpu.memref_squeeze %dma_wait3A_54 : memref<1x128xi32, #tpu.memory_space<vmem>> -> memref<128xi32, #tpu.memory_space<vmem>>
      %dma_wait3A_56 = arith.constant 0 : i32
      %dma_wait3A_57 = arith.constant 0 : i32
      %dma_wait3A_58 = tpu.memref_slice %arg2[%dma_wait3A_56, %dma_wait3A_57] : memref<10000x16xf32, #tpu.memory_space<hbm>> -> memref<10000x16xf32, #tpu.memory_space<hbm>>
      tpu.wait_indirect_dma semaphore(%arg8 : memref<!tpu.dma_semaphore, #tpu.memory_space<semaphore_mem>>) src(%dma_wait3A_58 : memref<10000x16xf32, #tpu.memory_space<hbm>>) dst(%dma_wait3A_52 : memref<128x16xf32, #tpu.memory_space<vmem>>)
    }
    %scan3A_19 = arith.constant 40 : i32
    %mul3A_20 = arith.constant 5000 : i32
    %mul3A_21 = arith.muli %add3A, %mul3A_20 : i32
    %dma_start3A_22 = arith.constant 0 : i32
    %dma_start3A_23 = arith.constant 0 : i32
    %dma_start3A_24 = tpu.memref_slice %arg6[%dma_start3A_22, %dma_start3A_23] : memref<5120x16xf32, #tpu.memory_space<vmem>> -> memref<5000x16xf32, #tpu.memory_space<vmem>>
    %dma_start3A_25 = arith.constant 0 : i32
    %dma_start3A_26 = tpu.memref_slice %arg4[%mul3A_21, %dma_start3A_25] : memref<160000x16xf32, #tpu.memory_space<hbm>> -> memref<5000x16xf32, #tpu.memory_space<hbm>>
    %dma_start3A_27 = arith.constant 0 : i32
    %dma_start3A_28 = tpu.memref_slice %arg4[%mul3A_21, %dma_start3A_27] : memref<160000x16xf32, #tpu.memory_space<hbm>> -> memref<5000x16xf32, #tpu.memory_space<hbm>>
    %dma_start3A_29 = arith.constant 0 : i32
    %dma_start3A_30 = arith.constant 0 : i32
    %dma_start3A_31 = tpu.memref_slice %arg6[%dma_start3A_29, %dma_start3A_30] : memref<5120x16xf32, #tpu.memory_space<vmem>> -> memref<5000x16xf32, #tpu.memory_space<vmem>>
    tpu.enqueue_dma source(%dma_start3A_31 : memref<5000x16xf32, #tpu.memory_space<vmem>>) target(%dma_start3A_28 : memref<5000x16xf32, #tpu.memory_space<hbm>>) target_semaphore(%arg7 : memref<!tpu.dma_semaphore, #tpu.memory_space<semaphore_mem>>)
    %mul3A_32 = arith.constant 5000 : i32
    %mul3A_33 = arith.muli %add3A, %mul3A_32 : i32
    %dma_wait3A_34 = arith.constant 0 : i32
    %dma_wait3A_35 = arith.constant 0 : i32
    %dma_wait3A_36 = tpu.memref_slice %arg6[%dma_wait3A_34, %dma_wait3A_35] : memref<5120x16xf32, #tpu.memory_space<vmem>> -> memref<5000x16xf32, #tpu.memory_space<vmem>>
    %dma_wait3A_37 = arith.constant 0 : i32
    %dma_wait3A_38 = tpu.memref_slice %arg4[%mul3A_33, %dma_wait3A_37] : memref<160000x16xf32, #tpu.memory_space<hbm>> -> memref<5000x16xf32, #tpu.memory_space<hbm>>
    %dma_wait3A_39 = arith.constant 0 : i32
    %dma_wait3A_40 = tpu.memref_slice %arg4[%mul3A_33, %dma_wait3A_39] : memref<160000x16xf32, #tpu.memory_space<hbm>> -> memref<5000x16xf32, #tpu.memory_space<hbm>>
    %dma_wait3A_41 = arith.constant 0 : i32
    %dma_wait3A_42 = arith.constant 0 : i32
    %dma_wait3A_43 = tpu.memref_slice %arg6[%dma_wait3A_41, %dma_wait3A_42] : memref<5120x16xf32, #tpu.memory_space<vmem>> -> memref<5000x16xf32, #tpu.memory_space<vmem>>
    tpu.wait_dma2 semaphore(%arg7 : memref<!tpu.dma_semaphore, #tpu.memory_space<semaphore_mem>>) src(%dma_wait3A_43 : memref<5000x16xf32, #tpu.memory_space<vmem>>) dst(%dma_wait3A_40 : memref<5000x16xf32, #tpu.memory_space<hbm>>)
    return
  }
}

module attributes {stable_mosaic.version = 14 : i64} {
  func.func @body(%arg0: memref<1250x1024xf32, #tpu.memory_space<vmem>>, %arg1: memref<128x16xf32, #tpu.memory_space<vmem>>, %arg2: memref<1x16xf32, #tpu.memory_space<vmem>>, %arg3: memref<2x1264x128xf32, #tpu.memory_space<vmem>>, %arg4: memref<1250x128xf32, #tpu.memory_space<vmem>>, %arg5: memref<1250x128xf32, #tpu.memory_space<vmem>>) attributes {dimension_semantics = [], scalar_prefetch = 0 : i64, scratch_operands = 0 : i64, tpu.core_type = #tpu.core_type<tc>} {
    %get3A = arith.constant 0 : index
    %get3A_0 = arith.constant 0 : index
    %get3A_1 = vector.load %arg0[%get3A, %get3A_0] : memref<1250x1024xf32, #tpu.memory_space<vmem>>, vector<1250x128xf32>
    %get3A_2 = arith.constant 0 : index
    %get3A_3 = arith.constant 0 : index
    %get3A_4 = vector.load %arg1[%get3A_2, %get3A_3] : memref<128x16xf32, #tpu.memory_space<vmem>>, vector<128x16xf32>
    %dot_general3A = arith.constant dense<0.000000e+00> : vector<1250x16xf32>
    %dot_general3A_5 = tpu.matmul %get3A_1, %get3A_4, %dot_general3A {dimension_numbers = #tpu.dot_dimension_numbers<[1], [0], [0], [1], [0, 0, 1, 1], [], []>, transpose_lhs_hint = false} : vector<1250x128xf32>, vector<128x16xf32>, vector<1250x16xf32> -> vector<1250x16xf32>
    %get3A_6 = arith.constant 0 : index
    %get3A_7 = arith.constant 0 : index
    %get3A_8 = vector.load %arg2[%get3A_6, %get3A_7] : memref<1x16xf32, #tpu.memory_space<vmem>>, vector<1x16xf32>
    %add3A = vector.broadcast %get3A_8 : vector<1x16xf32> to vector<1250x16xf32>
    %add3A_9 = arith.addf %dot_general3A_5, %add3A : vector<1250x16xf32>
    %get3A_10 = arith.constant 0 : index
    %get3A_11 = arith.constant 128 : index
    %get3A_12 = vector.load %arg0[%get3A_10, %get3A_11] : memref<1250x1024xf32, #tpu.memory_space<vmem>>, vector<1250x128xf32>
    %get3A_13 = arith.constant 0 : index
    %get3A_14 = arith.constant 0 : index
    %get3A_15 = vector.load %arg1[%get3A_13, %get3A_14] : memref<128x16xf32, #tpu.memory_space<vmem>>, vector<128x16xf32>
    %dot_general3A_16 = arith.constant dense<0.000000e+00> : vector<1250x16xf32>
    %dot_general3A_17 = tpu.matmul %get3A_12, %get3A_15, %dot_general3A_16 {dimension_numbers = #tpu.dot_dimension_numbers<[1], [0], [0], [1], [0, 0, 1, 1], [], []>, transpose_lhs_hint = false} : vector<1250x128xf32>, vector<128x16xf32>, vector<1250x16xf32> -> vector<1250x16xf32>
    %get3A_18 = arith.constant 0 : index
    %get3A_19 = arith.constant 0 : index
    %get3A_20 = vector.load %arg2[%get3A_18, %get3A_19] : memref<1x16xf32, #tpu.memory_space<vmem>>, vector<1x16xf32>
    %add3A_21 = vector.broadcast %get3A_20 : vector<1x16xf32> to vector<1250x16xf32>
    %add3A_22 = arith.addf %dot_general3A_17, %add3A_21 : vector<1250x16xf32>
    %get3A_23 = arith.constant 0 : index
    %get3A_24 = arith.constant 256 : index
    %get3A_25 = vector.load %arg0[%get3A_23, %get3A_24] : memref<1250x1024xf32, #tpu.memory_space<vmem>>, vector<1250x128xf32>
    %get3A_26 = arith.constant 0 : index
    %get3A_27 = arith.constant 0 : index
    %get3A_28 = vector.load %arg1[%get3A_26, %get3A_27] : memref<128x16xf32, #tpu.memory_space<vmem>>, vector<128x16xf32>
    %dot_general3A_29 = arith.constant dense<0.000000e+00> : vector<1250x16xf32>
    %dot_general3A_30 = tpu.matmul %get3A_25, %get3A_28, %dot_general3A_29 {dimension_numbers = #tpu.dot_dimension_numbers<[1], [0], [0], [1], [0, 0, 1, 1], [], []>, transpose_lhs_hint = false} : vector<1250x128xf32>, vector<128x16xf32>, vector<1250x16xf32> -> vector<1250x16xf32>
    %get3A_31 = arith.constant 0 : index
    %get3A_32 = arith.constant 0 : index
    %get3A_33 = vector.load %arg2[%get3A_31, %get3A_32] : memref<1x16xf32, #tpu.memory_space<vmem>>, vector<1x16xf32>
    %add3A_34 = vector.broadcast %get3A_33 : vector<1x16xf32> to vector<1250x16xf32>
    %add3A_35 = arith.addf %dot_general3A_30, %add3A_34 : vector<1250x16xf32>
    %get3A_36 = arith.constant 0 : index
    %get3A_37 = arith.constant 384 : index
    %get3A_38 = vector.load %arg0[%get3A_36, %get3A_37] : memref<1250x1024xf32, #tpu.memory_space<vmem>>, vector<1250x128xf32>
    %get3A_39 = arith.constant 0 : index
    %get3A_40 = arith.constant 0 : index
    %get3A_41 = vector.load %arg1[%get3A_39, %get3A_40] : memref<128x16xf32, #tpu.memory_space<vmem>>, vector<128x16xf32>
    %dot_general3A_42 = arith.constant dense<0.000000e+00> : vector<1250x16xf32>
    %dot_general3A_43 = tpu.matmul %get3A_38, %get3A_41, %dot_general3A_42 {dimension_numbers = #tpu.dot_dimension_numbers<[1], [0], [0], [1], [0, 0, 1, 1], [], []>, transpose_lhs_hint = false} : vector<1250x128xf32>, vector<128x16xf32>, vector<1250x16xf32> -> vector<1250x16xf32>
    %get3A_44 = arith.constant 0 : index
    %get3A_45 = arith.constant 0 : index
    %get3A_46 = vector.load %arg2[%get3A_44, %get3A_45] : memref<1x16xf32, #tpu.memory_space<vmem>>, vector<1x16xf32>
    %add3A_47 = vector.broadcast %get3A_46 : vector<1x16xf32> to vector<1250x16xf32>
    %add3A_48 = arith.addf %dot_general3A_43, %add3A_47 : vector<1250x16xf32>
    %get3A_49 = arith.constant 0 : index
    %get3A_50 = arith.constant 512 : index
    %get3A_51 = vector.load %arg0[%get3A_49, %get3A_50] : memref<1250x1024xf32, #tpu.memory_space<vmem>>, vector<1250x128xf32>
    %get3A_52 = arith.constant 0 : index
    %get3A_53 = arith.constant 0 : index
    %get3A_54 = vector.load %arg1[%get3A_52, %get3A_53] : memref<128x16xf32, #tpu.memory_space<vmem>>, vector<128x16xf32>
    %dot_general3A_55 = arith.constant dense<0.000000e+00> : vector<1250x16xf32>
    %dot_general3A_56 = tpu.matmul %get3A_51, %get3A_54, %dot_general3A_55 {dimension_numbers = #tpu.dot_dimension_numbers<[1], [0], [0], [1], [0, 0, 1, 1], [], []>, transpose_lhs_hint = false} : vector<1250x128xf32>, vector<128x16xf32>, vector<1250x16xf32> -> vector<1250x16xf32>
    %get3A_57 = arith.constant 0 : index
    %get3A_58 = arith.constant 0 : index
    %get3A_59 = vector.load %arg2[%get3A_57, %get3A_58] : memref<1x16xf32, #tpu.memory_space<vmem>>, vector<1x16xf32>
    %add3A_60 = vector.broadcast %get3A_59 : vector<1x16xf32> to vector<1250x16xf32>
    %add3A_61 = arith.addf %dot_general3A_56, %add3A_60 : vector<1250x16xf32>
    %get3A_62 = arith.constant 0 : index
    %get3A_63 = arith.constant 640 : index
    %get3A_64 = vector.load %arg0[%get3A_62, %get3A_63] : memref<1250x1024xf32, #tpu.memory_space<vmem>>, vector<1250x128xf32>
    %get3A_65 = arith.constant 0 : index
    %get3A_66 = arith.constant 0 : index
    %get3A_67 = vector.load %arg1[%get3A_65, %get3A_66] : memref<128x16xf32, #tpu.memory_space<vmem>>, vector<128x16xf32>
    %dot_general3A_68 = arith.constant dense<0.000000e+00> : vector<1250x16xf32>
    %dot_general3A_69 = tpu.matmul %get3A_64, %get3A_67, %dot_general3A_68 {dimension_numbers = #tpu.dot_dimension_numbers<[1], [0], [0], [1], [0, 0, 1, 1], [], []>, transpose_lhs_hint = false} : vector<1250x128xf32>, vector<128x16xf32>, vector<1250x16xf32> -> vector<1250x16xf32>
    %get3A_70 = arith.constant 0 : index
    %get3A_71 = arith.constant 0 : index
    %get3A_72 = vector.load %arg2[%get3A_70, %get3A_71] : memref<1x16xf32, #tpu.memory_space<vmem>>, vector<1x16xf32>
    %add3A_73 = vector.broadcast %get3A_72 : vector<1x16xf32> to vector<1250x16xf32>
    %add3A_74 = arith.addf %dot_general3A_69, %add3A_73 : vector<1250x16xf32>
    %get3A_75 = arith.constant 0 : index
    %get3A_76 = arith.constant 768 : index
    %get3A_77 = vector.load %arg0[%get3A_75, %get3A_76] : memref<1250x1024xf32, #tpu.memory_space<vmem>>, vector<1250x128xf32>
    %get3A_78 = arith.constant 0 : index
    %get3A_79 = arith.constant 0 : index
    %get3A_80 = vector.load %arg1[%get3A_78, %get3A_79] : memref<128x16xf32, #tpu.memory_space<vmem>>, vector<128x16xf32>
    %dot_general3A_81 = arith.constant dense<0.000000e+00> : vector<1250x16xf32>
    %dot_general3A_82 = tpu.matmul %get3A_77, %get3A_80, %dot_general3A_81 {dimension_numbers = #tpu.dot_dimension_numbers<[1], [0], [0], [1], [0, 0, 1, 1], [], []>, transpose_lhs_hint = false} : vector<1250x128xf32>, vector<128x16xf32>, vector<1250x16xf32> -> vector<1250x16xf32>
    %get3A_83 = arith.constant 0 : index
    %get3A_84 = arith.constant 0 : index
    %get3A_85 = vector.load %arg2[%get3A_83, %get3A_84] : memref<1x16xf32, #tpu.memory_space<vmem>>, vector<1x16xf32>
    %add3A_86 = vector.broadcast %get3A_85 : vector<1x16xf32> to vector<1250x16xf32>
    %add3A_87 = arith.addf %dot_general3A_82, %add3A_86 : vector<1250x16xf32>
    %get3A_88 = arith.constant 0 : index
    %get3A_89 = arith.constant 896 : index
    %get3A_90 = vector.load %arg0[%get3A_88, %get3A_89] : memref<1250x1024xf32, #tpu.memory_space<vmem>>, vector<1250x128xf32>
    %get3A_91 = arith.constant 0 : index
    %get3A_92 = arith.constant 0 : index
    %get3A_93 = vector.load %arg1[%get3A_91, %get3A_92] : memref<128x16xf32, #tpu.memory_space<vmem>>, vector<128x16xf32>
    %dot_general3A_94 = arith.constant dense<0.000000e+00> : vector<1250x16xf32>
    %dot_general3A_95 = tpu.matmul %get3A_90, %get3A_93, %dot_general3A_94 {dimension_numbers = #tpu.dot_dimension_numbers<[1], [0], [0], [1], [0, 0, 1, 1], [], []>, transpose_lhs_hint = false} : vector<1250x128xf32>, vector<128x16xf32>, vector<1250x16xf32> -> vector<1250x16xf32>
    %get3A_96 = arith.constant 0 : index
    %get3A_97 = arith.constant 0 : index
    %get3A_98 = vector.load %arg2[%get3A_96, %get3A_97] : memref<1x16xf32, #tpu.memory_space<vmem>>, vector<1x16xf32>
    %add3A_99 = vector.broadcast %get3A_98 : vector<1x16xf32> to vector<1250x16xf32>
    %add3A_100 = arith.addf %dot_general3A_95, %add3A_99 : vector<1250x16xf32>
    %concatenate3A = tpu.concatenate %add3A_9, %add3A_22, %add3A_35, %add3A_48, %add3A_61, %add3A_74, %add3A_87, %add3A_100 in 1 : vector<1250x16xf32>, vector<1250x16xf32>, vector<1250x16xf32>, vector<1250x16xf32>, vector<1250x16xf32>, vector<1250x16xf32>, vector<1250x16xf32>, vector<1250x16xf32> -> vector<1250x128xf32>
    %swap3A = arith.constant 0 : index
    %swap3A_101 = arith.constant 0 : index
    %swap3A_102 = vector.load %arg4[%swap3A, %swap3A_101] : memref<1250x128xf32, #tpu.memory_space<vmem>>, vector<1250x128xf32>
    tpu.vector_store %arg4[%swap3A, %swap3A_101], %concatenate3A {strides = array<i32>} : memref<1250x128xf32, #tpu.memory_space<vmem>>, vector<1250x128xf32>,
    %get3A_103 = arith.constant 0 : index
    %get3A_104 = arith.constant 0 : index
    %get3A_105 = arith.constant 0 : index
    %get3A_106 = vector.load %arg3[%get3A_103, %get3A_104, %get3A_105] : memref<2x1264x128xf32, #tpu.memory_space<vmem>>, vector<1x1250x128xf32>
    %get3A_107 = vector.shape_cast %get3A_106 : vector<1x1250x128xf32> to vector<1250x128xf32>
    %get3A_108 = arith.constant 1 : index
    %get3A_109 = arith.constant 0 : index
    %get3A_110 = arith.constant 0 : index
    %get3A_111 = vector.load %arg3[%get3A_108, %get3A_109, %get3A_110] : memref<2x1264x128xf32, #tpu.memory_space<vmem>>, vector<1x1250x128xf32>
    %get3A_112 = vector.shape_cast %get3A_111 : vector<1x1250x128xf32> to vector<1250x128xf32>
    %add3A_113 = arith.addf %get3A_107, %get3A_112 : vector<1250x128xf32>
    %max3A = arith.constant 1.000000e+00 : f32
    %max3A_114 = vector.broadcast %max3A : f32 to vector<1250x128xf32>
    %max3A_115 = arith.maximumf %add3A_113, %max3A_114 : vector<1250x128xf32>
    %div3A = arith.constant 1.000000e+00 : f32
    %div3A_116 = vector.broadcast %div3A : f32 to vector<1250x128xf32>
    %div3A_117 = arith.divf %div3A_116, %max3A_115 : vector<1250x128xf32>
    %swap3A_118 = arith.constant 0 : index
    %swap3A_119 = arith.constant 0 : index
    %swap3A_120 = vector.load %arg5[%swap3A_118, %swap3A_119] : memref<1250x128xf32, #tpu.memory_space<vmem>>, vector<1250x128xf32>
    tpu.vector_store %arg5[%swap3A_118, %swap3A_119], %div3A_117 {strides = array<i32>} : memref<1250x128xf32, #tpu.memory_space<vmem>>, vector<1250x128xf32>,
    return
  }
}

module attributes {stable_mosaic.version = 14 : i64} {
  func.func @body(%arg0: i32, %arg1: memref<800x128xf32, #tpu.memory_space<vmem>>, %arg2: memref<800x128xf32, #tpu.memory_space<vmem>>, %arg3: memref<128x512xf32, #tpu.memory_space<vmem>>, %arg4: memref<1x512xf32, #tpu.memory_space<vmem>>, %arg5: memref<64x256xf32, #tpu.memory_space<vmem>>, %arg6: memref<1x256xf32, #tpu.memory_space<vmem>>, %arg7: memref<128x2048xf32, #tpu.memory_space<vmem>>, %arg8: memref<2048x128xf32, #tpu.memory_space<vmem>>, %arg9: memref<800x128xf32, #tpu.memory_space<vmem>>) attributes {dimension_semantics = [#tpu.dimension_semantics<arbitrary>], iteration_bounds = array<i64: 25>, scalar_prefetch = 0 : i64, scratch_operands = 0 : i64, tpu.core_type = #tpu.core_type<tc>, window_params = [{transform_indices = @transform_0, window_bounds = array<i64: 800, 128>}, {transform_indices = @transform_1, window_bounds = array<i64: 800, 128>}, {pipeline_mode = #tpu.pipeline_mode<synchronous>, transform_indices = @transform_2, window_bounds = array<i64: 128, 512>}, {pipeline_mode = #tpu.pipeline_mode<synchronous>, transform_indices = @transform_3, window_bounds = array<i64: 1, 512>}, {pipeline_mode = #tpu.pipeline_mode<synchronous>, transform_indices = @transform_4, window_bounds = array<i64: 64, 256>}, {pipeline_mode = #tpu.pipeline_mode<synchronous>, transform_indices = @transform_5, window_bounds = array<i64: 1, 256>}, {pipeline_mode = #tpu.pipeline_mode<synchronous>, transform_indices = @transform_6, window_bounds = array<i64: 128, 2048>}, {pipeline_mode = #tpu.pipeline_mode<synchronous>, transform_indices = @transform_7, window_bounds = array<i64: 2048, 128>}, {transform_indices = @transform_8, window_bounds = array<i64: 800, 128>}]} {
    %get3A = arith.constant 0 : index
    %get3A_0 = arith.constant 0 : index
    %get3A_1 = vector.load %arg1[%get3A, %get3A_0] : memref<800x128xf32, #tpu.memory_space<vmem>>, vector<800x128xf32>
    %get3A_2 = arith.constant 0 : index
    %get3A_3 = arith.constant 0 : index
    %get3A_4 = vector.load %arg3[%get3A_2, %get3A_3] : memref<128x512xf32, #tpu.memory_space<vmem>>, vector<128x512xf32>
    %dot_general3A = arith.constant dense<0.000000e+00> : vector<800x512xf32>
    %dot_general3A_5 = tpu.matmul %get3A_1, %get3A_4, %dot_general3A {dimension_numbers = #tpu.dot_dimension_numbers<[1], [0], [0], [1], [0, 0, 1, 1], [], []>, transpose_lhs_hint = false} : vector<800x128xf32>, vector<128x512xf32>, vector<800x512xf32> -> vector<800x512xf32>
    %get3A_6 = arith.constant 0 : index
    %get3A_7 = arith.constant 0 : index
    %get3A_8 = vector.load %arg4[%get3A_6, %get3A_7] : memref<1x512xf32, #tpu.memory_space<vmem>>, vector<1x512xf32>
    %add3A = vector.broadcast %get3A_8 : vector<1x512xf32> to vector<800x512xf32>
    %add3A_9 = arith.addf %dot_general3A_5, %add3A : vector<800x512xf32>
    %max3A = arith.constant 0.000000e+00 : f32
    %max3A_10 = vector.broadcast %max3A : f32 to vector<800x512xf32>
    %max3A_11 = arith.maximumf %add3A_9, %max3A_10 : vector<800x512xf32>
    %slice3A = vector.extract_strided_slice %max3A_11 {offsets = [0, 0], sizes = [800, 64], strides = [1, 1]} : vector<800x512xf32> to vector<800x64xf32>
    %get3A_12 = arith.constant 0 : index
    %get3A_13 = arith.constant 0 : index
    %get3A_14 = vector.load %arg5[%get3A_12, %get3A_13] : memref<64x256xf32, #tpu.memory_space<vmem>>, vector<64x256xf32>
    %dot_general3A_15 = arith.constant dense<0.000000e+00> : vector<800x256xf32>
    %dot_general3A_16 = tpu.matmul %slice3A, %get3A_14, %dot_general3A_15 {dimension_numbers = #tpu.dot_dimension_numbers<[1], [0], [0], [1], [0, 0, 1, 1], [], []>, transpose_lhs_hint = false} : vector<800x64xf32>, vector<64x256xf32>, vector<800x256xf32> -> vector<800x256xf32>
    %get3A_17 = arith.constant 0 : index
    %get3A_18 = arith.constant 0 : index
    %get3A_19 = vector.load %arg6[%get3A_17, %get3A_18] : memref<1x256xf32, #tpu.memory_space<vmem>>, vector<1x256xf32>
    %add3A_20 = vector.broadcast %get3A_19 : vector<1x256xf32> to vector<800x256xf32>
    %add3A_21 = arith.addf %dot_general3A_16, %add3A_20 : vector<800x256xf32>
    %slice3A_22 = vector.extract_strided_slice %max3A_11 {offsets = [0, 64], sizes = [800, 64], strides = [1, 1]} : vector<800x512xf32> to vector<800x64xf32>
    %get3A_23 = arith.constant 0 : index
    %get3A_24 = arith.constant 0 : index
    %get3A_25 = vector.load %arg5[%get3A_23, %get3A_24] : memref<64x256xf32, #tpu.memory_space<vmem>>, vector<64x256xf32>
    %dot_general3A_26 = arith.constant dense<0.000000e+00> : vector<800x256xf32>
    %dot_general3A_27 = tpu.matmul %slice3A_22, %get3A_25, %dot_general3A_26 {dimension_numbers = #tpu.dot_dimension_numbers<[1], [0], [0], [1], [0, 0, 1, 1], [], []>, transpose_lhs_hint = false} : vector<800x64xf32>, vector<64x256xf32>, vector<800x256xf32> -> vector<800x256xf32>
    %get3A_28 = arith.constant 0 : index
    %get3A_29 = arith.constant 0 : index
    %get3A_30 = vector.load %arg6[%get3A_28, %get3A_29] : memref<1x256xf32, #tpu.memory_space<vmem>>, vector<1x256xf32>
    %add3A_31 = vector.broadcast %get3A_30 : vector<1x256xf32> to vector<800x256xf32>
    %add3A_32 = arith.addf %dot_general3A_27, %add3A_31 : vector<800x256xf32>
    %slice3A_33 = vector.extract_strided_slice %max3A_11 {offsets = [0, 128], sizes = [800, 64], strides = [1, 1]} : vector<800x512xf32> to vector<800x64xf32>
    %get3A_34 = arith.constant 0 : index
    %get3A_35 = arith.constant 0 : index
    %get3A_36 = vector.load %arg5[%get3A_34, %get3A_35] : memref<64x256xf32, #tpu.memory_space<vmem>>, vector<64x256xf32>
    %dot_general3A_37 = arith.constant dense<0.000000e+00> : vector<800x256xf32>
    %dot_general3A_38 = tpu.matmul %slice3A_33, %get3A_36, %dot_general3A_37 {dimension_numbers = #tpu.dot_dimension_numbers<[1], [0], [0], [1], [0, 0, 1, 1], [], []>, transpose_lhs_hint = false} : vector<800x64xf32>, vector<64x256xf32>, vector<800x256xf32> -> vector<800x256xf32>
    %get3A_39 = arith.constant 0 : index
    %get3A_40 = arith.constant 0 : index
    %get3A_41 = vector.load %arg6[%get3A_39, %get3A_40] : memref<1x256xf32, #tpu.memory_space<vmem>>, vector<1x256xf32>
    %add3A_42 = vector.broadcast %get3A_41 : vector<1x256xf32> to vector<800x256xf32>
    %add3A_43 = arith.addf %dot_general3A_38, %add3A_42 : vector<800x256xf32>
    %slice3A_44 = vector.extract_strided_slice %max3A_11 {offsets = [0, 192], sizes = [800, 64], strides = [1, 1]} : vector<800x512xf32> to vector<800x64xf32>
    %get3A_45 = arith.constant 0 : index
    %get3A_46 = arith.constant 0 : index
    %get3A_47 = vector.load %arg5[%get3A_45, %get3A_46] : memref<64x256xf32, #tpu.memory_space<vmem>>, vector<64x256xf32>
    %dot_general3A_48 = arith.constant dense<0.000000e+00> : vector<800x256xf32>
    %dot_general3A_49 = tpu.matmul %slice3A_44, %get3A_47, %dot_general3A_48 {dimension_numbers = #tpu.dot_dimension_numbers<[1], [0], [0], [1], [0, 0, 1, 1], [], []>, transpose_lhs_hint = false} : vector<800x64xf32>, vector<64x256xf32>, vector<800x256xf32> -> vector<800x256xf32>
    %get3A_50 = arith.constant 0 : index
    %get3A_51 = arith.constant 0 : index
    %get3A_52 = vector.load %arg6[%get3A_50, %get3A_51] : memref<1x256xf32, #tpu.memory_space<vmem>>, vector<1x256xf32>
    %add3A_53 = vector.broadcast %get3A_52 : vector<1x256xf32> to vector<800x256xf32>
    %add3A_54 = arith.addf %dot_general3A_49, %add3A_53 : vector<800x256xf32>
    %slice3A_55 = vector.extract_strided_slice %max3A_11 {offsets = [0, 256], sizes = [800, 64], strides = [1, 1]} : vector<800x512xf32> to vector<800x64xf32>
    %get3A_56 = arith.constant 0 : index
    %get3A_57 = arith.constant 0 : index
    %get3A_58 = vector.load %arg5[%get3A_56, %get3A_57] : memref<64x256xf32, #tpu.memory_space<vmem>>, vector<64x256xf32>
    %dot_general3A_59 = arith.constant dense<0.000000e+00> : vector<800x256xf32>
    %dot_general3A_60 = tpu.matmul %slice3A_55, %get3A_58, %dot_general3A_59 {dimension_numbers = #tpu.dot_dimension_numbers<[1], [0], [0], [1], [0, 0, 1, 1], [], []>, transpose_lhs_hint = false} : vector<800x64xf32>, vector<64x256xf32>, vector<800x256xf32> -> vector<800x256xf32>
    %get3A_61 = arith.constant 0 : index
    %get3A_62 = arith.constant 0 : index
    %get3A_63 = vector.load %arg6[%get3A_61, %get3A_62] : memref<1x256xf32, #tpu.memory_space<vmem>>, vector<1x256xf32>
    %add3A_64 = vector.broadcast %get3A_63 : vector<1x256xf32> to vector<800x256xf32>
    %add3A_65 = arith.addf %dot_general3A_60, %add3A_64 : vector<800x256xf32>
    %slice3A_66 = vector.extract_strided_slice %max3A_11 {offsets = [0, 320], sizes = [800, 64], strides = [1, 1]} : vector<800x512xf32> to vector<800x64xf32>
    %get3A_67 = arith.constant 0 : index
    %get3A_68 = arith.constant 0 : index
    %get3A_69 = vector.load %arg5[%get3A_67, %get3A_68] : memref<64x256xf32, #tpu.memory_space<vmem>>, vector<64x256xf32>
    %dot_general3A_70 = arith.constant dense<0.000000e+00> : vector<800x256xf32>
    %dot_general3A_71 = tpu.matmul %slice3A_66, %get3A_69, %dot_general3A_70 {dimension_numbers = #tpu.dot_dimension_numbers<[1], [0], [0], [1], [0, 0, 1, 1], [], []>, transpose_lhs_hint = false} : vector<800x64xf32>, vector<64x256xf32>, vector<800x256xf32> -> vector<800x256xf32>
    %get3A_72 = arith.constant 0 : index
    %get3A_73 = arith.constant 0 : index
    %get3A_74 = vector.load %arg6[%get3A_72, %get3A_73] : memref<1x256xf32, #tpu.memory_space<vmem>>, vector<1x256xf32>
    %add3A_75 = vector.broadcast %get3A_74 : vector<1x256xf32> to vector<800x256xf32>
    %add3A_76 = arith.addf %dot_general3A_71, %add3A_75 : vector<800x256xf32>
    %slice3A_77 = vector.extract_strided_slice %max3A_11 {offsets = [0, 384], sizes = [800, 64], strides = [1, 1]} : vector<800x512xf32> to vector<800x64xf32>
    %get3A_78 = arith.constant 0 : index
    %get3A_79 = arith.constant 0 : index
    %get3A_80 = vector.load %arg5[%get3A_78, %get3A_79] : memref<64x256xf32, #tpu.memory_space<vmem>>, vector<64x256xf32>
    %dot_general3A_81 = arith.constant dense<0.000000e+00> : vector<800x256xf32>
    %dot_general3A_82 = tpu.matmul %slice3A_77, %get3A_80, %dot_general3A_81 {dimension_numbers = #tpu.dot_dimension_numbers<[1], [0], [0], [1], [0, 0, 1, 1], [], []>, transpose_lhs_hint = false} : vector<800x64xf32>, vector<64x256xf32>, vector<800x256xf32> -> vector<800x256xf32>
    %get3A_83 = arith.constant 0 : index
    %get3A_84 = arith.constant 0 : index
    %get3A_85 = vector.load %arg6[%get3A_83, %get3A_84] : memref<1x256xf32, #tpu.memory_space<vmem>>, vector<1x256xf32>
    %add3A_86 = vector.broadcast %get3A_85 : vector<1x256xf32> to vector<800x256xf32>
    %add3A_87 = arith.addf %dot_general3A_82, %add3A_86 : vector<800x256xf32>
    %slice3A_88 = vector.extract_strided_slice %max3A_11 {offsets = [0, 448], sizes = [800, 64], strides = [1, 1]} : vector<800x512xf32> to vector<800x64xf32>
    %get3A_89 = arith.constant 0 : index
    %get3A_90 = arith.constant 0 : index
    %get3A_91 = vector.load %arg5[%get3A_89, %get3A_90] : memref<64x256xf32, #tpu.memory_space<vmem>>, vector<64x256xf32>
    %dot_general3A_92 = arith.constant dense<0.000000e+00> : vector<800x256xf32>
    %dot_general3A_93 = tpu.matmul %slice3A_88, %get3A_91, %dot_general3A_92 {dimension_numbers = #tpu.dot_dimension_numbers<[1], [0], [0], [1], [0, 0, 1, 1], [], []>, transpose_lhs_hint = false} : vector<800x64xf32>, vector<64x256xf32>, vector<800x256xf32> -> vector<800x256xf32>
    %get3A_94 = arith.constant 0 : index
    %get3A_95 = arith.constant 0 : index
    %get3A_96 = vector.load %arg6[%get3A_94, %get3A_95] : memref<1x256xf32, #tpu.memory_space<vmem>>, vector<1x256xf32>
    %add3A_97 = vector.broadcast %get3A_96 : vector<1x256xf32> to vector<800x256xf32>
    %add3A_98 = arith.addf %dot_general3A_93, %add3A_97 : vector<800x256xf32>
    %concatenate3A = tpu.concatenate %add3A_21, %add3A_32, %add3A_43, %add3A_54, %add3A_65, %add3A_76, %add3A_87, %add3A_98 in 1 : vector<800x256xf32>, vector<800x256xf32>, vector<800x256xf32>, vector<800x256xf32>, vector<800x256xf32>, vector<800x256xf32>, vector<800x256xf32>, vector<800x256xf32> -> vector<800x2048xf32>
    %get3A_99 = arith.constant 0 : index
    %get3A_100 = arith.constant 0 : index
    %get3A_101 = vector.load %arg2[%get3A_99, %get3A_100] : memref<800x128xf32, #tpu.memory_space<vmem>>, vector<800x128xf32>
    %get3A_102 = arith.constant 0 : index
    %get3A_103 = arith.constant 0 : index
    %get3A_104 = vector.load %arg7[%get3A_102, %get3A_103] : memref<128x2048xf32, #tpu.memory_space<vmem>>, vector<128x2048xf32>
    %dot_general3A_105 = arith.constant dense<0.000000e+00> : vector<800x2048xf32>
    %dot_general3A_106 = tpu.matmul %get3A_101, %get3A_104, %dot_general3A_105 {dimension_numbers = #tpu.dot_dimension_numbers<[1], [0], [0], [1], [0, 0, 1, 1], [], []>, transpose_lhs_hint = false} : vector<800x128xf32>, vector<128x2048xf32>, vector<800x2048xf32> -> vector<800x2048xf32>
    %mul3A = arith.mulf %dot_general3A_106, %concatenate3A : vector<800x2048xf32>
    %get3A_107 = arith.constant 0 : index
    %get3A_108 = arith.constant 0 : index
    %get3A_109 = vector.load %arg8[%get3A_107, %get3A_108] : memref<2048x128xf32, #tpu.memory_space<vmem>>, vector<2048x128xf32>
    %dot_general3A_110 = arith.constant dense<0.000000e+00> : vector<800x128xf32>
    %dot_general3A_111 = tpu.matmul %mul3A, %get3A_109, %dot_general3A_110 {dimension_numbers = #tpu.dot_dimension_numbers<[1], [0], [0], [1], [0, 0, 1, 1], [], []>, transpose_lhs_hint = false} : vector<800x2048xf32>, vector<2048x128xf32>, vector<800x128xf32> -> vector<800x128xf32>
    %swap3A = arith.constant 0 : index
    %swap3A_112 = arith.constant 0 : index
    %swap3A_113 = vector.load %arg9[%swap3A, %swap3A_112] : memref<800x128xf32, #tpu.memory_space<vmem>>, vector<800x128xf32>
    tpu.vector_store %arg9[%swap3A, %swap3A_112], %dot_general3A_111 {strides = array<i32>} : memref<800x128xf32, #tpu.memory_space<vmem>>, vector<800x128xf32>,
    return
  }
  func.func @transform_0(%arg0: i32) -> (i32, i32) {
    %c0_i32 = arith.constant 0 : i32
    %c0_i32_0 = arith.constant 0 : i32
    return %arg0, %c0_i32 : i32, i32
  }
  func.func @transform_1(%arg0: i32) -> (i32, i32) {
    %c0_i32 = arith.constant 0 : i32
    %c0_i32_0 = arith.constant 0 : i32
    return %arg0, %c0_i32 : i32, i32
  }
  func.func @transform_2(%arg0: i32) -> (i32, i32) {
    %c0_i32 = arith.constant 0 : i32
    %c0_i32_0 = arith.constant 0 : i32
    %c0_i32_1 = arith.constant 0 : i32
    return %c0_i32, %c0_i32_0 : i32, i32
  }
  func.func @transform_3(%arg0: i32) -> (i32, i32) {
    %c0_i32 = arith.constant 0 : i32
    %c0_i32_0 = arith.constant 0 : i32
    %c0_i32_1 = arith.constant 0 : i32
    return %c0_i32, %c0_i32_0 : i32, i32
  }
  func.func @transform_4(%arg0: i32) -> (i32, i32) {
    %c0_i32 = arith.constant 0 : i32
    %c0_i32_0 = arith.constant 0 : i32
    %c0_i32_1 = arith.constant 0 : i32
    return %c0_i32, %c0_i32_0 : i32, i32
  }
  func.func @transform_5(%arg0: i32) -> (i32, i32) {
    %c0_i32 = arith.constant 0 : i32
    %c0_i32_0 = arith.constant 0 : i32
    %c0_i32_1 = arith.constant 0 : i32
    return %c0_i32, %c0_i32_0 : i32, i32
  }
  func.func @transform_6(%arg0: i32) -> (i32, i32) {
    %c0_i32 = arith.constant 0 : i32
    %c0_i32_0 = arith.constant 0 : i32
    %c0_i32_1 = arith.constant 0 : i32
    return %c0_i32, %c0_i32_0 : i32, i32
  }
  func.func @transform_7(%arg0: i32) -> (i32, i32) {
    %c0_i32 = arith.constant 0 : i32
    %c0_i32_0 = arith.constant 0 : i32
    %c0_i32_1 = arith.constant 0 : i32
    return %c0_i32, %c0_i32_0 : i32, i32
  }
  func.func @transform_8(%arg0: i32) -> (i32, i32) {
    %c0_i32 = arith.constant 0 : i32
    %c0_i32_0 = arith.constant 0 : i32
    return %arg0, %c0_i32 : i32, i32
  }
}

module attributes {stable_mosaic.version = 14 : i64} {
  func.func @body(%arg0: memref<2x1264x128xf32, #tpu.memory_space<vmem>>, %arg1: memref<1250x128xf32, #tpu.memory_space<vmem>>, %arg2: memref<1250x128xf32, #tpu.memory_space<vmem>>, %arg3: memref<128x128xf32, #tpu.memory_space<vmem>>, %arg4: memref<1x128xf32, #tpu.memory_space<vmem>>, %arg5: memref<128x128xf32, #tpu.memory_space<vmem>>, %arg6: memref<1x128xf32, #tpu.memory_space<vmem>>, %arg7: memref<1250x128xf32, #tpu.memory_space<vmem>>) attributes {dimension_semantics = [], scalar_prefetch = 0 : i64, scratch_operands = 0 : i64, tpu.core_type = #tpu.core_type<tc>} {
    %get3A = arith.constant 0 : index
    %get3A_0 = arith.constant 0 : index
    %get3A_1 = vector.load %arg2[%get3A, %get3A_0] : memref<1250x128xf32, #tpu.memory_space<vmem>>, vector<1250x128xf32>
    %get3A_2 = arith.constant 0 : index
    %get3A_3 = arith.constant 0 : index
    %get3A_4 = arith.constant 0 : index
    %get3A_5 = vector.load %arg0[%get3A_2, %get3A_3, %get3A_4] : memref<2x1264x128xf32, #tpu.memory_space<vmem>>, vector<1x1250x128xf32>
    %get3A_6 = vector.shape_cast %get3A_5 : vector<1x1250x128xf32> to vector<1250x128xf32>
    %get3A_7 = arith.constant 1 : index
    %get3A_8 = arith.constant 0 : index
    %get3A_9 = arith.constant 0 : index
    %get3A_10 = vector.load %arg0[%get3A_7, %get3A_8, %get3A_9] : memref<2x1264x128xf32, #tpu.memory_space<vmem>>, vector<1x1250x128xf32>
    %get3A_11 = vector.shape_cast %get3A_10 : vector<1x1250x128xf32> to vector<1250x128xf32>
    %add3A = arith.addf %get3A_6, %get3A_11 : vector<1250x128xf32>
    %get3A_12 = arith.constant 0 : index
    %get3A_13 = arith.constant 0 : index
    %get3A_14 = vector.load %arg1[%get3A_12, %get3A_13] : memref<1250x128xf32, #tpu.memory_space<vmem>>, vector<1250x128xf32>
    %mul3A = arith.mulf %add3A, %get3A_14 : vector<1250x128xf32>
    %get3A_15 = arith.constant 0 : index
    %get3A_16 = arith.constant 0 : index
    %get3A_17 = vector.load %arg3[%get3A_15, %get3A_16] : memref<128x128xf32, #tpu.memory_space<vmem>>, vector<128x128xf32>
    %dot_general3A = arith.constant dense<0.000000e+00> : vector<1250x128xf32>
    %dot_general3A_18 = tpu.matmul %get3A_1, %get3A_17, %dot_general3A {dimension_numbers = #tpu.dot_dimension_numbers<[1], [0], [0], [1], [0, 0, 1, 1], [], []>, transpose_lhs_hint = false} : vector<1250x128xf32>, vector<128x128xf32>, vector<1250x128xf32> -> vector<1250x128xf32>
    %add3A_19 = arith.addf %mul3A, %dot_general3A_18 : vector<1250x128xf32>
    %get3A_20 = arith.constant 0 : index
    %get3A_21 = arith.constant 0 : index
    %get3A_22 = vector.load %arg4[%get3A_20, %get3A_21] : memref<1x128xf32, #tpu.memory_space<vmem>>, vector<1x128xf32>
    %add3A_23 = vector.broadcast %get3A_22 : vector<1x128xf32> to vector<1250x128xf32>
    %add3A_24 = arith.addf %add3A_19, %add3A_23 : vector<1250x128xf32>
    %max3A = arith.constant 0.000000e+00 : f32
    %max3A_25 = vector.broadcast %max3A : f32 to vector<1250x128xf32>
    %max3A_26 = arith.maximumf %add3A_24, %max3A_25 : vector<1250x128xf32>
    %add3A_27 = arith.addf %max3A_26, %get3A_1 : vector<1250x128xf32>
    %get3A_28 = arith.constant 0 : index
    %get3A_29 = arith.constant 0 : index
    %get3A_30 = vector.load %arg5[%get3A_28, %get3A_29] : memref<128x128xf32, #tpu.memory_space<vmem>>, vector<128x128xf32>
    %dot_general3A_31 = arith.constant dense<0.000000e+00> : vector<1250x128xf32>
    %dot_general3A_32 = tpu.matmul %add3A_27, %get3A_30, %dot_general3A_31 {dimension_numbers = #tpu.dot_dimension_numbers<[1], [0], [0], [1], [0, 0, 1, 1], [], []>, transpose_lhs_hint = false} : vector<1250x128xf32>, vector<128x128xf32>, vector<1250x128xf32> -> vector<1250x128xf32>
    %get3A_33 = arith.constant 0 : index
    %get3A_34 = arith.constant 0 : index
    %get3A_35 = vector.load %arg6[%get3A_33, %get3A_34] : memref<1x128xf32, #tpu.memory_space<vmem>>, vector<1x128xf32>
    %add3A_36 = vector.broadcast %get3A_35 : vector<1x128xf32> to vector<1250x128xf32>
    %add3A_37 = arith.addf %dot_general3A_32, %add3A_36 : vector<1250x128xf32>
    %swap3A = arith.constant 0 : index
    %swap3A_38 = arith.constant 0 : index
    %swap3A_39 = vector.load %arg7[%swap3A, %swap3A_38] : memref<1250x128xf32, #tpu.memory_space<vmem>>, vector<1250x128xf32>
    tpu.vector_store %arg7[%swap3A, %swap3A_38], %add3A_37 {strides = array<i32>} : memref<1250x128xf32, #tpu.memory_space<vmem>>, vector<1250x128xf32>,
    return
  }
}

module attributes {stable_mosaic.version = 14 : i64} {
  func.func @body(%arg0: memref<2x1264x128xf32, #tpu.memory_space<vmem>>, %arg1: memref<1250x128xf32, #tpu.memory_space<vmem>>, %arg2: memref<1250x128xf32, #tpu.memory_space<vmem>>, %arg3: memref<128x128xf32, #tpu.memory_space<vmem>>, %arg4: memref<1x128xf32, #tpu.memory_space<vmem>>, %arg5: memref<1250x128xf32, #tpu.memory_space<vmem>>) attributes {dimension_semantics = [], scalar_prefetch = 0 : i64, scratch_operands = 0 : i64, tpu.core_type = #tpu.core_type<tc>} {
    %get3A = arith.constant 0 : index
    %get3A_0 = arith.constant 0 : index
    %get3A_1 = vector.load %arg2[%get3A, %get3A_0] : memref<1250x128xf32, #tpu.memory_space<vmem>>, vector<1250x128xf32>
    %get3A_2 = arith.constant 0 : index
    %get3A_3 = arith.constant 0 : index
    %get3A_4 = arith.constant 0 : index
    %get3A_5 = vector.load %arg0[%get3A_2, %get3A_3, %get3A_4] : memref<2x1264x128xf32, #tpu.memory_space<vmem>>, vector<1x1250x128xf32>
    %get3A_6 = vector.shape_cast %get3A_5 : vector<1x1250x128xf32> to vector<1250x128xf32>
    %get3A_7 = arith.constant 1 : index
    %get3A_8 = arith.constant 0 : index
    %get3A_9 = arith.constant 0 : index
    %get3A_10 = vector.load %arg0[%get3A_7, %get3A_8, %get3A_9] : memref<2x1264x128xf32, #tpu.memory_space<vmem>>, vector<1x1250x128xf32>
    %get3A_11 = vector.shape_cast %get3A_10 : vector<1x1250x128xf32> to vector<1250x128xf32>
    %add3A = arith.addf %get3A_6, %get3A_11 : vector<1250x128xf32>
    %get3A_12 = arith.constant 0 : index
    %get3A_13 = arith.constant 0 : index
    %get3A_14 = vector.load %arg1[%get3A_12, %get3A_13] : memref<1250x128xf32, #tpu.memory_space<vmem>>, vector<1250x128xf32>
    %mul3A = arith.mulf %add3A, %get3A_14 : vector<1250x128xf32>
    %get3A_15 = arith.constant 0 : index
    %get3A_16 = arith.constant 0 : index
    %get3A_17 = vector.load %arg3[%get3A_15, %get3A_16] : memref<128x128xf32, #tpu.memory_space<vmem>>, vector<128x128xf32>
    %dot_general3A = arith.constant dense<0.000000e+00> : vector<1250x128xf32>
    %dot_general3A_18 = tpu.matmul %get3A_1, %get3A_17, %dot_general3A {dimension_numbers = #tpu.dot_dimension_numbers<[1], [0], [0], [1], [0, 0, 1, 1], [], []>, transpose_lhs_hint = false} : vector<1250x128xf32>, vector<128x128xf32>, vector<1250x128xf32> -> vector<1250x128xf32>
    %add3A_19 = arith.addf %mul3A, %dot_general3A_18 : vector<1250x128xf32>
    %get3A_20 = arith.constant 0 : index
    %get3A_21 = arith.constant 0 : index
    %get3A_22 = vector.load %arg4[%get3A_20, %get3A_21] : memref<1x128xf32, #tpu.memory_space<vmem>>, vector<1x128xf32>
    %add3A_23 = vector.broadcast %get3A_22 : vector<1x128xf32> to vector<1250x128xf32>
    %add3A_24 = arith.addf %add3A_19, %add3A_23 : vector<1250x128xf32>
    %max3A = arith.constant 0.000000e+00 : f32
    %max3A_25 = vector.broadcast %max3A : f32 to vector<1250x128xf32>
    %max3A_26 = arith.maximumf %add3A_24, %max3A_25 : vector<1250x128xf32>
    %add3A_27 = arith.addf %max3A_26, %get3A_1 : vector<1250x128xf32>
    %swap3A = arith.constant 0 : index
    %swap3A_28 = arith.constant 0 : index
    %swap3A_29 = vector.load %arg5[%swap3A, %swap3A_28] : memref<1250x128xf32, #tpu.memory_space<vmem>>, vector<1250x128xf32>
    tpu.vector_store %arg5[%swap3A, %swap3A_28], %add3A_27 {strides = array<i32>} : memref<1250x128xf32, #tpu.memory_space<vmem>>, vector<1250x128xf32>,
    return
  }
}

module attributes {stable_mosaic.version = 14 : i64} {
  func.func @body(%arg0: i32, %arg1: memref<800x128xf32, #tpu.memory_space<vmem>>, %arg2: memref<800x128xf32, #tpu.memory_space<vmem>>, %arg3: memref<128x128xf32, #tpu.memory_space<vmem>>, %arg4: memref<1x128xf32, #tpu.memory_space<vmem>>, %arg5: memref<128x8xf32, #tpu.memory_space<vmem>>, %arg6: memref<1x8xf32, #tpu.memory_space<vmem>>, %arg7: memref<800x8xf32, #tpu.memory_space<vmem>>) attributes {dimension_semantics = [#tpu.dimension_semantics<arbitrary>], iteration_bounds = array<i64: 25>, scalar_prefetch = 0 : i64, scratch_operands = 0 : i64, tpu.core_type = #tpu.core_type<tc>, window_params = [{transform_indices = @transform_0, window_bounds = array<i64: 800, 128>}, {transform_indices = @transform_1, window_bounds = array<i64: 800, 128>}, {pipeline_mode = #tpu.pipeline_mode<synchronous>, transform_indices = @transform_2, window_bounds = array<i64: 128, 128>}, {pipeline_mode = #tpu.pipeline_mode<synchronous>, transform_indices = @transform_3, window_bounds = array<i64: 1, 128>}, {pipeline_mode = #tpu.pipeline_mode<synchronous>, transform_indices = @transform_4, window_bounds = array<i64: 128, 8>}, {pipeline_mode = #tpu.pipeline_mode<synchronous>, transform_indices = @transform_5, window_bounds = array<i64: 1, 8>}, {transform_indices = @transform_6, window_bounds = array<i64: 800, 8>}]} {
    %get3A = arith.constant 0 : index
    %get3A_0 = arith.constant 0 : index
    %get3A_1 = vector.load %arg1[%get3A, %get3A_0] : memref<800x128xf32, #tpu.memory_space<vmem>>, vector<800x128xf32>
    %get3A_2 = arith.constant 0 : index
    %get3A_3 = arith.constant 0 : index
    %get3A_4 = vector.load %arg2[%get3A_2, %get3A_3] : memref<800x128xf32, #tpu.memory_space<vmem>>, vector<800x128xf32>
    %add3A = arith.addf %get3A_1, %get3A_4 : vector<800x128xf32>
    %get3A_5 = arith.constant 0 : index
    %get3A_6 = arith.constant 0 : index
    %get3A_7 = vector.load %arg3[%get3A_5, %get3A_6] : memref<128x128xf32, #tpu.memory_space<vmem>>, vector<128x128xf32>
    %dot_general3A = arith.constant dense<0.000000e+00> : vector<800x128xf32>
    %dot_general3A_8 = tpu.matmul %add3A, %get3A_7, %dot_general3A {dimension_numbers = #tpu.dot_dimension_numbers<[1], [0], [0], [1], [0, 0, 1, 1], [], []>, transpose_lhs_hint = false} : vector<800x128xf32>, vector<128x128xf32>, vector<800x128xf32> -> vector<800x128xf32>
    %get3A_9 = arith.constant 0 : index
    %get3A_10 = arith.constant 0 : index
    %get3A_11 = vector.load %arg4[%get3A_9, %get3A_10] : memref<1x128xf32, #tpu.memory_space<vmem>>, vector<1x128xf32>
    %add3A_12 = vector.broadcast %get3A_11 : vector<1x128xf32> to vector<800x128xf32>
    %add3A_13 = arith.addf %dot_general3A_8, %add3A_12 : vector<800x128xf32>
    %max3A = arith.constant 0.000000e+00 : f32
    %max3A_14 = vector.broadcast %max3A : f32 to vector<800x128xf32>
    %max3A_15 = arith.maximumf %add3A_13, %max3A_14 : vector<800x128xf32>
    %get3A_16 = arith.constant 0 : index
    %get3A_17 = arith.constant 0 : index
    %get3A_18 = vector.load %arg5[%get3A_16, %get3A_17] : memref<128x8xf32, #tpu.memory_space<vmem>>, vector<128x8xf32>
    %dot_general3A_19 = arith.constant dense<0.000000e+00> : vector<800x8xf32>
    %dot_general3A_20 = tpu.matmul %max3A_15, %get3A_18, %dot_general3A_19 {dimension_numbers = #tpu.dot_dimension_numbers<[1], [0], [0], [1], [0, 0, 1, 1], [], []>, transpose_lhs_hint = false} : vector<800x128xf32>, vector<128x8xf32>, vector<800x8xf32> -> vector<800x8xf32>
    %get3A_21 = arith.constant 0 : index
    %get3A_22 = arith.constant 0 : index
    %get3A_23 = vector.load %arg6[%get3A_21, %get3A_22] : memref<1x8xf32, #tpu.memory_space<vmem>>, vector<1x8xf32>
    %add3A_24 = vector.broadcast %get3A_23 : vector<1x8xf32> to vector<800x8xf32>
    %add3A_25 = arith.addf %dot_general3A_20, %add3A_24 : vector<800x8xf32>
    %swap3A = arith.constant 0 : index
    %swap3A_26 = arith.constant 0 : index
    %swap3A_27 = vector.load %arg7[%swap3A, %swap3A_26] : memref<800x8xf32, #tpu.memory_space<vmem>>, vector<800x8xf32>
    tpu.vector_store %arg7[%swap3A, %swap3A_26], %add3A_25 {strides = array<i32>} : memref<800x8xf32, #tpu.memory_space<vmem>>, vector<800x8xf32>,
    return
  }
  func.func @transform_0(%arg0: i32) -> (i32, i32) {
    %c0_i32 = arith.constant 0 : i32
    %c0_i32_0 = arith.constant 0 : i32
    return %arg0, %c0_i32 : i32, i32
  }
  func.func @transform_1(%arg0: i32) -> (i32, i32) {
    %c0_i32 = arith.constant 0 : i32
    %c0_i32_0 = arith.constant 0 : i32
    return %arg0, %c0_i32 : i32, i32
  }
  func.func @transform_2(%arg0: i32) -> (i32, i32) {
    %c0_i32 = arith.constant 0 : i32
    %c0_i32_0 = arith.constant 0 : i32
    %c0_i32_1 = arith.constant 0 : i32
    return %c0_i32, %c0_i32_0 : i32, i32
  }
  func.func @transform_3(%arg0: i32) -> (i32, i32) {
    %c0_i32 = arith.constant 0 : i32
    %c0_i32_0 = arith.constant 0 : i32
    %c0_i32_1 = arith.constant 0 : i32
    return %c0_i32, %c0_i32_0 : i32, i32
  }
  func.func @transform_4(%arg0: i32) -> (i32, i32) {
    %c0_i32 = arith.constant 0 : i32
    %c0_i32_0 = arith.constant 0 : i32
    %c0_i32_1 = arith.constant 0 : i32
    return %c0_i32, %c0_i32_0 : i32, i32
  }
  func.func @transform_5(%arg0: i32) -> (i32, i32) {
    %c0_i32 = arith.constant 0 : i32
    %c0_i32_0 = arith.constant 0 : i32
    %c0_i32_1 = arith.constant 0 : i32
    return %c0_i32, %c0_i32_0 : i32, i32
  }
  func.func @transform_6(%arg0: i32) -> (i32, i32) {
    %c0_i32 = arith.constant 0 : i32
    %c0_i32_0 = arith.constant 0 : i32
    return %arg0, %c0_i32 : i32, i32
  }
}

</mosaic_0001>

<sc_bundles>
// kernel: kernel.23.cloned.1.call-start
scs
__scs_entry_jumppad:
0x0: {  	(pc) =	sbr.rel $0x88, $3  }
0x1: {  	(tag) =	ssettag $0x0;
	lr =	simm.s32 $0x1  }
0x2: {  	[smem:$0x3F7A] =	sst lr;
	_ =	strace $0xD0000000  }
0x3: {  	_ = 	snop  }
0x4: {  	_ = 	snop  }
0x5: {  	_ = 	snop  }
0x6: {  	_ = 	snop  }
0x7: {  	_ = 	snop  }
__scs_overlays_trampoline_lowered:
0x8: {  	[smem:$0x3F89] =	sst s0  }
0x9: {  	[smem:$0x3F8A] =	sst s1  }
0xa: {  	[smem:$0x3F8B] =	sst s2  }
0xb: {  	[smem:$0x3F8C] =	sst s3  }
0xc: {  	[smem:$0x3F8D] =	sst s4  }
0xd: {  	[smem:$0x3F8E] =	sst s5  }
0xe: {  	[smem:$0x3F8F] =	sst s6  }
0xf: {  	[smem:$0x3F90] =	sst s7  }
0x10: {  	[smem:$0x3F91] =	sst s8  }
0x11: {  	[smem:$0x3F92] =	sst s9;
	s0 =	simm.s32 @!p0 $0x0  }
0x12: {  	s1 =	sld [smem:$0x3F78];
	s0 =	simm.s32 @p0 $0x1  }
0x13: {  	[smem:$0x3F93] =	sst s0;
	s0 =	simm.s32 @!p1 $0x0  }
0x14: {  	s2 =	sld [smem:$0x3F77];
	s0 =	simm.s32 @p1 $0x1  }
0x15: {  	[smem:$0x3F94] =	sst s0;
	s0 =	simm.s32 @!p2 $0x0  }
0x16: {  	s3 =	sld [smem:$0x3FDB];
	s0 =	simm.s32 @p2 $0x1  }
0x17: {  	s4 =	simm.s32 $0x1BF5;
	[smem:$0x3F96] =	sst s0  }
0x18: {  	s0 =	sld [smem:$0x3F79];
	_ =	swait.ge [sflag:s4], $0x0  }
0x19: {  	s7 =	sld [smem:$0x3F7A]  }
0x1a: {  	s8 =	sadd.s32 $0xFFFFE003, lr  }
0x1b: {  	s9 =	sadd.s32 $0xFFFFFEF7, lr;
	s5 =	simm.s32 $0xFFFFFFFF;
	p2 =	slt.u32 s8, $0xFFFFF086  }
0x1c: {  	p1 =	slt.u32 s9, $0xF7A;
	s5 =	simm.s32 @!p2 $0x0  }
0x1d: {  	s5 =	simm.s32 @p1 $0x1;
	p0 =	seq.s32 s7, s2  }
0x1e: {  	s7 =	smul.u32 @!p0 $0xF7A, s2;
	p2 =	seq.s32 @!p0 s5, $0x0  }
0x1f: {  	s9 =	smul.u32 $0xF7A, s1;
	s8 =	simm.s32 @!p0 $0x1BF5;
	p2 =	por !p2, p0  }
0x20: {  	[sflag:s8] =	ssyncset.s32 @!p0 $0xFFFFF086;
	s6 =	sadd.s32 @!p0 s3, s7;
	s7 =	simm.s32 @!p0 $0x108  }
0x21: {  	s3 =	sadd.s32 s3, s9;
	s6 =	sadd.s32 @!p0 $0x88, s6;
	s7 =	simm.s32 @p2 $0x1082  }
0x22: {  	[simem:s7], [sflag:s8] =	dma.local @!p0 [hbm:s6], $0xF7A  }
0x23: {  	s9 =	sor.u32 $0xD0000000, s2;
	s6 =	simm.s32 $0x108;
	_ =	swait.ge @!p0 [sflag:s8], $0x0  }
0x24: {  	s3 =	sadd.s32 $0x88, s3;
	s6 =	simm.s32 @!p1 $0x1082;
	[sflag:s4] =	ssyncset.s32 $0xFFFFF086  }
0x25: {  	[simem:s6], [sflag:s4] =	dma.local [hbm:s3], $0xF7A  }
0x26: {  	[smem:$0x3F7A] =	sst s1;
	(tag) =	ssettag s2;
	_ =	strace s9  }
0x27: {  	s1 =	sld [smem:$0x3F8A]  }
0x28: {  	s2 =	sld [smem:$0x3F8B]  }
0x29: {  	s4 =	sld [smem:$0x3F8D]  }
0x2a: {  	p0 =	seq.s32 s5, $0x0;
	s5 =	sld [smem:$0x3F8E]  }
0x2b: {  	s6 =	sld [smem:$0x3F8F]  }
0x2c: {  	s7 =	sld [smem:$0x3F90]  }
0x2d: {  	s3 =	simm.s32 $0x108;
	s8 =	sld [smem:$0x3F91]  }
0x2e: {  	s3 =	simm.s32 @!p0 $0x1082;
	s9 =	sld [smem:$0x3F92]  }
0x2f: {  	lr =	sadd.s32 s0, s3;
	s0 =	sld [smem:$0x3F89]  }
0x30: {  	s3 =	sld [smem:$0x3F8C]  }
0x31: {  	[smem:$0x3F95] =	sst s10  }
0x32: {  	s10 =	sld [smem:$0x3F93];
	_ =	sdelay $0x3  }
0x33: {  	p0 =	seq.s32 s10, $0x1;
	s10 =	sld [smem:$0x3F95];
	_ =	sdelay $0x3  }
0x34: {  	[smem:$0x3F95] =	sst s10  }
0x35: {  	s10 =	sld [smem:$0x3F94];
	_ =	sdelay $0x3  }
0x36: {  	p1 =	seq.s32 s10, $0x1;
	s10 =	sld [smem:$0x3F95];
	_ =	sdelay $0x3  }
0x37: {  	[smem:$0x3F95] =	sst s10  }
0x38: {  	s10 =	sld [smem:$0x3F96]  }
0x39: {  	_ = 	snop;
	(pc) =	sbr.ind lr, $3  }
0x3a: {  	_ = 	snop  }
0x3b: {  	_ = 	snop  }
0x3c: {  	p2 =	seq.s32 s10, $0x1;
	s10 =	sld [smem:$0x3F95]  }
0x3d: {  	_ =	shalt  }
0x3e: {  	_ =	shalt  }
0x3f: {  	_ =	shalt  }
0x40: {  	_ =	shalt  }
0x41: {  	_ =	shalt  }
0x42: {  	_ =	shalt  }
0x43: {  	_ =	shalt  }
0x44: {  	_ =	shalt  }
0x45: {  	_ =	shalt  }
0x46: {  	_ =	shalt  }
0x47: {  	_ =	shalt  }
0x48: {  	_ =	shalt  }
0x49: {  	_ =	shalt  }
0x4a: {  	_ =	shalt  }
0x4b: {  	_ =	shalt  }
0x4c: {  	_ =	shalt  }
0x4d: {  	_ =	shalt  }
0x4e: {  	_ =	shalt  }
0x4f: {  	_ =	shalt  }
0x50: {  	_ =	shalt  }
0x51: {  	_ =	shalt  }
0x52: {  	_ =	shalt  }
0x53: {  	_ =	shalt  }
0x54: {  	_ =	shalt  }
0x55: {  	_ =	shalt  }
0x56: {  	_ =	shalt  }
0x57: {  	_ =	shalt  }
0x58: {  	_ =	shalt  }
0x59: {  	_ =	shalt  }
0x5a: {  	_ =	shalt  }
0x5b: {  	_ =	shalt  }
0x5c: {  	_ =	shalt  }
0x5d: {  	_ =	shalt  }
0x5e: {  	_ =	shalt  }
0x5f: {  	_ =	shalt  }
0x60: {  	_ =	shalt  }
0x61: {  	_ =	shalt  }
0x62: {  	_ =	shalt  }
0x63: {  	_ =	shalt  }
0x64: {  	_ =	shalt  }
0x65: {  	_ =	shalt  }
0x66: {  	_ =	shalt  }
0x67: {  	_ =	shalt  }
0x68: {  	_ =	shalt  }
0x69: {  	_ =	shalt  }
0x6a: {  	_ =	shalt  }
0x6b: {  	_ =	shalt  }
0x6c: {  	_ =	shalt  }
0x6d: {  	_ =	shalt  }
0x6e: {  	_ =	shalt  }
0x6f: {  	_ =	shalt  }
0x70: {  	_ =	shalt  }
0x71: {  	_ =	shalt  }
0x72: {  	_ =	shalt  }
0x73: {  	_ =	shalt  }
0x74: {  	_ =	shalt  }
0x75: {  	_ =	shalt  }
0x76: {  	_ =	shalt  }
0x77: {  	_ =	shalt  }
0x78: {  	_ =	shalt  }
0x79: {  	_ =	shalt  }
0x7a: {  	_ =	shalt  }
0x7b: {  	_ =	shalt  }
0x7c: {  	_ =	shalt  }
0x7d: {  	_ =	shalt  }
0x7e: {  	_ =	shalt  }
0x7f: {  	_ =	shalt  }
0x80: {  	_ =	shalt  }
0x81: {  	_ =	shalt  }
0x82: {  	_ =	shalt  }
0x83: {  	_ =	shalt  }
0x84: {  	_ =	shalt  }
0x85: {  	_ =	shalt  }
0x86: {  	_ =	shalt  }
0x87: {  	_ =	shalt  }
.Lfunc_end0:
.L_simem_size_0:
called_computation_lowered:
.L_overlay_start_0:
0x88: {  	s2 =	sld [smem:$0x3FD9]  }
0x89: {  	s3 =	sld [smem:$0x3FFE];
	_ =	sdelay $0x1  }
0x8a: {  	s1 =	srdreg.scid  }
0x8b: {  	s0 =	sand.u32 $0x1, s1  }
0x8c: {  	s16 =	sshll.u32 s0, $0xA;
	s2 =	sadd.s32 s3, s2  }
0x8d: {  	s2 =	sadd.s32 s2, s16  }
0x8e: {  	[smem:$0x3FA1] =	sst s2  }
0x8f: {  	_ = 	snop  }
0x90: {  	(tm) =	ssettm $0x1  }
0x91: {  	s17 =	sld [smem:$0x3FFB];
	_ =	sdelay $0x3  }
0x92: {  	_ =	strace s17  }
0x93: {  	s2 =	sld [smem:$0x3FFC];
	_ =	sdelay $0x3  }
0x94: {  	_ =	strace s2  }
0x95: {  	s2 =	sld [smem:$0x3FFD];
	_ =	sdelay $0x3  }
0x96: {  	_ =	strace s2  }
0x97: {  	_ =	strace $0x8FFFFFFF  }
0x98: {  	s18 =	sld [smem:$0x3FDB];
	_ =	sdelay $0x1  }
0x99: {  	s19 =	simm.s32 $_scs_section_size  }
0x9a: {  	s4 =	simm.s32 $_size__tile_overlayer_lowered;
	s5 =	simm.s32 $_tile_overlayer_lowered  }
0x9b: {  	s22 =	simm.s32 $0x1BFF;
	s21 =	sshll.u32 s5, $0x1;
	s2 =	sadd.s32 s19, s18  }
0x9c: {  	s6 =	simm.s32 $0x0;
	s20 =	sshll.u32 s4, $0x1;
	s4 =	sadd.s32 s21, s2  }
0x9d: {  	[timem:s6], [sflag:s22] =	dma.local [hbm:s4], s20  }
0x9e: {  	_ =	swait.ge [sflag:s22], s20  }
0x9f: {  	s3 =	ssub.s32 $0x0, s20;
	[sflag:s22] =	ssyncset.done $0x0  }
0xa0: {  	[sflag:s22] =	ssyncadd.s32 s3;
	_ =	sdelay $0x1  }
0xa1: {  	s23 =	simm.s32 $0x1B8B  }
0xa2: {  	_ =	swait.ge [sflag:s23], $0x1  }
0xa3: {  	[sflag:s23] =	ssyncset.done $0x0  }
0xa4: {  	s25 =	simm.s32 $0x1B8E;
	s24 =	sld [smem:$0x3FFE];
	[sflag:s23] =	ssyncadd.s32 $0xFFFFFFFF  }
0xa5: {  	s26 =	simm.s32 $execute0_lowered;
	[smem:$0x3FD2] =	sst s25  }
0xa6: {  	s4 =	sshll.u32 s26, $0x1;
	_ =	strace $0x80000046;
	[dreg:$0x1] =	wrdreg $0xFFFFFFFF  }
0xa7: {  	s28 =	simm.s32 $_size_execute0_lowered;
	s2 =	sadd.s32 s2, s4;
	[dreg:$0x0] =	wrdreg $0x0  }
0xa8: {  	s4 =	sshll.u32 s28, $0x1;
	[dreg:$0x2] =	wrdreg s2  }
0xa9: {  	[dreg:$0x3] =	wrdreg s4  }
0xaa: {  	[dreg:$0x4] =	wrdreg $0xC0  }
0xab: {  	_ =	task [dreg:s6], $0x5FFFF  }
0xac: {  	[dreg:$0x1] =	wrdreg $0xFFFFFFFF  }
0xad: {  	[dreg:$0x0] =	wrdreg $0x60  }
0xae: {  	[dreg:$0x2] =	wrdreg s24  }
0xaf: {  	[dreg:$0x3] =	wrdreg $0x43800  }
0xb0: {  	[dreg:$0x4] =	wrdreg $0x9  }
0xb1: {  	_ =	task.clear_ibuf [dreg:s6], $0x5FFFF;
	_ =	strace $0x90000046  }
0xb2: {  	s29 =	simm.s32 $0x9;
	_ =	strace $0x80000048  }
0xb3: {  	_ =	swait.ge [sflag:s29], $0x1  }
0xb4: {  	[sflag:s29] =	ssyncadd.s32 $0xFFFFFFFF  }
0xb5: {  	_ =	strace $0x90000048  }
0xb6: {  	_ =	sfence  }
0xb7: {  	s30 =	sld [smem:$0x0];
	_ =	sdelay $0x2  }
0xb8: {  	s31 =	sshll.u32 s1, $0xD;
	s1 =	sshrl.u32 s1, $0x2  }
0xb9: {  	s3 =	sand.u32 $0x4000, s31;
	s1 =	sadd.s32 s1, s30  }
0xba: {  	s0 =	sor.u32 s3, s0;
	s1 =	sshll.u32 s1, $0x11  }
0xbb: {  	s0 =	sor.u32 s1, s0  }
0xbc: {  	s0 =	sadd.s32 $0x8F2B, s0  }
0xbd: {  	[sflag:s0] =	ssyncadd.remote.s32 $0x1  }
0xbe: {  	_ =	sfence.sel $0xFFFF  }
0xbf: {  	[dreg:$0x0] =	wrdreg $0xFFFFFFFF;
	(pc) =	sbr.abs _section_cstart, $3  }
0xc0: {  	[dreg:$0x1] =	wrdreg $0xFFFFFFFF  }
0xc1: {  	_ =	task.clear_ibuf [dreg:s6], $0x2FFFF;
	_ =	strace $0x9FFFFFFF  }
0xc2: {  	(tm) =	ssettm $0x7FFFFFFF  }
0xc3: {  	_ =	shalt  }
tec
execute0_lowered:
.L_overlay_start_1:
0x0: {  	(tag) =	ssettag $0x1  }
0x1: {  	s1 =	srdreg.scid;
	s4 =	rddreg [dreg:$0x0]  }
0x2: {  	s0 =	stileid.u32;
	s2 =	rddreg [dreg:$0x1];
	s3 =	simm.s32 $0x0  }
0x3: {  	s10 =	simm.s32 $0x80;
	s11 =	simm.s32 $0x1400;
	s5 =	sand.u32 $0x1, s1  }
0x4: {  	s6 =	smul.u32 $0x2780, s0;
	s7 =	sshll.u32 s0, $0x1;
	s1 =	rddreg [dreg:$0x2]  }
0x5: {  	[smem:$0x7FF] =	sst s3;
	s12 =	sshll.u32 s0, $0x6;
	s8 =	smul.u32 $0x27800, s5  }
0x6: {  	s7 =	sor.u32 s5, s7;
	_ =	strace $0x80000047;
	s5 =	ssub.s32 $0x2, s5  }
0x7: {  	s7 =	smul.u32 $0x280, s7;
	s31 =	sshrl.u32 s5, $0x1;
	s8 =	sadd.s32 s6, s8  }
0x8: {  	s12 =	sor.u32 $0x1C01, s12;
	s9 =	ssub.s32 s5, s31;
	s8 =	sshrl.u32 s8, $0x3  }
0x9: {  	s7 =	sadd.s32 s7, s4;
	s8 =	sadd.s32 s8, s4;
	s4 =	sadd.s32 s6, s2  }
0xa: {  	s5 =	sadd.s32 $0xF800, s7;
	s7 =	smax.u32 s9, $0x1;
	s9 =	simm.s32 $0x1  }
0xb: {  	v0 =	vimm.f32 $0.0e+00;
	v1 =	vimm.f32 $1.000000000e+00;
	s6 =	sadd.s32 $0x14800, s8;
	s8 =	simm.s32 $0x1C00;
	s13 =	sshrl.u32 s4, $0x3  }
.LBB2_1:
0xc: {  	s14 =	simm.s32 $0x0  }
.LBB2_2:
0xd: {  	p0 =	sne.s32 s14, $0x9DC0  }
.Ltmp0:
0xe: {  	_ = 	snop;
	(pc) =	sbr.rel @p0 .LBB2_2-.Ltmp0, $3  }
0xf: {  	_ =	sdelay $0x1  }
0x10: {  	s15 =	sshra.s32 s14, $0x2  }
0x11: {  	s14 =	sadd.s32 $0x40, s14;
	[tilespmem:s15+$0x1C00] =	vst v0  }
0x12: {  	s14 =	simm.s32 $0x40;
	s15 =	simm.s32 $0x0  }
.LBB2_4:
0x13: {  	p0 =	sne.s32 s14, $0x1FC0;
	[tilespmem:s15+$0x1400] =	vst v1;
	s15 =	smov.u32 s14;
	s14 =	sadd.s32 $0x40, s14  }
.Ltmp1:
0x14: {  	(pc) =	sbr.rel @p0 .LBB2_4-.Ltmp1, $2  }
0x15: {  	_ =	sdelay $0x2  }
0x16: {  	s15 =	sshra.s32 s15, $0x2  }
0x17: {  	[tilespmem:s15+$0x1400] =	vst v1  }
0x18: {  	[spmem:s4] =	stream.linear.scatter [tilespmem:s8], [sflag:$0x1], $0x2780, $0x38;
	[tilespmem:$0x6B00] =	vst v63  }
0x19: {  	_ =	swait.ge [sflag:s9], $0x2780  }
0x1a: {  	[sflag:s9] =	ssyncset.done $0x0  }
0x1b: {  	[sflag:s9] =	ssyncadd.s32 $0xFFFFD880  }
0x1c: {  	s14 =	simm.s32 $0x0;
	[bflag:$0x0] =	sbarrier.arrive $0xFFFF  }
0x1d: {  	[tilespmem:s14], [sflag:$0x1] =	stream.linear.gather [hbm4b:s5+s14], $0x1400, $0x38;
	[tilespmem:$0x6B00] =	vst v63  }
0x1e: {  	_ =	swait.ge [sflag:s9], $0x1400  }
0x1f: {  	[sflag:s9] =	ssyncset.done $0x0  }
0x20: {  	s31 =	simm.s32 $0x0;
	[sflag:s9] =	ssyncadd.s32 $0xFFFFEC00  }
0x21: {  	[spmem:s2] =	stream.indirect.scatter.add.f32 [tilespmem:s11], [sflag:$0x1], $0x10, s31, s10, $0xb8;
	[tilespmem:$0x6B00] =	vst v63  }
0x22: {  	_ =	swait.ge [sflag:s9], $0x800  }
0x23: {  	s14 =	simm.s32 $0x200;
	[sflag:s9] =	ssyncset.done $0x0  }
.LBB2_6:
0x24: {  	s15 =	sshra.s32 s14, $0x2;
	[sflag:s9] =	ssyncadd.s32 $0xFFFFF800;
	p0 =	sne.s32 s14, $0x4E00  }
0x25: {  	[spmem:s2] =	stream.indirect.scatter.add.f32 [tilespmem:s11], [sflag:$0x1], $0x10, s15, s10, $0xb8;
	[tilespmem:$0x6B00] =	vst v63  }
.Ltmp2:
0x26: {  	_ = 	snop;
	(pc) =	sbr.rel @p0 .LBB2_6-.Ltmp2, $4  }
0x27: {  	_ = 	snop  }
0x28: {  	s14 =	sadd.s32 $0x200, s14  }
0x29: {  	_ =	swait.ge [sflag:s9], $0x800  }
0x2a: {  	[sflag:s9] =	ssyncset.done $0x0  }
0x2b: {  	s3 =	sadd.s32 $0x1, s3  }
0x2c: {  	[sflag:s9] =	ssyncadd.s32 $0xFFFFF800;
	p0 =	sne.s32 s3, s7  }
.Ltmp3:
0x2d: {  	[bflag:$0x0] =	sbarrier.arrive $0xFFFF;
	(pc) =	sbr.rel @p0 .LBB2_1-.Ltmp3, $4  }
0x2e: {  	[hbm:s6], [sflag:s12] =	dma.local [spmem:s13], $0x4F0  }
0x2f: {  	_ =	swait.ge [sflag:s9], $0x4F0  }
0x30: {  	[sflag:s9] =	ssyncset.done $0x0  }
0x31: {  	[sflag:s9] =	ssyncadd.s32 $0xFFFFFB10  }
0x32: {  	_ =	sfence.sel $0x180000  }
0x33: {  	[bflag:$0x0] =	sbarrier.arrive $0xFFFF  }
0x34: {  	p0 =	sne.s32 s0, $0x0;
	_ =	strace $0x90000047  }
0x35: {  	s0 =	sadd.s32 @!p0 $0x100000, s1;
	[bflag:$0x2] =	sbarrier.arrive $0xFFFF  }
0x36: {  	[sflag:s0] =	ssyncadd.tile.s32 @!p0 $0x1;
	_ =	shalt  }
.Lfunc_end2:
_tile_overlayer_lowered:
.L_overlay_start_2:
0x37: {  	(tag) =	ssettag $0x2  }
0x38: {  	s0 =	rddreg [dreg:$0x0];
	s2 =	stileid.u32  }
0x39: {  	s1 =	rddreg [dreg:$0x1];
	p0 =	sne.s32 s2, $0x0  }
0x3a: {  	s3 =	rddreg [dreg:$0x2];
	[bflag:$0x3] =	sbarrier.arrive $0xFFFF;
	s2 =	simm.s32 @!p0 $0x1C01  }
0x3b: {  	[timem:s3], [sflag:s2] =	dma.local @!p0 [hbm:s0], s1  }
0x3c: {  	s0 =	simm.s32 @!p0 $0x1  }
0x3d: {  	_ =	swait.ge @!p0 [sflag:s0], s1  }
0x3e: {  	s1 =	ssub.s32 @!p0 $0x0, s1;
	[sflag:s0] =	ssyncset.done @!p0 $0x0  }
0x3f: {  	[sflag:s0] =	ssyncadd.s32 @!p0 s1  }
0x40: {  	[bflag:$0x3] =	sbarrier.arrive $0xFFFF  }
0x41: {  	_ =	shalt  }

// kernel: kernel.26.cloned.1.call-start
scs
__scs_entry_jumppad:
0x0: {  	(pc) =	sbr.rel $0x88, $3  }
0x1: {  	(tag) =	ssettag $0x0;
	lr =	simm.s32 $0x1  }
0x2: {  	[smem:$0x3F7A] =	sst lr;
	_ =	strace $0xD0000000  }
0x3: {  	_ = 	snop  }
0x4: {  	_ = 	snop  }
0x5: {  	_ = 	snop  }
0x6: {  	_ = 	snop  }
0x7: {  	_ = 	snop  }
__scs_overlays_trampoline_lowered:
0x8: {  	[smem:$0x3F89] =	sst s0  }
0x9: {  	[smem:$0x3F8A] =	sst s1  }
0xa: {  	[smem:$0x3F8B] =	sst s2  }
0xb: {  	[smem:$0x3F8C] =	sst s3  }
0xc: {  	[smem:$0x3F8D] =	sst s4  }
0xd: {  	[smem:$0x3F8E] =	sst s5  }
0xe: {  	[smem:$0x3F8F] =	sst s6  }
0xf: {  	[smem:$0x3F90] =	sst s7  }
0x10: {  	[smem:$0x3F91] =	sst s8  }
0x11: {  	[smem:$0x3F92] =	sst s9;
	s0 =	simm.s32 @!p0 $0x0  }
0x12: {  	s1 =	sld [smem:$0x3F78];
	s0 =	simm.s32 @p0 $0x1  }
0x13: {  	[smem:$0x3F93] =	sst s0;
	s0 =	simm.s32 @!p1 $0x0  }
0x14: {  	s2 =	sld [smem:$0x3F77];
	s0 =	simm.s32 @p1 $0x1  }
0x15: {  	[smem:$0x3F94] =	sst s0;
	s0 =	simm.s32 @!p2 $0x0  }
0x16: {  	s3 =	sld [smem:$0x3FDB];
	s0 =	simm.s32 @p2 $0x1  }
0x17: {  	s4 =	simm.s32 $0x1BF5;
	[smem:$0x3F96] =	sst s0  }
0x18: {  	s0 =	sld [smem:$0x3F79];
	_ =	swait.ge [sflag:s4], $0x0  }
0x19: {  	s7 =	sld [smem:$0x3F7A]  }
0x1a: {  	s8 =	sadd.s32 $0xFFFFE003, lr  }
0x1b: {  	s9 =	sadd.s32 $0xFFFFFEF7, lr;
	s5 =	simm.s32 $0xFFFFFFFF;
	p2 =	slt.u32 s8, $0xFFFFF086  }
0x1c: {  	p1 =	slt.u32 s9, $0xF7A;
	s5 =	simm.s32 @!p2 $0x0  }
0x1d: {  	s5 =	simm.s32 @p1 $0x1;
	p0 =	seq.s32 s7, s2  }
0x1e: {  	s7 =	smul.u32 @!p0 $0xF7A, s2;
	p2 =	seq.s32 @!p0 s5, $0x0  }
0x1f: {  	s9 =	smul.u32 $0xF7A, s1;
	s8 =	simm.s32 @!p0 $0x1BF5;
	p2 =	por !p2, p0  }
0x20: {  	[sflag:s8] =	ssyncset.s32 @!p0 $0xFFFFF086;
	s6 =	sadd.s32 @!p0 s3, s7;
	s7 =	simm.s32 @!p0 $0x108  }
0x21: {  	s3 =	sadd.s32 s3, s9;
	s6 =	sadd.s32 @!p0 $0x88, s6;
	s7 =	simm.s32 @p2 $0x1082  }
0x22: {  	[simem:s7], [sflag:s8] =	dma.local @!p0 [hbm:s6], $0xF7A  }
0x23: {  	s9 =	sor.u32 $0xD0000000, s2;
	s6 =	simm.s32 $0x108;
	_ =	swait.ge @!p0 [sflag:s8], $0x0  }
0x24: {  	s3 =	sadd.s32 $0x88, s3;
	s6 =	simm.s32 @!p1 $0x1082;
	[sflag:s4] =	ssyncset.s32 $0xFFFFF086  }
0x25: {  	[simem:s6], [sflag:s4] =	dma.local [hbm:s3], $0xF7A  }
0x26: {  	[smem:$0x3F7A] =	sst s1;
	(tag) =	ssettag s2;
	_ =	strace s9  }
0x27: {  	s1 =	sld [smem:$0x3F8A]  }
0x28: {  	s2 =	sld [smem:$0x3F8B]  }
0x29: {  	s4 =	sld [smem:$0x3F8D]  }
0x2a: {  	p0 =	seq.s32 s5, $0x0;
	s5 =	sld [smem:$0x3F8E]  }
0x2b: {  	s6 =	sld [smem:$0x3F8F]  }
0x2c: {  	s7 =	sld [smem:$0x3F90]  }
0x2d: {  	s3 =	simm.s32 $0x108;
	s8 =	sld [smem:$0x3F91]  }
0x2e: {  	s3 =	simm.s32 @!p0 $0x1082;
	s9 =	sld [smem:$0x3F92]  }
0x2f: {  	lr =	sadd.s32 s0, s3;
	s0 =	sld [smem:$0x3F89]  }
0x30: {  	s3 =	sld [smem:$0x3F8C]  }
0x31: {  	[smem:$0x3F95] =	sst s10  }
0x32: {  	s10 =	sld [smem:$0x3F93];
	_ =	sdelay $0x3  }
0x33: {  	p0 =	seq.s32 s10, $0x1;
	s10 =	sld [smem:$0x3F95];
	_ =	sdelay $0x3  }
0x34: {  	[smem:$0x3F95] =	sst s10  }
0x35: {  	s10 =	sld [smem:$0x3F94];
	_ =	sdelay $0x3  }
0x36: {  	p1 =	seq.s32 s10, $0x1;
	s10 =	sld [smem:$0x3F95];
	_ =	sdelay $0x3  }
0x37: {  	[smem:$0x3F95] =	sst s10  }
0x38: {  	s10 =	sld [smem:$0x3F96]  }
0x39: {  	_ = 	snop;
	(pc) =	sbr.ind lr, $3  }
0x3a: {  	_ = 	snop  }
0x3b: {  	_ = 	snop  }
0x3c: {  	p2 =	seq.s32 s10, $0x1;
	s10 =	sld [smem:$0x3F95]  }
0x3d: {  	_ =	shalt  }
0x3e: {  	_ =	shalt  }
0x3f: {  	_ =	shalt  }
0x40: {  	_ =	shalt  }
0x41: {  	_ =	shalt  }
0x42: {  	_ =	shalt  }
0x43: {  	_ =	shalt  }
0x44: {  	_ =	shalt  }
0x45: {  	_ =	shalt  }
0x46: {  	_ =	shalt  }
0x47: {  	_ =	shalt  }
0x48: {  	_ =	shalt  }
0x49: {  	_ =	shalt  }
0x4a: {  	_ =	shalt  }
0x4b: {  	_ =	shalt  }
0x4c: {  	_ =	shalt  }
0x4d: {  	_ =	shalt  }
0x4e: {  	_ =	shalt  }
0x4f: {  	_ =	shalt  }
0x50: {  	_ =	shalt  }
0x51: {  	_ =	shalt  }
0x52: {  	_ =	shalt  }
0x53: {  	_ =	shalt  }
0x54: {  	_ =	shalt  }
0x55: {  	_ =	shalt  }
0x56: {  	_ =	shalt  }
0x57: {  	_ =	shalt  }
0x58: {  	_ =	shalt  }
0x59: {  	_ =	shalt  }
0x5a: {  	_ =	shalt  }
0x5b: {  	_ =	shalt  }
0x5c: {  	_ =	shalt  }
0x5d: {  	_ =	shalt  }
0x5e: {  	_ =	shalt  }
0x5f: {  	_ =	shalt  }
0x60: {  	_ =	shalt  }
0x61: {  	_ =	shalt  }
0x62: {  	_ =	shalt  }
0x63: {  	_ =	shalt  }
0x64: {  	_ =	shalt  }
0x65: {  	_ =	shalt  }
0x66: {  	_ =	shalt  }
0x67: {  	_ =	shalt  }
0x68: {  	_ =	shalt  }
0x69: {  	_ =	shalt  }
0x6a: {  	_ =	shalt  }
0x6b: {  	_ =	shalt  }
0x6c: {  	_ =	shalt  }
0x6d: {  	_ =	shalt  }
0x6e: {  	_ =	shalt  }
0x6f: {  	_ =	shalt  }
0x70: {  	_ =	shalt  }
0x71: {  	_ =	shalt  }
0x72: {  	_ =	shalt  }
0x73: {  	_ =	shalt  }
0x74: {  	_ =	shalt  }
0x75: {  	_ =	shalt  }
0x76: {  	_ =	shalt  }
0x77: {  	_ =	shalt  }
0x78: {  	_ =	shalt  }
0x79: {  	_ =	shalt  }
0x7a: {  	_ =	shalt  }
0x7b: {  	_ =	shalt  }
0x7c: {  	_ =	shalt  }
0x7d: {  	_ =	shalt  }
0x7e: {  	_ =	shalt  }
0x7f: {  	_ =	shalt  }
0x80: {  	_ =	shalt  }
0x81: {  	_ =	shalt  }
0x82: {  	_ =	shalt  }
0x83: {  	_ =	shalt  }
0x84: {  	_ =	shalt  }
0x85: {  	_ =	shalt  }
0x86: {  	_ =	shalt  }
0x87: {  	_ =	shalt  }
.Lfunc_end0:
.L_simem_size_0:
called_computation.1_lowered:
.L_overlay_start_0:
0x88: {  	s2 =	sld [smem:$0x3FD9]  }
0x89: {  	s3 =	sld [smem:$0x3FFE];
	_ =	sdelay $0x1  }
0x8a: {  	s1 =	srdreg.scid  }
0x8b: {  	s0 =	sand.u32 $0x1, s1  }
0x8c: {  	s16 =	sshll.u32 s0, $0xA;
	s2 =	sadd.s32 s3, s2  }
0x8d: {  	s2 =	sadd.s32 s2, s16  }
0x8e: {  	[smem:$0x3FA1] =	sst s2  }
0x8f: {  	_ = 	snop  }
0x90: {  	(tm) =	ssettm $0x1  }
0x91: {  	s17 =	sld [smem:$0x3FFB];
	_ =	sdelay $0x3  }
0x92: {  	_ =	strace s17  }
0x93: {  	s2 =	sld [smem:$0x3FFC];
	_ =	sdelay $0x3  }
0x94: {  	_ =	strace s2  }
0x95: {  	s2 =	sld [smem:$0x3FFD];
	_ =	sdelay $0x3  }
0x96: {  	_ =	strace s2  }
0x97: {  	_ =	strace $0x8FFFFFFF  }
0x98: {  	s18 =	sld [smem:$0x3FDB];
	_ =	sdelay $0x1  }
0x99: {  	s19 =	simm.s32 $_scs_section_size  }
0x9a: {  	s4 =	simm.s32 $_size__tile_overlayer_lowered;
	s5 =	simm.s32 $_tile_overlayer_lowered  }
0x9b: {  	s22 =	simm.s32 $0x1BFF;
	s21 =	sshll.u32 s5, $0x1;
	s2 =	sadd.s32 s19, s18  }
0x9c: {  	s6 =	simm.s32 $0x0;
	s20 =	sshll.u32 s4, $0x1;
	s4 =	sadd.s32 s21, s2  }
0x9d: {  	[timem:s6], [sflag:s22] =	dma.local [hbm:s4], s20  }
0x9e: {  	_ =	swait.ge [sflag:s22], s20  }
0x9f: {  	s3 =	ssub.s32 $0x0, s20;
	[sflag:s22] =	ssyncset.done $0x0  }
0xa0: {  	[sflag:s22] =	ssyncadd.s32 s3;
	_ =	sdelay $0x1  }
0xa1: {  	s23 =	simm.s32 $0x1B8B  }
0xa2: {  	_ =	swait.ge [sflag:s23], $0x1  }
0xa3: {  	[sflag:s23] =	ssyncset.done $0x0  }
0xa4: {  	s25 =	simm.s32 $0x1B8E;
	s24 =	sld [smem:$0x3FFE];
	[sflag:s23] =	ssyncadd.s32 $0xFFFFFFFF  }
0xa5: {  	s26 =	simm.s32 $execute0_lowered;
	[smem:$0x3FD2] =	sst s25  }
0xa6: {  	s4 =	sshll.u32 s26, $0x1;
	_ =	strace $0x80000049;
	[dreg:$0x1] =	wrdreg $0xFFFFFFFF  }
0xa7: {  	s28 =	simm.s32 $_size_execute0_lowered;
	s2 =	sadd.s32 s2, s4;
	[dreg:$0x0] =	wrdreg $0x0  }
0xa8: {  	s4 =	sshll.u32 s28, $0x1;
	[dreg:$0x2] =	wrdreg s2  }
0xa9: {  	[dreg:$0x3] =	wrdreg s4  }
0xaa: {  	[dreg:$0x4] =	wrdreg $0xC0  }
0xab: {  	_ =	task [dreg:s6], $0x5FFFF  }
0xac: {  	[dreg:$0x1] =	wrdreg $0xFFFFFFFF  }
0xad: {  	[dreg:$0x0] =	wrdreg $0x60  }
0xae: {  	[dreg:$0x2] =	wrdreg s24  }
0xaf: {  	[dreg:$0x3] =	wrdreg $0x9  }
0xb0: {  	_ =	task.clear_ibuf [dreg:s6], $0x4FFFF;
	_ =	strace $0x90000049  }
0xb1: {  	s29 =	simm.s32 $0x9;
	_ =	strace $0x8000004B  }
0xb2: {  	_ =	swait.ge [sflag:s29], $0x1  }
0xb3: {  	[sflag:s29] =	ssyncadd.s32 $0xFFFFFFFF  }
0xb4: {  	_ =	strace $0x9000004B  }
0xb5: {  	_ =	sfence  }
0xb6: {  	s30 =	sld [smem:$0x0];
	_ =	sdelay $0x2  }
0xb7: {  	s31 =	sshll.u32 s1, $0xD;
	s1 =	sshrl.u32 s1, $0x2  }
0xb8: {  	s3 =	sand.u32 $0x4000, s31;
	s1 =	sadd.s32 s1, s30  }
0xb9: {  	s0 =	sor.u32 s3, s0;
	s1 =	sshll.u32 s1, $0x11  }
0xba: {  	s0 =	sor.u32 s1, s0  }
0xbb: {  	s0 =	sadd.s32 $0x8F2B, s0  }
0xbc: {  	[sflag:s0] =	ssyncadd.remote.s32 $0x1  }
0xbd: {  	_ =	sfence.sel $0xFFFF  }
0xbe: {  	[dreg:$0x0] =	wrdreg $0xFFFFFFFF;
	(pc) =	sbr.abs _section_cstart, $3  }
0xbf: {  	[dreg:$0x1] =	wrdreg $0xFFFFFFFF  }
0xc0: {  	_ =	task.clear_ibuf [dreg:s6], $0x2FFFF;
	_ =	strace $0x9FFFFFFF  }
0xc1: {  	(tm) =	ssettm $0x7FFFFFFF  }
tec
execute0_lowered:
.L_overlay_start_1:
0x0: {  	(tag) =	ssettag $0x1  }
0x1: {  	s1 =	srdreg.scid;
	s0 =	stileid.u32  }
0x2: {  	s5 =	rddreg [dreg:$0x0];
	s2 =	simm.s32 $0x0;
	s8 =	simm.s32 $0x80  }
0x3: {  	s9 =	simm.s32 $0x2;
	s4 =	sand.u32 $0x1, s1;
	s30 =	sshll.u32 s0, $0x1  }
0x4: {  	s10 =	simm.s32 $0x1400;
	s1 =	rddreg [dreg:$0x1];
	s3 =	sor.u32 s4, s30  }
0x5: {  	s11 =	simm.s32 $0x0;
	[smem:$0x7FF] =	sst s2;
	s6 =	smul.u32 $0x280, s3  }
0x6: {  	_ =	strace $0x8000004A;
	s4 =	ssub.s32 $0x2, s4;
	s7 =	smul.u32 $0x2710, s3  }
0x7: {  	s3 =	sadd.s32 $0x14800, s5;
	s31 =	sshrl.u32 s4, $0x1;
	s6 =	sadd.s32 s6, s5  }
0x8: {  	s5 =	sadd.s32 s7, s5;
	s7 =	ssub.s32 s4, s31;
	s4 =	sadd.s32 $0x1E600, s6  }
0x9: {  	s5 =	sadd.s32 $0x23600, s5;
	s6 =	smax.u32 s7, $0x1;
	s7 =	simm.s32 $0x1  }
.LBB2_1:
0xa: {  	[tilespmem:s2], [sflag:$0x1] =	stream.linear.gather [hbm4b:s4+s2], $0x1400, $0x38;
	[tilespmem:$0x15400] =	vst v63  }
0xb: {  	_ =	swait.ge [sflag:s7], $0x1400  }
0xc: {  	[sflag:s7] =	ssyncset.done $0x0  }
0xd: {  	s12 =	simm.s32 $0x1400;
	s13 =	simm.s32 $0x0;
	[sflag:s7] =	ssyncadd.s32 $0xFFFFEC00  }
.LBB2_2:
0xe: {  	p0 =	sne.s32 s13, $0x4E00  }
.Ltmp0:
0xf: {  	_ = 	snop;
	(pc) =	sbr.rel @p0 .LBB2_2-.Ltmp0, $4  }
0x10: {  	_ = 	snop  }
0x11: {  	s14 =	sshra.s32 s13, $0x2  }
0x12: {  	[tilespmem:s12], [sflag:$0x2] =	stream.indirect.gather [hbm4b:s3+s8], $0x10, s14, s8, $0xb8;
	[tilespmem:$0x15400] =	vst v63  }
0x13: {  	s13 =	sadd.s32 $0x200, s13;
	s12 =	sadd.s32 $0x800, s12  }
0x14: {  	_ =	swait.ge [sflag:s9], $0x800  }
0x15: {  	s12 =	simm.s32 $0x27;
	[sflag:s9] =	ssyncset.done $0x0  }
.LBB2_4:
0x16: {  	p0 =	sne.s32 s12, $0x1;
	s12 =	sadd.s32 $0xFFFFFFFF, s12;
	[sflag:s9] =	ssyncadd.s32 $0xFFFFF800  }
.Ltmp1:
0x17: {  	(pc) =	sbr.rel @p0 .LBB2_4-.Ltmp1, $3  }
0x18: {  	_ =	sdelay $0x1  }
0x19: {  	_ =	swait.ge [sflag:s9], $0x800  }
0x1a: {  	[sflag:s9] =	ssyncset.done $0x0  }
0x1b: {  	s11 =	sadd.s32 $0x1, s11  }
0x1c: {  	p0 =	sne.s32 s11, s6  }
.Ltmp2:
0x1d: {  	[sflag:s9] =	ssyncadd.s32 $0xFFFFF800;
	(pc) =	sbr.rel @p0 .LBB2_1-.Ltmp2, $4  }
0x1e: {  	[hbm4b:s5+s2] =	stream.linear.scatter [tilespmem:s10], [sflag:$0x1], $0x13880, $0x38;
	[tilespmem:$0x15400] =	vst v63  }
0x1f: {  	_ =	swait.ge [sflag:s7], $0x13880  }
0x20: {  	[sflag:s7] =	ssyncset.done $0x0  }
0x21: {  	[sflag:s7] =	ssyncadd.s32 $0xFFFEC780  }
0x22: {  	_ =	sfence.sel $0x180000  }
0x23: {  	[bflag:$0x0] =	sbarrier.arrive $0xFFFF  }
0x24: {  	p0 =	sne.s32 s0, $0x0;
	_ =	strace $0x9000004A  }
0x25: {  	s0 =	sadd.s32 @!p0 $0x100000, s1;
	[bflag:$0x2] =	sbarrier.arrive $0xFFFF  }
0x26: {  	[sflag:s0] =	ssyncadd.tile.s32 @!p0 $0x1;
	_ =	shalt  }
.Lfunc_end2:
_tile_overlayer_lowered:
.L_overlay_start_2:
0x27: {  	(tag) =	ssettag $0x2  }
0x28: {  	s0 =	rddreg [dreg:$0x0];
	s2 =	stileid.u32  }
0x29: {  	s1 =	rddreg [dreg:$0x1];
	p0 =	sne.s32 s2, $0x0  }
0x2a: {  	s3 =	rddreg [dreg:$0x2];
	[bflag:$0x3] =	sbarrier.arrive $0xFFFF;
	s2 =	simm.s32 @!p0 $0x1C03  }
0x2b: {  	[timem:s3], [sflag:s2] =	dma.local @!p0 [hbm:s0], s1  }
0x2c: {  	s0 =	simm.s32 @!p0 $0x3  }
0x2d: {  	_ =	swait.ge @!p0 [sflag:s0], s1  }
0x2e: {  	s1 =	ssub.s32 @!p0 $0x0, s1;
	[sflag:s0] =	ssyncset.done @!p0 $0x0  }
0x2f: {  	[sflag:s0] =	ssyncadd.s32 @!p0 s1  }
0x30: {  	[bflag:$0x3] =	sbarrier.arrive $0xFFFF  }
0x31: {  	_ =	shalt  }

// kernel: kernel.29.cloned.1.call-start
scs
__scs_entry_jumppad:
0x0: {  	(pc) =	sbr.rel $0x88, $3  }
0x1: {  	(tag) =	ssettag $0x0;
	lr =	simm.s32 $0x1  }
0x2: {  	[smem:$0x3F7A] =	sst lr;
	_ =	strace $0xD0000000  }
0x3: {  	_ = 	snop  }
0x4: {  	_ = 	snop  }
0x5: {  	_ = 	snop  }
0x6: {  	_ = 	snop  }
0x7: {  	_ = 	snop  }
__scs_overlays_trampoline_lowered:
0x8: {  	[smem:$0x3F89] =	sst s0  }
0x9: {  	[smem:$0x3F8A] =	sst s1  }
0xa: {  	[smem:$0x3F8B] =	sst s2  }
0xb: {  	[smem:$0x3F8C] =	sst s3  }
0xc: {  	[smem:$0x3F8D] =	sst s4  }
0xd: {  	[smem:$0x3F8E] =	sst s5  }
0xe: {  	[smem:$0x3F8F] =	sst s6  }
0xf: {  	[smem:$0x3F90] =	sst s7  }
0x10: {  	[smem:$0x3F91] =	sst s8  }
0x11: {  	[smem:$0x3F92] =	sst s9;
	s0 =	simm.s32 @!p0 $0x0  }
0x12: {  	s1 =	sld [smem:$0x3F78];
	s0 =	simm.s32 @p0 $0x1  }
0x13: {  	[smem:$0x3F93] =	sst s0;
	s0 =	simm.s32 @!p1 $0x0  }
0x14: {  	s2 =	sld [smem:$0x3F77];
	s0 =	simm.s32 @p1 $0x1  }
0x15: {  	[smem:$0x3F94] =	sst s0;
	s0 =	simm.s32 @!p2 $0x0  }
0x16: {  	s3 =	sld [smem:$0x3FDB];
	s0 =	simm.s32 @p2 $0x1  }
0x17: {  	s4 =	simm.s32 $0x1BF5;
	[smem:$0x3F96] =	sst s0  }
0x18: {  	s0 =	sld [smem:$0x3F79];
	_ =	swait.ge [sflag:s4], $0x0  }
0x19: {  	s7 =	sld [smem:$0x3F7A]  }
0x1a: {  	s8 =	sadd.s32 $0xFFFFE003, lr  }
0x1b: {  	s9 =	sadd.s32 $0xFFFFFEF7, lr;
	s5 =	simm.s32 $0xFFFFFFFF;
	p2 =	slt.u32 s8, $0xFFFFF086  }
0x1c: {  	p1 =	slt.u32 s9, $0xF7A;
	s5 =	simm.s32 @!p2 $0x0  }
0x1d: {  	s5 =	simm.s32 @p1 $0x1;
	p0 =	seq.s32 s7, s2  }
0x1e: {  	s7 =	smul.u32 @!p0 $0xF7A, s2;
	p2 =	seq.s32 @!p0 s5, $0x0  }
0x1f: {  	s9 =	smul.u32 $0xF7A, s1;
	s8 =	simm.s32 @!p0 $0x1BF5;
	p2 =	por !p2, p0  }
0x20: {  	[sflag:s8] =	ssyncset.s32 @!p0 $0xFFFFF086;
	s6 =	sadd.s32 @!p0 s3, s7;
	s7 =	simm.s32 @!p0 $0x108  }
0x21: {  	s3 =	sadd.s32 s3, s9;
	s6 =	sadd.s32 @!p0 $0x88, s6;
	s7 =	simm.s32 @p2 $0x1082  }
0x22: {  	[simem:s7], [sflag:s8] =	dma.local @!p0 [hbm:s6], $0xF7A  }
0x23: {  	s9 =	sor.u32 $0xD0000000, s2;
	s6 =	simm.s32 $0x108;
	_ =	swait.ge @!p0 [sflag:s8], $0x0  }
0x24: {  	s3 =	sadd.s32 $0x88, s3;
	s6 =	simm.s32 @!p1 $0x1082;
	[sflag:s4] =	ssyncset.s32 $0xFFFFF086  }
0x25: {  	[simem:s6], [sflag:s4] =	dma.local [hbm:s3], $0xF7A  }
0x26: {  	[smem:$0x3F7A] =	sst s1;
	(tag) =	ssettag s2;
	_ =	strace s9  }
0x27: {  	s1 =	sld [smem:$0x3F8A]  }
0x28: {  	s2 =	sld [smem:$0x3F8B]  }
0x29: {  	s4 =	sld [smem:$0x3F8D]  }
0x2a: {  	p0 =	seq.s32 s5, $0x0;
	s5 =	sld [smem:$0x3F8E]  }
0x2b: {  	s6 =	sld [smem:$0x3F8F]  }
0x2c: {  	s7 =	sld [smem:$0x3F90]  }
0x2d: {  	s3 =	simm.s32 $0x108;
	s8 =	sld [smem:$0x3F91]  }
0x2e: {  	s3 =	simm.s32 @!p0 $0x1082;
	s9 =	sld [smem:$0x3F92]  }
0x2f: {  	lr =	sadd.s32 s0, s3;
	s0 =	sld [smem:$0x3F89]  }
0x30: {  	s3 =	sld [smem:$0x3F8C]  }
0x31: {  	[smem:$0x3F95] =	sst s10  }
0x32: {  	s10 =	sld [smem:$0x3F93];
	_ =	sdelay $0x3  }
0x33: {  	p0 =	seq.s32 s10, $0x1;
	s10 =	sld [smem:$0x3F95];
	_ =	sdelay $0x3  }
0x34: {  	[smem:$0x3F95] =	sst s10  }
0x35: {  	s10 =	sld [smem:$0x3F94];
	_ =	sdelay $0x3  }
0x36: {  	p1 =	seq.s32 s10, $0x1;
	s10 =	sld [smem:$0x3F95];
	_ =	sdelay $0x3  }
0x37: {  	[smem:$0x3F95] =	sst s10  }
0x38: {  	s10 =	sld [smem:$0x3F96]  }
0x39: {  	_ = 	snop;
	(pc) =	sbr.ind lr, $3  }
0x3a: {  	_ = 	snop  }
0x3b: {  	_ = 	snop  }
0x3c: {  	p2 =	seq.s32 s10, $0x1;
	s10 =	sld [smem:$0x3F95]  }
0x3d: {  	_ =	shalt  }
0x3e: {  	_ =	shalt  }
0x3f: {  	_ =	shalt  }
0x40: {  	_ =	shalt  }
0x41: {  	_ =	shalt  }
0x42: {  	_ =	shalt  }
0x43: {  	_ =	shalt  }
0x44: {  	_ =	shalt  }
0x45: {  	_ =	shalt  }
0x46: {  	_ =	shalt  }
0x47: {  	_ =	shalt  }
0x48: {  	_ =	shalt  }
0x49: {  	_ =	shalt  }
0x4a: {  	_ =	shalt  }
0x4b: {  	_ =	shalt  }
0x4c: {  	_ =	shalt  }
0x4d: {  	_ =	shalt  }
0x4e: {  	_ =	shalt  }
0x4f: {  	_ =	shalt  }
0x50: {  	_ =	shalt  }
0x51: {  	_ =	shalt  }
0x52: {  	_ =	shalt  }
0x53: {  	_ =	shalt  }
0x54: {  	_ =	shalt  }
0x55: {  	_ =	shalt  }
0x56: {  	_ =	shalt  }
0x57: {  	_ =	shalt  }
0x58: {  	_ =	shalt  }
0x59: {  	_ =	shalt  }
0x5a: {  	_ =	shalt  }
0x5b: {  	_ =	shalt  }
0x5c: {  	_ =	shalt  }
0x5d: {  	_ =	shalt  }
0x5e: {  	_ =	shalt  }
0x5f: {  	_ =	shalt  }
0x60: {  	_ =	shalt  }
0x61: {  	_ =	shalt  }
0x62: {  	_ =	shalt  }
0x63: {  	_ =	shalt  }
0x64: {  	_ =	shalt  }
0x65: {  	_ =	shalt  }
0x66: {  	_ =	shalt  }
0x67: {  	_ =	shalt  }
0x68: {  	_ =	shalt  }
0x69: {  	_ =	shalt  }
0x6a: {  	_ =	shalt  }
0x6b: {  	_ =	shalt  }
0x6c: {  	_ =	shalt  }
0x6d: {  	_ =	shalt  }
0x6e: {  	_ =	shalt  }
0x6f: {  	_ =	shalt  }
0x70: {  	_ =	shalt  }
0x71: {  	_ =	shalt  }
0x72: {  	_ =	shalt  }
0x73: {  	_ =	shalt  }
0x74: {  	_ =	shalt  }
0x75: {  	_ =	shalt  }
0x76: {  	_ =	shalt  }
0x77: {  	_ =	shalt  }
0x78: {  	_ =	shalt  }
0x79: {  	_ =	shalt  }
0x7a: {  	_ =	shalt  }
0x7b: {  	_ =	shalt  }
0x7c: {  	_ =	shalt  }
0x7d: {  	_ =	shalt  }
0x7e: {  	_ =	shalt  }
0x7f: {  	_ =	shalt  }
0x80: {  	_ =	shalt  }
0x81: {  	_ =	shalt  }
0x82: {  	_ =	shalt  }
0x83: {  	_ =	shalt  }
0x84: {  	_ =	shalt  }
0x85: {  	_ =	shalt  }
0x86: {  	_ =	shalt  }
0x87: {  	_ =	shalt  }
.Lfunc_end0:
.L_simem_size_0:
called_computation.2_lowered:
.L_overlay_start_0:
0x88: {  	s2 =	sld [smem:$0x3FD9]  }
0x89: {  	s3 =	sld [smem:$0x3FFE];
	_ =	sdelay $0x1  }
0x8a: {  	s1 =	srdreg.scid  }
0x8b: {  	s0 =	sand.u32 $0x1, s1  }
0x8c: {  	s16 =	sshll.u32 s0, $0xA;
	s2 =	sadd.s32 s3, s2  }
0x8d: {  	s2 =	sadd.s32 s2, s16  }
0x8e: {  	[smem:$0x3FA1] =	sst s2  }
0x8f: {  	_ = 	snop  }
0x90: {  	(tm) =	ssettm $0x1  }
0x91: {  	s17 =	sld [smem:$0x3FFB];
	_ =	sdelay $0x3  }
0x92: {  	_ =	strace s17  }
0x93: {  	s2 =	sld [smem:$0x3FFC];
	_ =	sdelay $0x3  }
0x94: {  	_ =	strace s2  }
0x95: {  	s2 =	sld [smem:$0x3FFD];
	_ =	sdelay $0x3  }
0x96: {  	_ =	strace s2  }
0x97: {  	_ =	strace $0x8FFFFFFF  }
0x98: {  	s18 =	sld [smem:$0x3FDB];
	_ =	sdelay $0x1  }
0x99: {  	s19 =	simm.s32 $_scs_section_size  }
0x9a: {  	s4 =	simm.s32 $_size__tile_overlayer_lowered;
	s5 =	simm.s32 $_tile_overlayer_lowered  }
0x9b: {  	s22 =	simm.s32 $0x1BFF;
	s21 =	sshll.u32 s5, $0x1;
	s2 =	sadd.s32 s19, s18  }
0x9c: {  	s6 =	simm.s32 $0x0;
	s20 =	sshll.u32 s4, $0x1;
	s4 =	sadd.s32 s21, s2  }
0x9d: {  	[timem:s6], [sflag:s22] =	dma.local [hbm:s4], s20  }
0x9e: {  	_ =	swait.ge [sflag:s22], s20  }
0x9f: {  	s3 =	ssub.s32 $0x0, s20;
	[sflag:s22] =	ssyncset.done $0x0  }
0xa0: {  	[sflag:s22] =	ssyncadd.s32 s3;
	_ =	sdelay $0x1  }
0xa1: {  	s23 =	simm.s32 $0x1B8B  }
0xa2: {  	_ =	swait.ge [sflag:s23], $0x1  }
0xa3: {  	[sflag:s23] =	ssyncset.done $0x0  }
0xa4: {  	s25 =	simm.s32 $0x1B8E;
	s24 =	sld [smem:$0x3FFE];
	[sflag:s23] =	ssyncadd.s32 $0xFFFFFFFF  }
0xa5: {  	s26 =	simm.s32 $execute0_lowered;
	[smem:$0x3FD2] =	sst s25  }
0xa6: {  	s4 =	sshll.u32 s26, $0x1;
	_ =	strace $0x8000004C;
	[dreg:$0x1] =	wrdreg $0xFFFFFFFF  }
0xa7: {  	s28 =	simm.s32 $_size_execute0_lowered;
	s2 =	sadd.s32 s2, s4;
	[dreg:$0x0] =	wrdreg $0x0  }
0xa8: {  	s4 =	sshll.u32 s28, $0x1;
	[dreg:$0x2] =	wrdreg s2  }
0xa9: {  	[dreg:$0x3] =	wrdreg s4  }
0xaa: {  	[dreg:$0x4] =	wrdreg $0xC0  }
0xab: {  	_ =	task [dreg:s6], $0x5FFFF  }
0xac: {  	[dreg:$0x1] =	wrdreg $0xFFFFFFFF  }
0xad: {  	[dreg:$0x0] =	wrdreg $0x60  }
0xae: {  	[dreg:$0x2] =	wrdreg s24  }
0xaf: {  	[dreg:$0x3] =	wrdreg $0x17B800  }
0xb0: {  	[dreg:$0x4] =	wrdreg $0x9  }
0xb1: {  	_ =	task.clear_ibuf [dreg:s6], $0x5FFFF;
	_ =	strace $0x9000004C  }
0xb2: {  	s29 =	simm.s32 $0x9;
	_ =	strace $0x8000004E  }
0xb3: {  	_ =	swait.ge [sflag:s29], $0x1  }
0xb4: {  	[sflag:s29] =	ssyncadd.s32 $0xFFFFFFFF  }
0xb5: {  	_ =	strace $0x9000004E  }
0xb6: {  	_ =	sfence  }
0xb7: {  	s30 =	sld [smem:$0x0];
	_ =	sdelay $0x2  }
0xb8: {  	s31 =	sshll.u32 s1, $0xD;
	s1 =	sshrl.u32 s1, $0x2  }
0xb9: {  	s3 =	sand.u32 $0x4000, s31;
	s1 =	sadd.s32 s1, s30  }
0xba: {  	s0 =	sor.u32 s3, s0;
	s1 =	sshll.u32 s1, $0x11  }
0xbb: {  	s0 =	sor.u32 s1, s0  }
0xbc: {  	s0 =	sadd.s32 $0x8F2B, s0  }
0xbd: {  	[sflag:s0] =	ssyncadd.remote.s32 $0x1  }
0xbe: {  	_ =	sfence.sel $0xFFFF  }
0xbf: {  	[dreg:$0x0] =	wrdreg $0xFFFFFFFF;
	(pc) =	sbr.abs _section_cstart, $3  }
0xc0: {  	[dreg:$0x1] =	wrdreg $0xFFFFFFFF  }
0xc1: {  	_ =	task.clear_ibuf [dreg:s6], $0x2FFFF;
	_ =	strace $0x9FFFFFFF  }
0xc2: {  	(tm) =	ssettm $0x7FFFFFFF  }
0xc3: {  	_ =	shalt  }
tec
execute0_lowered:
.L_overlay_start_1:
0x0: {  	(tag) =	ssettag $0x1  }
0x1: {  	s4 =	rddreg [dreg:$0x0]  }
0x2: {  	s2 =	rddreg [dreg:$0x1]  }
0x3: {  	s0 =	rddreg [dreg:$0x2];
	s3 =	srdreg.scid  }
0x4: {  	s1 =	stileid.u32;
	s11 =	simm.s32 $0x80;
	s5 =	sand.u32 $0x1, s3  }
0x5: {  	s6 =	sshll.u32 s1, $0x1;
	s7 =	smul.u32 $0x2780, s1;
	s3 =	simm.s32 $0x0  }
0x6: {  	s12 =	sshll.u32 s1, $0x6;
	s6 =	sor.u32 s5, s6;
	s8 =	smul.u32 $0x27800, s5  }
0x7: {  	[smem:$0x7FF] =	sst s3;
	s5 =	ssub.s32 $0x2, s5;
	s9 =	smul.u32 $0x2710, s6  }
0x8: {  	s12 =	sor.u32 $0x1C01, s12;
	s6 =	smul.u32 $0x280, s6;
	s31 =	sshrl.u32 s5, $0x1  }
0x9: {  	_ =	strace $0x8000004D;
	s8 =	sadd.s32 s7, s8;
	s10 =	ssub.s32 s5, s31  }
0xa: {  	s9 =	sadd.s32 s9, s4;
	s8 =	sshrl.u32 s8, $0x3;
	s6 =	sadd.s32 s6, s4  }
0xb: {  	s8 =	sadd.s32 s8, s4;
	s4 =	sadd.s32 s7, s2;
	s5 =	sadd.s32 $0xF800, s6  }
0xc: {  	s6 =	sadd.s32 $0x23600, s9;
	s9 =	simm.s32 $0x15400;
	s7 =	sadd.s32 $0x71800, s8  }
0xd: {  	v0 =	vimm.f32 $0.0e+00;
	s8 =	smax.u32 s10, $0x1;
	s10 =	simm.s32 $0x1;
	s13 =	sshrl.u32 s4, $0x3  }
.LBB2_1:
0xe: {  	s14 =	simm.s32 $0x0  }
.LBB2_2:
0xf: {  	p0 =	sne.s32 s14, $0x9DC0  }
.Ltmp0:
0x10: {  	_ = 	snop;
	(pc) =	sbr.rel @p0 .LBB2_2-.Ltmp0, $3  }
0x11: {  	_ =	sdelay $0x1  }
0x12: {  	s15 =	sshra.s32 s14, $0x2  }
0x13: {  	s14 =	sadd.s32 $0x40, s14;
	[tilespmem:s15+$0x15400] =	vst v0  }
0x14: {  	s14 =	simm.s32 $0x40;
	s15 =	simm.s32 $0x0  }
.LBB2_4:
0x15: {  	p0 =	sne.s32 s14, $0x1DC0;
	[tilespmem:s15+$0x14C80] =	vst v0;
	s15 =	smov.u32 s14;
	s14 =	sadd.s32 $0x40, s14  }
.Ltmp1:
0x16: {  	(pc) =	sbr.rel @p0 .LBB2_4-.Ltmp1, $2  }
0x17: {  	_ =	sdelay $0x2  }
0x18: {  	s15 =	sshra.s32 s15, $0x2  }
0x19: {  	[tilespmem:s15+$0x14C80] =	vst v0  }
0x1a: {  	[spmem:s4] =	stream.linear.scatter [tilespmem:s9], [sflag:$0x1], $0x2780, $0x38;
	[tilespmem:$0x1A300] =	vst v63  }
0x1b: {  	_ =	swait.ge [sflag:s10], $0x2780  }
0x1c: {  	[sflag:s10] =	ssyncset.done $0x0  }
0x1d: {  	[sflag:s10] =	ssyncadd.s32 $0xFFFFD880  }
0x1e: {  	s30 =	simm.s32 $0x0;
	[bflag:$0x0] =	sbarrier.arrive $0xFFFF  }
0x1f: {  	[tilespmem:s30], [sflag:$0x1] =	stream.linear.gather [hbm4b:s5+s30], $0x1400, $0x38;
	[tilespmem:$0x1A300] =	vst v63  }
0x20: {  	_ =	swait.ge [sflag:s10], $0x1400  }
0x21: {  	[sflag:s10] =	ssyncset.done $0x0  }
0x22: {  	s14 =	simm.s32 $0x1400;
	[sflag:s10] =	ssyncadd.s32 $0xFFFFEC00  }
0x23: {  	[tilespmem:s14], [sflag:$0x1] =	stream.linear.gather [hbm4b:s6+s30], $0x13880, $0x38;
	[tilespmem:$0x1A300] =	vst v63  }
0x24: {  	_ =	swait.ge [sflag:s10], $0x13880  }
0x25: {  	[sflag:s10] =	ssyncset.done $0x0  }
0x26: {  	s31 =	simm.s32 $0x0;
	[sflag:s10] =	ssyncadd.s32 $0xFFFEC780  }
0x27: {  	[spmem:s2] =	stream.indirect.scatter.add.f32 [tilespmem:s14], [sflag:$0x1], $0x10, s31, s11, $0xb8;
	[tilespmem:$0x1A300] =	vst v63  }
0x28: {  	_ =	swait.ge [sflag:s10], $0x800  }
0x29: {  	s15 =	simm.s32 $0x200;
	[sflag:s10] =	ssyncset.done $0x0  }
.LBB2_6:
0x2a: {  	s16 =	sshra.s32 s15, $0x2  }
0x2b: {  	[sflag:s10] =	ssyncadd.s32 $0xFFFFF800;
	s14 =	sadd.s32 $0x800, s14;
	p0 =	sne.s32 s15, $0x4E00  }
0x2c: {  	[spmem:s2] =	stream.indirect.scatter.add.f32 [tilespmem:s14], [sflag:$0x1], $0x10, s16, s11, $0xb8;
	[tilespmem:$0x1A300] =	vst v63  }
.Ltmp2:
0x2d: {  	_ = 	snop;
	(pc) =	sbr.rel @p0 .LBB2_6-.Ltmp2, $4  }
0x2e: {  	_ = 	snop  }
0x2f: {  	s15 =	sadd.s32 $0x200, s15  }
0x30: {  	_ =	swait.ge [sflag:s10], $0x800  }
0x31: {  	[sflag:s10] =	ssyncset.done $0x0  }
0x32: {  	s3 =	sadd.s32 $0x1, s3  }
0x33: {  	[sflag:s10] =	ssyncadd.s32 $0xFFFFF800;
	p0 =	sne.s32 s3, s8  }
.Ltmp3:
0x34: {  	[bflag:$0x0] =	sbarrier.arrive $0xFFFF;
	(pc) =	sbr.rel @p0 .LBB2_1-.Ltmp3, $4  }
0x35: {  	[hbm:s7], [sflag:s12] =	dma.local [spmem:s13], $0x4F0  }
0x36: {  	_ =	swait.ge [sflag:s10], $0x4F0  }
0x37: {  	[sflag:s10] =	ssyncset.done $0x0  }
0x38: {  	[sflag:s10] =	ssyncadd.s32 $0xFFFFFB10  }
0x39: {  	_ =	sfence.sel $0x180000  }
0x3a: {  	[bflag:$0x0] =	sbarrier.arrive $0xFFFF  }
0x3b: {  	p0 =	sne.s32 s1, $0x0;
	_ =	strace $0x9000004D  }
0x3c: {  	s0 =	sadd.s32 @!p0 $0x100000, s0;
	[bflag:$0x2] =	sbarrier.arrive $0xFFFF  }
0x3d: {  	[sflag:s0] =	ssyncadd.tile.s32 @!p0 $0x1;
	_ =	shalt  }
.Lfunc_end2:
_tile_overlayer_lowered:
.L_overlay_start_2:
0x3e: {  	(tag) =	ssettag $0x2  }
0x3f: {  	s0 =	rddreg [dreg:$0x0];
	s2 =	stileid.u32  }
0x40: {  	s1 =	rddreg [dreg:$0x1];
	p0 =	sne.s32 s2, $0x0  }
0x41: {  	s3 =	rddreg [dreg:$0x2];
	[bflag:$0x3] =	sbarrier.arrive $0xFFFF;
	s2 =	simm.s32 @!p0 $0x1C01  }
0x42: {  	[timem:s3], [sflag:s2] =	dma.local @!p0 [hbm:s0], s1  }
0x43: {  	s0 =	simm.s32 @!p0 $0x1  }
0x44: {  	_ =	swait.ge @!p0 [sflag:s0], s1  }
0x45: {  	s1 =	ssub.s32 @!p0 $0x0, s1;
	[sflag:s0] =	ssyncset.done @!p0 $0x0  }
0x46: {  	[sflag:s0] =	ssyncadd.s32 @!p0 s1  }
0x47: {  	[bflag:$0x3] =	sbarrier.arrive $0xFFFF  }
0x48: {  	_ =	shalt  }

// kernel: kernel.32.cloned.1.call-start
scs
__scs_entry_jumppad:
0x0: {  	(pc) =	sbr.rel $0x88, $3  }
0x1: {  	(tag) =	ssettag $0x0;
	lr =	simm.s32 $0x1  }
0x2: {  	[smem:$0x3F7A] =	sst lr;
	_ =	strace $0xD0000000  }
0x3: {  	_ = 	snop  }
0x4: {  	_ = 	snop  }
0x5: {  	_ = 	snop  }
0x6: {  	_ = 	snop  }
0x7: {  	_ = 	snop  }
__scs_overlays_trampoline_lowered:
0x8: {  	[smem:$0x3F89] =	sst s0  }
0x9: {  	[smem:$0x3F8A] =	sst s1  }
0xa: {  	[smem:$0x3F8B] =	sst s2  }
0xb: {  	[smem:$0x3F8C] =	sst s3  }
0xc: {  	[smem:$0x3F8D] =	sst s4  }
0xd: {  	[smem:$0x3F8E] =	sst s5  }
0xe: {  	[smem:$0x3F8F] =	sst s6  }
0xf: {  	[smem:$0x3F90] =	sst s7  }
0x10: {  	[smem:$0x3F91] =	sst s8  }
0x11: {  	[smem:$0x3F92] =	sst s9;
	s0 =	simm.s32 @!p0 $0x0  }
0x12: {  	s1 =	sld [smem:$0x3F78];
	s0 =	simm.s32 @p0 $0x1  }
0x13: {  	[smem:$0x3F93] =	sst s0;
	s0 =	simm.s32 @!p1 $0x0  }
0x14: {  	s2 =	sld [smem:$0x3F77];
	s0 =	simm.s32 @p1 $0x1  }
0x15: {  	[smem:$0x3F94] =	sst s0;
	s0 =	simm.s32 @!p2 $0x0  }
0x16: {  	s3 =	sld [smem:$0x3FDB];
	s0 =	simm.s32 @p2 $0x1  }
0x17: {  	s4 =	simm.s32 $0x1BF5;
	[smem:$0x3F96] =	sst s0  }
0x18: {  	s0 =	sld [smem:$0x3F79];
	_ =	swait.ge [sflag:s4], $0x0  }
0x19: {  	s7 =	sld [smem:$0x3F7A]  }
0x1a: {  	s8 =	sadd.s32 $0xFFFFE003, lr  }
0x1b: {  	s9 =	sadd.s32 $0xFFFFFEF7, lr;
	s5 =	simm.s32 $0xFFFFFFFF;
	p2 =	slt.u32 s8, $0xFFFFF086  }
0x1c: {  	p1 =	slt.u32 s9, $0xF7A;
	s5 =	simm.s32 @!p2 $0x0  }
0x1d: {  	s5 =	simm.s32 @p1 $0x1;
	p0 =	seq.s32 s7, s2  }
0x1e: {  	s7 =	smul.u32 @!p0 $0xF7A, s2;
	p2 =	seq.s32 @!p0 s5, $0x0  }
0x1f: {  	s9 =	smul.u32 $0xF7A, s1;
	s8 =	simm.s32 @!p0 $0x1BF5;
	p2 =	por !p2, p0  }
0x20: {  	[sflag:s8] =	ssyncset.s32 @!p0 $0xFFFFF086;
	s6 =	sadd.s32 @!p0 s3, s7;
	s7 =	simm.s32 @!p0 $0x108  }
0x21: {  	s3 =	sadd.s32 s3, s9;
	s6 =	sadd.s32 @!p0 $0x88, s6;
	s7 =	simm.s32 @p2 $0x1082  }
0x22: {  	[simem:s7], [sflag:s8] =	dma.local @!p0 [hbm:s6], $0xF7A  }
0x23: {  	s9 =	sor.u32 $0xD0000000, s2;
	s6 =	simm.s32 $0x108;
	_ =	swait.ge @!p0 [sflag:s8], $0x0  }
0x24: {  	s3 =	sadd.s32 $0x88, s3;
	s6 =	simm.s32 @!p1 $0x1082;
	[sflag:s4] =	ssyncset.s32 $0xFFFFF086  }
0x25: {  	[simem:s6], [sflag:s4] =	dma.local [hbm:s3], $0xF7A  }
0x26: {  	[smem:$0x3F7A] =	sst s1;
	(tag) =	ssettag s2;
	_ =	strace s9  }
0x27: {  	s1 =	sld [smem:$0x3F8A]  }
0x28: {  	s2 =	sld [smem:$0x3F8B]  }
0x29: {  	s4 =	sld [smem:$0x3F8D]  }
0x2a: {  	p0 =	seq.s32 s5, $0x0;
	s5 =	sld [smem:$0x3F8E]  }
0x2b: {  	s6 =	sld [smem:$0x3F8F]  }
0x2c: {  	s7 =	sld [smem:$0x3F90]  }
0x2d: {  	s3 =	simm.s32 $0x108;
	s8 =	sld [smem:$0x3F91]  }
0x2e: {  	s3 =	simm.s32 @!p0 $0x1082;
	s9 =	sld [smem:$0x3F92]  }
0x2f: {  	lr =	sadd.s32 s0, s3;
	s0 =	sld [smem:$0x3F89]  }
0x30: {  	s3 =	sld [smem:$0x3F8C]  }
0x31: {  	[smem:$0x3F95] =	sst s10  }
0x32: {  	s10 =	sld [smem:$0x3F93];
	_ =	sdelay $0x3  }
0x33: {  	p0 =	seq.s32 s10, $0x1;
	s10 =	sld [smem:$0x3F95];
	_ =	sdelay $0x3  }
0x34: {  	[smem:$0x3F95] =	sst s10  }
0x35: {  	s10 =	sld [smem:$0x3F94];
	_ =	sdelay $0x3  }
0x36: {  	p1 =	seq.s32 s10, $0x1;
	s10 =	sld [smem:$0x3F95];
	_ =	sdelay $0x3  }
0x37: {  	[smem:$0x3F95] =	sst s10  }
0x38: {  	s10 =	sld [smem:$0x3F96]  }
0x39: {  	_ = 	snop;
	(pc) =	sbr.ind lr, $3  }
0x3a: {  	_ = 	snop  }
0x3b: {  	_ = 	snop  }
0x3c: {  	p2 =	seq.s32 s10, $0x1;
	s10 =	sld [smem:$0x3F95]  }
0x3d: {  	_ =	shalt  }
0x3e: {  	_ =	shalt  }
0x3f: {  	_ =	shalt  }
0x40: {  	_ =	shalt  }
0x41: {  	_ =	shalt  }
0x42: {  	_ =	shalt  }
0x43: {  	_ =	shalt  }
0x44: {  	_ =	shalt  }
0x45: {  	_ =	shalt  }
0x46: {  	_ =	shalt  }
0x47: {  	_ =	shalt  }
0x48: {  	_ =	shalt  }
0x49: {  	_ =	shalt  }
0x4a: {  	_ =	shalt  }
0x4b: {  	_ =	shalt  }
0x4c: {  	_ =	shalt  }
0x4d: {  	_ =	shalt  }
0x4e: {  	_ =	shalt  }
0x4f: {  	_ =	shalt  }
0x50: {  	_ =	shalt  }
0x51: {  	_ =	shalt  }
0x52: {  	_ =	shalt  }
0x53: {  	_ =	shalt  }
0x54: {  	_ =	shalt  }
0x55: {  	_ =	shalt  }
0x56: {  	_ =	shalt  }
0x57: {  	_ =	shalt  }
0x58: {  	_ =	shalt  }
0x59: {  	_ =	shalt  }
0x5a: {  	_ =	shalt  }
0x5b: {  	_ =	shalt  }
0x5c: {  	_ =	shalt  }
0x5d: {  	_ =	shalt  }
0x5e: {  	_ =	shalt  }
0x5f: {  	_ =	shalt  }
0x60: {  	_ =	shalt  }
0x61: {  	_ =	shalt  }
0x62: {  	_ =	shalt  }
0x63: {  	_ =	shalt  }
0x64: {  	_ =	shalt  }
0x65: {  	_ =	shalt  }
0x66: {  	_ =	shalt  }
0x67: {  	_ =	shalt  }
0x68: {  	_ =	shalt  }
0x69: {  	_ =	shalt  }
0x6a: {  	_ =	shalt  }
0x6b: {  	_ =	shalt  }
0x6c: {  	_ =	shalt  }
0x6d: {  	_ =	shalt  }
0x6e: {  	_ =	shalt  }
0x6f: {  	_ =	shalt  }
0x70: {  	_ =	shalt  }
0x71: {  	_ =	shalt  }
0x72: {  	_ =	shalt  }
0x73: {  	_ =	shalt  }
0x74: {  	_ =	shalt  }
0x75: {  	_ =	shalt  }
0x76: {  	_ =	shalt  }
0x77: {  	_ =	shalt  }
0x78: {  	_ =	shalt  }
0x79: {  	_ =	shalt  }
0x7a: {  	_ =	shalt  }
0x7b: {  	_ =	shalt  }
0x7c: {  	_ =	shalt  }
0x7d: {  	_ =	shalt  }
0x7e: {  	_ =	shalt  }
0x7f: {  	_ =	shalt  }
0x80: {  	_ =	shalt  }
0x81: {  	_ =	shalt  }
0x82: {  	_ =	shalt  }
0x83: {  	_ =	shalt  }
0x84: {  	_ =	shalt  }
0x85: {  	_ =	shalt  }
0x86: {  	_ =	shalt  }
0x87: {  	_ =	shalt  }
.Lfunc_end0:
.L_simem_size_0:
called_computation.3_lowered:
.L_overlay_start_0:
0x88: {  	s2 =	sld [smem:$0x3FD9]  }
0x89: {  	s3 =	sld [smem:$0x3FFE];
	_ =	sdelay $0x1  }
0x8a: {  	s1 =	srdreg.scid  }
0x8b: {  	s0 =	sand.u32 $0x1, s1  }
0x8c: {  	s16 =	sshll.u32 s0, $0xA;
	s2 =	sadd.s32 s3, s2  }
0x8d: {  	s2 =	sadd.s32 s2, s16  }
0x8e: {  	[smem:$0x3FA1] =	sst s2  }
0x8f: {  	_ = 	snop  }
0x90: {  	(tm) =	ssettm $0x1  }
0x91: {  	s17 =	sld [smem:$0x3FFB];
	_ =	sdelay $0x3  }
0x92: {  	_ =	strace s17  }
0x93: {  	s2 =	sld [smem:$0x3FFC];
	_ =	sdelay $0x3  }
0x94: {  	_ =	strace s2  }
0x95: {  	s2 =	sld [smem:$0x3FFD];
	_ =	sdelay $0x3  }
0x96: {  	_ =	strace s2  }
0x97: {  	_ =	strace $0x8FFFFFFF  }
0x98: {  	s18 =	sld [smem:$0x3FDB];
	_ =	sdelay $0x1  }
0x99: {  	s19 =	simm.s32 $_scs_section_size  }
0x9a: {  	s4 =	simm.s32 $_size__tile_overlayer_lowered;
	s5 =	simm.s32 $_tile_overlayer_lowered  }
0x9b: {  	s22 =	simm.s32 $0x1BFF;
	s21 =	sshll.u32 s5, $0x1;
	s2 =	sadd.s32 s19, s18  }
0x9c: {  	s6 =	simm.s32 $0x0;
	s20 =	sshll.u32 s4, $0x1;
	s4 =	sadd.s32 s21, s2  }
0x9d: {  	[timem:s6], [sflag:s22] =	dma.local [hbm:s4], s20  }
0x9e: {  	_ =	swait.ge [sflag:s22], s20  }
0x9f: {  	s3 =	ssub.s32 $0x0, s20;
	[sflag:s22] =	ssyncset.done $0x0  }
0xa0: {  	[sflag:s22] =	ssyncadd.s32 s3;
	_ =	sdelay $0x1  }
0xa1: {  	s23 =	simm.s32 $0x1B8B  }
0xa2: {  	_ =	swait.ge [sflag:s23], $0x1  }
0xa3: {  	[sflag:s23] =	ssyncset.done $0x0  }
0xa4: {  	s25 =	simm.s32 $0x1B8E;
	s24 =	sld [smem:$0x3FFE];
	[sflag:s23] =	ssyncadd.s32 $0xFFFFFFFF  }
0xa5: {  	s26 =	simm.s32 $execute0_lowered;
	[smem:$0x3FD2] =	sst s25  }
0xa6: {  	s4 =	sshll.u32 s26, $0x1;
	_ =	strace $0x8000004F;
	[dreg:$0x1] =	wrdreg $0xFFFFFFFF  }
0xa7: {  	s28 =	simm.s32 $_size_execute0_lowered;
	s2 =	sadd.s32 s2, s4;
	[dreg:$0x0] =	wrdreg $0x0  }
0xa8: {  	s4 =	sshll.u32 s28, $0x1;
	[dreg:$0x2] =	wrdreg s2  }
0xa9: {  	[dreg:$0x3] =	wrdreg s4  }
0xaa: {  	[dreg:$0x4] =	wrdreg $0xC0  }
0xab: {  	_ =	task [dreg:s6], $0x5FFFF  }
0xac: {  	[dreg:$0x1] =	wrdreg $0xFFFFFFFF  }
0xad: {  	[dreg:$0x0] =	wrdreg $0x60  }
0xae: {  	[dreg:$0x2] =	wrdreg s24  }
0xaf: {  	[dreg:$0x3] =	wrdreg $0x9  }
0xb0: {  	_ =	task.clear_ibuf [dreg:s6], $0x4FFFF;
	_ =	strace $0x9000004F  }
0xb1: {  	s29 =	simm.s32 $0x9;
	_ =	strace $0x80000051  }
0xb2: {  	_ =	swait.ge [sflag:s29], $0x1  }
0xb3: {  	[sflag:s29] =	ssyncadd.s32 $0xFFFFFFFF  }
0xb4: {  	_ =	strace $0x90000051  }
0xb5: {  	_ =	sfence  }
0xb6: {  	s30 =	sld [smem:$0x0];
	_ =	sdelay $0x2  }
0xb7: {  	s31 =	sshll.u32 s1, $0xD;
	s1 =	sshrl.u32 s1, $0x2  }
0xb8: {  	s3 =	sand.u32 $0x4000, s31;
	s1 =	sadd.s32 s1, s30  }
0xb9: {  	s0 =	sor.u32 s3, s0;
	s1 =	sshll.u32 s1, $0x11  }
0xba: {  	s0 =	sor.u32 s1, s0  }
0xbb: {  	s0 =	sadd.s32 $0x8F2B, s0  }
0xbc: {  	[sflag:s0] =	ssyncadd.remote.s32 $0x1  }
0xbd: {  	_ =	sfence.sel $0xFFFF  }
0xbe: {  	[dreg:$0x0] =	wrdreg $0xFFFFFFFF;
	(pc) =	sbr.abs _section_cstart, $3  }
0xbf: {  	[dreg:$0x1] =	wrdreg $0xFFFFFFFF  }
0xc0: {  	_ =	task.clear_ibuf [dreg:s6], $0x2FFFF;
	_ =	strace $0x9FFFFFFF  }
0xc1: {  	(tm) =	ssettm $0x7FFFFFFF  }
tec
execute0_lowered:
.L_overlay_start_1:
0x0: {  	(tag) =	ssettag $0x1  }
0x1: {  	s1 =	srdreg.scid;
	s0 =	stileid.u32  }
0x2: {  	s5 =	rddreg [dreg:$0x0];
	s2 =	simm.s32 $0x0;
	s8 =	simm.s32 $0x80  }
0x3: {  	s9 =	simm.s32 $0x2;
	s4 =	sand.u32 $0x1, s1;
	s30 =	sshll.u32 s0, $0x1  }
0x4: {  	s10 =	simm.s32 $0x1400;
	s1 =	rddreg [dreg:$0x1];
	s3 =	sor.u32 s4, s30  }
0x5: {  	s11 =	simm.s32 $0x0;
	[smem:$0x7FF] =	sst s2;
	s6 =	smul.u32 $0x280, s3  }
0x6: {  	_ =	strace $0x80000050;
	s4 =	ssub.s32 $0x2, s4;
	s7 =	smul.u32 $0x2710, s3  }
0x7: {  	s3 =	sadd.s32 $0x14800, s5;
	s31 =	sshrl.u32 s4, $0x1;
	s6 =	sadd.s32 s6, s5  }
0x8: {  	s5 =	sadd.s32 s7, s5;
	s7 =	ssub.s32 s4, s31;
	s4 =	sadd.s32 $0x1E600, s6  }
0x9: {  	s5 =	sadd.s32 $0x23600, s5;
	s6 =	smax.u32 s7, $0x1;
	s7 =	simm.s32 $0x1  }
.LBB2_1:
0xa: {  	[tilespmem:s2], [sflag:$0x1] =	stream.linear.gather [hbm4b:s4+s2], $0x1400, $0x38;
	[tilespmem:$0x15400] =	vst v63  }
0xb: {  	_ =	swait.ge [sflag:s7], $0x1400  }
0xc: {  	[sflag:s7] =	ssyncset.done $0x0  }
0xd: {  	s12 =	simm.s32 $0x1400;
	s13 =	simm.s32 $0x0;
	[sflag:s7] =	ssyncadd.s32 $0xFFFFEC00  }
.LBB2_2:
0xe: {  	p0 =	sne.s32 s13, $0x4E00  }
.Ltmp0:
0xf: {  	_ = 	snop;
	(pc) =	sbr.rel @p0 .LBB2_2-.Ltmp0, $4  }
0x10: {  	_ = 	snop  }
0x11: {  	s14 =	sshra.s32 s13, $0x2  }
0x12: {  	[tilespmem:s12], [sflag:$0x2] =	stream.indirect.gather [hbm4b:s3+s8], $0x10, s14, s8, $0xb8;
	[tilespmem:$0x15400] =	vst v63  }
0x13: {  	s13 =	sadd.s32 $0x200, s13;
	s12 =	sadd.s32 $0x800, s12  }
0x14: {  	_ =	swait.ge [sflag:s9], $0x800  }
0x15: {  	s12 =	simm.s32 $0x27;
	[sflag:s9] =	ssyncset.done $0x0  }
.LBB2_4:
0x16: {  	p0 =	sne.s32 s12, $0x1;
	s12 =	sadd.s32 $0xFFFFFFFF, s12;
	[sflag:s9] =	ssyncadd.s32 $0xFFFFF800  }
.Ltmp1:
0x17: {  	(pc) =	sbr.rel @p0 .LBB2_4-.Ltmp1, $3  }
0x18: {  	_ =	sdelay $0x1  }
0x19: {  	_ =	swait.ge [sflag:s9], $0x800  }
0x1a: {  	[sflag:s9] =	ssyncset.done $0x0  }
0x1b: {  	s11 =	sadd.s32 $0x1, s11  }
0x1c: {  	p0 =	sne.s32 s11, s6  }
.Ltmp2:
0x1d: {  	[sflag:s9] =	ssyncadd.s32 $0xFFFFF800;
	(pc) =	sbr.rel @p0 .LBB2_1-.Ltmp2, $4  }
0x1e: {  	[hbm4b:s5+s2] =	stream.linear.scatter [tilespmem:s10], [sflag:$0x1], $0x13880, $0x38;
	[tilespmem:$0x15400] =	vst v63  }
0x1f: {  	_ =	swait.ge [sflag:s7], $0x13880  }
0x20: {  	[sflag:s7] =	ssyncset.done $0x0  }
0x21: {  	[sflag:s7] =	ssyncadd.s32 $0xFFFEC780  }
0x22: {  	_ =	sfence.sel $0x180000  }
0x23: {  	[bflag:$0x0] =	sbarrier.arrive $0xFFFF  }
0x24: {  	p0 =	sne.s32 s0, $0x0;
	_ =	strace $0x90000050  }
0x25: {  	s0 =	sadd.s32 @!p0 $0x100000, s1;
	[bflag:$0x2] =	sbarrier.arrive $0xFFFF  }
0x26: {  	[sflag:s0] =	ssyncadd.tile.s32 @!p0 $0x1;
	_ =	shalt  }
.Lfunc_end2:
_tile_overlayer_lowered:
.L_overlay_start_2:
0x27: {  	(tag) =	ssettag $0x2  }
0x28: {  	s0 =	rddreg [dreg:$0x0];
	s2 =	stileid.u32  }
0x29: {  	s1 =	rddreg [dreg:$0x1];
	p0 =	sne.s32 s2, $0x0  }
0x2a: {  	s3 =	rddreg [dreg:$0x2];
	[bflag:$0x3] =	sbarrier.arrive $0xFFFF;
	s2 =	simm.s32 @!p0 $0x1C03  }
0x2b: {  	[timem:s3], [sflag:s2] =	dma.local @!p0 [hbm:s0], s1  }
0x2c: {  	s0 =	simm.s32 @!p0 $0x3  }
0x2d: {  	_ =	swait.ge @!p0 [sflag:s0], s1  }
0x2e: {  	s1 =	ssub.s32 @!p0 $0x0, s1;
	[sflag:s0] =	ssyncset.done @!p0 $0x0  }
0x2f: {  	[sflag:s0] =	ssyncadd.s32 @!p0 s1  }
0x30: {  	[bflag:$0x3] =	sbarrier.arrive $0xFFFF  }
0x31: {  	_ =	shalt  }

// kernel: kernel.35.cloned.1.call-start
scs
__scs_entry_jumppad:
0x0: {  	(pc) =	sbr.rel $0x88, $3  }
0x1: {  	(tag) =	ssettag $0x0;
	lr =	simm.s32 $0x1  }
0x2: {  	[smem:$0x3F7A] =	sst lr;
	_ =	strace $0xD0000000  }
0x3: {  	_ = 	snop  }
0x4: {  	_ = 	snop  }
0x5: {  	_ = 	snop  }
0x6: {  	_ = 	snop  }
0x7: {  	_ = 	snop  }
__scs_overlays_trampoline_lowered:
0x8: {  	[smem:$0x3F89] =	sst s0  }
0x9: {  	[smem:$0x3F8A] =	sst s1  }
0xa: {  	[smem:$0x3F8B] =	sst s2  }
0xb: {  	[smem:$0x3F8C] =	sst s3  }
0xc: {  	[smem:$0x3F8D] =	sst s4  }
0xd: {  	[smem:$0x3F8E] =	sst s5  }
0xe: {  	[smem:$0x3F8F] =	sst s6  }
0xf: {  	[smem:$0x3F90] =	sst s7  }
0x10: {  	[smem:$0x3F91] =	sst s8  }
0x11: {  	[smem:$0x3F92] =	sst s9;
	s0 =	simm.s32 @!p0 $0x0  }
0x12: {  	s1 =	sld [smem:$0x3F78];
	s0 =	simm.s32 @p0 $0x1  }
0x13: {  	[smem:$0x3F93] =	sst s0;
	s0 =	simm.s32 @!p1 $0x0  }
0x14: {  	s2 =	sld [smem:$0x3F77];
	s0 =	simm.s32 @p1 $0x1  }
0x15: {  	[smem:$0x3F94] =	sst s0;
	s0 =	simm.s32 @!p2 $0x0  }
0x16: {  	s3 =	sld [smem:$0x3FDB];
	s0 =	simm.s32 @p2 $0x1  }
0x17: {  	s4 =	simm.s32 $0x1BF5;
	[smem:$0x3F96] =	sst s0  }
0x18: {  	s0 =	sld [smem:$0x3F79];
	_ =	swait.ge [sflag:s4], $0x0  }
0x19: {  	s7 =	sld [smem:$0x3F7A]  }
0x1a: {  	s8 =	sadd.s32 $0xFFFFE003, lr  }
0x1b: {  	s9 =	sadd.s32 $0xFFFFFEF7, lr;
	s5 =	simm.s32 $0xFFFFFFFF;
	p2 =	slt.u32 s8, $0xFFFFF086  }
0x1c: {  	p1 =	slt.u32 s9, $0xF7A;
	s5 =	simm.s32 @!p2 $0x0  }
0x1d: {  	s5 =	simm.s32 @p1 $0x1;
	p0 =	seq.s32 s7, s2  }
0x1e: {  	s7 =	smul.u32 @!p0 $0xF7A, s2;
	p2 =	seq.s32 @!p0 s5, $0x0  }
0x1f: {  	s9 =	smul.u32 $0xF7A, s1;
	s8 =	simm.s32 @!p0 $0x1BF5;
	p2 =	por !p2, p0  }
0x20: {  	[sflag:s8] =	ssyncset.s32 @!p0 $0xFFFFF086;
	s6 =	sadd.s32 @!p0 s3, s7;
	s7 =	simm.s32 @!p0 $0x108  }
0x21: {  	s3 =	sadd.s32 s3, s9;
	s6 =	sadd.s32 @!p0 $0x88, s6;
	s7 =	simm.s32 @p2 $0x1082  }
0x22: {  	[simem:s7], [sflag:s8] =	dma.local @!p0 [hbm:s6], $0xF7A  }
0x23: {  	s9 =	sor.u32 $0xD0000000, s2;
	s6 =	simm.s32 $0x108;
	_ =	swait.ge @!p0 [sflag:s8], $0x0  }
0x24: {  	s3 =	sadd.s32 $0x88, s3;
	s6 =	simm.s32 @!p1 $0x1082;
	[sflag:s4] =	ssyncset.s32 $0xFFFFF086  }
0x25: {  	[simem:s6], [sflag:s4] =	dma.local [hbm:s3], $0xF7A  }
0x26: {  	[smem:$0x3F7A] =	sst s1;
	(tag) =	ssettag s2;
	_ =	strace s9  }
0x27: {  	s1 =	sld [smem:$0x3F8A]  }
0x28: {  	s2 =	sld [smem:$0x3F8B]  }
0x29: {  	s4 =	sld [smem:$0x3F8D]  }
0x2a: {  	p0 =	seq.s32 s5, $0x0;
	s5 =	sld [smem:$0x3F8E]  }
0x2b: {  	s6 =	sld [smem:$0x3F8F]  }
0x2c: {  	s7 =	sld [smem:$0x3F90]  }
0x2d: {  	s3 =	simm.s32 $0x108;
	s8 =	sld [smem:$0x3F91]  }
0x2e: {  	s3 =	simm.s32 @!p0 $0x1082;
	s9 =	sld [smem:$0x3F92]  }
0x2f: {  	lr =	sadd.s32 s0, s3;
	s0 =	sld [smem:$0x3F89]  }
0x30: {  	s3 =	sld [smem:$0x3F8C]  }
0x31: {  	[smem:$0x3F95] =	sst s10  }
0x32: {  	s10 =	sld [smem:$0x3F93];
	_ =	sdelay $0x3  }
0x33: {  	p0 =	seq.s32 s10, $0x1;
	s10 =	sld [smem:$0x3F95];
	_ =	sdelay $0x3  }
0x34: {  	[smem:$0x3F95] =	sst s10  }
0x35: {  	s10 =	sld [smem:$0x3F94];
	_ =	sdelay $0x3  }
0x36: {  	p1 =	seq.s32 s10, $0x1;
	s10 =	sld [smem:$0x3F95];
	_ =	sdelay $0x3  }
0x37: {  	[smem:$0x3F95] =	sst s10  }
0x38: {  	s10 =	sld [smem:$0x3F96]  }
0x39: {  	_ = 	snop;
	(pc) =	sbr.ind lr, $3  }
0x3a: {  	_ = 	snop  }
0x3b: {  	_ = 	snop  }
0x3c: {  	p2 =	seq.s32 s10, $0x1;
	s10 =	sld [smem:$0x3F95]  }
0x3d: {  	_ =	shalt  }
0x3e: {  	_ =	shalt  }
0x3f: {  	_ =	shalt  }
0x40: {  	_ =	shalt  }
0x41: {  	_ =	shalt  }
0x42: {  	_ =	shalt  }
0x43: {  	_ =	shalt  }
0x44: {  	_ =	shalt  }
0x45: {  	_ =	shalt  }
0x46: {  	_ =	shalt  }
0x47: {  	_ =	shalt  }
0x48: {  	_ =	shalt  }
0x49: {  	_ =	shalt  }
0x4a: {  	_ =	shalt  }
0x4b: {  	_ =	shalt  }
0x4c: {  	_ =	shalt  }
0x4d: {  	_ =	shalt  }
0x4e: {  	_ =	shalt  }
0x4f: {  	_ =	shalt  }
0x50: {  	_ =	shalt  }
0x51: {  	_ =	shalt  }
0x52: {  	_ =	shalt  }
0x53: {  	_ =	shalt  }
0x54: {  	_ =	shalt  }
0x55: {  	_ =	shalt  }
0x56: {  	_ =	shalt  }
0x57: {  	_ =	shalt  }
0x58: {  	_ =	shalt  }
0x59: {  	_ =	shalt  }
0x5a: {  	_ =	shalt  }
0x5b: {  	_ =	shalt  }
0x5c: {  	_ =	shalt  }
0x5d: {  	_ =	shalt  }
0x5e: {  	_ =	shalt  }
0x5f: {  	_ =	shalt  }
0x60: {  	_ =	shalt  }
0x61: {  	_ =	shalt  }
0x62: {  	_ =	shalt  }
0x63: {  	_ =	shalt  }
0x64: {  	_ =	shalt  }
0x65: {  	_ =	shalt  }
0x66: {  	_ =	shalt  }
0x67: {  	_ =	shalt  }
0x68: {  	_ =	shalt  }
0x69: {  	_ =	shalt  }
0x6a: {  	_ =	shalt  }
0x6b: {  	_ =	shalt  }
0x6c: {  	_ =	shalt  }
0x6d: {  	_ =	shalt  }
0x6e: {  	_ =	shalt  }
0x6f: {  	_ =	shalt  }
0x70: {  	_ =	shalt  }
0x71: {  	_ =	shalt  }
0x72: {  	_ =	shalt  }
0x73: {  	_ =	shalt  }
0x74: {  	_ =	shalt  }
0x75: {  	_ =	shalt  }
0x76: {  	_ =	shalt  }
0x77: {  	_ =	shalt  }
0x78: {  	_ =	shalt  }
0x79: {  	_ =	shalt  }
0x7a: {  	_ =	shalt  }
0x7b: {  	_ =	shalt  }
0x7c: {  	_ =	shalt  }
0x7d: {  	_ =	shalt  }
0x7e: {  	_ =	shalt  }
0x7f: {  	_ =	shalt  }
0x80: {  	_ =	shalt  }
0x81: {  	_ =	shalt  }
0x82: {  	_ =	shalt  }
0x83: {  	_ =	shalt  }
0x84: {  	_ =	shalt  }
0x85: {  	_ =	shalt  }
0x86: {  	_ =	shalt  }
0x87: {  	_ =	shalt  }
.Lfunc_end0:
.L_simem_size_0:
called_computation.4_lowered:
.L_overlay_start_0:
0x88: {  	s2 =	sld [smem:$0x3FD9]  }
0x89: {  	s3 =	sld [smem:$0x3FFE];
	_ =	sdelay $0x1  }
0x8a: {  	s1 =	srdreg.scid  }
0x8b: {  	s0 =	sand.u32 $0x1, s1  }
0x8c: {  	s16 =	sshll.u32 s0, $0xA;
	s2 =	sadd.s32 s3, s2  }
0x8d: {  	s2 =	sadd.s32 s2, s16  }
0x8e: {  	[smem:$0x3FA1] =	sst s2  }
0x8f: {  	_ = 	snop  }
0x90: {  	(tm) =	ssettm $0x1  }
0x91: {  	s17 =	sld [smem:$0x3FFB];
	_ =	sdelay $0x3  }
0x92: {  	_ =	strace s17  }
0x93: {  	s2 =	sld [smem:$0x3FFC];
	_ =	sdelay $0x3  }
0x94: {  	_ =	strace s2  }
0x95: {  	s2 =	sld [smem:$0x3FFD];
	_ =	sdelay $0x3  }
0x96: {  	_ =	strace s2  }
0x97: {  	_ =	strace $0x8FFFFFFF  }
0x98: {  	s18 =	sld [smem:$0x3FDB];
	_ =	sdelay $0x1  }
0x99: {  	s19 =	simm.s32 $_scs_section_size  }
0x9a: {  	s4 =	simm.s32 $_size__tile_overlayer_lowered;
	s5 =	simm.s32 $_tile_overlayer_lowered  }
0x9b: {  	s22 =	simm.s32 $0x1BFF;
	s21 =	sshll.u32 s5, $0x1;
	s2 =	sadd.s32 s19, s18  }
0x9c: {  	s6 =	simm.s32 $0x0;
	s20 =	sshll.u32 s4, $0x1;
	s4 =	sadd.s32 s21, s2  }
0x9d: {  	[timem:s6], [sflag:s22] =	dma.local [hbm:s4], s20  }
0x9e: {  	_ =	swait.ge [sflag:s22], s20  }
0x9f: {  	s3 =	ssub.s32 $0x0, s20;
	[sflag:s22] =	ssyncset.done $0x0  }
0xa0: {  	[sflag:s22] =	ssyncadd.s32 s3;
	_ =	sdelay $0x1  }
0xa1: {  	s23 =	simm.s32 $0x1B8B  }
0xa2: {  	_ =	swait.ge [sflag:s23], $0x1  }
0xa3: {  	[sflag:s23] =	ssyncset.done $0x0  }
0xa4: {  	s25 =	simm.s32 $0x1B8E;
	s24 =	sld [smem:$0x3FFE];
	[sflag:s23] =	ssyncadd.s32 $0xFFFFFFFF  }
0xa5: {  	s26 =	simm.s32 $execute0_lowered;
	[smem:$0x3FD2] =	sst s25  }
0xa6: {  	s4 =	sshll.u32 s26, $0x1;
	_ =	strace $0x80000052;
	[dreg:$0x1] =	wrdreg $0xFFFFFFFF  }
0xa7: {  	s28 =	simm.s32 $_size_execute0_lowered;
	s2 =	sadd.s32 s2, s4;
	[dreg:$0x0] =	wrdreg $0x0  }
0xa8: {  	s4 =	sshll.u32 s28, $0x1;
	[dreg:$0x2] =	wrdreg s2  }
0xa9: {  	[dreg:$0x3] =	wrdreg s4  }
0xaa: {  	[dreg:$0x4] =	wrdreg $0xC0  }
0xab: {  	_ =	task [dreg:s6], $0x5FFFF  }
0xac: {  	[dreg:$0x1] =	wrdreg $0xFFFFFFFF  }
0xad: {  	[dreg:$0x0] =	wrdreg $0x60  }
0xae: {  	[dreg:$0x2] =	wrdreg s24  }
0xaf: {  	[dreg:$0x3] =	wrdreg $0x17B800  }
0xb0: {  	[dreg:$0x4] =	wrdreg $0x9  }
0xb1: {  	_ =	task.clear_ibuf [dreg:s6], $0x5FFFF;
	_ =	strace $0x90000052  }
0xb2: {  	s29 =	simm.s32 $0x9;
	_ =	strace $0x80000054  }
0xb3: {  	_ =	swait.ge [sflag:s29], $0x1  }
0xb4: {  	[sflag:s29] =	ssyncadd.s32 $0xFFFFFFFF  }
0xb5: {  	_ =	strace $0x90000054  }
0xb6: {  	_ =	sfence  }
0xb7: {  	s30 =	sld [smem:$0x0];
	_ =	sdelay $0x2  }
0xb8: {  	s31 =	sshll.u32 s1, $0xD;
	s1 =	sshrl.u32 s1, $0x2  }
0xb9: {  	s3 =	sand.u32 $0x4000, s31;
	s1 =	sadd.s32 s1, s30  }
0xba: {  	s0 =	sor.u32 s3, s0;
	s1 =	sshll.u32 s1, $0x11  }
0xbb: {  	s0 =	sor.u32 s1, s0  }
0xbc: {  	s0 =	sadd.s32 $0x8F2B, s0  }
0xbd: {  	[sflag:s0] =	ssyncadd.remote.s32 $0x1  }
0xbe: {  	_ =	sfence.sel $0xFFFF  }
0xbf: {  	[dreg:$0x0] =	wrdreg $0xFFFFFFFF;
	(pc) =	sbr.abs _section_cstart, $3  }
0xc0: {  	[dreg:$0x1] =	wrdreg $0xFFFFFFFF  }
0xc1: {  	_ =	task.clear_ibuf [dreg:s6], $0x2FFFF;
	_ =	strace $0x9FFFFFFF  }
0xc2: {  	(tm) =	ssettm $0x7FFFFFFF  }
0xc3: {  	_ =	shalt  }
tec
execute0_lowered:
.L_overlay_start_1:
0x0: {  	(tag) =	ssettag $0x1  }
0x1: {  	s4 =	rddreg [dreg:$0x0]  }
0x2: {  	s2 =	rddreg [dreg:$0x1]  }
0x3: {  	s0 =	rddreg [dreg:$0x2];
	s3 =	srdreg.scid  }
0x4: {  	s1 =	stileid.u32;
	s11 =	simm.s32 $0x80;
	s5 =	sand.u32 $0x1, s3  }
0x5: {  	s6 =	sshll.u32 s1, $0x1;
	s7 =	smul.u32 $0x2780, s1;
	s3 =	simm.s32 $0x0  }
0x6: {  	s12 =	sshll.u32 s1, $0x6;
	s6 =	sor.u32 s5, s6;
	s8 =	smul.u32 $0x27800, s5  }
0x7: {  	[smem:$0x7FF] =	sst s3;
	s5 =	ssub.s32 $0x2, s5;
	s9 =	smul.u32 $0x2710, s6  }
0x8: {  	s12 =	sor.u32 $0x1C01, s12;
	s6 =	smul.u32 $0x280, s6;
	s31 =	sshrl.u32 s5, $0x1  }
0x9: {  	_ =	strace $0x80000053;
	s8 =	sadd.s32 s7, s8;
	s10 =	ssub.s32 s5, s31  }
0xa: {  	s9 =	sadd.s32 s9, s4;
	s8 =	sshrl.u32 s8, $0x3;
	s6 =	sadd.s32 s6, s4  }
0xb: {  	s8 =	sadd.s32 s8, s4;
	s4 =	sadd.s32 s7, s2;
	s5 =	sadd.s32 $0xF800, s6  }
0xc: {  	s6 =	sadd.s32 $0x23600, s9;
	s9 =	simm.s32 $0x15400;
	s7 =	sadd.s32 $0x71800, s8  }
0xd: {  	v0 =	vimm.f32 $0.0e+00;
	s8 =	smax.u32 s10, $0x1;
	s10 =	simm.s32 $0x1;
	s13 =	sshrl.u32 s4, $0x3  }
.LBB2_1:
0xe: {  	s14 =	simm.s32 $0x0  }
.LBB2_2:
0xf: {  	p0 =	sne.s32 s14, $0x9DC0  }
.Ltmp0:
0x10: {  	_ = 	snop;
	(pc) =	sbr.rel @p0 .LBB2_2-.Ltmp0, $3  }
0x11: {  	_ =	sdelay $0x1  }
0x12: {  	s15 =	sshra.s32 s14, $0x2  }
0x13: {  	s14 =	sadd.s32 $0x40, s14;
	[tilespmem:s15+$0x15400] =	vst v0  }
0x14: {  	s14 =	simm.s32 $0x40;
	s15 =	simm.s32 $0x0  }
.LBB2_4:
0x15: {  	p0 =	sne.s32 s14, $0x1DC0;
	[tilespmem:s15+$0x14C80] =	vst v0;
	s15 =	smov.u32 s14;
	s14 =	sadd.s32 $0x40, s14  }
.Ltmp1:
0x16: {  	(pc) =	sbr.rel @p0 .LBB2_4-.Ltmp1, $2  }
0x17: {  	_ =	sdelay $0x2  }
0x18: {  	s15 =	sshra.s32 s15, $0x2  }
0x19: {  	[tilespmem:s15+$0x14C80] =	vst v0  }
0x1a: {  	[spmem:s4] =	stream.linear.scatter [tilespmem:s9], [sflag:$0x1], $0x2780, $0x38;
	[tilespmem:$0x1A300] =	vst v63  }
0x1b: {  	_ =	swait.ge [sflag:s10], $0x2780  }
0x1c: {  	[sflag:s10] =	ssyncset.done $0x0  }
0x1d: {  	[sflag:s10] =	ssyncadd.s32 $0xFFFFD880  }
0x1e: {  	s30 =	simm.s32 $0x0;
	[bflag:$0x0] =	sbarrier.arrive $0xFFFF  }
0x1f: {  	[tilespmem:s30], [sflag:$0x1] =	stream.linear.gather [hbm4b:s5+s30], $0x1400, $0x38;
	[tilespmem:$0x1A300] =	vst v63  }
0x20: {  	_ =	swait.ge [sflag:s10], $0x1400  }
0x21: {  	[sflag:s10] =	ssyncset.done $0x0  }
0x22: {  	s14 =	simm.s32 $0x1400;
	[sflag:s10] =	ssyncadd.s32 $0xFFFFEC00  }
0x23: {  	[tilespmem:s14], [sflag:$0x1] =	stream.linear.gather [hbm4b:s6+s30], $0x13880, $0x38;
	[tilespmem:$0x1A300] =	vst v63  }
0x24: {  	_ =	swait.ge [sflag:s10], $0x13880  }
0x25: {  	[sflag:s10] =	ssyncset.done $0x0  }
0x26: {  	s31 =	simm.s32 $0x0;
	[sflag:s10] =	ssyncadd.s32 $0xFFFEC780  }
0x27: {  	[spmem:s2] =	stream.indirect.scatter.add.f32 [tilespmem:s14], [sflag:$0x1], $0x10, s31, s11, $0xb8;
	[tilespmem:$0x1A300] =	vst v63  }
0x28: {  	_ =	swait.ge [sflag:s10], $0x800  }
0x29: {  	s15 =	simm.s32 $0x200;
	[sflag:s10] =	ssyncset.done $0x0  }
.LBB2_6:
0x2a: {  	s16 =	sshra.s32 s15, $0x2  }
0x2b: {  	[sflag:s10] =	ssyncadd.s32 $0xFFFFF800;
	s14 =	sadd.s32 $0x800, s14;
	p0 =	sne.s32 s15, $0x4E00  }
0x2c: {  	[spmem:s2] =	stream.indirect.scatter.add.f32 [tilespmem:s14], [sflag:$0x1], $0x10, s16, s11, $0xb8;
	[tilespmem:$0x1A300] =	vst v63  }
.Ltmp2:
0x2d: {  	_ = 	snop;
	(pc) =	sbr.rel @p0 .LBB2_6-.Ltmp2, $4  }
0x2e: {  	_ = 	snop  }
0x2f: {  	s15 =	sadd.s32 $0x200, s15  }
0x30: {  	_ =	swait.ge [sflag:s10], $0x800  }
0x31: {  	[sflag:s10] =	ssyncset.done $0x0  }
0x32: {  	s3 =	sadd.s32 $0x1, s3  }
0x33: {  	[sflag:s10] =	ssyncadd.s32 $0xFFFFF800;
	p0 =	sne.s32 s3, s8  }
.Ltmp3:
0x34: {  	[bflag:$0x0] =	sbarrier.arrive $0xFFFF;
	(pc) =	sbr.rel @p0 .LBB2_1-.Ltmp3, $4  }
0x35: {  	[hbm:s7], [sflag:s12] =	dma.local [spmem:s13], $0x4F0  }
0x36: {  	_ =	swait.ge [sflag:s10], $0x4F0  }
0x37: {  	[sflag:s10] =	ssyncset.done $0x0  }
0x38: {  	[sflag:s10] =	ssyncadd.s32 $0xFFFFFB10  }
0x39: {  	_ =	sfence.sel $0x180000  }
0x3a: {  	[bflag:$0x0] =	sbarrier.arrive $0xFFFF  }
0x3b: {  	p0 =	sne.s32 s1, $0x0;
	_ =	strace $0x90000053  }
0x3c: {  	s0 =	sadd.s32 @!p0 $0x100000, s0;
	[bflag:$0x2] =	sbarrier.arrive $0xFFFF  }
0x3d: {  	[sflag:s0] =	ssyncadd.tile.s32 @!p0 $0x1;
	_ =	shalt  }
.Lfunc_end2:
_tile_overlayer_lowered:
.L_overlay_start_2:
0x3e: {  	(tag) =	ssettag $0x2  }
0x3f: {  	s0 =	rddreg [dreg:$0x0];
	s2 =	stileid.u32  }
0x40: {  	s1 =	rddreg [dreg:$0x1];
	p0 =	sne.s32 s2, $0x0  }
0x41: {  	s3 =	rddreg [dreg:$0x2];
	[bflag:$0x3] =	sbarrier.arrive $0xFFFF;
	s2 =	simm.s32 @!p0 $0x1C01  }
0x42: {  	[timem:s3], [sflag:s2] =	dma.local @!p0 [hbm:s0], s1  }
0x43: {  	s0 =	simm.s32 @!p0 $0x1  }
0x44: {  	_ =	swait.ge @!p0 [sflag:s0], s1  }
0x45: {  	s1 =	ssub.s32 @!p0 $0x0, s1;
	[sflag:s0] =	ssyncset.done @!p0 $0x0  }
0x46: {  	[sflag:s0] =	ssyncadd.s32 @!p0 s1  }
0x47: {  	[bflag:$0x3] =	sbarrier.arrive $0xFFFF  }
0x48: {  	_ =	shalt  }

// kernel: kernel.38.cloned.1.call-start
scs
__scs_entry_jumppad:
0x0: {  	(pc) =	sbr.rel $0x88, $3  }
0x1: {  	(tag) =	ssettag $0x0;
	lr =	simm.s32 $0x1  }
0x2: {  	[smem:$0x3F7A] =	sst lr;
	_ =	strace $0xD0000000  }
0x3: {  	_ = 	snop  }
0x4: {  	_ = 	snop  }
0x5: {  	_ = 	snop  }
0x6: {  	_ = 	snop  }
0x7: {  	_ = 	snop  }
__scs_overlays_trampoline_lowered:
0x8: {  	[smem:$0x3F89] =	sst s0  }
0x9: {  	[smem:$0x3F8A] =	sst s1  }
0xa: {  	[smem:$0x3F8B] =	sst s2  }
0xb: {  	[smem:$0x3F8C] =	sst s3  }
0xc: {  	[smem:$0x3F8D] =	sst s4  }
0xd: {  	[smem:$0x3F8E] =	sst s5  }
0xe: {  	[smem:$0x3F8F] =	sst s6  }
0xf: {  	[smem:$0x3F90] =	sst s7  }
0x10: {  	[smem:$0x3F91] =	sst s8  }
0x11: {  	[smem:$0x3F92] =	sst s9;
	s0 =	simm.s32 @!p0 $0x0  }
0x12: {  	s1 =	sld [smem:$0x3F78];
	s0 =	simm.s32 @p0 $0x1  }
0x13: {  	[smem:$0x3F93] =	sst s0;
	s0 =	simm.s32 @!p1 $0x0  }
0x14: {  	s2 =	sld [smem:$0x3F77];
	s0 =	simm.s32 @p1 $0x1  }
0x15: {  	[smem:$0x3F94] =	sst s0;
	s0 =	simm.s32 @!p2 $0x0  }
0x16: {  	s3 =	sld [smem:$0x3FDB];
	s0 =	simm.s32 @p2 $0x1  }
0x17: {  	s4 =	simm.s32 $0x1BF5;
	[smem:$0x3F96] =	sst s0  }
0x18: {  	s0 =	sld [smem:$0x3F79];
	_ =	swait.ge [sflag:s4], $0x0  }
0x19: {  	s7 =	sld [smem:$0x3F7A]  }
0x1a: {  	s8 =	sadd.s32 $0xFFFFE003, lr  }
0x1b: {  	s9 =	sadd.s32 $0xFFFFFEF7, lr;
	s5 =	simm.s32 $0xFFFFFFFF;
	p2 =	slt.u32 s8, $0xFFFFF086  }
0x1c: {  	p1 =	slt.u32 s9, $0xF7A;
	s5 =	simm.s32 @!p2 $0x0  }
0x1d: {  	s5 =	simm.s32 @p1 $0x1;
	p0 =	seq.s32 s7, s2  }
0x1e: {  	s7 =	smul.u32 @!p0 $0xF7A, s2;
	p2 =	seq.s32 @!p0 s5, $0x0  }
0x1f: {  	s9 =	smul.u32 $0xF7A, s1;
	s8 =	simm.s32 @!p0 $0x1BF5;
	p2 =	por !p2, p0  }
0x20: {  	[sflag:s8] =	ssyncset.s32 @!p0 $0xFFFFF086;
	s6 =	sadd.s32 @!p0 s3, s7;
	s7 =	simm.s32 @!p0 $0x108  }
0x21: {  	s3 =	sadd.s32 s3, s9;
	s6 =	sadd.s32 @!p0 $0x88, s6;
	s7 =	simm.s32 @p2 $0x1082  }
0x22: {  	[simem:s7], [sflag:s8] =	dma.local @!p0 [hbm:s6], $0xF7A  }
0x23: {  	s9 =	sor.u32 $0xD0000000, s2;
	s6 =	simm.s32 $0x108;
	_ =	swait.ge @!p0 [sflag:s8], $0x0  }
0x24: {  	s3 =	sadd.s32 $0x88, s3;
	s6 =	simm.s32 @!p1 $0x1082;
	[sflag:s4] =	ssyncset.s32 $0xFFFFF086  }
0x25: {  	[simem:s6], [sflag:s4] =	dma.local [hbm:s3], $0xF7A  }
0x26: {  	[smem:$0x3F7A] =	sst s1;
	(tag) =	ssettag s2;
	_ =	strace s9  }
0x27: {  	s1 =	sld [smem:$0x3F8A]  }
0x28: {  	s2 =	sld [smem:$0x3F8B]  }
0x29: {  	s4 =	sld [smem:$0x3F8D]  }
0x2a: {  	p0 =	seq.s32 s5, $0x0;
	s5 =	sld [smem:$0x3F8E]  }
0x2b: {  	s6 =	sld [smem:$0x3F8F]  }
0x2c: {  	s7 =	sld [smem:$0x3F90]  }
0x2d: {  	s3 =	simm.s32 $0x108;
	s8 =	sld [smem:$0x3F91]  }
0x2e: {  	s3 =	simm.s32 @!p0 $0x1082;
	s9 =	sld [smem:$0x3F92]  }
0x2f: {  	lr =	sadd.s32 s0, s3;
	s0 =	sld [smem:$0x3F89]  }
0x30: {  	s3 =	sld [smem:$0x3F8C]  }
0x31: {  	[smem:$0x3F95] =	sst s10  }
0x32: {  	s10 =	sld [smem:$0x3F93];
	_ =	sdelay $0x3  }
0x33: {  	p0 =	seq.s32 s10, $0x1;
	s10 =	sld [smem:$0x3F95];
	_ =	sdelay $0x3  }
0x34: {  	[smem:$0x3F95] =	sst s10  }
0x35: {  	s10 =	sld [smem:$0x3F94];
	_ =	sdelay $0x3  }
0x36: {  	p1 =	seq.s32 s10, $0x1;
	s10 =	sld [smem:$0x3F95];
	_ =	sdelay $0x3  }
0x37: {  	[smem:$0x3F95] =	sst s10  }
0x38: {  	s10 =	sld [smem:$0x3F96]  }
0x39: {  	_ = 	snop;
	(pc) =	sbr.ind lr, $3  }
0x3a: {  	_ = 	snop  }
0x3b: {  	_ = 	snop  }
0x3c: {  	p2 =	seq.s32 s10, $0x1;
	s10 =	sld [smem:$0x3F95]  }
0x3d: {  	_ =	shalt  }
0x3e: {  	_ =	shalt  }
0x3f: {  	_ =	shalt  }
0x40: {  	_ =	shalt  }
0x41: {  	_ =	shalt  }
0x42: {  	_ =	shalt  }
0x43: {  	_ =	shalt  }
0x44: {  	_ =	shalt  }
0x45: {  	_ =	shalt  }
0x46: {  	_ =	shalt  }
0x47: {  	_ =	shalt  }
0x48: {  	_ =	shalt  }
0x49: {  	_ =	shalt  }
0x4a: {  	_ =	shalt  }
0x4b: {  	_ =	shalt  }
0x4c: {  	_ =	shalt  }
0x4d: {  	_ =	shalt  }
0x4e: {  	_ =	shalt  }
0x4f: {  	_ =	shalt  }
0x50: {  	_ =	shalt  }
0x51: {  	_ =	shalt  }
0x52: {  	_ =	shalt  }
0x53: {  	_ =	shalt  }
0x54: {  	_ =	shalt  }
0x55: {  	_ =	shalt  }
0x56: {  	_ =	shalt  }
0x57: {  	_ =	shalt  }
0x58: {  	_ =	shalt  }
0x59: {  	_ =	shalt  }
0x5a: {  	_ =	shalt  }
0x5b: {  	_ =	shalt  }
0x5c: {  	_ =	shalt  }
0x5d: {  	_ =	shalt  }
0x5e: {  	_ =	shalt  }
0x5f: {  	_ =	shalt  }
0x60: {  	_ =	shalt  }
0x61: {  	_ =	shalt  }
0x62: {  	_ =	shalt  }
0x63: {  	_ =	shalt  }
0x64: {  	_ =	shalt  }
0x65: {  	_ =	shalt  }
0x66: {  	_ =	shalt  }
0x67: {  	_ =	shalt  }
0x68: {  	_ =	shalt  }
0x69: {  	_ =	shalt  }
0x6a: {  	_ =	shalt  }
0x6b: {  	_ =	shalt  }
0x6c: {  	_ =	shalt  }
0x6d: {  	_ =	shalt  }
0x6e: {  	_ =	shalt  }
0x6f: {  	_ =	shalt  }
0x70: {  	_ =	shalt  }
0x71: {  	_ =	shalt  }
0x72: {  	_ =	shalt  }
0x73: {  	_ =	shalt  }
0x74: {  	_ =	shalt  }
0x75: {  	_ =	shalt  }
0x76: {  	_ =	shalt  }
0x77: {  	_ =	shalt  }
0x78: {  	_ =	shalt  }
0x79: {  	_ =	shalt  }
0x7a: {  	_ =	shalt  }
0x7b: {  	_ =	shalt  }
0x7c: {  	_ =	shalt  }
0x7d: {  	_ =	shalt  }
0x7e: {  	_ =	shalt  }
0x7f: {  	_ =	shalt  }
0x80: {  	_ =	shalt  }
0x81: {  	_ =	shalt  }
0x82: {  	_ =	shalt  }
0x83: {  	_ =	shalt  }
0x84: {  	_ =	shalt  }
0x85: {  	_ =	shalt  }
0x86: {  	_ =	shalt  }
0x87: {  	_ =	shalt  }
.Lfunc_end0:
.L_simem_size_0:
called_computation.5_lowered:
.L_overlay_start_0:
0x88: {  	s2 =	sld [smem:$0x3FD9]  }
0x89: {  	s3 =	sld [smem:$0x3FFE];
	_ =	sdelay $0x1  }
0x8a: {  	s1 =	srdreg.scid  }
0x8b: {  	s0 =	sand.u32 $0x1, s1  }
0x8c: {  	s16 =	sshll.u32 s0, $0xA;
	s2 =	sadd.s32 s3, s2  }
0x8d: {  	s2 =	sadd.s32 s2, s16  }
0x8e: {  	[smem:$0x3FA1] =	sst s2  }
0x8f: {  	_ = 	snop  }
0x90: {  	(tm) =	ssettm $0x1  }
0x91: {  	s17 =	sld [smem:$0x3FFB];
	_ =	sdelay $0x3  }
0x92: {  	_ =	strace s17  }
0x93: {  	s2 =	sld [smem:$0x3FFC];
	_ =	sdelay $0x3  }
0x94: {  	_ =	strace s2  }
0x95: {  	s2 =	sld [smem:$0x3FFD];
	_ =	sdelay $0x3  }
0x96: {  	_ =	strace s2  }
0x97: {  	_ =	strace $0x8FFFFFFF  }
0x98: {  	s18 =	sld [smem:$0x3FDB];
	_ =	sdelay $0x1  }
0x99: {  	s19 =	simm.s32 $_scs_section_size  }
0x9a: {  	s4 =	simm.s32 $_size__tile_overlayer_lowered;
	s5 =	simm.s32 $_tile_overlayer_lowered  }
0x9b: {  	s22 =	simm.s32 $0x1BFF;
	s21 =	sshll.u32 s5, $0x1;
	s2 =	sadd.s32 s19, s18  }
0x9c: {  	s6 =	simm.s32 $0x0;
	s20 =	sshll.u32 s4, $0x1;
	s4 =	sadd.s32 s21, s2  }
0x9d: {  	[timem:s6], [sflag:s22] =	dma.local [hbm:s4], s20  }
0x9e: {  	_ =	swait.ge [sflag:s22], s20  }
0x9f: {  	s3 =	ssub.s32 $0x0, s20;
	[sflag:s22] =	ssyncset.done $0x0  }
0xa0: {  	[sflag:s22] =	ssyncadd.s32 s3;
	_ =	sdelay $0x1  }
0xa1: {  	s23 =	simm.s32 $0x1B8B  }
0xa2: {  	_ =	swait.ge [sflag:s23], $0x1  }
0xa3: {  	[sflag:s23] =	ssyncset.done $0x0  }
0xa4: {  	s25 =	simm.s32 $0x1B8E;
	s24 =	sld [smem:$0x3FFE];
	[sflag:s23] =	ssyncadd.s32 $0xFFFFFFFF  }
0xa5: {  	s26 =	simm.s32 $execute0_lowered;
	[smem:$0x3FD2] =	sst s25  }
0xa6: {  	s4 =	sshll.u32 s26, $0x1;
	_ =	strace $0x80000055;
	[dreg:$0x1] =	wrdreg $0xFFFFFFFF  }
0xa7: {  	s28 =	simm.s32 $_size_execute0_lowered;
	s2 =	sadd.s32 s2, s4;
	[dreg:$0x0] =	wrdreg $0x0  }
0xa8: {  	s4 =	sshll.u32 s28, $0x1;
	[dreg:$0x2] =	wrdreg s2  }
0xa9: {  	[dreg:$0x3] =	wrdreg s4  }
0xaa: {  	[dreg:$0x4] =	wrdreg $0xC0  }
0xab: {  	_ =	task [dreg:s6], $0x5FFFF  }
0xac: {  	[dreg:$0x1] =	wrdreg $0xFFFFFFFF  }
0xad: {  	[dreg:$0x0] =	wrdreg $0x60  }
0xae: {  	[dreg:$0x2] =	wrdreg s24  }
0xaf: {  	[dreg:$0x3] =	wrdreg $0x9  }
0xb0: {  	_ =	task.clear_ibuf [dreg:s6], $0x4FFFF;
	_ =	strace $0x90000055  }
0xb1: {  	s29 =	simm.s32 $0x9;
	_ =	strace $0x80000057  }
0xb2: {  	_ =	swait.ge [sflag:s29], $0x1  }
0xb3: {  	[sflag:s29] =	ssyncadd.s32 $0xFFFFFFFF  }
0xb4: {  	_ =	strace $0x90000057  }
0xb5: {  	_ =	sfence  }
0xb6: {  	s30 =	sld [smem:$0x0];
	_ =	sdelay $0x2  }
0xb7: {  	s31 =	sshll.u32 s1, $0xD;
	s1 =	sshrl.u32 s1, $0x2  }
0xb8: {  	s3 =	sand.u32 $0x4000, s31;
	s1 =	sadd.s32 s1, s30  }
0xb9: {  	s0 =	sor.u32 s3, s0;
	s1 =	sshll.u32 s1, $0x11  }
0xba: {  	s0 =	sor.u32 s1, s0  }
0xbb: {  	s0 =	sadd.s32 $0x8F2B, s0  }
0xbc: {  	[sflag:s0] =	ssyncadd.remote.s32 $0x1  }
0xbd: {  	_ =	sfence.sel $0xFFFF  }
0xbe: {  	[dreg:$0x0] =	wrdreg $0xFFFFFFFF;
	(pc) =	sbr.abs _section_cstart, $3  }
0xbf: {  	[dreg:$0x1] =	wrdreg $0xFFFFFFFF  }
0xc0: {  	_ =	task.clear_ibuf [dreg:s6], $0x2FFFF;
	_ =	strace $0x9FFFFFFF  }
0xc1: {  	(tm) =	ssettm $0x7FFFFFFF  }
tec
execute0_lowered:
.L_overlay_start_1:
0x0: {  	(tag) =	ssettag $0x1  }
0x1: {  	s1 =	srdreg.scid;
	s0 =	stileid.u32  }
0x2: {  	s5 =	rddreg [dreg:$0x0];
	s2 =	simm.s32 $0x0;
	s8 =	simm.s32 $0x80  }
0x3: {  	s9 =	simm.s32 $0x2;
	s4 =	sand.u32 $0x1, s1;
	s30 =	sshll.u32 s0, $0x1  }
0x4: {  	s10 =	simm.s32 $0x1400;
	s1 =	rddreg [dreg:$0x1];
	s3 =	sor.u32 s4, s30  }
0x5: {  	s11 =	simm.s32 $0x0;
	[smem:$0x7FF] =	sst s2;
	s6 =	smul.u32 $0x280, s3  }
0x6: {  	_ =	strace $0x80000056;
	s4 =	ssub.s32 $0x2, s4;
	s7 =	smul.u32 $0x2710, s3  }
0x7: {  	s3 =	sadd.s32 $0x14800, s5;
	s31 =	sshrl.u32 s4, $0x1;
	s6 =	sadd.s32 s6, s5  }
0x8: {  	s5 =	sadd.s32 s7, s5;
	s7 =	ssub.s32 s4, s31;
	s4 =	sadd.s32 $0x1E600, s6  }
0x9: {  	s5 =	sadd.s32 $0x23600, s5;
	s6 =	smax.u32 s7, $0x1;
	s7 =	simm.s32 $0x1  }
.LBB2_1:
0xa: {  	[tilespmem:s2], [sflag:$0x1] =	stream.linear.gather [hbm4b:s4+s2], $0x1400, $0x38;
	[tilespmem:$0x15400] =	vst v63  }
0xb: {  	_ =	swait.ge [sflag:s7], $0x1400  }
0xc: {  	[sflag:s7] =	ssyncset.done $0x0  }
0xd: {  	s12 =	simm.s32 $0x1400;
	s13 =	simm.s32 $0x0;
	[sflag:s7] =	ssyncadd.s32 $0xFFFFEC00  }
.LBB2_2:
0xe: {  	p0 =	sne.s32 s13, $0x4E00  }
.Ltmp0:
0xf: {  	_ = 	snop;
	(pc) =	sbr.rel @p0 .LBB2_2-.Ltmp0, $4  }
0x10: {  	_ = 	snop  }
0x11: {  	s14 =	sshra.s32 s13, $0x2  }
0x12: {  	[tilespmem:s12], [sflag:$0x2] =	stream.indirect.gather [hbm4b:s3+s8], $0x10, s14, s8, $0xb8;
	[tilespmem:$0x15400] =	vst v63  }
0x13: {  	s13 =	sadd.s32 $0x200, s13;
	s12 =	sadd.s32 $0x800, s12  }
0x14: {  	_ =	swait.ge [sflag:s9], $0x800  }
0x15: {  	s12 =	simm.s32 $0x27;
	[sflag:s9] =	ssyncset.done $0x0  }
.LBB2_4:
0x16: {  	p0 =	sne.s32 s12, $0x1;
	s12 =	sadd.s32 $0xFFFFFFFF, s12;
	[sflag:s9] =	ssyncadd.s32 $0xFFFFF800  }
.Ltmp1:
0x17: {  	(pc) =	sbr.rel @p0 .LBB2_4-.Ltmp1, $3  }
0x18: {  	_ =	sdelay $0x1  }
0x19: {  	_ =	swait.ge [sflag:s9], $0x800  }
0x1a: {  	[sflag:s9] =	ssyncset.done $0x0  }
0x1b: {  	s11 =	sadd.s32 $0x1, s11  }
0x1c: {  	p0 =	sne.s32 s11, s6  }
.Ltmp2:
0x1d: {  	[sflag:s9] =	ssyncadd.s32 $0xFFFFF800;
	(pc) =	sbr.rel @p0 .LBB2_1-.Ltmp2, $4  }
0x1e: {  	[hbm4b:s5+s2] =	stream.linear.scatter [tilespmem:s10], [sflag:$0x1], $0x13880, $0x38;
	[tilespmem:$0x15400] =	vst v63  }
0x1f: {  	_ =	swait.ge [sflag:s7], $0x13880  }
0x20: {  	[sflag:s7] =	ssyncset.done $0x0  }
0x21: {  	[sflag:s7] =	ssyncadd.s32 $0xFFFEC780  }
0x22: {  	_ =	sfence.sel $0x180000  }
0x23: {  	[bflag:$0x0] =	sbarrier.arrive $0xFFFF  }
0x24: {  	p0 =	sne.s32 s0, $0x0;
	_ =	strace $0x90000056  }
0x25: {  	s0 =	sadd.s32 @!p0 $0x100000, s1;
	[bflag:$0x2] =	sbarrier.arrive $0xFFFF  }
0x26: {  	[sflag:s0] =	ssyncadd.tile.s32 @!p0 $0x1;
	_ =	shalt  }
.Lfunc_end2:
_tile_overlayer_lowered:
.L_overlay_start_2:
0x27: {  	(tag) =	ssettag $0x2  }
0x28: {  	s0 =	rddreg [dreg:$0x0];
	s2 =	stileid.u32  }
0x29: {  	s1 =	rddreg [dreg:$0x1];
	p0 =	sne.s32 s2, $0x0  }
0x2a: {  	s3 =	rddreg [dreg:$0x2];
	[bflag:$0x3] =	sbarrier.arrive $0xFFFF;
	s2 =	simm.s32 @!p0 $0x1C03  }
0x2b: {  	[timem:s3], [sflag:s2] =	dma.local @!p0 [hbm:s0], s1  }
0x2c: {  	s0 =	simm.s32 @!p0 $0x3  }
0x2d: {  	_ =	swait.ge @!p0 [sflag:s0], s1  }
0x2e: {  	s1 =	ssub.s32 @!p0 $0x0, s1;
	[sflag:s0] =	ssyncset.done @!p0 $0x0  }
0x2f: {  	[sflag:s0] =	ssyncadd.s32 @!p0 s1  }
0x30: {  	[bflag:$0x3] =	sbarrier.arrive $0xFFFF  }
0x31: {  	_ =	shalt  }

// kernel: kernel.41.cloned.1.call-start
scs
__scs_entry_jumppad:
0x0: {  	(pc) =	sbr.rel $0x88, $3  }
0x1: {  	(tag) =	ssettag $0x0;
	lr =	simm.s32 $0x1  }
0x2: {  	[smem:$0x3F7A] =	sst lr;
	_ =	strace $0xD0000000  }
0x3: {  	_ = 	snop  }
0x4: {  	_ = 	snop  }
0x5: {  	_ = 	snop  }
0x6: {  	_ = 	snop  }
0x7: {  	_ = 	snop  }
__scs_overlays_trampoline_lowered:
0x8: {  	[smem:$0x3F89] =	sst s0  }
0x9: {  	[smem:$0x3F8A] =	sst s1  }
0xa: {  	[smem:$0x3F8B] =	sst s2  }
0xb: {  	[smem:$0x3F8C] =	sst s3  }
0xc: {  	[smem:$0x3F8D] =	sst s4  }
0xd: {  	[smem:$0x3F8E] =	sst s5  }
0xe: {  	[smem:$0x3F8F] =	sst s6  }
0xf: {  	[smem:$0x3F90] =	sst s7  }
0x10: {  	[smem:$0x3F91] =	sst s8  }
0x11: {  	[smem:$0x3F92] =	sst s9;
	s0 =	simm.s32 @!p0 $0x0  }
0x12: {  	s1 =	sld [smem:$0x3F78];
	s0 =	simm.s32 @p0 $0x1  }
0x13: {  	[smem:$0x3F93] =	sst s0;
	s0 =	simm.s32 @!p1 $0x0  }
0x14: {  	s2 =	sld [smem:$0x3F77];
	s0 =	simm.s32 @p1 $0x1  }
0x15: {  	[smem:$0x3F94] =	sst s0;
	s0 =	simm.s32 @!p2 $0x0  }
0x16: {  	s3 =	sld [smem:$0x3FDB];
	s0 =	simm.s32 @p2 $0x1  }
0x17: {  	s4 =	simm.s32 $0x1BF5;
	[smem:$0x3F96] =	sst s0  }
0x18: {  	s0 =	sld [smem:$0x3F79];
	_ =	swait.ge [sflag:s4], $0x0  }
0x19: {  	s7 =	sld [smem:$0x3F7A]  }
0x1a: {  	s8 =	sadd.s32 $0xFFFFE003, lr  }
0x1b: {  	s9 =	sadd.s32 $0xFFFFFEF7, lr;
	s5 =	simm.s32 $0xFFFFFFFF;
	p2 =	slt.u32 s8, $0xFFFFF086  }
0x1c: {  	p1 =	slt.u32 s9, $0xF7A;
	s5 =	simm.s32 @!p2 $0x0  }
0x1d: {  	s5 =	simm.s32 @p1 $0x1;
	p0 =	seq.s32 s7, s2  }
0x1e: {  	s7 =	smul.u32 @!p0 $0xF7A, s2;
	p2 =	seq.s32 @!p0 s5, $0x0  }
0x1f: {  	s9 =	smul.u32 $0xF7A, s1;
	s8 =	simm.s32 @!p0 $0x1BF5;
	p2 =	por !p2, p0  }
0x20: {  	[sflag:s8] =	ssyncset.s32 @!p0 $0xFFFFF086;
	s6 =	sadd.s32 @!p0 s3, s7;
	s7 =	simm.s32 @!p0 $0x108  }
0x21: {  	s3 =	sadd.s32 s3, s9;
	s6 =	sadd.s32 @!p0 $0x88, s6;
	s7 =	simm.s32 @p2 $0x1082  }
0x22: {  	[simem:s7], [sflag:s8] =	dma.local @!p0 [hbm:s6], $0xF7A  }
0x23: {  	s9 =	sor.u32 $0xD0000000, s2;
	s6 =	simm.s32 $0x108;
	_ =	swait.ge @!p0 [sflag:s8], $0x0  }
0x24: {  	s3 =	sadd.s32 $0x88, s3;
	s6 =	simm.s32 @!p1 $0x1082;
	[sflag:s4] =	ssyncset.s32 $0xFFFFF086  }
0x25: {  	[simem:s6], [sflag:s4] =	dma.local [hbm:s3], $0xF7A  }
0x26: {  	[smem:$0x3F7A] =	sst s1;
	(tag) =	ssettag s2;
	_ =	strace s9  }
0x27: {  	s1 =	sld [smem:$0x3F8A]  }
0x28: {  	s2 =	sld [smem:$0x3F8B]  }
0x29: {  	s4 =	sld [smem:$0x3F8D]  }
0x2a: {  	p0 =	seq.s32 s5, $0x0;
	s5 =	sld [smem:$0x3F8E]  }
0x2b: {  	s6 =	sld [smem:$0x3F8F]  }
0x2c: {  	s7 =	sld [smem:$0x3F90]  }
0x2d: {  	s3 =	simm.s32 $0x108;
	s8 =	sld [smem:$0x3F91]  }
0x2e: {  	s3 =	simm.s32 @!p0 $0x1082;
	s9 =	sld [smem:$0x3F92]  }
0x2f: {  	lr =	sadd.s32 s0, s3;
	s0 =	sld [smem:$0x3F89]  }
0x30: {  	s3 =	sld [smem:$0x3F8C]  }
0x31: {  	[smem:$0x3F95] =	sst s10  }
0x32: {  	s10 =	sld [smem:$0x3F93];
	_ =	sdelay $0x3  }
0x33: {  	p0 =	seq.s32 s10, $0x1;
	s10 =	sld [smem:$0x3F95];
	_ =	sdelay $0x3  }
0x34: {  	[smem:$0x3F95] =	sst s10  }
0x35: {  	s10 =	sld [smem:$0x3F94];
	_ =	sdelay $0x3  }
0x36: {  	p1 =	seq.s32 s10, $0x1;
	s10 =	sld [smem:$0x3F95];
	_ =	sdelay $0x3  }
0x37: {  	[smem:$0x3F95] =	sst s10  }
0x38: {  	s10 =	sld [smem:$0x3F96]  }
0x39: {  	_ = 	snop;
	(pc) =	sbr.ind lr, $3  }
0x3a: {  	_ = 	snop  }
0x3b: {  	_ = 	snop  }
0x3c: {  	p2 =	seq.s32 s10, $0x1;
	s10 =	sld [smem:$0x3F95]  }
0x3d: {  	_ =	shalt  }
0x3e: {  	_ =	shalt  }
0x3f: {  	_ =	shalt  }
0x40: {  	_ =	shalt  }
0x41: {  	_ =	shalt  }
0x42: {  	_ =	shalt  }
0x43: {  	_ =	shalt  }
0x44: {  	_ =	shalt  }
0x45: {  	_ =	shalt  }
0x46: {  	_ =	shalt  }
0x47: {  	_ =	shalt  }
0x48: {  	_ =	shalt  }
0x49: {  	_ =	shalt  }
0x4a: {  	_ =	shalt  }
0x4b: {  	_ =	shalt  }
0x4c: {  	_ =	shalt  }
0x4d: {  	_ =	shalt  }
0x4e: {  	_ =	shalt  }
0x4f: {  	_ =	shalt  }
0x50: {  	_ =	shalt  }
0x51: {  	_ =	shalt  }
0x52: {  	_ =	shalt  }
0x53: {  	_ =	shalt  }
0x54: {  	_ =	shalt  }
0x55: {  	_ =	shalt  }
0x56: {  	_ =	shalt  }
0x57: {  	_ =	shalt  }
0x58: {  	_ =	shalt  }
0x59: {  	_ =	shalt  }
0x5a: {  	_ =	shalt  }
0x5b: {  	_ =	shalt  }
0x5c: {  	_ =	shalt  }
0x5d: {  	_ =	shalt  }
0x5e: {  	_ =	shalt  }
0x5f: {  	_ =	shalt  }
0x60: {  	_ =	shalt  }
0x61: {  	_ =	shalt  }
0x62: {  	_ =	shalt  }
0x63: {  	_ =	shalt  }
0x64: {  	_ =	shalt  }
0x65: {  	_ =	shalt  }
0x66: {  	_ =	shalt  }
0x67: {  	_ =	shalt  }
0x68: {  	_ =	shalt  }
0x69: {  	_ =	shalt  }
0x6a: {  	_ =	shalt  }
0x6b: {  	_ =	shalt  }
0x6c: {  	_ =	shalt  }
0x6d: {  	_ =	shalt  }
0x6e: {  	_ =	shalt  }
0x6f: {  	_ =	shalt  }
0x70: {  	_ =	shalt  }
0x71: {  	_ =	shalt  }
0x72: {  	_ =	shalt  }
0x73: {  	_ =	shalt  }
0x74: {  	_ =	shalt  }
0x75: {  	_ =	shalt  }
0x76: {  	_ =	shalt  }
0x77: {  	_ =	shalt  }
0x78: {  	_ =	shalt  }
0x79: {  	_ =	shalt  }
0x7a: {  	_ =	shalt  }
0x7b: {  	_ =	shalt  }
0x7c: {  	_ =	shalt  }
0x7d: {  	_ =	shalt  }
0x7e: {  	_ =	shalt  }
0x7f: {  	_ =	shalt  }
0x80: {  	_ =	shalt  }
0x81: {  	_ =	shalt  }
0x82: {  	_ =	shalt  }
0x83: {  	_ =	shalt  }
0x84: {  	_ =	shalt  }
0x85: {  	_ =	shalt  }
0x86: {  	_ =	shalt  }
0x87: {  	_ =	shalt  }
.Lfunc_end0:
.L_simem_size_0:
called_computation.6_lowered:
.L_overlay_start_0:
0x88: {  	s2 =	sld [smem:$0x3FD9]  }
0x89: {  	s3 =	sld [smem:$0x3FFE];
	_ =	sdelay $0x1  }
0x8a: {  	s1 =	srdreg.scid  }
0x8b: {  	s0 =	sand.u32 $0x1, s1  }
0x8c: {  	s16 =	sshll.u32 s0, $0xA;
	s2 =	sadd.s32 s3, s2  }
0x8d: {  	s2 =	sadd.s32 s2, s16  }
0x8e: {  	[smem:$0x3FA1] =	sst s2  }
0x8f: {  	_ = 	snop  }
0x90: {  	(tm) =	ssettm $0x1  }
0x91: {  	s17 =	sld [smem:$0x3FFB];
	_ =	sdelay $0x3  }
0x92: {  	_ =	strace s17  }
0x93: {  	s2 =	sld [smem:$0x3FFC];
	_ =	sdelay $0x3  }
0x94: {  	_ =	strace s2  }
0x95: {  	s2 =	sld [smem:$0x3FFD];
	_ =	sdelay $0x3  }
0x96: {  	_ =	strace s2  }
0x97: {  	_ =	strace $0x8FFFFFFF  }
0x98: {  	s18 =	sld [smem:$0x3FDB];
	_ =	sdelay $0x1  }
0x99: {  	s19 =	simm.s32 $_scs_section_size  }
0x9a: {  	s4 =	simm.s32 $_size__tile_overlayer_lowered;
	s5 =	simm.s32 $_tile_overlayer_lowered  }
0x9b: {  	s22 =	simm.s32 $0x1BFF;
	s21 =	sshll.u32 s5, $0x1;
	s2 =	sadd.s32 s19, s18  }
0x9c: {  	s6 =	simm.s32 $0x0;
	s20 =	sshll.u32 s4, $0x1;
	s4 =	sadd.s32 s21, s2  }
0x9d: {  	[timem:s6], [sflag:s22] =	dma.local [hbm:s4], s20  }
0x9e: {  	_ =	swait.ge [sflag:s22], s20  }
0x9f: {  	s3 =	ssub.s32 $0x0, s20;
	[sflag:s22] =	ssyncset.done $0x0  }
0xa0: {  	[sflag:s22] =	ssyncadd.s32 s3;
	_ =	sdelay $0x1  }
0xa1: {  	s23 =	simm.s32 $0x1B8B  }
0xa2: {  	_ =	swait.ge [sflag:s23], $0x1  }
0xa3: {  	[sflag:s23] =	ssyncset.done $0x0  }
0xa4: {  	s25 =	simm.s32 $0x1B8E;
	s24 =	sld [smem:$0x3FFE];
	[sflag:s23] =	ssyncadd.s32 $0xFFFFFFFF  }
0xa5: {  	s26 =	simm.s32 $execute0_lowered;
	[smem:$0x3FD2] =	sst s25  }
0xa6: {  	s4 =	sshll.u32 s26, $0x1;
	_ =	strace $0x80000058;
	[dreg:$0x1] =	wrdreg $0xFFFFFFFF  }
0xa7: {  	s28 =	simm.s32 $_size_execute0_lowered;
	s2 =	sadd.s32 s2, s4;
	[dreg:$0x0] =	wrdreg $0x0  }
0xa8: {  	s4 =	sshll.u32 s28, $0x1;
	[dreg:$0x2] =	wrdreg s2  }
0xa9: {  	[dreg:$0x3] =	wrdreg s4  }
0xaa: {  	[dreg:$0x4] =	wrdreg $0xC0  }
0xab: {  	_ =	task [dreg:s6], $0x5FFFF  }
0xac: {  	[dreg:$0x1] =	wrdreg $0xFFFFFFFF  }
0xad: {  	[dreg:$0x0] =	wrdreg $0x60  }
0xae: {  	[dreg:$0x2] =	wrdreg s24  }
0xaf: {  	[dreg:$0x3] =	wrdreg $0x17B800  }
0xb0: {  	[dreg:$0x4] =	wrdreg $0x9  }
0xb1: {  	_ =	task.clear_ibuf [dreg:s6], $0x5FFFF;
	_ =	strace $0x90000058  }
0xb2: {  	s29 =	simm.s32 $0x9;
	_ =	strace $0x8000005A  }
0xb3: {  	_ =	swait.ge [sflag:s29], $0x1  }
0xb4: {  	[sflag:s29] =	ssyncadd.s32 $0xFFFFFFFF  }
0xb5: {  	_ =	strace $0x9000005A  }
0xb6: {  	_ =	sfence  }
0xb7: {  	s30 =	sld [smem:$0x0];
	_ =	sdelay $0x2  }
0xb8: {  	s31 =	sshll.u32 s1, $0xD;
	s1 =	sshrl.u32 s1, $0x2  }
0xb9: {  	s3 =	sand.u32 $0x4000, s31;
	s1 =	sadd.s32 s1, s30  }
0xba: {  	s0 =	sor.u32 s3, s0;
	s1 =	sshll.u32 s1, $0x11  }
0xbb: {  	s0 =	sor.u32 s1, s0  }
0xbc: {  	s0 =	sadd.s32 $0x8F2B, s0  }
0xbd: {  	[sflag:s0] =	ssyncadd.remote.s32 $0x1  }
0xbe: {  	_ =	sfence.sel $0xFFFF  }
0xbf: {  	[dreg:$0x0] =	wrdreg $0xFFFFFFFF;
	(pc) =	sbr.abs _section_cstart, $3  }
0xc0: {  	[dreg:$0x1] =	wrdreg $0xFFFFFFFF  }
0xc1: {  	_ =	task.clear_ibuf [dreg:s6], $0x2FFFF;
	_ =	strace $0x9FFFFFFF  }
0xc2: {  	(tm) =	ssettm $0x7FFFFFFF  }
0xc3: {  	_ =	shalt  }
tec
execute0_lowered:
.L_overlay_start_1:
0x0: {  	(tag) =	ssettag $0x1  }
0x1: {  	s4 =	rddreg [dreg:$0x0]  }
0x2: {  	s2 =	rddreg [dreg:$0x1]  }
0x3: {  	s0 =	rddreg [dreg:$0x2];
	s3 =	srdreg.scid  }
0x4: {  	s1 =	stileid.u32;
	s11 =	simm.s32 $0x80;
	s5 =	sand.u32 $0x1, s3  }
0x5: {  	s6 =	sshll.u32 s1, $0x1;
	s7 =	smul.u32 $0x2780, s1;
	s3 =	simm.s32 $0x0  }
0x6: {  	s12 =	sshll.u32 s1, $0x6;
	s6 =	sor.u32 s5, s6;
	s8 =	smul.u32 $0x27800, s5  }
0x7: {  	[smem:$0x7FF] =	sst s3;
	s5 =	ssub.s32 $0x2, s5;
	s9 =	smul.u32 $0x2710, s6  }
0x8: {  	s12 =	sor.u32 $0x1C01, s12;
	s6 =	smul.u32 $0x280, s6;
	s31 =	sshrl.u32 s5, $0x1  }
0x9: {  	_ =	strace $0x80000059;
	s8 =	sadd.s32 s7, s8;
	s10 =	ssub.s32 s5, s31  }
0xa: {  	s9 =	sadd.s32 s9, s4;
	s8 =	sshrl.u32 s8, $0x3;
	s6 =	sadd.s32 s6, s4  }
0xb: {  	s8 =	sadd.s32 s8, s4;
	s4 =	sadd.s32 s7, s2;
	s5 =	sadd.s32 $0xF800, s6  }
0xc: {  	s6 =	sadd.s32 $0x23600, s9;
	s9 =	simm.s32 $0x15400;
	s7 =	sadd.s32 $0x71800, s8  }
0xd: {  	v0 =	vimm.f32 $0.0e+00;
	s8 =	smax.u32 s10, $0x1;
	s10 =	simm.s32 $0x1;
	s13 =	sshrl.u32 s4, $0x3  }
.LBB2_1:
0xe: {  	s14 =	simm.s32 $0x0  }
.LBB2_2:
0xf: {  	p0 =	sne.s32 s14, $0x9DC0  }
.Ltmp0:
0x10: {  	_ = 	snop;
	(pc) =	sbr.rel @p0 .LBB2_2-.Ltmp0, $3  }
0x11: {  	_ =	sdelay $0x1  }
0x12: {  	s15 =	sshra.s32 s14, $0x2  }
0x13: {  	s14 =	sadd.s32 $0x40, s14;
	[tilespmem:s15+$0x15400] =	vst v0  }
0x14: {  	s14 =	simm.s32 $0x40;
	s15 =	simm.s32 $0x0  }
.LBB2_4:
0x15: {  	p0 =	sne.s32 s14, $0x1DC0;
	[tilespmem:s15+$0x14C80] =	vst v0;
	s15 =	smov.u32 s14;
	s14 =	sadd.s32 $0x40, s14  }
.Ltmp1:
0x16: {  	(pc) =	sbr.rel @p0 .LBB2_4-.Ltmp1, $2  }
0x17: {  	_ =	sdelay $0x2  }
0x18: {  	s15 =	sshra.s32 s15, $0x2  }
0x19: {  	[tilespmem:s15+$0x14C80] =	vst v0  }
0x1a: {  	[spmem:s4] =	stream.linear.scatter [tilespmem:s9], [sflag:$0x1], $0x2780, $0x38;
	[tilespmem:$0x1A300] =	vst v63  }
0x1b: {  	_ =	swait.ge [sflag:s10], $0x2780  }
0x1c: {  	[sflag:s10] =	ssyncset.done $0x0  }
0x1d: {  	[sflag:s10] =	ssyncadd.s32 $0xFFFFD880  }
0x1e: {  	s30 =	simm.s32 $0x0;
	[bflag:$0x0] =	sbarrier.arrive $0xFFFF  }
0x1f: {  	[tilespmem:s30], [sflag:$0x1] =	stream.linear.gather [hbm4b:s5+s30], $0x1400, $0x38;
	[tilespmem:$0x1A300] =	vst v63  }
0x20: {  	_ =	swait.ge [sflag:s10], $0x1400  }
0x21: {  	[sflag:s10] =	ssyncset.done $0x0  }
0x22: {  	s14 =	simm.s32 $0x1400;
	[sflag:s10] =	ssyncadd.s32 $0xFFFFEC00  }
0x23: {  	[tilespmem:s14], [sflag:$0x1] =	stream.linear.gather [hbm4b:s6+s30], $0x13880, $0x38;
	[tilespmem:$0x1A300] =	vst v63  }
0x24: {  	_ =	swait.ge [sflag:s10], $0x13880  }
0x25: {  	[sflag:s10] =	ssyncset.done $0x0  }
0x26: {  	s31 =	simm.s32 $0x0;
	[sflag:s10] =	ssyncadd.s32 $0xFFFEC780  }
0x27: {  	[spmem:s2] =	stream.indirect.scatter.add.f32 [tilespmem:s14], [sflag:$0x1], $0x10, s31, s11, $0xb8;
	[tilespmem:$0x1A300] =	vst v63  }
0x28: {  	_ =	swait.ge [sflag:s10], $0x800  }
0x29: {  	s15 =	simm.s32 $0x200;
	[sflag:s10] =	ssyncset.done $0x0  }
.LBB2_6:
0x2a: {  	s16 =	sshra.s32 s15, $0x2  }
0x2b: {  	[sflag:s10] =	ssyncadd.s32 $0xFFFFF800;
	s14 =	sadd.s32 $0x800, s14;
	p0 =	sne.s32 s15, $0x4E00  }
0x2c: {  	[spmem:s2] =	stream.indirect.scatter.add.f32 [tilespmem:s14], [sflag:$0x1], $0x10, s16, s11, $0xb8;
	[tilespmem:$0x1A300] =	vst v63  }
.Ltmp2:
0x2d: {  	_ = 	snop;
	(pc) =	sbr.rel @p0 .LBB2_6-.Ltmp2, $4  }
0x2e: {  	_ = 	snop  }
0x2f: {  	s15 =	sadd.s32 $0x200, s15  }
0x30: {  	_ =	swait.ge [sflag:s10], $0x800  }
0x31: {  	[sflag:s10] =	ssyncset.done $0x0  }
0x32: {  	s3 =	sadd.s32 $0x1, s3  }
0x33: {  	[sflag:s10] =	ssyncadd.s32 $0xFFFFF800;
	p0 =	sne.s32 s3, s8  }
.Ltmp3:
0x34: {  	[bflag:$0x0] =	sbarrier.arrive $0xFFFF;
	(pc) =	sbr.rel @p0 .LBB2_1-.Ltmp3, $4  }
0x35: {  	[hbm:s7], [sflag:s12] =	dma.local [spmem:s13], $0x4F0  }
0x36: {  	_ =	swait.ge [sflag:s10], $0x4F0  }
0x37: {  	[sflag:s10] =	ssyncset.done $0x0  }
0x38: {  	[sflag:s10] =	ssyncadd.s32 $0xFFFFFB10  }
0x39: {  	_ =	sfence.sel $0x180000  }
0x3a: {  	[bflag:$0x0] =	sbarrier.arrive $0xFFFF  }
0x3b: {  	p0 =	sne.s32 s1, $0x0;
	_ =	strace $0x90000059  }
0x3c: {  	s0 =	sadd.s32 @!p0 $0x100000, s0;
	[bflag:$0x2] =	sbarrier.arrive $0xFFFF  }
0x3d: {  	[sflag:s0] =	ssyncadd.tile.s32 @!p0 $0x1;
	_ =	shalt  }
.Lfunc_end2:
_tile_overlayer_lowered:
.L_overlay_start_2:
0x3e: {  	(tag) =	ssettag $0x2  }
0x3f: {  	s0 =	rddreg [dreg:$0x0];
	s2 =	stileid.u32  }
0x40: {  	s1 =	rddreg [dreg:$0x1];
	p0 =	sne.s32 s2, $0x0  }
0x41: {  	s3 =	rddreg [dreg:$0x2];
	[bflag:$0x3] =	sbarrier.arrive $0xFFFF;
	s2 =	simm.s32 @!p0 $0x1C01  }
0x42: {  	[timem:s3], [sflag:s2] =	dma.local @!p0 [hbm:s0], s1  }
0x43: {  	s0 =	simm.s32 @!p0 $0x1  }
0x44: {  	_ =	swait.ge @!p0 [sflag:s0], s1  }
0x45: {  	s1 =	ssub.s32 @!p0 $0x0, s1;
	[sflag:s0] =	ssyncset.done @!p0 $0x0  }
0x46: {  	[sflag:s0] =	ssyncadd.s32 @!p0 s1  }
0x47: {  	[bflag:$0x3] =	sbarrier.arrive $0xFFFF  }
0x48: {  	_ =	shalt  }

// kernel: kernel.44.cloned.1.call-start
scs
__scs_entry_jumppad:
0x0: {  	(pc) =	sbr.rel $0x88, $3  }
0x1: {  	(tag) =	ssettag $0x0;
	lr =	simm.s32 $0x1  }
0x2: {  	[smem:$0x3F7A] =	sst lr;
	_ =	strace $0xD0000000  }
0x3: {  	_ = 	snop  }
0x4: {  	_ = 	snop  }
0x5: {  	_ = 	snop  }
0x6: {  	_ = 	snop  }
0x7: {  	_ = 	snop  }
__scs_overlays_trampoline_lowered:
0x8: {  	[smem:$0x3F89] =	sst s0  }
0x9: {  	[smem:$0x3F8A] =	sst s1  }
0xa: {  	[smem:$0x3F8B] =	sst s2  }
0xb: {  	[smem:$0x3F8C] =	sst s3  }
0xc: {  	[smem:$0x3F8D] =	sst s4  }
0xd: {  	[smem:$0x3F8E] =	sst s5  }
0xe: {  	[smem:$0x3F8F] =	sst s6  }
0xf: {  	[smem:$0x3F90] =	sst s7  }
0x10: {  	[smem:$0x3F91] =	sst s8  }
0x11: {  	[smem:$0x3F92] =	sst s9;
	s0 =	simm.s32 @!p0 $0x0  }
0x12: {  	s1 =	sld [smem:$0x3F78];
	s0 =	simm.s32 @p0 $0x1  }
0x13: {  	[smem:$0x3F93] =	sst s0;
	s0 =	simm.s32 @!p1 $0x0  }
0x14: {  	s2 =	sld [smem:$0x3F77];
	s0 =	simm.s32 @p1 $0x1  }
0x15: {  	[smem:$0x3F94] =	sst s0;
	s0 =	simm.s32 @!p2 $0x0  }
0x16: {  	s3 =	sld [smem:$0x3FDB];
	s0 =	simm.s32 @p2 $0x1  }
0x17: {  	s4 =	simm.s32 $0x1BF5;
	[smem:$0x3F96] =	sst s0  }
0x18: {  	s0 =	sld [smem:$0x3F79];
	_ =	swait.ge [sflag:s4], $0x0  }
0x19: {  	s7 =	sld [smem:$0x3F7A]  }
0x1a: {  	s8 =	sadd.s32 $0xFFFFE003, lr  }
0x1b: {  	s9 =	sadd.s32 $0xFFFFFEF7, lr;
	s5 =	simm.s32 $0xFFFFFFFF;
	p2 =	slt.u32 s8, $0xFFFFF086  }
0x1c: {  	p1 =	slt.u32 s9, $0xF7A;
	s5 =	simm.s32 @!p2 $0x0  }
0x1d: {  	s5 =	simm.s32 @p1 $0x1;
	p0 =	seq.s32 s7, s2  }
0x1e: {  	s7 =	smul.u32 @!p0 $0xF7A, s2;
	p2 =	seq.s32 @!p0 s5, $0x0  }
0x1f: {  	s9 =	smul.u32 $0xF7A, s1;
	s8 =	simm.s32 @!p0 $0x1BF5;
	p2 =	por !p2, p0  }
0x20: {  	[sflag:s8] =	ssyncset.s32 @!p0 $0xFFFFF086;
	s6 =	sadd.s32 @!p0 s3, s7;
	s7 =	simm.s32 @!p0 $0x108  }
0x21: {  	s3 =	sadd.s32 s3, s9;
	s6 =	sadd.s32 @!p0 $0x88, s6;
	s7 =	simm.s32 @p2 $0x1082  }
0x22: {  	[simem:s7], [sflag:s8] =	dma.local @!p0 [hbm:s6], $0xF7A  }
0x23: {  	s9 =	sor.u32 $0xD0000000, s2;
	s6 =	simm.s32 $0x108;
	_ =	swait.ge @!p0 [sflag:s8], $0x0  }
0x24: {  	s3 =	sadd.s32 $0x88, s3;
	s6 =	simm.s32 @!p1 $0x1082;
	[sflag:s4] =	ssyncset.s32 $0xFFFFF086  }
0x25: {  	[simem:s6], [sflag:s4] =	dma.local [hbm:s3], $0xF7A  }
0x26: {  	[smem:$0x3F7A] =	sst s1;
	(tag) =	ssettag s2;
	_ =	strace s9  }
0x27: {  	s1 =	sld [smem:$0x3F8A]  }
0x28: {  	s2 =	sld [smem:$0x3F8B]  }
0x29: {  	s4 =	sld [smem:$0x3F8D]  }
0x2a: {  	p0 =	seq.s32 s5, $0x0;
	s5 =	sld [smem:$0x3F8E]  }
0x2b: {  	s6 =	sld [smem:$0x3F8F]  }
0x2c: {  	s7 =	sld [smem:$0x3F90]  }
0x2d: {  	s3 =	simm.s32 $0x108;
	s8 =	sld [smem:$0x3F91]  }
0x2e: {  	s3 =	simm.s32 @!p0 $0x1082;
	s9 =	sld [smem:$0x3F92]  }
0x2f: {  	lr =	sadd.s32 s0, s3;
	s0 =	sld [smem:$0x3F89]  }
0x30: {  	s3 =	sld [smem:$0x3F8C]  }
0x31: {  	[smem:$0x3F95] =	sst s10  }
0x32: {  	s10 =	sld [smem:$0x3F93];
	_ =	sdelay $0x3  }
0x33: {  	p0 =	seq.s32 s10, $0x1;
	s10 =	sld [smem:$0x3F95];
	_ =	sdelay $0x3  }
0x34: {  	[smem:$0x3F95] =	sst s10  }
0x35: {  	s10 =	sld [smem:$0x3F94];
	_ =	sdelay $0x3  }
0x36: {  	p1 =	seq.s32 s10, $0x1;
	s10 =	sld [smem:$0x3F95];
	_ =	sdelay $0x3  }
0x37: {  	[smem:$0x3F95] =	sst s10  }
0x38: {  	s10 =	sld [smem:$0x3F96]  }
0x39: {  	_ = 	snop;
	(pc) =	sbr.ind lr, $3  }
0x3a: {  	_ = 	snop  }
0x3b: {  	_ = 	snop  }
0x3c: {  	p2 =	seq.s32 s10, $0x1;
	s10 =	sld [smem:$0x3F95]  }
0x3d: {  	_ =	shalt  }
0x3e: {  	_ =	shalt  }
0x3f: {  	_ =	shalt  }
0x40: {  	_ =	shalt  }
0x41: {  	_ =	shalt  }
0x42: {  	_ =	shalt  }
0x43: {  	_ =	shalt  }
0x44: {  	_ =	shalt  }
0x45: {  	_ =	shalt  }
0x46: {  	_ =	shalt  }
0x47: {  	_ =	shalt  }
0x48: {  	_ =	shalt  }
0x49: {  	_ =	shalt  }
0x4a: {  	_ =	shalt  }
0x4b: {  	_ =	shalt  }
0x4c: {  	_ =	shalt  }
0x4d: {  	_ =	shalt  }
0x4e: {  	_ =	shalt  }
0x4f: {  	_ =	shalt  }
0x50: {  	_ =	shalt  }
0x51: {  	_ =	shalt  }
0x52: {  	_ =	shalt  }
0x53: {  	_ =	shalt  }
0x54: {  	_ =	shalt  }
0x55: {  	_ =	shalt  }
0x56: {  	_ =	shalt  }
0x57: {  	_ =	shalt  }
0x58: {  	_ =	shalt  }
0x59: {  	_ =	shalt  }
0x5a: {  	_ =	shalt  }
0x5b: {  	_ =	shalt  }
0x5c: {  	_ =	shalt  }
0x5d: {  	_ =	shalt  }
0x5e: {  	_ =	shalt  }
0x5f: {  	_ =	shalt  }
0x60: {  	_ =	shalt  }
0x61: {  	_ =	shalt  }
0x62: {  	_ =	shalt  }
0x63: {  	_ =	shalt  }
0x64: {  	_ =	shalt  }
0x65: {  	_ =	shalt  }
0x66: {  	_ =	shalt  }
0x67: {  	_ =	shalt  }
0x68: {  	_ =	shalt  }
0x69: {  	_ =	shalt  }
0x6a: {  	_ =	shalt  }
0x6b: {  	_ =	shalt  }
0x6c: {  	_ =	shalt  }
0x6d: {  	_ =	shalt  }
0x6e: {  	_ =	shalt  }
0x6f: {  	_ =	shalt  }
0x70: {  	_ =	shalt  }
0x71: {  	_ =	shalt  }
0x72: {  	_ =	shalt  }
0x73: {  	_ =	shalt  }
0x74: {  	_ =	shalt  }
0x75: {  	_ =	shalt  }
0x76: {  	_ =	shalt  }
0x77: {  	_ =	shalt  }
0x78: {  	_ =	shalt  }
0x79: {  	_ =	shalt  }
0x7a: {  	_ =	shalt  }
0x7b: {  	_ =	shalt  }
0x7c: {  	_ =	shalt  }
0x7d: {  	_ =	shalt  }
0x7e: {  	_ =	shalt  }
0x7f: {  	_ =	shalt  }
0x80: {  	_ =	shalt  }
0x81: {  	_ =	shalt  }
0x82: {  	_ =	shalt  }
0x83: {  	_ =	shalt  }
0x84: {  	_ =	shalt  }
0x85: {  	_ =	shalt  }
0x86: {  	_ =	shalt  }
0x87: {  	_ =	shalt  }
.Lfunc_end0:
.L_simem_size_0:
called_computation.7_lowered:
.L_overlay_start_0:
0x88: {  	s2 =	sld [smem:$0x3FD9]  }
0x89: {  	s3 =	sld [smem:$0x3FFE];
	_ =	sdelay $0x1  }
0x8a: {  	s1 =	srdreg.scid  }
0x8b: {  	s0 =	sand.u32 $0x1, s1  }
0x8c: {  	s16 =	sshll.u32 s0, $0xA;
	s2 =	sadd.s32 s3, s2  }
0x8d: {  	s2 =	sadd.s32 s2, s16  }
0x8e: {  	[smem:$0x3FA1] =	sst s2  }
0x8f: {  	_ = 	snop  }
0x90: {  	(tm) =	ssettm $0x1  }
0x91: {  	s17 =	sld [smem:$0x3FFB];
	_ =	sdelay $0x3  }
0x92: {  	_ =	strace s17  }
0x93: {  	s2 =	sld [smem:$0x3FFC];
	_ =	sdelay $0x3  }
0x94: {  	_ =	strace s2  }
0x95: {  	s2 =	sld [smem:$0x3FFD];
	_ =	sdelay $0x3  }
0x96: {  	_ =	strace s2  }
0x97: {  	_ =	strace $0x8FFFFFFF  }
0x98: {  	s18 =	sld [smem:$0x3FDB];
	_ =	sdelay $0x1  }
0x99: {  	s19 =	simm.s32 $_scs_section_size  }
0x9a: {  	s4 =	simm.s32 $_size__tile_overlayer_lowered;
	s5 =	simm.s32 $_tile_overlayer_lowered  }
0x9b: {  	s22 =	simm.s32 $0x1BFF;
	s21 =	sshll.u32 s5, $0x1;
	s2 =	sadd.s32 s19, s18  }
0x9c: {  	s6 =	simm.s32 $0x0;
	s20 =	sshll.u32 s4, $0x1;
	s4 =	sadd.s32 s21, s2  }
0x9d: {  	[timem:s6], [sflag:s22] =	dma.local [hbm:s4], s20  }
0x9e: {  	_ =	swait.ge [sflag:s22], s20  }
0x9f: {  	s3 =	ssub.s32 $0x0, s20;
	[sflag:s22] =	ssyncset.done $0x0  }
0xa0: {  	[sflag:s22] =	ssyncadd.s32 s3;
	_ =	sdelay $0x1  }
0xa1: {  	s23 =	simm.s32 $0x1B8B  }
0xa2: {  	_ =	swait.ge [sflag:s23], $0x1  }
0xa3: {  	[sflag:s23] =	ssyncset.done $0x0  }
0xa4: {  	s25 =	simm.s32 $0x1B8E;
	s24 =	sld [smem:$0x3FFE];
	[sflag:s23] =	ssyncadd.s32 $0xFFFFFFFF  }
0xa5: {  	s26 =	simm.s32 $execute0_lowered;
	[smem:$0x3FD2] =	sst s25  }
0xa6: {  	s4 =	sshll.u32 s26, $0x1;
	_ =	strace $0x8000005B;
	[dreg:$0x1] =	wrdreg $0xFFFFFFFF  }
0xa7: {  	s28 =	simm.s32 $_size_execute0_lowered;
	s2 =	sadd.s32 s2, s4;
	[dreg:$0x0] =	wrdreg $0x0  }
0xa8: {  	s4 =	sshll.u32 s28, $0x1;
	[dreg:$0x2] =	wrdreg s2  }
0xa9: {  	[dreg:$0x3] =	wrdreg s4  }
0xaa: {  	[dreg:$0x4] =	wrdreg $0xC0  }
0xab: {  	_ =	task [dreg:s6], $0x5FFFF  }
0xac: {  	[dreg:$0x1] =	wrdreg $0xFFFFFFFF  }
0xad: {  	[dreg:$0x0] =	wrdreg $0x60  }
0xae: {  	[dreg:$0x2] =	wrdreg s24  }
0xaf: {  	[dreg:$0x3] =	wrdreg $0x9  }
0xb0: {  	_ =	task.clear_ibuf [dreg:s6], $0x4FFFF;
	_ =	strace $0x9000005B  }
0xb1: {  	s29 =	simm.s32 $0x9;
	_ =	strace $0x8000005D  }
0xb2: {  	_ =	swait.ge [sflag:s29], $0x1  }
0xb3: {  	[sflag:s29] =	ssyncadd.s32 $0xFFFFFFFF  }
0xb4: {  	_ =	strace $0x9000005D  }
0xb5: {  	_ =	sfence  }
0xb6: {  	s30 =	sld [smem:$0x0];
	_ =	sdelay $0x2  }
0xb7: {  	s31 =	sshll.u32 s1, $0xD;
	s1 =	sshrl.u32 s1, $0x2  }
0xb8: {  	s3 =	sand.u32 $0x4000, s31;
	s1 =	sadd.s32 s1, s30  }
0xb9: {  	s0 =	sor.u32 s3, s0;
	s1 =	sshll.u32 s1, $0x11  }
0xba: {  	s0 =	sor.u32 s1, s0  }
0xbb: {  	s0 =	sadd.s32 $0x8F2B, s0  }
0xbc: {  	[sflag:s0] =	ssyncadd.remote.s32 $0x1  }
0xbd: {  	_ =	sfence.sel $0xFFFF  }
0xbe: {  	[dreg:$0x0] =	wrdreg $0xFFFFFFFF;
	(pc) =	sbr.abs _section_cstart, $3  }
0xbf: {  	[dreg:$0x1] =	wrdreg $0xFFFFFFFF  }
0xc0: {  	_ =	task.clear_ibuf [dreg:s6], $0x2FFFF;
	_ =	strace $0x9FFFFFFF  }
0xc1: {  	(tm) =	ssettm $0x7FFFFFFF  }
tec
execute0_lowered:
.L_overlay_start_1:
0x0: {  	(tag) =	ssettag $0x1  }
0x1: {  	s1 =	srdreg.scid;
	s0 =	stileid.u32  }
0x2: {  	s5 =	rddreg [dreg:$0x0];
	s2 =	simm.s32 $0x0;
	s8 =	simm.s32 $0x80  }
0x3: {  	s9 =	simm.s32 $0x2;
	s4 =	sand.u32 $0x1, s1;
	s30 =	sshll.u32 s0, $0x1  }
0x4: {  	s10 =	simm.s32 $0x1400;
	s1 =	rddreg [dreg:$0x1];
	s3 =	sor.u32 s4, s30  }
0x5: {  	s11 =	simm.s32 $0x0;
	[smem:$0x7FF] =	sst s2;
	s6 =	smul.u32 $0x280, s3  }
0x6: {  	_ =	strace $0x8000005C;
	s4 =	ssub.s32 $0x2, s4;
	s7 =	smul.u32 $0x2710, s3  }
0x7: {  	s3 =	sadd.s32 $0x14800, s5;
	s31 =	sshrl.u32 s4, $0x1;
	s6 =	sadd.s32 s6, s5  }
0x8: {  	s5 =	sadd.s32 s7, s5;
	s7 =	ssub.s32 s4, s31;
	s4 =	sadd.s32 $0x1E600, s6  }
0x9: {  	s5 =	sadd.s32 $0x23600, s5;
	s6 =	smax.u32 s7, $0x1;
	s7 =	simm.s32 $0x1  }
.LBB2_1:
0xa: {  	[tilespmem:s2], [sflag:$0x1] =	stream.linear.gather [hbm4b:s4+s2], $0x1400, $0x38;
	[tilespmem:$0x15400] =	vst v63  }
0xb: {  	_ =	swait.ge [sflag:s7], $0x1400  }
0xc: {  	[sflag:s7] =	ssyncset.done $0x0  }
0xd: {  	s12 =	simm.s32 $0x1400;
	s13 =	simm.s32 $0x0;
	[sflag:s7] =	ssyncadd.s32 $0xFFFFEC00  }
.LBB2_2:
0xe: {  	p0 =	sne.s32 s13, $0x4E00  }
.Ltmp0:
0xf: {  	_ = 	snop;
	(pc) =	sbr.rel @p0 .LBB2_2-.Ltmp0, $4  }
0x10: {  	_ = 	snop  }
0x11: {  	s14 =	sshra.s32 s13, $0x2  }
0x12: {  	[tilespmem:s12], [sflag:$0x2] =	stream.indirect.gather [hbm4b:s3+s8], $0x10, s14, s8, $0xb8;
	[tilespmem:$0x15400] =	vst v63  }
0x13: {  	s13 =	sadd.s32 $0x200, s13;
	s12 =	sadd.s32 $0x800, s12  }
0x14: {  	_ =	swait.ge [sflag:s9], $0x800  }
0x15: {  	s12 =	simm.s32 $0x27;
	[sflag:s9] =	ssyncset.done $0x0  }
.LBB2_4:
0x16: {  	p0 =	sne.s32 s12, $0x1;
	s12 =	sadd.s32 $0xFFFFFFFF, s12;
	[sflag:s9] =	ssyncadd.s32 $0xFFFFF800  }
.Ltmp1:
0x17: {  	(pc) =	sbr.rel @p0 .LBB2_4-.Ltmp1, $3  }
0x18: {  	_ =	sdelay $0x1  }
0x19: {  	_ =	swait.ge [sflag:s9], $0x800  }
0x1a: {  	[sflag:s9] =	ssyncset.done $0x0  }
0x1b: {  	s11 =	sadd.s32 $0x1, s11  }
0x1c: {  	p0 =	sne.s32 s11, s6  }
.Ltmp2:
0x1d: {  	[sflag:s9] =	ssyncadd.s32 $0xFFFFF800;
	(pc) =	sbr.rel @p0 .LBB2_1-.Ltmp2, $4  }
0x1e: {  	[hbm4b:s5+s2] =	stream.linear.scatter [tilespmem:s10], [sflag:$0x1], $0x13880, $0x38;
	[tilespmem:$0x15400] =	vst v63  }
0x1f: {  	_ =	swait.ge [sflag:s7], $0x13880  }
0x20: {  	[sflag:s7] =	ssyncset.done $0x0  }
0x21: {  	[sflag:s7] =	ssyncadd.s32 $0xFFFEC780  }
0x22: {  	_ =	sfence.sel $0x180000  }
0x23: {  	[bflag:$0x0] =	sbarrier.arrive $0xFFFF  }
0x24: {  	p0 =	sne.s32 s0, $0x0;
	_ =	strace $0x9000005C  }
0x25: {  	s0 =	sadd.s32 @!p0 $0x100000, s1;
	[bflag:$0x2] =	sbarrier.arrive $0xFFFF  }
0x26: {  	[sflag:s0] =	ssyncadd.tile.s32 @!p0 $0x1;
	_ =	shalt  }
.Lfunc_end2:
_tile_overlayer_lowered:
.L_overlay_start_2:
0x27: {  	(tag) =	ssettag $0x2  }
0x28: {  	s0 =	rddreg [dreg:$0x0];
	s2 =	stileid.u32  }
0x29: {  	s1 =	rddreg [dreg:$0x1];
	p0 =	sne.s32 s2, $0x0  }
0x2a: {  	s3 =	rddreg [dreg:$0x2];
	[bflag:$0x3] =	sbarrier.arrive $0xFFFF;
	s2 =	simm.s32 @!p0 $0x1C03  }
0x2b: {  	[timem:s3], [sflag:s2] =	dma.local @!p0 [hbm:s0], s1  }
0x2c: {  	s0 =	simm.s32 @!p0 $0x3  }
0x2d: {  	_ =	swait.ge @!p0 [sflag:s0], s1  }
0x2e: {  	s1 =	ssub.s32 @!p0 $0x0, s1;
	[sflag:s0] =	ssyncset.done @!p0 $0x0  }
0x2f: {  	[sflag:s0] =	ssyncadd.s32 @!p0 s1  }
0x30: {  	[bflag:$0x3] =	sbarrier.arrive $0xFFFF  }
0x31: {  	_ =	shalt  }

// kernel: kernel.47.cloned.1.call-start
scs
__scs_entry_jumppad:
0x0: {  	(pc) =	sbr.rel $0x88, $3  }
0x1: {  	(tag) =	ssettag $0x0;
	lr =	simm.s32 $0x1  }
0x2: {  	[smem:$0x3F7A] =	sst lr;
	_ =	strace $0xD0000000  }
0x3: {  	_ = 	snop  }
0x4: {  	_ = 	snop  }
0x5: {  	_ = 	snop  }
0x6: {  	_ = 	snop  }
0x7: {  	_ = 	snop  }
__scs_overlays_trampoline_lowered:
0x8: {  	[smem:$0x3F89] =	sst s0  }
0x9: {  	[smem:$0x3F8A] =	sst s1  }
0xa: {  	[smem:$0x3F8B] =	sst s2  }
0xb: {  	[smem:$0x3F8C] =	sst s3  }
0xc: {  	[smem:$0x3F8D] =	sst s4  }
0xd: {  	[smem:$0x3F8E] =	sst s5  }
0xe: {  	[smem:$0x3F8F] =	sst s6  }
0xf: {  	[smem:$0x3F90] =	sst s7  }
0x10: {  	[smem:$0x3F91] =	sst s8  }
0x11: {  	[smem:$0x3F92] =	sst s9;
	s0 =	simm.s32 @!p0 $0x0  }
0x12: {  	s1 =	sld [smem:$0x3F78];
	s0 =	simm.s32 @p0 $0x1  }
0x13: {  	[smem:$0x3F93] =	sst s0;
	s0 =	simm.s32 @!p1 $0x0  }
0x14: {  	s2 =	sld [smem:$0x3F77];
	s0 =	simm.s32 @p1 $0x1  }
0x15: {  	[smem:$0x3F94] =	sst s0;
	s0 =	simm.s32 @!p2 $0x0  }
0x16: {  	s3 =	sld [smem:$0x3FDB];
	s0 =	simm.s32 @p2 $0x1  }
0x17: {  	s4 =	simm.s32 $0x1BF5;
	[smem:$0x3F96] =	sst s0  }
0x18: {  	s0 =	sld [smem:$0x3F79];
	_ =	swait.ge [sflag:s4], $0x0  }
0x19: {  	s7 =	sld [smem:$0x3F7A]  }
0x1a: {  	s8 =	sadd.s32 $0xFFFFE003, lr  }
0x1b: {  	s9 =	sadd.s32 $0xFFFFFEF7, lr;
	s5 =	simm.s32 $0xFFFFFFFF;
	p2 =	slt.u32 s8, $0xFFFFF086  }
0x1c: {  	p1 =	slt.u32 s9, $0xF7A;
	s5 =	simm.s32 @!p2 $0x0  }
0x1d: {  	s5 =	simm.s32 @p1 $0x1;
	p0 =	seq.s32 s7, s2  }
0x1e: {  	s7 =	smul.u32 @!p0 $0xF7A, s2;
	p2 =	seq.s32 @!p0 s5, $0x0  }
0x1f: {  	s9 =	smul.u32 $0xF7A, s1;
	s8 =	simm.s32 @!p0 $0x1BF5;
	p2 =	por !p2, p0  }
0x20: {  	[sflag:s8] =	ssyncset.s32 @!p0 $0xFFFFF086;
	s6 =	sadd.s32 @!p0 s3, s7;
	s7 =	simm.s32 @!p0 $0x108  }
0x21: {  	s3 =	sadd.s32 s3, s9;
	s6 =	sadd.s32 @!p0 $0x88, s6;
	s7 =	simm.s32 @p2 $0x1082  }
0x22: {  	[simem:s7], [sflag:s8] =	dma.local @!p0 [hbm:s6], $0xF7A  }
0x23: {  	s9 =	sor.u32 $0xD0000000, s2;
	s6 =	simm.s32 $0x108;
	_ =	swait.ge @!p0 [sflag:s8], $0x0  }
0x24: {  	s3 =	sadd.s32 $0x88, s3;
	s6 =	simm.s32 @!p1 $0x1082;
	[sflag:s4] =	ssyncset.s32 $0xFFFFF086  }
0x25: {  	[simem:s6], [sflag:s4] =	dma.local [hbm:s3], $0xF7A  }
0x26: {  	[smem:$0x3F7A] =	sst s1;
	(tag) =	ssettag s2;
	_ =	strace s9  }
0x27: {  	s1 =	sld [smem:$0x3F8A]  }
0x28: {  	s2 =	sld [smem:$0x3F8B]  }
0x29: {  	s4 =	sld [smem:$0x3F8D]  }
0x2a: {  	p0 =	seq.s32 s5, $0x0;
	s5 =	sld [smem:$0x3F8E]  }
0x2b: {  	s6 =	sld [smem:$0x3F8F]  }
0x2c: {  	s7 =	sld [smem:$0x3F90]  }
0x2d: {  	s3 =	simm.s32 $0x108;
	s8 =	sld [smem:$0x3F91]  }
0x2e: {  	s3 =	simm.s32 @!p0 $0x1082;
	s9 =	sld [smem:$0x3F92]  }
0x2f: {  	lr =	sadd.s32 s0, s3;
	s0 =	sld [smem:$0x3F89]  }
0x30: {  	s3 =	sld [smem:$0x3F8C]  }
0x31: {  	[smem:$0x3F95] =	sst s10  }
0x32: {  	s10 =	sld [smem:$0x3F93];
	_ =	sdelay $0x3  }
0x33: {  	p0 =	seq.s32 s10, $0x1;
	s10 =	sld [smem:$0x3F95];
	_ =	sdelay $0x3  }
0x34: {  	[smem:$0x3F95] =	sst s10  }
0x35: {  	s10 =	sld [smem:$0x3F94];
	_ =	sdelay $0x3  }
0x36: {  	p1 =	seq.s32 s10, $0x1;
	s10 =	sld [smem:$0x3F95];
	_ =	sdelay $0x3  }
0x37: {  	[smem:$0x3F95] =	sst s10  }
0x38: {  	s10 =	sld [smem:$0x3F96]  }
0x39: {  	_ = 	snop;
	(pc) =	sbr.ind lr, $3  }
0x3a: {  	_ = 	snop  }
0x3b: {  	_ = 	snop  }
0x3c: {  	p2 =	seq.s32 s10, $0x1;
	s10 =	sld [smem:$0x3F95]  }
0x3d: {  	_ =	shalt  }
0x3e: {  	_ =	shalt  }
0x3f: {  	_ =	shalt  }
0x40: {  	_ =	shalt  }
0x41: {  	_ =	shalt  }
0x42: {  	_ =	shalt  }
0x43: {  	_ =	shalt  }
0x44: {  	_ =	shalt  }
0x45: {  	_ =	shalt  }
0x46: {  	_ =	shalt  }
0x47: {  	_ =	shalt  }
0x48: {  	_ =	shalt  }
0x49: {  	_ =	shalt  }
0x4a: {  	_ =	shalt  }
0x4b: {  	_ =	shalt  }
0x4c: {  	_ =	shalt  }
0x4d: {  	_ =	shalt  }
0x4e: {  	_ =	shalt  }
0x4f: {  	_ =	shalt  }
0x50: {  	_ =	shalt  }
0x51: {  	_ =	shalt  }
0x52: {  	_ =	shalt  }
0x53: {  	_ =	shalt  }
0x54: {  	_ =	shalt  }
0x55: {  	_ =	shalt  }
0x56: {  	_ =	shalt  }
0x57: {  	_ =	shalt  }
0x58: {  	_ =	shalt  }
0x59: {  	_ =	shalt  }
0x5a: {  	_ =	shalt  }
0x5b: {  	_ =	shalt  }
0x5c: {  	_ =	shalt  }
0x5d: {  	_ =	shalt  }
0x5e: {  	_ =	shalt  }
0x5f: {  	_ =	shalt  }
0x60: {  	_ =	shalt  }
0x61: {  	_ =	shalt  }
0x62: {  	_ =	shalt  }
0x63: {  	_ =	shalt  }
0x64: {  	_ =	shalt  }
0x65: {  	_ =	shalt  }
0x66: {  	_ =	shalt  }
0x67: {  	_ =	shalt  }
0x68: {  	_ =	shalt  }
0x69: {  	_ =	shalt  }
0x6a: {  	_ =	shalt  }
0x6b: {  	_ =	shalt  }
0x6c: {  	_ =	shalt  }
0x6d: {  	_ =	shalt  }
0x6e: {  	_ =	shalt  }
0x6f: {  	_ =	shalt  }
0x70: {  	_ =	shalt  }
0x71: {  	_ =	shalt  }
0x72: {  	_ =	shalt  }
0x73: {  	_ =	shalt  }
0x74: {  	_ =	shalt  }
0x75: {  	_ =	shalt  }
0x76: {  	_ =	shalt  }
0x77: {  	_ =	shalt  }
0x78: {  	_ =	shalt  }
0x79: {  	_ =	shalt  }
0x7a: {  	_ =	shalt  }
0x7b: {  	_ =	shalt  }
0x7c: {  	_ =	shalt  }
0x7d: {  	_ =	shalt  }
0x7e: {  	_ =	shalt  }
0x7f: {  	_ =	shalt  }
0x80: {  	_ =	shalt  }
0x81: {  	_ =	shalt  }
0x82: {  	_ =	shalt  }
0x83: {  	_ =	shalt  }
0x84: {  	_ =	shalt  }
0x85: {  	_ =	shalt  }
0x86: {  	_ =	shalt  }
0x87: {  	_ =	shalt  }
.Lfunc_end0:
.L_simem_size_0:
called_computation.8_lowered:
.L_overlay_start_0:
0x88: {  	s2 =	sld [smem:$0x3FD9]  }
0x89: {  	s3 =	sld [smem:$0x3FFE];
	_ =	sdelay $0x1  }
0x8a: {  	s1 =	srdreg.scid  }
0x8b: {  	s0 =	sand.u32 $0x1, s1  }
0x8c: {  	s16 =	sshll.u32 s0, $0xA;
	s2 =	sadd.s32 s3, s2  }
0x8d: {  	s2 =	sadd.s32 s2, s16  }
0x8e: {  	[smem:$0x3FA1] =	sst s2  }
0x8f: {  	_ = 	snop  }
0x90: {  	(tm) =	ssettm $0x1  }
0x91: {  	s17 =	sld [smem:$0x3FFB];
	_ =	sdelay $0x3  }
0x92: {  	_ =	strace s17  }
0x93: {  	s2 =	sld [smem:$0x3FFC];
	_ =	sdelay $0x3  }
0x94: {  	_ =	strace s2  }
0x95: {  	s2 =	sld [smem:$0x3FFD];
	_ =	sdelay $0x3  }
0x96: {  	_ =	strace s2  }
0x97: {  	_ =	strace $0x8FFFFFFF  }
0x98: {  	s18 =	sld [smem:$0x3FDB];
	_ =	sdelay $0x1  }
0x99: {  	s19 =	simm.s32 $_scs_section_size  }
0x9a: {  	s4 =	simm.s32 $_size__tile_overlayer_lowered;
	s5 =	simm.s32 $_tile_overlayer_lowered  }
0x9b: {  	s22 =	simm.s32 $0x1BFF;
	s21 =	sshll.u32 s5, $0x1;
	s2 =	sadd.s32 s19, s18  }
0x9c: {  	s6 =	simm.s32 $0x0;
	s20 =	sshll.u32 s4, $0x1;
	s4 =	sadd.s32 s21, s2  }
0x9d: {  	[timem:s6], [sflag:s22] =	dma.local [hbm:s4], s20  }
0x9e: {  	_ =	swait.ge [sflag:s22], s20  }
0x9f: {  	s3 =	ssub.s32 $0x0, s20;
	[sflag:s22] =	ssyncset.done $0x0  }
0xa0: {  	[sflag:s22] =	ssyncadd.s32 s3;
	_ =	sdelay $0x1  }
0xa1: {  	s23 =	simm.s32 $0x1B8B  }
0xa2: {  	_ =	swait.ge [sflag:s23], $0x1  }
0xa3: {  	[sflag:s23] =	ssyncset.done $0x0  }
0xa4: {  	s25 =	simm.s32 $0x1B8E;
	s24 =	sld [smem:$0x3FFE];
	[sflag:s23] =	ssyncadd.s32 $0xFFFFFFFF  }
0xa5: {  	s26 =	simm.s32 $execute0_lowered;
	[smem:$0x3FD2] =	sst s25  }
0xa6: {  	s4 =	sshll.u32 s26, $0x1;
	_ =	strace $0x8000005E;
	[dreg:$0x1] =	wrdreg $0xFFFFFFFF  }
0xa7: {  	s28 =	simm.s32 $_size_execute0_lowered;
	s2 =	sadd.s32 s2, s4;
	[dreg:$0x0] =	wrdreg $0x0  }
0xa8: {  	s4 =	sshll.u32 s28, $0x1;
	[dreg:$0x2] =	wrdreg s2  }
0xa9: {  	[dreg:$0x3] =	wrdreg s4  }
0xaa: {  	[dreg:$0x4] =	wrdreg $0xC0  }
0xab: {  	_ =	task [dreg:s6], $0x5FFFF  }
0xac: {  	[dreg:$0x1] =	wrdreg $0xFFFFFFFF  }
0xad: {  	[dreg:$0x0] =	wrdreg $0x60  }
0xae: {  	[dreg:$0x2] =	wrdreg s24  }
0xaf: {  	[dreg:$0x3] =	wrdreg $0x17B800  }
0xb0: {  	[dreg:$0x4] =	wrdreg $0x9  }
0xb1: {  	_ =	task.clear_ibuf [dreg:s6], $0x5FFFF;
	_ =	strace $0x9000005E  }
0xb2: {  	s29 =	simm.s32 $0x9;
	_ =	strace $0x80000060  }
0xb3: {  	_ =	swait.ge [sflag:s29], $0x1  }
0xb4: {  	[sflag:s29] =	ssyncadd.s32 $0xFFFFFFFF  }
0xb5: {  	_ =	strace $0x90000060  }
0xb6: {  	_ =	sfence  }
0xb7: {  	s30 =	sld [smem:$0x0];
	_ =	sdelay $0x2  }
0xb8: {  	s31 =	sshll.u32 s1, $0xD;
	s1 =	sshrl.u32 s1, $0x2  }
0xb9: {  	s3 =	sand.u32 $0x4000, s31;
	s1 =	sadd.s32 s1, s30  }
0xba: {  	s0 =	sor.u32 s3, s0;
	s1 =	sshll.u32 s1, $0x11  }
0xbb: {  	s0 =	sor.u32 s1, s0  }
0xbc: {  	s0 =	sadd.s32 $0x8F2B, s0  }
0xbd: {  	[sflag:s0] =	ssyncadd.remote.s32 $0x1  }
0xbe: {  	_ =	sfence.sel $0xFFFF  }
0xbf: {  	[dreg:$0x0] =	wrdreg $0xFFFFFFFF;
	(pc) =	sbr.abs _section_cstart, $3  }
0xc0: {  	[dreg:$0x1] =	wrdreg $0xFFFFFFFF  }
0xc1: {  	_ =	task.clear_ibuf [dreg:s6], $0x2FFFF;
	_ =	strace $0x9FFFFFFF  }
0xc2: {  	(tm) =	ssettm $0x7FFFFFFF  }
0xc3: {  	_ =	shalt  }
tec
execute0_lowered:
.L_overlay_start_1:
0x0: {  	(tag) =	ssettag $0x1  }
0x1: {  	s4 =	rddreg [dreg:$0x0]  }
0x2: {  	s2 =	rddreg [dreg:$0x1]  }
0x3: {  	s0 =	rddreg [dreg:$0x2];
	s3 =	srdreg.scid  }
0x4: {  	s1 =	stileid.u32;
	s11 =	simm.s32 $0x80;
	s5 =	sand.u32 $0x1, s3  }
0x5: {  	s6 =	sshll.u32 s1, $0x1;
	s7 =	smul.u32 $0x2780, s1;
	s3 =	simm.s32 $0x0  }
0x6: {  	s12 =	sshll.u32 s1, $0x6;
	s6 =	sor.u32 s5, s6;
	s8 =	smul.u32 $0x27800, s5  }
0x7: {  	[smem:$0x7FF] =	sst s3;
	s5 =	ssub.s32 $0x2, s5;
	s9 =	smul.u32 $0x2710, s6  }
0x8: {  	s12 =	sor.u32 $0x1C01, s12;
	s6 =	smul.u32 $0x280, s6;
	s31 =	sshrl.u32 s5, $0x1  }
0x9: {  	_ =	strace $0x8000005F;
	s8 =	sadd.s32 s7, s8;
	s10 =	ssub.s32 s5, s31  }
0xa: {  	s9 =	sadd.s32 s9, s4;
	s8 =	sshrl.u32 s8, $0x3;
	s6 =	sadd.s32 s6, s4  }
0xb: {  	s8 =	sadd.s32 s8, s4;
	s4 =	sadd.s32 s7, s2;
	s5 =	sadd.s32 $0xF800, s6  }
0xc: {  	s6 =	sadd.s32 $0x23600, s9;
	s9 =	simm.s32 $0x15400;
	s7 =	sadd.s32 $0x71800, s8  }
0xd: {  	v0 =	vimm.f32 $0.0e+00;
	s8 =	smax.u32 s10, $0x1;
	s10 =	simm.s32 $0x1;
	s13 =	sshrl.u32 s4, $0x3  }
.LBB2_1:
0xe: {  	s14 =	simm.s32 $0x0  }
.LBB2_2:
0xf: {  	p0 =	sne.s32 s14, $0x9DC0  }
.Ltmp0:
0x10: {  	_ = 	snop;
	(pc) =	sbr.rel @p0 .LBB2_2-.Ltmp0, $3  }
0x11: {  	_ =	sdelay $0x1  }
0x12: {  	s15 =	sshra.s32 s14, $0x2  }
0x13: {  	s14 =	sadd.s32 $0x40, s14;
	[tilespmem:s15+$0x15400] =	vst v0  }
0x14: {  	s14 =	simm.s32 $0x40;
	s15 =	simm.s32 $0x0  }
.LBB2_4:
0x15: {  	p0 =	sne.s32 s14, $0x1DC0;
	[tilespmem:s15+$0x14C80] =	vst v0;
	s15 =	smov.u32 s14;
	s14 =	sadd.s32 $0x40, s14  }
.Ltmp1:
0x16: {  	(pc) =	sbr.rel @p0 .LBB2_4-.Ltmp1, $2  }
0x17: {  	_ =	sdelay $0x2  }
0x18: {  	s15 =	sshra.s32 s15, $0x2  }
0x19: {  	[tilespmem:s15+$0x14C80] =	vst v0  }
0x1a: {  	[spmem:s4] =	stream.linear.scatter [tilespmem:s9], [sflag:$0x1], $0x2780, $0x38;
	[tilespmem:$0x1A300] =	vst v63  }
0x1b: {  	_ =	swait.ge [sflag:s10], $0x2780  }
0x1c: {  	[sflag:s10] =	ssyncset.done $0x0  }
0x1d: {  	[sflag:s10] =	ssyncadd.s32 $0xFFFFD880  }
0x1e: {  	s30 =	simm.s32 $0x0;
	[bflag:$0x0] =	sbarrier.arrive $0xFFFF  }
0x1f: {  	[tilespmem:s30], [sflag:$0x1] =	stream.linear.gather [hbm4b:s5+s30], $0x1400, $0x38;
	[tilespmem:$0x1A300] =	vst v63  }
0x20: {  	_ =	swait.ge [sflag:s10], $0x1400  }
0x21: {  	[sflag:s10] =	ssyncset.done $0x0  }
0x22: {  	s14 =	simm.s32 $0x1400;
	[sflag:s10] =	ssyncadd.s32 $0xFFFFEC00  }
0x23: {  	[tilespmem:s14], [sflag:$0x1] =	stream.linear.gather [hbm4b:s6+s30], $0x13880, $0x38;
	[tilespmem:$0x1A300] =	vst v63  }
0x24: {  	_ =	swait.ge [sflag:s10], $0x13880  }
0x25: {  	[sflag:s10] =	ssyncset.done $0x0  }
0x26: {  	s31 =	simm.s32 $0x0;
	[sflag:s10] =	ssyncadd.s32 $0xFFFEC780  }
0x27: {  	[spmem:s2] =	stream.indirect.scatter.add.f32 [tilespmem:s14], [sflag:$0x1], $0x10, s31, s11, $0xb8;
	[tilespmem:$0x1A300] =	vst v63  }
0x28: {  	_ =	swait.ge [sflag:s10], $0x800  }
0x29: {  	s15 =	simm.s32 $0x200;
	[sflag:s10] =	ssyncset.done $0x0  }
.LBB2_6:
0x2a: {  	s16 =	sshra.s32 s15, $0x2  }
0x2b: {  	[sflag:s10] =	ssyncadd.s32 $0xFFFFF800;
	s14 =	sadd.s32 $0x800, s14;
	p0 =	sne.s32 s15, $0x4E00  }
0x2c: {  	[spmem:s2] =	stream.indirect.scatter.add.f32 [tilespmem:s14], [sflag:$0x1], $0x10, s16, s11, $0xb8;
	[tilespmem:$0x1A300] =	vst v63  }
.Ltmp2:
0x2d: {  	_ = 	snop;
	(pc) =	sbr.rel @p0 .LBB2_6-.Ltmp2, $4  }
0x2e: {  	_ = 	snop  }
0x2f: {  	s15 =	sadd.s32 $0x200, s15  }
0x30: {  	_ =	swait.ge [sflag:s10], $0x800  }
0x31: {  	[sflag:s10] =	ssyncset.done $0x0  }
0x32: {  	s3 =	sadd.s32 $0x1, s3  }
0x33: {  	[sflag:s10] =	ssyncadd.s32 $0xFFFFF800;
	p0 =	sne.s32 s3, s8  }
.Ltmp3:
0x34: {  	[bflag:$0x0] =	sbarrier.arrive $0xFFFF;
	(pc) =	sbr.rel @p0 .LBB2_1-.Ltmp3, $4  }
0x35: {  	[hbm:s7], [sflag:s12] =	dma.local [spmem:s13], $0x4F0  }
0x36: {  	_ =	swait.ge [sflag:s10], $0x4F0  }
0x37: {  	[sflag:s10] =	ssyncset.done $0x0  }
0x38: {  	[sflag:s10] =	ssyncadd.s32 $0xFFFFFB10  }
0x39: {  	_ =	sfence.sel $0x180000  }
0x3a: {  	[bflag:$0x0] =	sbarrier.arrive $0xFFFF  }
0x3b: {  	p0 =	sne.s32 s1, $0x0;
	_ =	strace $0x9000005F  }
0x3c: {  	s0 =	sadd.s32 @!p0 $0x100000, s0;
	[bflag:$0x2] =	sbarrier.arrive $0xFFFF  }
0x3d: {  	[sflag:s0] =	ssyncadd.tile.s32 @!p0 $0x1;
	_ =	shalt  }
.Lfunc_end2:
_tile_overlayer_lowered:
.L_overlay_start_2:
0x3e: {  	(tag) =	ssettag $0x2  }
0x3f: {  	s0 =	rddreg [dreg:$0x0];
	s2 =	stileid.u32  }
0x40: {  	s1 =	rddreg [dreg:$0x1];
	p0 =	sne.s32 s2, $0x0  }
0x41: {  	s3 =	rddreg [dreg:$0x2];
	[bflag:$0x3] =	sbarrier.arrive $0xFFFF;
	s2 =	simm.s32 @!p0 $0x1C01  }
0x42: {  	[timem:s3], [sflag:s2] =	dma.local @!p0 [hbm:s0], s1  }
0x43: {  	s0 =	simm.s32 @!p0 $0x1  }
0x44: {  	_ =	swait.ge @!p0 [sflag:s0], s1  }
0x45: {  	s1 =	ssub.s32 @!p0 $0x0, s1;
	[sflag:s0] =	ssyncset.done @!p0 $0x0  }
0x46: {  	[sflag:s0] =	ssyncadd.s32 @!p0 s1  }
0x47: {  	[bflag:$0x3] =	sbarrier.arrive $0xFFFF  }
0x48: {  	_ =	shalt  }

// kernel: kernel.50.cloned.1.call-start
scs
__scs_entry_jumppad:
0x0: {  	(pc) =	sbr.rel $0x88, $3  }
0x1: {  	(tag) =	ssettag $0x0;
	lr =	simm.s32 $0x1  }
0x2: {  	[smem:$0x3F7A] =	sst lr;
	_ =	strace $0xD0000000  }
0x3: {  	_ = 	snop  }
0x4: {  	_ = 	snop  }
0x5: {  	_ = 	snop  }
0x6: {  	_ = 	snop  }
0x7: {  	_ = 	snop  }
__scs_overlays_trampoline_lowered:
0x8: {  	[smem:$0x3F89] =	sst s0  }
0x9: {  	[smem:$0x3F8A] =	sst s1  }
0xa: {  	[smem:$0x3F8B] =	sst s2  }
0xb: {  	[smem:$0x3F8C] =	sst s3  }
0xc: {  	[smem:$0x3F8D] =	sst s4  }
0xd: {  	[smem:$0x3F8E] =	sst s5  }
0xe: {  	[smem:$0x3F8F] =	sst s6  }
0xf: {  	[smem:$0x3F90] =	sst s7  }
0x10: {  	[smem:$0x3F91] =	sst s8  }
0x11: {  	[smem:$0x3F92] =	sst s9;
	s0 =	simm.s32 @!p0 $0x0  }
0x12: {  	s1 =	sld [smem:$0x3F78];
	s0 =	simm.s32 @p0 $0x1  }
0x13: {  	[smem:$0x3F93] =	sst s0;
	s0 =	simm.s32 @!p1 $0x0  }
0x14: {  	s2 =	sld [smem:$0x3F77];
	s0 =	simm.s32 @p1 $0x1  }
0x15: {  	[smem:$0x3F94] =	sst s0;
	s0 =	simm.s32 @!p2 $0x0  }
0x16: {  	s3 =	sld [smem:$0x3FDB];
	s0 =	simm.s32 @p2 $0x1  }
0x17: {  	s4 =	simm.s32 $0x1BF5;
	[smem:$0x3F96] =	sst s0  }
0x18: {  	s0 =	sld [smem:$0x3F79];
	_ =	swait.ge [sflag:s4], $0x0  }
0x19: {  	s7 =	sld [smem:$0x3F7A]  }
0x1a: {  	s8 =	sadd.s32 $0xFFFFE003, lr  }
0x1b: {  	s9 =	sadd.s32 $0xFFFFFEF7, lr;
	s5 =	simm.s32 $0xFFFFFFFF;
	p2 =	slt.u32 s8, $0xFFFFF086  }
0x1c: {  	p1 =	slt.u32 s9, $0xF7A;
	s5 =	simm.s32 @!p2 $0x0  }
0x1d: {  	s5 =	simm.s32 @p1 $0x1;
	p0 =	seq.s32 s7, s2  }
0x1e: {  	s7 =	smul.u32 @!p0 $0xF7A, s2;
	p2 =	seq.s32 @!p0 s5, $0x0  }
0x1f: {  	s9 =	smul.u32 $0xF7A, s1;
	s8 =	simm.s32 @!p0 $0x1BF5;
	p2 =	por !p2, p0  }
0x20: {  	[sflag:s8] =	ssyncset.s32 @!p0 $0xFFFFF086;
	s6 =	sadd.s32 @!p0 s3, s7;
	s7 =	simm.s32 @!p0 $0x108  }
0x21: {  	s3 =	sadd.s32 s3, s9;
	s6 =	sadd.s32 @!p0 $0x88, s6;
	s7 =	simm.s32 @p2 $0x1082  }
0x22: {  	[simem:s7], [sflag:s8] =	dma.local @!p0 [hbm:s6], $0xF7A  }
0x23: {  	s9 =	sor.u32 $0xD0000000, s2;
	s6 =	simm.s32 $0x108;
	_ =	swait.ge @!p0 [sflag:s8], $0x0  }
0x24: {  	s3 =	sadd.s32 $0x88, s3;
	s6 =	simm.s32 @!p1 $0x1082;
	[sflag:s4] =	ssyncset.s32 $0xFFFFF086  }
0x25: {  	[simem:s6], [sflag:s4] =	dma.local [hbm:s3], $0xF7A  }
0x26: {  	[smem:$0x3F7A] =	sst s1;
	(tag) =	ssettag s2;
	_ =	strace s9  }
0x27: {  	s1 =	sld [smem:$0x3F8A]  }
0x28: {  	s2 =	sld [smem:$0x3F8B]  }
0x29: {  	s4 =	sld [smem:$0x3F8D]  }
0x2a: {  	p0 =	seq.s32 s5, $0x0;
	s5 =	sld [smem:$0x3F8E]  }
0x2b: {  	s6 =	sld [smem:$0x3F8F]  }
0x2c: {  	s7 =	sld [smem:$0x3F90]  }
0x2d: {  	s3 =	simm.s32 $0x108;
	s8 =	sld [smem:$0x3F91]  }
0x2e: {  	s3 =	simm.s32 @!p0 $0x1082;
	s9 =	sld [smem:$0x3F92]  }
0x2f: {  	lr =	sadd.s32 s0, s3;
	s0 =	sld [smem:$0x3F89]  }
0x30: {  	s3 =	sld [smem:$0x3F8C]  }
0x31: {  	[smem:$0x3F95] =	sst s10  }
0x32: {  	s10 =	sld [smem:$0x3F93];
	_ =	sdelay $0x3  }
0x33: {  	p0 =	seq.s32 s10, $0x1;
	s10 =	sld [smem:$0x3F95];
	_ =	sdelay $0x3  }
0x34: {  	[smem:$0x3F95] =	sst s10  }
0x35: {  	s10 =	sld [smem:$0x3F94];
	_ =	sdelay $0x3  }
0x36: {  	p1 =	seq.s32 s10, $0x1;
	s10 =	sld [smem:$0x3F95];
	_ =	sdelay $0x3  }
0x37: {  	[smem:$0x3F95] =	sst s10  }
0x38: {  	s10 =	sld [smem:$0x3F96]  }
0x39: {  	_ = 	snop;
	(pc) =	sbr.ind lr, $3  }
0x3a: {  	_ = 	snop  }
0x3b: {  	_ = 	snop  }
0x3c: {  	p2 =	seq.s32 s10, $0x1;
	s10 =	sld [smem:$0x3F95]  }
0x3d: {  	_ =	shalt  }
0x3e: {  	_ =	shalt  }
0x3f: {  	_ =	shalt  }
0x40: {  	_ =	shalt  }
0x41: {  	_ =	shalt  }
0x42: {  	_ =	shalt  }
0x43: {  	_ =	shalt  }
0x44: {  	_ =	shalt  }
0x45: {  	_ =	shalt  }
0x46: {  	_ =	shalt  }
0x47: {  	_ =	shalt  }
0x48: {  	_ =	shalt  }
0x49: {  	_ =	shalt  }
0x4a: {  	_ =	shalt  }
0x4b: {  	_ =	shalt  }
0x4c: {  	_ =	shalt  }
0x4d: {  	_ =	shalt  }
0x4e: {  	_ =	shalt  }
0x4f: {  	_ =	shalt  }
0x50: {  	_ =	shalt  }
0x51: {  	_ =	shalt  }
0x52: {  	_ =	shalt  }
0x53: {  	_ =	shalt  }
0x54: {  	_ =	shalt  }
0x55: {  	_ =	shalt  }
0x56: {  	_ =	shalt  }
0x57: {  	_ =	shalt  }
0x58: {  	_ =	shalt  }
0x59: {  	_ =	shalt  }
0x5a: {  	_ =	shalt  }
0x5b: {  	_ =	shalt  }
0x5c: {  	_ =	shalt  }
0x5d: {  	_ =	shalt  }
0x5e: {  	_ =	shalt  }
0x5f: {  	_ =	shalt  }
0x60: {  	_ =	shalt  }
0x61: {  	_ =	shalt  }
0x62: {  	_ =	shalt  }
0x63: {  	_ =	shalt  }
0x64: {  	_ =	shalt  }
0x65: {  	_ =	shalt  }
0x66: {  	_ =	shalt  }
0x67: {  	_ =	shalt  }
0x68: {  	_ =	shalt  }
0x69: {  	_ =	shalt  }
0x6a: {  	_ =	shalt  }
0x6b: {  	_ =	shalt  }
0x6c: {  	_ =	shalt  }
0x6d: {  	_ =	shalt  }
0x6e: {  	_ =	shalt  }
0x6f: {  	_ =	shalt  }
0x70: {  	_ =	shalt  }
0x71: {  	_ =	shalt  }
0x72: {  	_ =	shalt  }
0x73: {  	_ =	shalt  }
0x74: {  	_ =	shalt  }
0x75: {  	_ =	shalt  }
0x76: {  	_ =	shalt  }
0x77: {  	_ =	shalt  }
0x78: {  	_ =	shalt  }
0x79: {  	_ =	shalt  }
0x7a: {  	_ =	shalt  }
0x7b: {  	_ =	shalt  }
0x7c: {  	_ =	shalt  }
0x7d: {  	_ =	shalt  }
0x7e: {  	_ =	shalt  }
0x7f: {  	_ =	shalt  }
0x80: {  	_ =	shalt  }
0x81: {  	_ =	shalt  }
0x82: {  	_ =	shalt  }
0x83: {  	_ =	shalt  }
0x84: {  	_ =	shalt  }
0x85: {  	_ =	shalt  }
0x86: {  	_ =	shalt  }
0x87: {  	_ =	shalt  }
.Lfunc_end0:
.L_simem_size_0:
called_computation.9_lowered:
.L_overlay_start_0:
0x88: {  	s2 =	sld [smem:$0x3FD9]  }
0x89: {  	s3 =	sld [smem:$0x3FFE];
	_ =	sdelay $0x1  }
0x8a: {  	s1 =	srdreg.scid  }
0x8b: {  	s0 =	sand.u32 $0x1, s1  }
0x8c: {  	s16 =	sshll.u32 s0, $0xA;
	s2 =	sadd.s32 s3, s2  }
0x8d: {  	s2 =	sadd.s32 s2, s16  }
0x8e: {  	[smem:$0x3FA1] =	sst s2  }
0x8f: {  	_ = 	snop  }
0x90: {  	(tm) =	ssettm $0x1  }
0x91: {  	s17 =	sld [smem:$0x3FFB];
	_ =	sdelay $0x3  }
0x92: {  	_ =	strace s17  }
0x93: {  	s2 =	sld [smem:$0x3FFC];
	_ =	sdelay $0x3  }
0x94: {  	_ =	strace s2  }
0x95: {  	s2 =	sld [smem:$0x3FFD];
	_ =	sdelay $0x3  }
0x96: {  	_ =	strace s2  }
0x97: {  	_ =	strace $0x8FFFFFFF  }
0x98: {  	s18 =	sld [smem:$0x3FDB];
	_ =	sdelay $0x1  }
0x99: {  	s19 =	simm.s32 $_scs_section_size  }
0x9a: {  	s4 =	simm.s32 $_size__tile_overlayer_lowered;
	s5 =	simm.s32 $_tile_overlayer_lowered  }
0x9b: {  	s22 =	simm.s32 $0x1BFF;
	s21 =	sshll.u32 s5, $0x1;
	s2 =	sadd.s32 s19, s18  }
0x9c: {  	s6 =	simm.s32 $0x0;
	s20 =	sshll.u32 s4, $0x1;
	s4 =	sadd.s32 s21, s2  }
0x9d: {  	[timem:s6], [sflag:s22] =	dma.local [hbm:s4], s20  }
0x9e: {  	_ =	swait.ge [sflag:s22], s20  }
0x9f: {  	s3 =	ssub.s32 $0x0, s20;
	[sflag:s22] =	ssyncset.done $0x0  }
0xa0: {  	[sflag:s22] =	ssyncadd.s32 s3;
	_ =	sdelay $0x1  }
0xa1: {  	s23 =	simm.s32 $0x1B8B  }
0xa2: {  	_ =	swait.ge [sflag:s23], $0x1  }
0xa3: {  	[sflag:s23] =	ssyncset.done $0x0  }
0xa4: {  	s25 =	simm.s32 $0x1B8E;
	s24 =	sld [smem:$0x3FFE];
	[sflag:s23] =	ssyncadd.s32 $0xFFFFFFFF  }
0xa5: {  	s26 =	simm.s32 $execute0_lowered;
	[smem:$0x3FD2] =	sst s25  }
0xa6: {  	s4 =	sshll.u32 s26, $0x1;
	_ =	strace $0x80000061;
	[dreg:$0x1] =	wrdreg $0xFFFFFFFF  }
0xa7: {  	s28 =	simm.s32 $_size_execute0_lowered;
	s2 =	sadd.s32 s2, s4;
	[dreg:$0x0] =	wrdreg $0x0  }
0xa8: {  	s4 =	sshll.u32 s28, $0x1;
	[dreg:$0x2] =	wrdreg s2  }
0xa9: {  	[dreg:$0x3] =	wrdreg s4  }
0xaa: {  	[dreg:$0x4] =	wrdreg $0xC0  }
0xab: {  	_ =	task [dreg:s6], $0x5FFFF  }
0xac: {  	[dreg:$0x1] =	wrdreg $0xFFFFFFFF  }
0xad: {  	[dreg:$0x0] =	wrdreg $0x60  }
0xae: {  	[dreg:$0x2] =	wrdreg s24  }
0xaf: {  	[dreg:$0x3] =	wrdreg $0x9  }
0xb0: {  	_ =	task.clear_ibuf [dreg:s6], $0x4FFFF;
	_ =	strace $0x90000061  }
0xb1: {  	s29 =	simm.s32 $0x9;
	_ =	strace $0x80000063  }
0xb2: {  	_ =	swait.ge [sflag:s29], $0x1  }
0xb3: {  	[sflag:s29] =	ssyncadd.s32 $0xFFFFFFFF  }
0xb4: {  	_ =	strace $0x90000063  }
0xb5: {  	_ =	sfence  }
0xb6: {  	s30 =	sld [smem:$0x0];
	_ =	sdelay $0x2  }
0xb7: {  	s31 =	sshll.u32 s1, $0xD;
	s1 =	sshrl.u32 s1, $0x2  }
0xb8: {  	s3 =	sand.u32 $0x4000, s31;
	s1 =	sadd.s32 s1, s30  }
0xb9: {  	s0 =	sor.u32 s3, s0;
	s1 =	sshll.u32 s1, $0x11  }
0xba: {  	s0 =	sor.u32 s1, s0  }
0xbb: {  	s0 =	sadd.s32 $0x8F2B, s0  }
0xbc: {  	[sflag:s0] =	ssyncadd.remote.s32 $0x1  }
0xbd: {  	_ =	sfence.sel $0xFFFF  }
0xbe: {  	[dreg:$0x0] =	wrdreg $0xFFFFFFFF;
	(pc) =	sbr.abs _section_cstart, $3  }
0xbf: {  	[dreg:$0x1] =	wrdreg $0xFFFFFFFF  }
0xc0: {  	_ =	task.clear_ibuf [dreg:s6], $0x2FFFF;
	_ =	strace $0x9FFFFFFF  }
0xc1: {  	(tm) =	ssettm $0x7FFFFFFF  }
tec
execute0_lowered:
.L_overlay_start_1:
0x0: {  	(tag) =	ssettag $0x1  }
0x1: {  	s1 =	srdreg.scid;
	s0 =	stileid.u32  }
0x2: {  	s5 =	rddreg [dreg:$0x0];
	s2 =	simm.s32 $0x0;
	s8 =	simm.s32 $0x80  }
0x3: {  	s9 =	simm.s32 $0x2;
	s4 =	sand.u32 $0x1, s1;
	s30 =	sshll.u32 s0, $0x1  }
0x4: {  	s10 =	simm.s32 $0x1400;
	s1 =	rddreg [dreg:$0x1];
	s3 =	sor.u32 s4, s30  }
0x5: {  	s11 =	simm.s32 $0x0;
	[smem:$0x7FF] =	sst s2;
	s6 =	smul.u32 $0x280, s3  }
0x6: {  	_ =	strace $0x80000062;
	s4 =	ssub.s32 $0x2, s4;
	s7 =	smul.u32 $0x2710, s3  }
0x7: {  	s3 =	sadd.s32 $0xF800, s5;
	s31 =	sshrl.u32 s4, $0x1;
	s6 =	sadd.s32 s6, s5  }
0x8: {  	s5 =	sadd.s32 s7, s5;
	s7 =	ssub.s32 s4, s31;
	s4 =	sadd.s32 $0x1E600, s6  }
0x9: {  	s5 =	sadd.s32 $0x23600, s5;
	s6 =	smax.u32 s7, $0x1;
	s7 =	simm.s32 $0x1  }
.LBB2_1:
0xa: {  	[tilespmem:s2], [sflag:$0x1] =	stream.linear.gather [hbm4b:s4+s2], $0x1400, $0x38;
	[tilespmem:$0x15400] =	vst v63  }
0xb: {  	_ =	swait.ge [sflag:s7], $0x1400  }
0xc: {  	[sflag:s7] =	ssyncset.done $0x0  }
0xd: {  	s12 =	simm.s32 $0x1400;
	s13 =	simm.s32 $0x0;
	[sflag:s7] =	ssyncadd.s32 $0xFFFFEC00  }
.LBB2_2:
0xe: {  	p0 =	sne.s32 s13, $0x4E00  }
.Ltmp0:
0xf: {  	_ = 	snop;
	(pc) =	sbr.rel @p0 .LBB2_2-.Ltmp0, $4  }
0x10: {  	_ = 	snop  }
0x11: {  	s14 =	sshra.s32 s13, $0x2  }
0x12: {  	[tilespmem:s12], [sflag:$0x2] =	stream.indirect.gather [hbm4b:s3+s8], $0x10, s14, s8, $0xb8;
	[tilespmem:$0x15400] =	vst v63  }
0x13: {  	s13 =	sadd.s32 $0x200, s13;
	s12 =	sadd.s32 $0x800, s12  }
0x14: {  	_ =	swait.ge [sflag:s9], $0x800  }
0x15: {  	s12 =	simm.s32 $0x27;
	[sflag:s9] =	ssyncset.done $0x0  }
.LBB2_4:
0x16: {  	p0 =	sne.s32 s12, $0x1;
	s12 =	sadd.s32 $0xFFFFFFFF, s12;
	[sflag:s9] =	ssyncadd.s32 $0xFFFFF800  }
.Ltmp1:
0x17: {  	(pc) =	sbr.rel @p0 .LBB2_4-.Ltmp1, $3  }
0x18: {  	_ =	sdelay $0x1  }
0x19: {  	_ =	swait.ge [sflag:s9], $0x800  }
0x1a: {  	[sflag:s9] =	ssyncset.done $0x0  }
0x1b: {  	s11 =	sadd.s32 $0x1, s11  }
0x1c: {  	p0 =	sne.s32 s11, s6  }
.Ltmp2:
0x1d: {  	[sflag:s9] =	ssyncadd.s32 $0xFFFFF800;
	(pc) =	sbr.rel @p0 .LBB2_1-.Ltmp2, $4  }
0x1e: {  	[hbm4b:s5+s2] =	stream.linear.scatter [tilespmem:s10], [sflag:$0x1], $0x13880, $0x38;
	[tilespmem:$0x15400] =	vst v63  }
0x1f: {  	_ =	swait.ge [sflag:s7], $0x13880  }
0x20: {  	[sflag:s7] =	ssyncset.done $0x0  }
0x21: {  	[sflag:s7] =	ssyncadd.s32 $0xFFFEC780  }
0x22: {  	_ =	sfence.sel $0x180000  }
0x23: {  	[bflag:$0x0] =	sbarrier.arrive $0xFFFF  }
0x24: {  	p0 =	sne.s32 s0, $0x0;
	_ =	strace $0x90000062  }
0x25: {  	s0 =	sadd.s32 @!p0 $0x100000, s1;
	[bflag:$0x2] =	sbarrier.arrive $0xFFFF  }
0x26: {  	[sflag:s0] =	ssyncadd.tile.s32 @!p0 $0x1;
	_ =	shalt  }
.Lfunc_end2:
_tile_overlayer_lowered:
.L_overlay_start_2:
0x27: {  	(tag) =	ssettag $0x2  }
0x28: {  	s0 =	rddreg [dreg:$0x0];
	s2 =	stileid.u32  }
0x29: {  	s1 =	rddreg [dreg:$0x1];
	p0 =	sne.s32 s2, $0x0  }
0x2a: {  	s3 =	rddreg [dreg:$0x2];
	[bflag:$0x3] =	sbarrier.arrive $0xFFFF;
	s2 =	simm.s32 @!p0 $0x1C03  }
0x2b: {  	[timem:s3], [sflag:s2] =	dma.local @!p0 [hbm:s0], s1  }
0x2c: {  	s0 =	simm.s32 @!p0 $0x3  }
0x2d: {  	_ =	swait.ge @!p0 [sflag:s0], s1  }
0x2e: {  	s1 =	ssub.s32 @!p0 $0x0, s1;
	[sflag:s0] =	ssyncset.done @!p0 $0x0  }
0x2f: {  	[sflag:s0] =	ssyncadd.s32 @!p0 s1  }
0x30: {  	[bflag:$0x3] =	sbarrier.arrive $0xFFFF  }
0x31: {  	_ =	shalt  }

// kernel: kernel.53.cloned.1.call-start
scs
__scs_entry_jumppad:
0x0: {  	(pc) =	sbr.rel $0x88, $3  }
0x1: {  	(tag) =	ssettag $0x0;
	lr =	simm.s32 $0x1  }
0x2: {  	[smem:$0x3F7A] =	sst lr;
	_ =	strace $0xD0000000  }
0x3: {  	_ = 	snop  }
0x4: {  	_ = 	snop  }
0x5: {  	_ = 	snop  }
0x6: {  	_ = 	snop  }
0x7: {  	_ = 	snop  }
__scs_overlays_trampoline_lowered:
0x8: {  	[smem:$0x3F89] =	sst s0  }
0x9: {  	[smem:$0x3F8A] =	sst s1  }
0xa: {  	[smem:$0x3F8B] =	sst s2  }
0xb: {  	[smem:$0x3F8C] =	sst s3  }
0xc: {  	[smem:$0x3F8D] =	sst s4  }
0xd: {  	[smem:$0x3F8E] =	sst s5  }
0xe: {  	[smem:$0x3F8F] =	sst s6  }
0xf: {  	[smem:$0x3F90] =	sst s7  }
0x10: {  	[smem:$0x3F91] =	sst s8  }
0x11: {  	[smem:$0x3F92] =	sst s9;
	s0 =	simm.s32 @!p0 $0x0  }
0x12: {  	s1 =	sld [smem:$0x3F78];
	s0 =	simm.s32 @p0 $0x1  }
0x13: {  	[smem:$0x3F93] =	sst s0;
	s0 =	simm.s32 @!p1 $0x0  }
0x14: {  	s2 =	sld [smem:$0x3F77];
	s0 =	simm.s32 @p1 $0x1  }
0x15: {  	[smem:$0x3F94] =	sst s0;
	s0 =	simm.s32 @!p2 $0x0  }
0x16: {  	s3 =	sld [smem:$0x3FDB];
	s0 =	simm.s32 @p2 $0x1  }
0x17: {  	s4 =	simm.s32 $0x1BF5;
	[smem:$0x3F96] =	sst s0  }
0x18: {  	s0 =	sld [smem:$0x3F79];
	_ =	swait.ge [sflag:s4], $0x0  }
0x19: {  	s7 =	sld [smem:$0x3F7A]  }
0x1a: {  	s8 =	sadd.s32 $0xFFFFE003, lr  }
0x1b: {  	s9 =	sadd.s32 $0xFFFFFEF7, lr;
	s5 =	simm.s32 $0xFFFFFFFF;
	p2 =	slt.u32 s8, $0xFFFFF086  }
0x1c: {  	p1 =	slt.u32 s9, $0xF7A;
	s5 =	simm.s32 @!p2 $0x0  }
0x1d: {  	s5 =	simm.s32 @p1 $0x1;
	p0 =	seq.s32 s7, s2  }
0x1e: {  	s7 =	smul.u32 @!p0 $0xF7A, s2;
	p2 =	seq.s32 @!p0 s5, $0x0  }
0x1f: {  	s9 =	smul.u32 $0xF7A, s1;
	s8 =	simm.s32 @!p0 $0x1BF5;
	p2 =	por !p2, p0  }
0x20: {  	[sflag:s8] =	ssyncset.s32 @!p0 $0xFFFFF086;
	s6 =	sadd.s32 @!p0 s3, s7;
	s7 =	simm.s32 @!p0 $0x108  }
0x21: {  	s3 =	sadd.s32 s3, s9;
	s6 =	sadd.s32 @!p0 $0x88, s6;
	s7 =	simm.s32 @p2 $0x1082  }
0x22: {  	[simem:s7], [sflag:s8] =	dma.local @!p0 [hbm:s6], $0xF7A  }
0x23: {  	s9 =	sor.u32 $0xD0000000, s2;
	s6 =	simm.s32 $0x108;
	_ =	swait.ge @!p0 [sflag:s8], $0x0  }
0x24: {  	s3 =	sadd.s32 $0x88, s3;
	s6 =	simm.s32 @!p1 $0x1082;
	[sflag:s4] =	ssyncset.s32 $0xFFFFF086  }
0x25: {  	[simem:s6], [sflag:s4] =	dma.local [hbm:s3], $0xF7A  }
0x26: {  	[smem:$0x3F7A] =	sst s1;
	(tag) =	ssettag s2;
	_ =	strace s9  }
0x27: {  	s1 =	sld [smem:$0x3F8A]  }
0x28: {  	s2 =	sld [smem:$0x3F8B]  }
0x29: {  	s4 =	sld [smem:$0x3F8D]  }
0x2a: {  	p0 =	seq.s32 s5, $0x0;
	s5 =	sld [smem:$0x3F8E]  }
0x2b: {  	s6 =	sld [smem:$0x3F8F]  }
0x2c: {  	s7 =	sld [smem:$0x3F90]  }
0x2d: {  	s3 =	simm.s32 $0x108;
	s8 =	sld [smem:$0x3F91]  }
0x2e: {  	s3 =	simm.s32 @!p0 $0x1082;
	s9 =	sld [smem:$0x3F92]  }
0x2f: {  	lr =	sadd.s32 s0, s3;
	s0 =	sld [smem:$0x3F89]  }
0x30: {  	s3 =	sld [smem:$0x3F8C]  }
0x31: {  	[smem:$0x3F95] =	sst s10  }
0x32: {  	s10 =	sld [smem:$0x3F93];
	_ =	sdelay $0x3  }
0x33: {  	p0 =	seq.s32 s10, $0x1;
	s10 =	sld [smem:$0x3F95];
	_ =	sdelay $0x3  }
0x34: {  	[smem:$0x3F95] =	sst s10  }
0x35: {  	s10 =	sld [smem:$0x3F94];
	_ =	sdelay $0x3  }
0x36: {  	p1 =	seq.s32 s10, $0x1;
	s10 =	sld [smem:$0x3F95];
	_ =	sdelay $0x3  }
0x37: {  	[smem:$0x3F95] =	sst s10  }
0x38: {  	s10 =	sld [smem:$0x3F96]  }
0x39: {  	_ = 	snop;
	(pc) =	sbr.ind lr, $3  }
0x3a: {  	_ = 	snop  }
0x3b: {  	_ = 	snop  }
0x3c: {  	p2 =	seq.s32 s10, $0x1;
	s10 =	sld [smem:$0x3F95]  }
0x3d: {  	_ =	shalt  }
0x3e: {  	_ =	shalt  }
0x3f: {  	_ =	shalt  }
0x40: {  	_ =	shalt  }
0x41: {  	_ =	shalt  }
0x42: {  	_ =	shalt  }
0x43: {  	_ =	shalt  }
0x44: {  	_ =	shalt  }
0x45: {  	_ =	shalt  }
0x46: {  	_ =	shalt  }
0x47: {  	_ =	shalt  }
0x48: {  	_ =	shalt  }
0x49: {  	_ =	shalt  }
0x4a: {  	_ =	shalt  }
0x4b: {  	_ =	shalt  }
0x4c: {  	_ =	shalt  }
0x4d: {  	_ =	shalt  }
0x4e: {  	_ =	shalt  }
0x4f: {  	_ =	shalt  }
0x50: {  	_ =	shalt  }
0x51: {  	_ =	shalt  }
0x52: {  	_ =	shalt  }
0x53: {  	_ =	shalt  }
0x54: {  	_ =	shalt  }
0x55: {  	_ =	shalt  }
0x56: {  	_ =	shalt  }
0x57: {  	_ =	shalt  }
0x58: {  	_ =	shalt  }
0x59: {  	_ =	shalt  }
0x5a: {  	_ =	shalt  }
0x5b: {  	_ =	shalt  }
0x5c: {  	_ =	shalt  }
0x5d: {  	_ =	shalt  }
0x5e: {  	_ =	shalt  }
0x5f: {  	_ =	shalt  }
0x60: {  	_ =	shalt  }
0x61: {  	_ =	shalt  }
0x62: {  	_ =	shalt  }
0x63: {  	_ =	shalt  }
0x64: {  	_ =	shalt  }
0x65: {  	_ =	shalt  }
0x66: {  	_ =	shalt  }
0x67: {  	_ =	shalt  }
0x68: {  	_ =	shalt  }
0x69: {  	_ =	shalt  }
0x6a: {  	_ =	shalt  }
0x6b: {  	_ =	shalt  }
0x6c: {  	_ =	shalt  }
0x6d: {  	_ =	shalt  }
0x6e: {  	_ =	shalt  }
0x6f: {  	_ =	shalt  }
0x70: {  	_ =	shalt  }
0x71: {  	_ =	shalt  }
0x72: {  	_ =	shalt  }
0x73: {  	_ =	shalt  }
0x74: {  	_ =	shalt  }
0x75: {  	_ =	shalt  }
0x76: {  	_ =	shalt  }
0x77: {  	_ =	shalt  }
0x78: {  	_ =	shalt  }
0x79: {  	_ =	shalt  }
0x7a: {  	_ =	shalt  }
0x7b: {  	_ =	shalt  }
0x7c: {  	_ =	shalt  }
0x7d: {  	_ =	shalt  }
0x7e: {  	_ =	shalt  }
0x7f: {  	_ =	shalt  }
0x80: {  	_ =	shalt  }
0x81: {  	_ =	shalt  }
0x82: {  	_ =	shalt  }
0x83: {  	_ =	shalt  }
0x84: {  	_ =	shalt  }
0x85: {  	_ =	shalt  }
0x86: {  	_ =	shalt  }
0x87: {  	_ =	shalt  }
.Lfunc_end0:
.L_simem_size_0:
called_computation.10_lowered:
.L_overlay_start_0:
0x88: {  	s2 =	sld [smem:$0x3FD9]  }
0x89: {  	s3 =	sld [smem:$0x3FFE];
	_ =	sdelay $0x1  }
0x8a: {  	s1 =	srdreg.scid  }
0x8b: {  	s0 =	sand.u32 $0x1, s1  }
0x8c: {  	s17 =	sshll.u32 s0, $0xA;
	s2 =	sadd.s32 s3, s2  }
0x8d: {  	s2 =	sadd.s32 s2, s17  }
0x8e: {  	[smem:$0x3FA1] =	sst s2  }
0x8f: {  	_ = 	snop  }
0x90: {  	(tm) =	ssettm $0x1  }
0x91: {  	s18 =	sld [smem:$0x3FFB];
	_ =	sdelay $0x3  }
0x92: {  	_ =	strace s18  }
0x93: {  	s2 =	sld [smem:$0x3FFC];
	_ =	sdelay $0x3  }
0x94: {  	_ =	strace s2  }
0x95: {  	s2 =	sld [smem:$0x3FFD];
	_ =	sdelay $0x3  }
0x96: {  	_ =	strace s2  }
0x97: {  	_ =	strace $0x8FFFFFFF  }
0x98: {  	s19 =	sld [smem:$0x3FDB];
	_ =	sdelay $0x1  }
0x99: {  	s20 =	simm.s32 $_scs_section_size  }
0x9a: {  	s4 =	simm.s32 $_size__tile_overlayer_lowered;
	s5 =	simm.s32 $_tile_overlayer_lowered  }
0x9b: {  	s6 =	simm.s32 $0x1BFF;
	s21 =	sshll.u32 s5, $0x1;
	s3 =	sadd.s32 s20, s19  }
0x9c: {  	s22 =	simm.s32 $0x0;
	s4 =	sshll.u32 s4, $0x1;
	s5 =	sadd.s32 s21, s3  }
0x9d: {  	[timem:s22], [sflag:s6] =	dma.local [hbm:s5], s4  }
0x9e: {  	_ =	swait.ge [sflag:s6], s4  }
0x9f: {  	s4 =	ssub.s32 $0x0, s4;
	[sflag:s6] =	ssyncset.done $0x0  }
0xa0: {  	[sflag:s6] =	ssyncadd.s32 s4;
	_ =	sdelay $0x1  }
0xa1: {  	s23 =	simm.s32 $0x1B8B  }
0xa2: {  	_ =	swait.ge [sflag:s23], $0x1  }
0xa3: {  	[sflag:s23] =	ssyncset.done $0x0  }
0xa4: {  	[sflag:s23] =	ssyncadd.s32 $0xFFFFFFFF  }
0xa5: {  	s4 =	sld [smem:$0x0]  }
0xa6: {  	s5 =	sand.u32 $0xFFFFFFFE, s1  }
0xa7: {  	p0 =	sne.s32 s1, s5  }
0xa8: {  	s5 =	sshll.u32 @p0 s5, $0xE  }
0xa9: {  	s5 =	sadd.s32 @p0 $0x11B8D, s5;
	s6 =	sshll.u32 @p0 s4, $0x11  }
0xaa: {  	s5 =	sor.u32 @p0 s6, s5  }
0xab: {  	[sflag:s5] =	ssyncadd.remote.s32 @p0 $0x1;
	_ =	sdelay $0x1  }
0xac: {  	s5 =	simm.s32 @p0 $0x1B8D  }
0xad: {  	_ =	swait.eq @p0 [sflag:s5], $0x1  }
0xae: {  	[sflag:s5] =	ssyncadd.s32 @p0 $0xFFFFFFFF  }
0xaf: {  	s6 =	sshll.u32 @!p0 s1, $0xE  }
0xb0: {  	s6 =	sor.u32 @!p0 $0x4000, s6;
	s5 =	simm.s32 @!p0 $0x1B8D  }
0xb1: {  	s4 =	sshll.u32 @!p0 s4, $0x11;
	s6 =	sadd.s32 @!p0 $0x11B8D, s6;
	_ =	swait.eq @!p0 [sflag:s5], $0x1  }
0xb2: {  	s4 =	sor.u32 @!p0 s4, s6;
	[sflag:s5] =	ssyncadd.s32 @!p0 $0xFFFFFFFF  }
0xb3: {  	s25 =	simm.s32 $0x1B8E;
	s24 =	sld [smem:$0x3FFE];
	[sflag:s4] =	ssyncadd.remote.s32 @!p0 $0x1  }
0xb4: {  	s26 =	simm.s32 $execute0_lowered;
	[smem:$0x3FD2] =	sst s25  }
0xb5: {  	s5 =	sshll.u32 s26, $0x1;
	_ =	strace $0x80000064;
	[dreg:$0x1] =	wrdreg $0xFFFFFFFF  }
0xb6: {  	s28 =	simm.s32 $_size_execute0_lowered;
	s3 =	sadd.s32 s3, s5;
	[dreg:$0x0] =	wrdreg $0x0  }
0xb7: {  	s5 =	sshll.u32 s28, $0x1;
	[dreg:$0x2] =	wrdreg s3  }
0xb8: {  	[dreg:$0x3] =	wrdreg s5  }
0xb9: {  	[dreg:$0x4] =	wrdreg $0xC0  }
0xba: {  	_ =	task [dreg:s22], $0x5FFFF  }
0xbb: {  	[dreg:$0x1] =	wrdreg $0xFFFFFFFF  }
0xbc: {  	[dreg:$0x0] =	wrdreg $0x60  }
0xbd: {  	[dreg:$0x2] =	wrdreg s24  }
0xbe: {  	[dreg:$0x3] =	wrdreg $0xA  }
0xbf: {  	_ =	task.clear_ibuf [dreg:s22], $0x4FFFF;
	_ =	strace $0x90000064  }
0xc0: {  	s29 =	simm.s32 $0xA;
	_ =	strace $0x80000066  }
0xc1: {  	_ =	swait.ge [sflag:s29], $0x1  }
0xc2: {  	[sflag:s29] =	ssyncadd.s32 $0xFFFFFFFF  }
0xc3: {  	_ =	strace $0x90000066  }
0xc4: {  	_ =	sfence  }
0xc5: {  	s30 =	sld [smem:$0x0];
	_ =	sdelay $0x2  }
0xc6: {  	s31 =	sshll.u32 s1, $0xD;
	s1 =	sshrl.u32 s1, $0x2  }
0xc7: {  	s4 =	sand.u32 $0x4000, s31;
	s1 =	sadd.s32 s1, s30  }
0xc8: {  	s0 =	sor.u32 s4, s0;
	s1 =	sshll.u32 s1, $0x11  }
0xc9: {  	s0 =	sor.u32 s1, s0  }
0xca: {  	s0 =	sadd.s32 $0x8F2B, s0  }
0xcb: {  	[sflag:s0] =	ssyncadd.remote.s32 $0x1  }
0xcc: {  	_ =	sfence.sel $0xFFFF  }
0xcd: {  	[dreg:$0x0] =	wrdreg $0xFFFFFFFF;
	(pc) =	sbr.abs _section_cstart, $3  }
0xce: {  	[dreg:$0x1] =	wrdreg $0xFFFFFFFF  }
0xcf: {  	_ =	task.clear_ibuf [dreg:s22], $0x2FFFF;
	_ =	strace $0x9FFFFFFF  }
0xd0: {  	(tm) =	ssettm $0x7FFFFFFF  }
0xd1: {  	_ =	shalt  }
tec
execute0_lowered:
.L_overlay_start_1:
0x0: {  	(tag) =	ssettag $0x1  }
0x1: {  	s1 =	srdreg.scid;
	s0 =	stileid.u32  }
0x2: {  	s5 =	rddreg [dreg:$0x0];
	s2 =	simm.s32 $0x0;
	s8 =	simm.s32 $0x80  }
0x3: {  	s9 =	simm.s32 $0x2;
	s4 =	sand.u32 $0x1, s1;
	s30 =	sshll.u32 s0, $0x1  }
0x4: {  	s10 =	simm.s32 $0x1400;
	s1 =	rddreg [dreg:$0x1];
	s3 =	sor.u32 s4, s30  }
0x5: {  	s11 =	simm.s32 $0x0;
	[smem:$0x7FF] =	sst s2;
	s6 =	smul.u32 $0x280, s3  }
0x6: {  	_ =	strace $0x80000065;
	s4 =	ssub.s32 $0x2, s4;
	s7 =	smul.u32 $0x2710, s3  }
0x7: {  	s3 =	sadd.s32 $0xF800, s5;
	s31 =	sshrl.u32 s4, $0x1;
	s6 =	sadd.s32 s6, s5  }
0x8: {  	s5 =	sadd.s32 s7, s5;
	s7 =	ssub.s32 s4, s31;
	s4 =	sadd.s32 $0xA800, s6  }
0x9: {  	s5 =	sadd.s32 $0x71800, s5;
	s6 =	smax.u32 s7, $0x1;
	s7 =	simm.s32 $0x1  }
.LBB2_1:
0xa: {  	[tilespmem:s2], [sflag:$0x1] =	stream.linear.gather [hbm4b:s4+s2], $0x1400, $0x38;
	[tilespmem:$0x15400] =	vst v63  }
0xb: {  	_ =	swait.ge [sflag:s7], $0x1400  }
0xc: {  	[sflag:s7] =	ssyncset.done $0x0  }
0xd: {  	s12 =	simm.s32 $0x1400;
	s13 =	simm.s32 $0x0;
	[sflag:s7] =	ssyncadd.s32 $0xFFFFEC00  }
.LBB2_2:
0xe: {  	p0 =	sne.s32 s13, $0x4E00  }
.Ltmp0:
0xf: {  	_ = 	snop;
	(pc) =	sbr.rel @p0 .LBB2_2-.Ltmp0, $4  }
0x10: {  	_ = 	snop  }
0x11: {  	s14 =	sshra.s32 s13, $0x2  }
0x12: {  	[tilespmem:s12], [sflag:$0x2] =	stream.indirect.gather [hbm4b:s3+s8], $0x10, s14, s8, $0xb8;
	[tilespmem:$0x15400] =	vst v63  }
0x13: {  	s13 =	sadd.s32 $0x200, s13;
	s12 =	sadd.s32 $0x800, s12  }
0x14: {  	_ =	swait.ge [sflag:s9], $0x800  }
0x15: {  	s12 =	simm.s32 $0x27;
	[sflag:s9] =	ssyncset.done $0x0  }
.LBB2_4:
0x16: {  	p0 =	sne.s32 s12, $0x1;
	s12 =	sadd.s32 $0xFFFFFFFF, s12;
	[sflag:s9] =	ssyncadd.s32 $0xFFFFF800  }
.Ltmp1:
0x17: {  	(pc) =	sbr.rel @p0 .LBB2_4-.Ltmp1, $3  }
0x18: {  	_ =	sdelay $0x1  }
0x19: {  	_ =	swait.ge [sflag:s9], $0x800  }
0x1a: {  	[sflag:s9] =	ssyncset.done $0x0  }
0x1b: {  	s11 =	sadd.s32 $0x1, s11  }
0x1c: {  	p0 =	sne.s32 s11, s6  }
.Ltmp2:
0x1d: {  	[sflag:s9] =	ssyncadd.s32 $0xFFFFF800;
	(pc) =	sbr.rel @p0 .LBB2_1-.Ltmp2, $4  }
0x1e: {  	[hbm4b:s5+s2] =	stream.linear.scatter [tilespmem:s10], [sflag:$0x1], $0x13880, $0x38;
	[tilespmem:$0x15400] =	vst v63  }
0x1f: {  	_ =	swait.ge [sflag:s7], $0x13880  }
0x20: {  	[sflag:s7] =	ssyncset.done $0x0  }
0x21: {  	[sflag:s7] =	ssyncadd.s32 $0xFFFEC780  }
0x22: {  	_ =	sfence.sel $0x180000  }
0x23: {  	[bflag:$0x0] =	sbarrier.arrive $0xFFFF  }
0x24: {  	p0 =	sne.s32 s0, $0x0;
	_ =	strace $0x90000065  }
0x25: {  	s0 =	sadd.s32 @!p0 $0x100000, s1;
	[bflag:$0x2] =	sbarrier.arrive $0xFFFF  }
0x26: {  	[sflag:s0] =	ssyncadd.tile.s32 @!p0 $0x1;
	_ =	shalt  }
.Lfunc_end2:
_tile_overlayer_lowered:
.L_overlay_start_2:
0x27: {  	(tag) =	ssettag $0x2  }
0x28: {  	s0 =	rddreg [dreg:$0x0];
	s2 =	stileid.u32  }
0x29: {  	s1 =	rddreg [dreg:$0x1];
	p0 =	sne.s32 s2, $0x0  }
0x2a: {  	s3 =	rddreg [dreg:$0x2];
	[bflag:$0x3] =	sbarrier.arrive $0xFFFF;
	s2 =	simm.s32 @!p0 $0x1C03  }
0x2b: {  	[timem:s3], [sflag:s2] =	dma.local @!p0 [hbm:s0], s1  }
0x2c: {  	s0 =	simm.s32 @!p0 $0x3  }
0x2d: {  	_ =	swait.ge @!p0 [sflag:s0], s1  }
0x2e: {  	s1 =	ssub.s32 @!p0 $0x0, s1;
	[sflag:s0] =	ssyncset.done @!p0 $0x0  }
0x2f: {  	[sflag:s0] =	ssyncadd.s32 @!p0 s1  }
0x30: {  	[bflag:$0x3] =	sbarrier.arrive $0xFFFF  }
0x31: {  	_ =	shalt  }

</sc_bundles>
